<compile_context>
chip_gen: v7x
topology: tpu7x:2x2x1
jax: 0.10.2.dev20260603
libtpu: 0.0.44.dev20260713+nightly
codegen_flags: <defaults>
</compile_context>

<pallas_src>
import functools

import jax
import jax.numpy as jnp
from jax import lax
from jax.experimental import pallas as pl
from jax.experimental.pallas import tpu as pltpu
from jax.experimental.pallas import tpu_sc as plsc

VOCAB = 100000
D_MODEL = 2048
BATCH = 4
SEQ = 4096
NORMALIZER = 45.254833995939045

NC = 2
NS = 16
LANES = 16
NW = NC * NS

TOKENS_TOTAL = BATCH * SEQ
TOK_PER_W = TOKENS_TOTAL // NW
CHUNK = 8
NCHUNK = TOK_PER_W // CHUNK
NBUF = 7
AHEAD = 5


def _embed_body(tok_hbm, table_hbm, out_hbm, idx_v, bufs, gsems, ssems):
    wid = lax.axis_index("s") * NC + lax.axis_index("c")
    base = wid * TOK_PER_W
    pltpu.sync_copy(tok_hbm.at[wid], idx_v)

    norm = jnp.full((LANES,), NORMALIZER, dtype=jnp.float32)

    def start_gather(g, b):
        pltpu.async_copy(table_hbm.at[idx_v.at[g]], bufs[b], gsems[b])

    def wait_gather(b):
        pltpu.make_async_copy(table_hbm.at[idx_v.at[0]], bufs[b],
                              gsems[b]).wait()

    def start_store(g, b):
        pltpu.async_copy(bufs[b], out_hbm.at[pl.ds(base + g * CHUNK, CHUNK)],
                         ssems[b])

    def wait_store(b):
        pltpu.make_async_copy(bufs[b], out_hbm.at[pl.ds(base, CHUNK)],
                              ssems[b]).wait()

    def scale(b):
        buf = bufs[b]

        @pl.loop(0, CHUNK)
        def _row(r):
            @pl.loop(0, D_MODEL // LANES, unroll=8)
            def _grp(j):
                sl = pl.ds(j * LANES, LANES)
                buf[r, sl] = buf[r, sl] * norm

    def slot(g, b, do_gather, do_wait_store):
        wait_gather(b)
        if do_gather:
            b2 = (b + AHEAD) % NBUF
            if do_wait_store:
                wait_store(b2)
            start_gather(g + AHEAD, b2)
        scale(b)
        start_store(g, b)

    for g in range(AHEAD):
        start_gather(g, g)
    for g in range(NBUF):
        slot(g, g, do_gather=True, do_wait_store=(g >= NBUF - AHEAD))

    MAIN_END = NBUF * ((NCHUNK - NBUF) // NBUF)

    @pl.loop(NBUF, MAIN_END, step=NBUF)
    def _main(g0):
        for db in range(NBUF):
            slot(g0 + db, db, do_gather=True, do_wait_store=True)

    for g in range(MAIN_END, NCHUNK):
        slot(g, g % NBUF, do_gather=(g + AHEAD < NCHUNK), do_wait_store=True)

    for b in range(NBUF):
        wait_store(b)


@jax.jit
def _embed(tokens_flat, token_embedding):
    mesh = plsc.VectorSubcoreMesh(core_axis_name="c", subcore_axis_name="s")
    return pl.kernel(
        _embed_body,
        out_type=jax.ShapeDtypeStruct((TOKENS_TOTAL, D_MODEL), jnp.float32),
        mesh=mesh,
        scratch_types=[
            pltpu.VMEM((NCHUNK, CHUNK), jnp.int32),
            [pltpu.VMEM((CHUNK, D_MODEL), jnp.float32) for _ in range(NBUF)],
            [pltpu.SemaphoreType.DMA for _ in range(NBUF)],
            [pltpu.SemaphoreType.DMA for _ in range(NBUF)],
        ],
    )(tokens_flat, token_embedding)


def kernel(tokens, token_embedding):
    tokens_flat = tokens.reshape(NW, NCHUNK, CHUNK).astype(jnp.int32)
    out = _embed(tokens_flat, token_embedding)
    return out.reshape(BATCH, SEQ, D_MODEL)

# --- scband reference (transcript-rebuilt; emitter-appended) ---
"""Pipeline reference for scband-gemma-embedding-37349035606283 (READ-ONLY COPY).

The authoritative reference and input builder live on the scoring server;
editing this copy changes nothing except your own understanding.
"""

import jax, jax.numpy as jnp
import numpy as np

VOCAB = 100000
D_MODEL = 2048
BATCH = 4
SEQ = 4096
PAD_TOKEN = 0
NORMALIZER = 45.254833995939045  # sqrt(2048), Gemma-style d_model normalizer


def setup_inputs(seed: int = 0) -> dict:
    key = jax.random.key(seed)
    k1, k2 = jax.random.split(key)
    tokens = jax.random.randint(k1, (BATCH, SEQ), 0, VOCAB, dtype=jnp.int64 if jax.config.jax_enable_x64 else jnp.int32)
    token_embedding = jax.random.normal(k2, (VOCAB, D_MODEL), dtype=jnp.float32) * 0.02
    return {"tokens": tokens, "token_embedding": token_embedding}


def reference(tokens, token_embedding):
    # F.embedding(tokens, table, padding_idx=PAD) -> plain gather in forward
    data = jnp.take(token_embedding, tokens, axis=0)
    normalizer = jnp.asarray(NORMALIZER, dtype=data.dtype)
    return data * normalizer

if __name__ == "__main__":
    import jax
    _d = setup_inputs()
    print(jax.jit(kernel)(*tuple(_d.values())))

</pallas_src>

<mosaic_0001>
#map = affine_map<(d0, d1) -> (0, 0, 0)>
#map1 = affine_map<(d0, d1) -> (0, 0)>
module attributes {stable_mosaic.version = 14 : i64} {
  func.func @_embed_body(%arg0: i32, %arg1: i32, %arg2: memref<32x64x8xi32, #tpu.memory_space<hbm>>, %arg3: memref<100000x2048xf32, #tpu.memory_space<hbm>>, %arg4: memref<16384x2048xf32, #tpu.memory_space<hbm>>, %arg5: memref<64x8xi32, #tpu.memory_space<vmem>>, %arg6: memref<8x2048xf32, #tpu.memory_space<vmem>>, %arg7: memref<8x2048xf32, #tpu.memory_space<vmem>>, %arg8: memref<8x2048xf32, #tpu.memory_space<vmem>>, %arg9: memref<8x2048xf32, #tpu.memory_space<vmem>>, %arg10: memref<8x2048xf32, #tpu.memory_space<vmem>>, %arg11: memref<8x2048xf32, #tpu.memory_space<vmem>>, %arg12: memref<8x2048xf32, #tpu.memory_space<vmem>>, %arg13: memref<!tpu.dma_semaphore, #tpu.memory_space<semaphore_mem>>, %arg14: memref<!tpu.dma_semaphore, #tpu.memory_space<semaphore_mem>>, %arg15: memref<!tpu.dma_semaphore, #tpu.memory_space<semaphore_mem>>, %arg16: memref<!tpu.dma_semaphore, #tpu.memory_space<semaphore_mem>>, %arg17: memref<!tpu.dma_semaphore, #tpu.memory_space<semaphore_mem>>, %arg18: memref<!tpu.dma_semaphore, #tpu.memory_space<semaphore_mem>>, %arg19: memref<!tpu.dma_semaphore, #tpu.memory_space<semaphore_mem>>, %arg20: memref<!tpu.dma_semaphore, #tpu.memory_space<semaphore_mem>>, %arg21: memref<!tpu.dma_semaphore, #tpu.memory_space<semaphore_mem>>, %arg22: memref<!tpu.dma_semaphore, #tpu.memory_space<semaphore_mem>>, %arg23: memref<!tpu.dma_semaphore, #tpu.memory_space<semaphore_mem>>, %arg24: memref<!tpu.dma_semaphore, #tpu.memory_space<semaphore_mem>>, %arg25: memref<!tpu.dma_semaphore, #tpu.memory_space<semaphore_mem>>, %arg26: memref<!tpu.dma_semaphore, #tpu.memory_space<semaphore_mem>>) attributes {dimension_semantics = [#tpu.dimension_semantics<core_parallel>, #tpu.dimension_semantics<subcore_parallel>], iteration_bounds = array<i64: 2, 16>, scalar_prefetch = 0 : i64, scratch_operands = 22 : i64, tpu.core_type = #tpu.core_type<sc_vector_subcore>, window_params = [{transform_indices = #map}, {transform_indices = #map1}, {transform_indices = #map1}]} {
    %mul3A = arith.constant 2 : i32
    %mul3A_0 = arith.muli %arg1, %mul3A : i32
    %add3A = arith.addi %mul3A_0, %arg0 : i32
    %mul3A_1 = arith.constant 512 : i32
    %mul3A_2 = arith.muli %add3A, %mul3A_1 : i32
    "tpu.region"() ({
      %run_scoped3A = tpu.sem_alloc : memref<!tpu.dma_semaphore, #tpu.memory_space<semaphore_mem>>
      %dma_start3A_441 = arith.constant 0 : i32
      %dma_start3A_442 = arith.constant 0 : i32
      %dma_start3A_443 = tpu.memref_slice %arg2[%add3A, %dma_start3A_441, %dma_start3A_442] : memref<32x64x8xi32, #tpu.memory_space<hbm>> -> memref<1x64x8xi32, #tpu.memory_space<hbm>>
      %dma_start3A_444 = tpu.memref_squeeze %dma_start3A_443 : memref<1x64x8xi32, #tpu.memory_space<hbm>> -> memref<64x8xi32, #tpu.memory_space<hbm>>
      %dma_start3A_445 = arith.constant 0 : i32
      %dma_start3A_446 = arith.constant 0 : i32
      %dma_start3A_447 = tpu.memref_slice %arg2[%add3A, %dma_start3A_445, %dma_start3A_446] : memref<32x64x8xi32, #tpu.memory_space<hbm>> -> memref<1x64x8xi32, #tpu.memory_space<hbm>>
      %dma_start3A_448 = tpu.memref_squeeze %dma_start3A_447 : memref<1x64x8xi32, #tpu.memory_space<hbm>> -> memref<64x8xi32, #tpu.memory_space<hbm>>
      tpu.enqueue_dma source(%dma_start3A_448 : memref<64x8xi32, #tpu.memory_space<hbm>>) target(%arg5 : memref<64x8xi32, #tpu.memory_space<vmem>>) target_semaphore(%run_scoped3A : memref<!tpu.dma_semaphore, #tpu.memory_space<semaphore_mem>>)
      %dma_wait3A_449 = arith.constant 0 : i32
      %dma_wait3A_450 = arith.constant 0 : i32
      %dma_wait3A_451 = tpu.memref_slice %arg2[%add3A, %dma_wait3A_449, %dma_wait3A_450] : memref<32x64x8xi32, #tpu.memory_space<hbm>> -> memref<1x64x8xi32, #tpu.memory_space<hbm>>
      %dma_wait3A_452 = tpu.memref_squeeze %dma_wait3A_451 : memref<1x64x8xi32, #tpu.memory_space<hbm>> -> memref<64x8xi32, #tpu.memory_space<hbm>>
      %dma_wait3A_453 = arith.constant 0 : i32
      %dma_wait3A_454 = arith.constant 0 : i32
      %dma_wait3A_455 = tpu.memref_slice %arg2[%add3A, %dma_wait3A_453, %dma_wait3A_454] : memref<32x64x8xi32, #tpu.memory_space<hbm>> -> memref<1x64x8xi32, #tpu.memory_space<hbm>>
      %dma_wait3A_456 = tpu.memref_squeeze %dma_wait3A_455 : memref<1x64x8xi32, #tpu.memory_space<hbm>> -> memref<64x8xi32, #tpu.memory_space<hbm>>
      tpu.wait_dma2 semaphore(%run_scoped3A : memref<!tpu.dma_semaphore, #tpu.memory_space<semaphore_mem>>) src(%dma_wait3A_456 : memref<64x8xi32, #tpu.memory_space<hbm>>) dst(%arg5 : memref<64x8xi32, #tpu.memory_space<vmem>>)
      tpu.yield
    }) : () -> ()
    %broadcast_in_dim3A = arith.constant 45.2548332 : f32
    %broadcast_in_dim3A_3 = vector.broadcast %broadcast_in_dim3A : f32 to vector<16xf32>
    %dma_start3A = arith.constant 0 : i32
    %dma_start3A_4 = arith.constant 0 : i32
    %dma_start3A_5 = tpu.memref_slice %arg5[%dma_start3A, %dma_start3A_4] : memref<64x8xi32, #tpu.memory_space<vmem>> -> memref<1x8xi32, #tpu.memory_space<vmem>>
    %dma_start3A_6 = tpu.memref_squeeze %dma_start3A_5 : memref<1x8xi32, #tpu.memory_space<vmem>> -> memref<8xi32, #tpu.memory_space<vmem>>
    %dma_start3A_7 = arith.constant 0 : i32
    %dma_start3A_8 = arith.constant 0 : i32
    %dma_start3A_9 = tpu.memref_slice %arg3[%dma_start3A_7, %dma_start3A_8] : memref<100000x2048xf32, #tpu.memory_space<hbm>> -> memref<100000x2048xf32, #tpu.memory_space<hbm>>
    tpu.enqueue_indirect_dma source(%dma_start3A_9 : memref<100000x2048xf32, #tpu.memory_space<hbm>>) target(%arg6 : memref<8x2048xf32, #tpu.memory_space<vmem>>) offsets(%dma_start3A_6 : memref<8xi32, #tpu.memory_space<vmem>>) semaphore(%arg13 : memref<!tpu.dma_semaphore, #tpu.memory_space<semaphore_mem>>)
    %dma_start3A_10 = arith.constant 1 : i32
    %dma_start3A_11 = arith.constant 0 : i32
    %dma_start3A_12 = tpu.memref_slice %arg5[%dma_start3A_10, %dma_start3A_11] : memref<64x8xi32, #tpu.memory_space<vmem>> -> memref<1x8xi32, #tpu.memory_space<vmem>>
    %dma_start3A_13 = tpu.memref_squeeze %dma_start3A_12 : memref<1x8xi32, #tpu.memory_space<vmem>> -> memref<8xi32, #tpu.memory_space<vmem>>
    %dma_start3A_14 = arith.constant 0 : i32
    %dma_start3A_15 = arith.constant 0 : i32
    %dma_start3A_16 = tpu.memref_slice %arg3[%dma_start3A_14, %dma_start3A_15] : memref<100000x2048xf32, #tpu.memory_space<hbm>> -> memref<100000x2048xf32, #tpu.memory_space<hbm>>
    tpu.enqueue_indirect_dma source(%dma_start3A_16 : memref<100000x2048xf32, #tpu.memory_space<hbm>>) target(%arg7 : memref<8x2048xf32, #tpu.memory_space<vmem>>) offsets(%dma_start3A_13 : memref<8xi32, #tpu.memory_space<vmem>>) semaphore(%arg14 : memref<!tpu.dma_semaphore, #tpu.memory_space<semaphore_mem>>)
    %dma_start3A_17 = arith.constant 2 : i32
    %dma_start3A_18 = arith.constant 0 : i32
    %dma_start3A_19 = tpu.memref_slice %arg5[%dma_start3A_17, %dma_start3A_18] : memref<64x8xi32, #tpu.memory_space<vmem>> -> memref<1x8xi32, #tpu.memory_space<vmem>>
    %dma_start3A_20 = tpu.memref_squeeze %dma_start3A_19 : memref<1x8xi32, #tpu.memory_space<vmem>> -> memref<8xi32, #tpu.memory_space<vmem>>
    %dma_start3A_21 = arith.constant 0 : i32
    %dma_start3A_22 = arith.constant 0 : i32
    %dma_start3A_23 = tpu.memref_slice %arg3[%dma_start3A_21, %dma_start3A_22] : memref<100000x2048xf32, #tpu.memory_space<hbm>> -> memref<100000x2048xf32, #tpu.memory_space<hbm>>
    tpu.enqueue_indirect_dma source(%dma_start3A_23 : memref<100000x2048xf32, #tpu.memory_space<hbm>>) target(%arg8 : memref<8x2048xf32, #tpu.memory_space<vmem>>) offsets(%dma_start3A_20 : memref<8xi32, #tpu.memory_space<vmem>>) semaphore(%arg15 : memref<!tpu.dma_semaphore, #tpu.memory_space<semaphore_mem>>)
    %dma_start3A_24 = arith.constant 3 : i32
    %dma_start3A_25 = arith.constant 0 : i32
    %dma_start3A_26 = tpu.memref_slice %arg5[%dma_start3A_24, %dma_start3A_25] : memref<64x8xi32, #tpu.memory_space<vmem>> -> memref<1x8xi32, #tpu.memory_space<vmem>>
    %dma_start3A_27 = tpu.memref_squeeze %dma_start3A_26 : memref<1x8xi32, #tpu.memory_space<vmem>> -> memref<8xi32, #tpu.memory_space<vmem>>
    %dma_start3A_28 = arith.constant 0 : i32
    %dma_start3A_29 = arith.constant 0 : i32
    %dma_start3A_30 = tpu.memref_slice %arg3[%dma_start3A_28, %dma_start3A_29] : memref<100000x2048xf32, #tpu.memory_space<hbm>> -> memref<100000x2048xf32, #tpu.memory_space<hbm>>
    tpu.enqueue_indirect_dma source(%dma_start3A_30 : memref<100000x2048xf32, #tpu.memory_space<hbm>>) target(%arg9 : memref<8x2048xf32, #tpu.memory_space<vmem>>) offsets(%dma_start3A_27 : memref<8xi32, #tpu.memory_space<vmem>>) semaphore(%arg16 : memref<!tpu.dma_semaphore, #tpu.memory_space<semaphore_mem>>)
    %dma_start3A_31 = arith.constant 4 : i32
    %dma_start3A_32 = arith.constant 0 : i32
    %dma_start3A_33 = tpu.memref_slice %arg5[%dma_start3A_31, %dma_start3A_32] : memref<64x8xi32, #tpu.memory_space<vmem>> -> memref<1x8xi32, #tpu.memory_space<vmem>>
    %dma_start3A_34 = tpu.memref_squeeze %dma_start3A_33 : memref<1x8xi32, #tpu.memory_space<vmem>> -> memref<8xi32, #tpu.memory_space<vmem>>
    %dma_start3A_35 = arith.constant 0 : i32
    %dma_start3A_36 = arith.constant 0 : i32
    %dma_start3A_37 = tpu.memref_slice %arg3[%dma_start3A_35, %dma_start3A_36] : memref<100000x2048xf32, #tpu.memory_space<hbm>> -> memref<100000x2048xf32, #tpu.memory_space<hbm>>
    tpu.enqueue_indirect_dma source(%dma_start3A_37 : memref<100000x2048xf32, #tpu.memory_space<hbm>>) target(%arg10 : memref<8x2048xf32, #tpu.memory_space<vmem>>) offsets(%dma_start3A_34 : memref<8xi32, #tpu.memory_space<vmem>>) semaphore(%arg17 : memref<!tpu.dma_semaphore, #tpu.memory_space<semaphore_mem>>)
    %dma_wait3A = arith.constant 0 : i32
    %dma_wait3A_38 = arith.constant 0 : i32
    %dma_wait3A_39 = tpu.memref_slice %arg5[%dma_wait3A, %dma_wait3A_38] : memref<64x8xi32, #tpu.memory_space<vmem>> -> memref<1x8xi32, #tpu.memory_space<vmem>>
    %dma_wait3A_40 = tpu.memref_squeeze %dma_wait3A_39 : memref<1x8xi32, #tpu.memory_space<vmem>> -> memref<8xi32, #tpu.memory_space<vmem>>
    %dma_wait3A_41 = arith.constant 0 : i32
    %dma_wait3A_42 = arith.constant 0 : i32
    %dma_wait3A_43 = tpu.memref_slice %arg3[%dma_wait3A_41, %dma_wait3A_42] : memref<100000x2048xf32, #tpu.memory_space<hbm>> -> memref<100000x2048xf32, #tpu.memory_space<hbm>>
    tpu.wait_indirect_dma semaphore(%arg13 : memref<!tpu.dma_semaphore, #tpu.memory_space<semaphore_mem>>) src(%dma_wait3A_43 : memref<100000x2048xf32, #tpu.memory_space<hbm>>) dst(%arg6 : memref<8x2048xf32, #tpu.memory_space<vmem>>)
    %dma_start3A_44 = arith.constant 5 : i32
    %dma_start3A_45 = arith.constant 0 : i32
    %dma_start3A_46 = tpu.memref_slice %arg5[%dma_start3A_44, %dma_start3A_45] : memref<64x8xi32, #tpu.memory_space<vmem>> -> memref<1x8xi32, #tpu.memory_space<vmem>>
    %dma_start3A_47 = tpu.memref_squeeze %dma_start3A_46 : memref<1x8xi32, #tpu.memory_space<vmem>> -> memref<8xi32, #tpu.memory_space<vmem>>
    %dma_start3A_48 = arith.constant 0 : i32
    %dma_start3A_49 = arith.constant 0 : i32
    %dma_start3A_50 = tpu.memref_slice %arg3[%dma_start3A_48, %dma_start3A_49] : memref<100000x2048xf32, #tpu.memory_space<hbm>> -> memref<100000x2048xf32, #tpu.memory_space<hbm>>
    tpu.enqueue_indirect_dma source(%dma_start3A_50 : memref<100000x2048xf32, #tpu.memory_space<hbm>>) target(%arg11 : memref<8x2048xf32, #tpu.memory_space<vmem>>) offsets(%dma_start3A_47 : memref<8xi32, #tpu.memory_space<vmem>>) semaphore(%arg18 : memref<!tpu.dma_semaphore, #tpu.memory_space<semaphore_mem>>)
    %scan3A = arith.constant 0 : i32
    %scan3A_51 = arith.constant 8 : i32
    %scan3A_52 = arith.addi %scan3A, %scan3A_51 : i32
    %scan3A_53 = arith.constant 1 : i32
    scf.for %scan3A_441 = %scan3A to %scan3A_52 step %scan3A_53  : i32 {
      %mul3A_442 = arith.constant 1 : i32
      %mul3A_443 = arith.muli %scan3A_441, %mul3A_442 : i32
      %add3A_444 = arith.constant 0 : i32
      %add3A_445 = arith.addi %add3A_444, %mul3A_443 : i32
      %scan3A_446 = arith.constant 0 : i32
      %scan3A_447 = arith.constant 128 : i32
      %scan3A_448 = arith.addi %scan3A_446, %scan3A_447 : i32
      %scan3A_449 = arith.constant 8 : i32
      scf.for %scan3A_451 = %scan3A_446 to %scan3A_448 step %scan3A_449  : i32 {
        %mul3A_452 = arith.constant 1 : i32
        %mul3A_453 = arith.muli %scan3A_451, %mul3A_452 : i32
        %add3A_454 = arith.constant 0 : i32
        %add3A_455 = arith.addi %add3A_454, %mul3A_453 : i32
        %mul3A_456 = arith.constant 16 : i32
        %mul3A_457 = arith.muli %add3A_455, %mul3A_456 : i32
        %get3A = arith.index_cast %add3A_445 : i32 to index
        %get3A_458 = arith.index_cast %mul3A_457 : i32 to index
        %get3A_459 = tpu.vector_load %arg6[%get3A, %get3A_458] {strides = array<i32>} : memref<8x2048xf32, #tpu.memory_space<vmem>>, vector<1x16xf32>,
        %get3A_460 = vector.shape_cast %get3A_459 : vector<1x16xf32> to vector<16xf32>
        %mul3A_461 = arith.mulf %get3A_460, %broadcast_in_dim3A_3 : vector<16xf32>
        %swap3A = arith.index_cast %add3A_445 : i32 to index
        %swap3A_462 = arith.index_cast %mul3A_457 : i32 to index
        %swap3A_463 = tpu.vector_load %arg6[%swap3A, %swap3A_462] {strides = array<i32>} : memref<8x2048xf32, #tpu.memory_space<vmem>>, vector<1x16xf32>,
        %swap3A_464 = vector.shape_cast %swap3A_463 : vector<1x16xf32> to vector<16xf32>
        %swap3A_465 = vector.shape_cast %mul3A_461 : vector<16xf32> to vector<1x16xf32>
        tpu.vector_store %arg6[%swap3A, %swap3A_462], %swap3A_465 {strides = array<i32>} : memref<8x2048xf32, #tpu.memory_space<vmem>>, vector<1x16xf32>,
        %scan3A_466 = arith.constant 1 : i32
        %scan3A_467 = arith.addi %scan3A_451, %scan3A_466 : i32
        %mul3A_468 = arith.constant 1 : i32
        %mul3A_469 = arith.muli %scan3A_467, %mul3A_468 : i32
        %add3A_470 = arith.constant 0 : i32
        %add3A_471 = arith.addi %add3A_470, %mul3A_469 : i32
        %mul3A_472 = arith.constant 16 : i32
        %mul3A_473 = arith.muli %add3A_471, %mul3A_472 : i32
        %get3A_474 = arith.index_cast %add3A_445 : i32 to index
        %get3A_475 = arith.index_cast %mul3A_473 : i32 to index
        %get3A_476 = tpu.vector_load %arg6[%get3A_474, %get3A_475] {strides = array<i32>} : memref<8x2048xf32, #tpu.memory_space<vmem>>, vector<1x16xf32>,
        %get3A_477 = vector.shape_cast %get3A_476 : vector<1x16xf32> to vector<16xf32>
        %mul3A_478 = arith.mulf %get3A_477, %broadcast_in_dim3A_3 : vector<16xf32>
        %swap3A_479 = arith.index_cast %add3A_445 : i32 to index
        %swap3A_480 = arith.index_cast %mul3A_473 : i32 to index
        %swap3A_481 = tpu.vector_load %arg6[%swap3A_479, %swap3A_480] {strides = array<i32>} : memref<8x2048xf32, #tpu.memory_space<vmem>>, vector<1x16xf32>,
        %swap3A_482 = vector.shape_cast %swap3A_481 : vector<1x16xf32> to vector<16xf32>
        %swap3A_483 = vector.shape_cast %mul3A_478 : vector<16xf32> to vector<1x16xf32>
        tpu.vector_store %arg6[%swap3A_479, %swap3A_480], %swap3A_483 {strides = array<i32>} : memref<8x2048xf32, #tpu.memory_space<vmem>>, vector<1x16xf32>,
        %scan3A_484 = arith.constant 2 : i32
        %scan3A_485 = arith.addi %scan3A_451, %scan3A_484 : i32
        %mul3A_486 = arith.constant 1 : i32
        %mul3A_487 = arith.muli %scan3A_485, %mul3A_486 : i32
        %add3A_488 = arith.constant 0 : i32
        %add3A_489 = arith.addi %add3A_488, %mul3A_487 : i32
        %mul3A_490 = arith.constant 16 : i32
        %mul3A_491 = arith.muli %add3A_489, %mul3A_490 : i32
        %get3A_492 = arith.index_cast %add3A_445 : i32 to index
        %get3A_493 = arith.index_cast %mul3A_491 : i32 to index
        %get3A_494 = tpu.vector_load %arg6[%get3A_492, %get3A_493] {strides = array<i32>} : memref<8x2048xf32, #tpu.memory_space<vmem>>, vector<1x16xf32>,
        %get3A_495 = vector.shape_cast %get3A_494 : vector<1x16xf32> to vector<16xf32>
        %mul3A_496 = arith.mulf %get3A_495, %broadcast_in_dim3A_3 : vector<16xf32>
        %swap3A_497 = arith.index_cast %add3A_445 : i32 to index
        %swap3A_498 = arith.index_cast %mul3A_491 : i32 to index
        %swap3A_499 = tpu.vector_load %arg6[%swap3A_497, %swap3A_498] {strides = array<i32>} : memref<8x2048xf32, #tpu.memory_space<vmem>>, vector<1x16xf32>,
        %swap3A_500 = vector.shape_cast %swap3A_499 : vector<1x16xf32> to vector<16xf32>
        %swap3A_501 = vector.shape_cast %mul3A_496 : vector<16xf32> to vector<1x16xf32>
        tpu.vector_store %arg6[%swap3A_497, %swap3A_498], %swap3A_501 {strides = array<i32>} : memref<8x2048xf32, #tpu.memory_space<vmem>>, vector<1x16xf32>,
        %scan3A_502 = arith.constant 3 : i32
        %scan3A_503 = arith.addi %scan3A_451, %scan3A_502 : i32
        %mul3A_504 = arith.constant 1 : i32
        %mul3A_505 = arith.muli %scan3A_503, %mul3A_504 : i32
        %add3A_506 = arith.constant 0 : i32
        %add3A_507 = arith.addi %add3A_506, %mul3A_505 : i32
        %mul3A_508 = arith.constant 16 : i32
        %mul3A_509 = arith.muli %add3A_507, %mul3A_508 : i32
        %get3A_510 = arith.index_cast %add3A_445 : i32 to index
        %get3A_511 = arith.index_cast %mul3A_509 : i32 to index
        %get3A_512 = tpu.vector_load %arg6[%get3A_510, %get3A_511] {strides = array<i32>} : memref<8x2048xf32, #tpu.memory_space<vmem>>, vector<1x16xf32>,
        %get3A_513 = vector.shape_cast %get3A_512 : vector<1x16xf32> to vector<16xf32>
        %mul3A_514 = arith.mulf %get3A_513, %broadcast_in_dim3A_3 : vector<16xf32>
        %swap3A_515 = arith.index_cast %add3A_445 : i32 to index
        %swap3A_516 = arith.index_cast %mul3A_509 : i32 to index
        %swap3A_517 = tpu.vector_load %arg6[%swap3A_515, %swap3A_516] {strides = array<i32>} : memref<8x2048xf32, #tpu.memory_space<vmem>>, vector<1x16xf32>,
        %swap3A_518 = vector.shape_cast %swap3A_517 : vector<1x16xf32> to vector<16xf32>
        %swap3A_519 = vector.shape_cast %mul3A_514 : vector<16xf32> to vector<1x16xf32>
        tpu.vector_store %arg6[%swap3A_515, %swap3A_516], %swap3A_519 {strides = array<i32>} : memref<8x2048xf32, #tpu.memory_space<vmem>>, vector<1x16xf32>,
        %scan3A_520 = arith.constant 4 : i32
        %scan3A_521 = arith.addi %scan3A_451, %scan3A_520 : i32
        %mul3A_522 = arith.constant 1 : i32
        %mul3A_523 = arith.muli %scan3A_521, %mul3A_522 : i32
        %add3A_524 = arith.constant 0 : i32
        %add3A_525 = arith.addi %add3A_524, %mul3A_523 : i32
        %mul3A_526 = arith.constant 16 : i32
        %mul3A_527 = arith.muli %add3A_525, %mul3A_526 : i32
        %get3A_528 = arith.index_cast %add3A_445 : i32 to index
        %get3A_529 = arith.index_cast %mul3A_527 : i32 to index
        %get3A_530 = tpu.vector_load %arg6[%get3A_528, %get3A_529] {strides = array<i32>} : memref<8x2048xf32, #tpu.memory_space<vmem>>, vector<1x16xf32>,
        %get3A_531 = vector.shape_cast %get3A_530 : vector<1x16xf32> to vector<16xf32>
        %mul3A_532 = arith.mulf %get3A_531, %broadcast_in_dim3A_3 : vector<16xf32>
        %swap3A_533 = arith.index_cast %add3A_445 : i32 to index
        %swap3A_534 = arith.index_cast %mul3A_527 : i32 to index
        %swap3A_535 = tpu.vector_load %arg6[%swap3A_533, %swap3A_534] {strides = array<i32>} : memref<8x2048xf32, #tpu.memory_space<vmem>>, vector<1x16xf32>,
        %swap3A_536 = vector.shape_cast %swap3A_535 : vector<1x16xf32> to vector<16xf32>
        %swap3A_537 = vector.shape_cast %mul3A_532 : vector<16xf32> to vector<1x16xf32>
        tpu.vector_store %arg6[%swap3A_533, %swap3A_534], %swap3A_537 {strides = array<i32>} : memref<8x2048xf32, #tpu.memory_space<vmem>>, vector<1x16xf32>,
        %scan3A_538 = arith.constant 5 : i32
        %scan3A_539 = arith.addi %scan3A_451, %scan3A_538 : i32
        %mul3A_540 = arith.constant 1 : i32
        %mul3A_541 = arith.muli %scan3A_539, %mul3A_540 : i32
        %add3A_542 = arith.constant 0 : i32
        %add3A_543 = arith.addi %add3A_542, %mul3A_541 : i32
        %mul3A_544 = arith.constant 16 : i32
        %mul3A_545 = arith.muli %add3A_543, %mul3A_544 : i32
        %get3A_546 = arith.index_cast %add3A_445 : i32 to index
        %get3A_547 = arith.index_cast %mul3A_545 : i32 to index
        %get3A_548 = tpu.vector_load %arg6[%get3A_546, %get3A_547] {strides = array<i32>} : memref<8x2048xf32, #tpu.memory_space<vmem>>, vector<1x16xf32>,
        %get3A_549 = vector.shape_cast %get3A_548 : vector<1x16xf32> to vector<16xf32>
        %mul3A_550 = arith.mulf %get3A_549, %broadcast_in_dim3A_3 : vector<16xf32>
        %swap3A_551 = arith.index_cast %add3A_445 : i32 to index
        %swap3A_552 = arith.index_cast %mul3A_545 : i32 to index
        %swap3A_553 = tpu.vector_load %arg6[%swap3A_551, %swap3A_552] {strides = array<i32>} : memref<8x2048xf32, #tpu.memory_space<vmem>>, vector<1x16xf32>,
        %swap3A_554 = vector.shape_cast %swap3A_553 : vector<1x16xf32> to vector<16xf32>
        %swap3A_555 = vector.shape_cast %mul3A_550 : vector<16xf32> to vector<1x16xf32>
        tpu.vector_store %arg6[%swap3A_551, %swap3A_552], %swap3A_555 {strides = array<i32>} : memref<8x2048xf32, #tpu.memory_space<vmem>>, vector<1x16xf32>,
        %scan3A_556 = arith.constant 6 : i32
        %scan3A_557 = arith.addi %scan3A_451, %scan3A_556 : i32
        %mul3A_558 = arith.constant 1 : i32
        %mul3A_559 = arith.muli %scan3A_557, %mul3A_558 : i32
        %add3A_560 = arith.constant 0 : i32
        %add3A_561 = arith.addi %add3A_560, %mul3A_559 : i32
        %mul3A_562 = arith.constant 16 : i32
        %mul3A_563 = arith.muli %add3A_561, %mul3A_562 : i32
        %get3A_564 = arith.index_cast %add3A_445 : i32 to index
        %get3A_565 = arith.index_cast %mul3A_563 : i32 to index
        %get3A_566 = tpu.vector_load %arg6[%get3A_564, %get3A_565] {strides = array<i32>} : memref<8x2048xf32, #tpu.memory_space<vmem>>, vector<1x16xf32>,
        %get3A_567 = vector.shape_cast %get3A_566 : vector<1x16xf32> to vector<16xf32>
        %mul3A_568 = arith.mulf %get3A_567, %broadcast_in_dim3A_3 : vector<16xf32>
        %swap3A_569 = arith.index_cast %add3A_445 : i32 to index
        %swap3A_570 = arith.index_cast %mul3A_563 : i32 to index
        %swap3A_571 = tpu.vector_load %arg6[%swap3A_569, %swap3A_570] {strides = array<i32>} : memref<8x2048xf32, #tpu.memory_space<vmem>>, vector<1x16xf32>,
        %swap3A_572 = vector.shape_cast %swap3A_571 : vector<1x16xf32> to vector<16xf32>
        %swap3A_573 = vector.shape_cast %mul3A_568 : vector<16xf32> to vector<1x16xf32>
        tpu.vector_store %arg6[%swap3A_569, %swap3A_570], %swap3A_573 {strides = array<i32>} : memref<8x2048xf32, #tpu.memory_space<vmem>>, vector<1x16xf32>,
        %scan3A_574 = arith.constant 7 : i32
        %scan3A_575 = arith.addi %scan3A_451, %scan3A_574 : i32
        %mul3A_576 = arith.constant 1 : i32
        %mul3A_577 = arith.muli %scan3A_575, %mul3A_576 : i32
        %add3A_578 = arith.constant 0 : i32
        %add3A_579 = arith.addi %add3A_578, %mul3A_577 : i32
        %mul3A_580 = arith.constant 16 : i32
        %mul3A_581 = arith.muli %add3A_579, %mul3A_580 : i32
        %get3A_582 = arith.index_cast %add3A_445 : i32 to index
        %get3A_583 = arith.index_cast %mul3A_581 : i32 to index
        %get3A_584 = tpu.vector_load %arg6[%get3A_582, %get3A_583] {strides = array<i32>} : memref<8x2048xf32, #tpu.memory_space<vmem>>, vector<1x16xf32>,
        %get3A_585 = vector.shape_cast %get3A_584 : vector<1x16xf32> to vector<16xf32>
        %mul3A_586 = arith.mulf %get3A_585, %broadcast_in_dim3A_3 : vector<16xf32>
        %swap3A_587 = arith.index_cast %add3A_445 : i32 to index
        %swap3A_588 = arith.index_cast %mul3A_581 : i32 to index
        %swap3A_589 = tpu.vector_load %arg6[%swap3A_587, %swap3A_588] {strides = array<i32>} : memref<8x2048xf32, #tpu.memory_space<vmem>>, vector<1x16xf32>,
        %swap3A_590 = vector.shape_cast %swap3A_589 : vector<1x16xf32> to vector<16xf32>
        %swap3A_591 = vector.shape_cast %mul3A_586 : vector<16xf32> to vector<1x16xf32>
        tpu.vector_store %arg6[%swap3A_587, %swap3A_588], %swap3A_591 {strides = array<i32>} : memref<8x2048xf32, #tpu.memory_space<vmem>>, vector<1x16xf32>,
      }
      %scan3A_450 = arith.constant 128 : i32
    }
    %scan3A_54 = arith.constant 8 : i32
    %add3A_55 = arith.constant 0 : i32
    %add3A_56 = arith.addi %mul3A_2, %add3A_55 : i32
    %dma_start3A_57 = arith.constant 0 : i32
    %dma_start3A_58 = tpu.memref_slice %arg4[%add3A_56, %dma_start3A_57] : memref<16384x2048xf32, #tpu.memory_space<hbm>> -> memref<8x2048xf32, #tpu.memory_space<hbm>>
    %dma_start3A_59 = arith.constant 0 : i32
    %dma_start3A_60 = tpu.memref_slice %arg4[%add3A_56, %dma_start3A_59] : memref<16384x2048xf32, #tpu.memory_space<hbm>> -> memref<8x2048xf32, #tpu.memory_space<hbm>>
    tpu.enqueue_dma source(%arg6 : memref<8x2048xf32, #tpu.memory_space<vmem>>) target(%dma_start3A_60 : memref<8x2048xf32, #tpu.memory_space<hbm>>) target_semaphore(%arg20 : memref<!tpu.dma_semaphore, #tpu.memory_space<semaphore_mem>>)
    %dma_wait3A_61 = arith.constant 0 : i32
    %dma_wait3A_62 = arith.constant 0 : i32
    %dma_wait3A_63 = tpu.memref_slice %arg5[%dma_wait3A_61, %dma_wait3A_62] : memref<64x8xi32, #tpu.memory_space<vmem>> -> memref<1x8xi32, #tpu.memory_space<vmem>>
    %dma_wait3A_64 = tpu.memref_squeeze %dma_wait3A_63 : memref<1x8xi32, #tpu.memory_space<vmem>> -> memref<8xi32, #tpu.memory_space<vmem>>
    %dma_wait3A_65 = arith.constant 0 : i32
    %dma_wait3A_66 = arith.constant 0 : i32
    %dma_wait3A_67 = tpu.memref_slice %arg3[%dma_wait3A_65, %dma_wait3A_66] : memref<100000x2048xf32, #tpu.memory_space<hbm>> -> memref<100000x2048xf32, #tpu.memory_space<hbm>>
    tpu.wait_indirect_dma semaphore(%arg14 : memref<!tpu.dma_semaphore, #tpu.memory_space<semaphore_mem>>) src(%dma_wait3A_67 : memref<100000x2048xf32, #tpu.memory_space<hbm>>) dst(%arg7 : memref<8x2048xf32, #tpu.memory_space<vmem>>)
    %dma_start3A_68 = arith.constant 6 : i32
    %dma_start3A_69 = arith.constant 0 : i32
    %dma_start3A_70 = tpu.memref_slice %arg5[%dma_start3A_68, %dma_start3A_69] : memref<64x8xi32, #tpu.memory_space<vmem>> -> memref<1x8xi32, #tpu.memory_space<vmem>>
    %dma_start3A_71 = tpu.memref_squeeze %dma_start3A_70 : memref<1x8xi32, #tpu.memory_space<vmem>> -> memref<8xi32, #tpu.memory_space<vmem>>
    %dma_start3A_72 = arith.constant 0 : i32
    %dma_start3A_73 = arith.constant 0 : i32
    %dma_start3A_74 = tpu.memref_slice %arg3[%dma_start3A_72, %dma_start3A_73] : memref<100000x2048xf32, #tpu.memory_space<hbm>> -> memref<100000x2048xf32, #tpu.memory_space<hbm>>
    tpu.enqueue_indirect_dma source(%dma_start3A_74 : memref<100000x2048xf32, #tpu.memory_space<hbm>>) target(%arg12 : memref<8x2048xf32, #tpu.memory_space<vmem>>) offsets(%dma_start3A_71 : memref<8xi32, #tpu.memory_space<vmem>>) semaphore(%arg19 : memref<!tpu.dma_semaphore, #tpu.memory_space<semaphore_mem>>)
    %scan3A_75 = arith.constant 0 : i32
    %scan3A_76 = arith.constant 8 : i32
    %scan3A_77 = arith.addi %scan3A_75, %scan3A_76 : i32
    %scan3A_78 = arith.constant 1 : i32
    scf.for %scan3A_441 = %scan3A_75 to %scan3A_77 step %scan3A_78  : i32 {
      %mul3A_442 = arith.constant 1 : i32
      %mul3A_443 = arith.muli %scan3A_441, %mul3A_442 : i32
      %add3A_444 = arith.constant 0 : i32
      %add3A_445 = arith.addi %add3A_444, %mul3A_443 : i32
      %scan3A_446 = arith.constant 0 : i32
      %scan3A_447 = arith.constant 128 : i32
      %scan3A_448 = arith.addi %scan3A_446, %scan3A_447 : i32
      %scan3A_449 = arith.constant 8 : i32
      scf.for %scan3A_451 = %scan3A_446 to %scan3A_448 step %scan3A_449  : i32 {
        %mul3A_452 = arith.constant 1 : i32
        %mul3A_453 = arith.muli %scan3A_451, %mul3A_452 : i32
        %add3A_454 = arith.constant 0 : i32
        %add3A_455 = arith.addi %add3A_454, %mul3A_453 : i32
        %mul3A_456 = arith.constant 16 : i32
        %mul3A_457 = arith.muli %add3A_455, %mul3A_456 : i32
        %get3A = arith.index_cast %add3A_445 : i32 to index
        %get3A_458 = arith.index_cast %mul3A_457 : i32 to index
        %get3A_459 = tpu.vector_load %arg7[%get3A, %get3A_458] {strides = array<i32>} : memref<8x2048xf32, #tpu.memory_space<vmem>>, vector<1x16xf32>,
        %get3A_460 = vector.shape_cast %get3A_459 : vector<1x16xf32> to vector<16xf32>
        %mul3A_461 = arith.mulf %get3A_460, %broadcast_in_dim3A_3 : vector<16xf32>
        %swap3A = arith.index_cast %add3A_445 : i32 to index
        %swap3A_462 = arith.index_cast %mul3A_457 : i32 to index
        %swap3A_463 = tpu.vector_load %arg7[%swap3A, %swap3A_462] {strides = array<i32>} : memref<8x2048xf32, #tpu.memory_space<vmem>>, vector<1x16xf32>,
        %swap3A_464 = vector.shape_cast %swap3A_463 : vector<1x16xf32> to vector<16xf32>
        %swap3A_465 = vector.shape_cast %mul3A_461 : vector<16xf32> to vector<1x16xf32>
        tpu.vector_store %arg7[%swap3A, %swap3A_462], %swap3A_465 {strides = array<i32>} : memref<8x2048xf32, #tpu.memory_space<vmem>>, vector<1x16xf32>,
        %scan3A_466 = arith.constant 1 : i32
        %scan3A_467 = arith.addi %scan3A_451, %scan3A_466 : i32
        %mul3A_468 = arith.constant 1 : i32
        %mul3A_469 = arith.muli %scan3A_467, %mul3A_468 : i32
        %add3A_470 = arith.constant 0 : i32
        %add3A_471 = arith.addi %add3A_470, %mul3A_469 : i32
        %mul3A_472 = arith.constant 16 : i32
        %mul3A_473 = arith.muli %add3A_471, %mul3A_472 : i32
        %get3A_474 = arith.index_cast %add3A_445 : i32 to index
        %get3A_475 = arith.index_cast %mul3A_473 : i32 to index
        %get3A_476 = tpu.vector_load %arg7[%get3A_474, %get3A_475] {strides = array<i32>} : memref<8x2048xf32, #tpu.memory_space<vmem>>, vector<1x16xf32>,
        %get3A_477 = vector.shape_cast %get3A_476 : vector<1x16xf32> to vector<16xf32>
        %mul3A_478 = arith.mulf %get3A_477, %broadcast_in_dim3A_3 : vector<16xf32>
        %swap3A_479 = arith.index_cast %add3A_445 : i32 to index
        %swap3A_480 = arith.index_cast %mul3A_473 : i32 to index
        %swap3A_481 = tpu.vector_load %arg7[%swap3A_479, %swap3A_480] {strides = array<i32>} : memref<8x2048xf32, #tpu.memory_space<vmem>>, vector<1x16xf32>,
        %swap3A_482 = vector.shape_cast %swap3A_481 : vector<1x16xf32> to vector<16xf32>
        %swap3A_483 = vector.shape_cast %mul3A_478 : vector<16xf32> to vector<1x16xf32>
        tpu.vector_store %arg7[%swap3A_479, %swap3A_480], %swap3A_483 {strides = array<i32>} : memref<8x2048xf32, #tpu.memory_space<vmem>>, vector<1x16xf32>,
        %scan3A_484 = arith.constant 2 : i32
        %scan3A_485 = arith.addi %scan3A_451, %scan3A_484 : i32
        %mul3A_486 = arith.constant 1 : i32
        %mul3A_487 = arith.muli %scan3A_485, %mul3A_486 : i32
        %add3A_488 = arith.constant 0 : i32
        %add3A_489 = arith.addi %add3A_488, %mul3A_487 : i32
        %mul3A_490 = arith.constant 16 : i32
        %mul3A_491 = arith.muli %add3A_489, %mul3A_490 : i32
        %get3A_492 = arith.index_cast %add3A_445 : i32 to index
        %get3A_493 = arith.index_cast %mul3A_491 : i32 to index
        %get3A_494 = tpu.vector_load %arg7[%get3A_492, %get3A_493] {strides = array<i32>} : memref<8x2048xf32, #tpu.memory_space<vmem>>, vector<1x16xf32>,
        %get3A_495 = vector.shape_cast %get3A_494 : vector<1x16xf32> to vector<16xf32>
        %mul3A_496 = arith.mulf %get3A_495, %broadcast_in_dim3A_3 : vector<16xf32>
        %swap3A_497 = arith.index_cast %add3A_445 : i32 to index
        %swap3A_498 = arith.index_cast %mul3A_491 : i32 to index
        %swap3A_499 = tpu.vector_load %arg7[%swap3A_497, %swap3A_498] {strides = array<i32>} : memref<8x2048xf32, #tpu.memory_space<vmem>>, vector<1x16xf32>,
        %swap3A_500 = vector.shape_cast %swap3A_499 : vector<1x16xf32> to vector<16xf32>
        %swap3A_501 = vector.shape_cast %mul3A_496 : vector<16xf32> to vector<1x16xf32>
        tpu.vector_store %arg7[%swap3A_497, %swap3A_498], %swap3A_501 {strides = array<i32>} : memref<8x2048xf32, #tpu.memory_space<vmem>>, vector<1x16xf32>,
        %scan3A_502 = arith.constant 3 : i32
        %scan3A_503 = arith.addi %scan3A_451, %scan3A_502 : i32
        %mul3A_504 = arith.constant 1 : i32
        %mul3A_505 = arith.muli %scan3A_503, %mul3A_504 : i32
        %add3A_506 = arith.constant 0 : i32
        %add3A_507 = arith.addi %add3A_506, %mul3A_505 : i32
        %mul3A_508 = arith.constant 16 : i32
        %mul3A_509 = arith.muli %add3A_507, %mul3A_508 : i32
        %get3A_510 = arith.index_cast %add3A_445 : i32 to index
        %get3A_511 = arith.index_cast %mul3A_509 : i32 to index
        %get3A_512 = tpu.vector_load %arg7[%get3A_510, %get3A_511] {strides = array<i32>} : memref<8x2048xf32, #tpu.memory_space<vmem>>, vector<1x16xf32>,
        %get3A_513 = vector.shape_cast %get3A_512 : vector<1x16xf32> to vector<16xf32>
        %mul3A_514 = arith.mulf %get3A_513, %broadcast_in_dim3A_3 : vector<16xf32>
        %swap3A_515 = arith.index_cast %add3A_445 : i32 to index
        %swap3A_516 = arith.index_cast %mul3A_509 : i32 to index
        %swap3A_517 = tpu.vector_load %arg7[%swap3A_515, %swap3A_516] {strides = array<i32>} : memref<8x2048xf32, #tpu.memory_space<vmem>>, vector<1x16xf32>,
        %swap3A_518 = vector.shape_cast %swap3A_517 : vector<1x16xf32> to vector<16xf32>
        %swap3A_519 = vector.shape_cast %mul3A_514 : vector<16xf32> to vector<1x16xf32>
        tpu.vector_store %arg7[%swap3A_515, %swap3A_516], %swap3A_519 {strides = array<i32>} : memref<8x2048xf32, #tpu.memory_space<vmem>>, vector<1x16xf32>,
        %scan3A_520 = arith.constant 4 : i32
        %scan3A_521 = arith.addi %scan3A_451, %scan3A_520 : i32
        %mul3A_522 = arith.constant 1 : i32
        %mul3A_523 = arith.muli %scan3A_521, %mul3A_522 : i32
        %add3A_524 = arith.constant 0 : i32
        %add3A_525 = arith.addi %add3A_524, %mul3A_523 : i32
        %mul3A_526 = arith.constant 16 : i32
        %mul3A_527 = arith.muli %add3A_525, %mul3A_526 : i32
        %get3A_528 = arith.index_cast %add3A_445 : i32 to index
        %get3A_529 = arith.index_cast %mul3A_527 : i32 to index
        %get3A_530 = tpu.vector_load %arg7[%get3A_528, %get3A_529] {strides = array<i32>} : memref<8x2048xf32, #tpu.memory_space<vmem>>, vector<1x16xf32>,
        %get3A_531 = vector.shape_cast %get3A_530 : vector<1x16xf32> to vector<16xf32>
        %mul3A_532 = arith.mulf %get3A_531, %broadcast_in_dim3A_3 : vector<16xf32>
        %swap3A_533 = arith.index_cast %add3A_445 : i32 to index
        %swap3A_534 = arith.index_cast %mul3A_527 : i32 to index
        %swap3A_535 = tpu.vector_load %arg7[%swap3A_533, %swap3A_534] {strides = array<i32>} : memref<8x2048xf32, #tpu.memory_space<vmem>>, vector<1x16xf32>,
        %swap3A_536 = vector.shape_cast %swap3A_535 : vector<1x16xf32> to vector<16xf32>
        %swap3A_537 = vector.shape_cast %mul3A_532 : vector<16xf32> to vector<1x16xf32>
        tpu.vector_store %arg7[%swap3A_533, %swap3A_534], %swap3A_537 {strides = array<i32>} : memref<8x2048xf32, #tpu.memory_space<vmem>>, vector<1x16xf32>,
        %scan3A_538 = arith.constant 5 : i32
        %scan3A_539 = arith.addi %scan3A_451, %scan3A_538 : i32
        %mul3A_540 = arith.constant 1 : i32
        %mul3A_541 = arith.muli %scan3A_539, %mul3A_540 : i32
        %add3A_542 = arith.constant 0 : i32
        %add3A_543 = arith.addi %add3A_542, %mul3A_541 : i32
        %mul3A_544 = arith.constant 16 : i32
        %mul3A_545 = arith.muli %add3A_543, %mul3A_544 : i32
        %get3A_546 = arith.index_cast %add3A_445 : i32 to index
        %get3A_547 = arith.index_cast %mul3A_545 : i32 to index
        %get3A_548 = tpu.vector_load %arg7[%get3A_546, %get3A_547] {strides = array<i32>} : memref<8x2048xf32, #tpu.memory_space<vmem>>, vector<1x16xf32>,
        %get3A_549 = vector.shape_cast %get3A_548 : vector<1x16xf32> to vector<16xf32>
        %mul3A_550 = arith.mulf %get3A_549, %broadcast_in_dim3A_3 : vector<16xf32>
        %swap3A_551 = arith.index_cast %add3A_445 : i32 to index
        %swap3A_552 = arith.index_cast %mul3A_545 : i32 to index
        %swap3A_553 = tpu.vector_load %arg7[%swap3A_551, %swap3A_552] {strides = array<i32>} : memref<8x2048xf32, #tpu.memory_space<vmem>>, vector<1x16xf32>,
        %swap3A_554 = vector.shape_cast %swap3A_553 : vector<1x16xf32> to vector<16xf32>
        %swap3A_555 = vector.shape_cast %mul3A_550 : vector<16xf32> to vector<1x16xf32>
        tpu.vector_store %arg7[%swap3A_551, %swap3A_552], %swap3A_555 {strides = array<i32>} : memref<8x2048xf32, #tpu.memory_space<vmem>>, vector<1x16xf32>,
        %scan3A_556 = arith.constant 6 : i32
        %scan3A_557 = arith.addi %scan3A_451, %scan3A_556 : i32
        %mul3A_558 = arith.constant 1 : i32
        %mul3A_559 = arith.muli %scan3A_557, %mul3A_558 : i32
        %add3A_560 = arith.constant 0 : i32
        %add3A_561 = arith.addi %add3A_560, %mul3A_559 : i32
        %mul3A_562 = arith.constant 16 : i32
        %mul3A_563 = arith.muli %add3A_561, %mul3A_562 : i32
        %get3A_564 = arith.index_cast %add3A_445 : i32 to index
        %get3A_565 = arith.index_cast %mul3A_563 : i32 to index
        %get3A_566 = tpu.vector_load %arg7[%get3A_564, %get3A_565] {strides = array<i32>} : memref<8x2048xf32, #tpu.memory_space<vmem>>, vector<1x16xf32>,
        %get3A_567 = vector.shape_cast %get3A_566 : vector<1x16xf32> to vector<16xf32>
        %mul3A_568 = arith.mulf %get3A_567, %broadcast_in_dim3A_3 : vector<16xf32>
        %swap3A_569 = arith.index_cast %add3A_445 : i32 to index
        %swap3A_570 = arith.index_cast %mul3A_563 : i32 to index
        %swap3A_571 = tpu.vector_load %arg7[%swap3A_569, %swap3A_570] {strides = array<i32>} : memref<8x2048xf32, #tpu.memory_space<vmem>>, vector<1x16xf32>,
        %swap3A_572 = vector.shape_cast %swap3A_571 : vector<1x16xf32> to vector<16xf32>
        %swap3A_573 = vector.shape_cast %mul3A_568 : vector<16xf32> to vector<1x16xf32>
        tpu.vector_store %arg7[%swap3A_569, %swap3A_570], %swap3A_573 {strides = array<i32>} : memref<8x2048xf32, #tpu.memory_space<vmem>>, vector<1x16xf32>,
        %scan3A_574 = arith.constant 7 : i32
        %scan3A_575 = arith.addi %scan3A_451, %scan3A_574 : i32
        %mul3A_576 = arith.constant 1 : i32
        %mul3A_577 = arith.muli %scan3A_575, %mul3A_576 : i32
        %add3A_578 = arith.constant 0 : i32
        %add3A_579 = arith.addi %add3A_578, %mul3A_577 : i32
        %mul3A_580 = arith.constant 16 : i32
        %mul3A_581 = arith.muli %add3A_579, %mul3A_580 : i32
        %get3A_582 = arith.index_cast %add3A_445 : i32 to index
        %get3A_583 = arith.index_cast %mul3A_581 : i32 to index
        %get3A_584 = tpu.vector_load %arg7[%get3A_582, %get3A_583] {strides = array<i32>} : memref<8x2048xf32, #tpu.memory_space<vmem>>, vector<1x16xf32>,
        %get3A_585 = vector.shape_cast %get3A_584 : vector<1x16xf32> to vector<16xf32>
        %mul3A_586 = arith.mulf %get3A_585, %broadcast_in_dim3A_3 : vector<16xf32>
        %swap3A_587 = arith.index_cast %add3A_445 : i32 to index
        %swap3A_588 = arith.index_cast %mul3A_581 : i32 to index
        %swap3A_589 = tpu.vector_load %arg7[%swap3A_587, %swap3A_588] {strides = array<i32>} : memref<8x2048xf32, #tpu.memory_space<vmem>>, vector<1x16xf32>,
        %swap3A_590 = vector.shape_cast %swap3A_589 : vector<1x16xf32> to vector<16xf32>
        %swap3A_591 = vector.shape_cast %mul3A_586 : vector<16xf32> to vector<1x16xf32>
        tpu.vector_store %arg7[%swap3A_587, %swap3A_588], %swap3A_591 {strides = array<i32>} : memref<8x2048xf32, #tpu.memory_space<vmem>>, vector<1x16xf32>,
      }
      %scan3A_450 = arith.constant 128 : i32
    }
    %scan3A_79 = arith.constant 8 : i32
    %add3A_80 = arith.constant 8 : i32
    %add3A_81 = arith.addi %mul3A_2, %add3A_80 : i32
    %dma_start3A_82 = arith.constant 0 : i32
    %dma_start3A_83 = tpu.memref_slice %arg4[%add3A_81, %dma_start3A_82] : memref<16384x2048xf32, #tpu.memory_space<hbm>> -> memref<8x2048xf32, #tpu.memory_space<hbm>>
    %dma_start3A_84 = arith.constant 0 : i32
    %dma_start3A_85 = tpu.memref_slice %arg4[%add3A_81, %dma_start3A_84] : memref<16384x2048xf32, #tpu.memory_space<hbm>> -> memref<8x2048xf32, #tpu.memory_space<hbm>>
    tpu.enqueue_dma source(%arg7 : memref<8x2048xf32, #tpu.memory_space<vmem>>) target(%dma_start3A_85 : memref<8x2048xf32, #tpu.memory_space<hbm>>) target_semaphore(%arg21 : memref<!tpu.dma_semaphore, #tpu.memory_space<semaphore_mem>>)
    %dma_wait3A_86 = arith.constant 0 : i32
    %dma_wait3A_87 = arith.constant 0 : i32
    %dma_wait3A_88 = tpu.memref_slice %arg5[%dma_wait3A_86, %dma_wait3A_87] : memref<64x8xi32, #tpu.memory_space<vmem>> -> memref<1x8xi32, #tpu.memory_space<vmem>>
    %dma_wait3A_89 = tpu.memref_squeeze %dma_wait3A_88 : memref<1x8xi32, #tpu.memory_space<vmem>> -> memref<8xi32, #tpu.memory_space<vmem>>
    %dma_wait3A_90 = arith.constant 0 : i32
    %dma_wait3A_91 = arith.constant 0 : i32
    %dma_wait3A_92 = tpu.memref_slice %arg3[%dma_wait3A_90, %dma_wait3A_91] : memref<100000x2048xf32, #tpu.memory_space<hbm>> -> memref<100000x2048xf32, #tpu.memory_space<hbm>>
    tpu.wait_indirect_dma semaphore(%arg15 : memref<!tpu.dma_semaphore, #tpu.memory_space<semaphore_mem>>) src(%dma_wait3A_92 : memref<100000x2048xf32, #tpu.memory_space<hbm>>) dst(%arg8 : memref<8x2048xf32, #tpu.memory_space<vmem>>)
    %dma_wait3A_93 = arith.constant 0 : i32
    %dma_wait3A_94 = tpu.memref_slice %arg4[%mul3A_2, %dma_wait3A_93] : memref<16384x2048xf32, #tpu.memory_space<hbm>> -> memref<8x2048xf32, #tpu.memory_space<hbm>>
    %dma_wait3A_95 = arith.constant 0 : i32
    %dma_wait3A_96 = tpu.memref_slice %arg4[%mul3A_2, %dma_wait3A_95] : memref<16384x2048xf32, #tpu.memory_space<hbm>> -> memref<8x2048xf32, #tpu.memory_space<hbm>>
    tpu.wait_dma2 semaphore(%arg20 : memref<!tpu.dma_semaphore, #tpu.memory_space<semaphore_mem>>) src(%arg6 : memref<8x2048xf32, #tpu.memory_space<vmem>>) dst(%dma_wait3A_96 : memref<8x2048xf32, #tpu.memory_space<hbm>>)
    %dma_start3A_97 = arith.constant 7 : i32
    %dma_start3A_98 = arith.constant 0 : i32
    %dma_start3A_99 = tpu.memref_slice %arg5[%dma_start3A_97, %dma_start3A_98] : memref<64x8xi32, #tpu.memory_space<vmem>> -> memref<1x8xi32, #tpu.memory_space<vmem>>
    %dma_start3A_100 = tpu.memref_squeeze %dma_start3A_99 : memref<1x8xi32, #tpu.memory_space<vmem>> -> memref<8xi32, #tpu.memory_space<vmem>>
    %dma_start3A_101 = arith.constant 0 : i32
    %dma_start3A_102 = arith.constant 0 : i32
    %dma_start3A_103 = tpu.memref_slice %arg3[%dma_start3A_101, %dma_start3A_102] : memref<100000x2048xf32, #tpu.memory_space<hbm>> -> memref<100000x2048xf32, #tpu.memory_space<hbm>>
    tpu.enqueue_indirect_dma source(%dma_start3A_103 : memref<100000x2048xf32, #tpu.memory_space<hbm>>) target(%arg6 : memref<8x2048xf32, #tpu.memory_space<vmem>>) offsets(%dma_start3A_100 : memref<8xi32, #tpu.memory_space<vmem>>) semaphore(%arg13 : memref<!tpu.dma_semaphore, #tpu.memory_space<semaphore_mem>>)
    %scan3A_104 = arith.constant 0 : i32
    %scan3A_105 = arith.constant 8 : i32
    %scan3A_106 = arith.addi %scan3A_104, %scan3A_105 : i32
    %scan3A_107 = arith.constant 1 : i32
    scf.for %scan3A_441 = %scan3A_104 to %scan3A_106 step %scan3A_107  : i32 {
      %mul3A_442 = arith.constant 1 : i32
      %mul3A_443 = arith.muli %scan3A_441, %mul3A_442 : i32
      %add3A_444 = arith.constant 0 : i32
      %add3A_445 = arith.addi %add3A_444, %mul3A_443 : i32
      %scan3A_446 = arith.constant 0 : i32
      %scan3A_447 = arith.constant 128 : i32
      %scan3A_448 = arith.addi %scan3A_446, %scan3A_447 : i32
      %scan3A_449 = arith.constant 8 : i32
      scf.for %scan3A_451 = %scan3A_446 to %scan3A_448 step %scan3A_449  : i32 {
        %mul3A_452 = arith.constant 1 : i32
        %mul3A_453 = arith.muli %scan3A_451, %mul3A_452 : i32
        %add3A_454 = arith.constant 0 : i32
        %add3A_455 = arith.addi %add3A_454, %mul3A_453 : i32
        %mul3A_456 = arith.constant 16 : i32
        %mul3A_457 = arith.muli %add3A_455, %mul3A_456 : i32
        %get3A = arith.index_cast %add3A_445 : i32 to index
        %get3A_458 = arith.index_cast %mul3A_457 : i32 to index
        %get3A_459 = tpu.vector_load %arg8[%get3A, %get3A_458] {strides = array<i32>} : memref<8x2048xf32, #tpu.memory_space<vmem>>, vector<1x16xf32>,
        %get3A_460 = vector.shape_cast %get3A_459 : vector<1x16xf32> to vector<16xf32>
        %mul3A_461 = arith.mulf %get3A_460, %broadcast_in_dim3A_3 : vector<16xf32>
        %swap3A = arith.index_cast %add3A_445 : i32 to index
        %swap3A_462 = arith.index_cast %mul3A_457 : i32 to index
        %swap3A_463 = tpu.vector_load %arg8[%swap3A, %swap3A_462] {strides = array<i32>} : memref<8x2048xf32, #tpu.memory_space<vmem>>, vector<1x16xf32>,
        %swap3A_464 = vector.shape_cast %swap3A_463 : vector<1x16xf32> to vector<16xf32>
        %swap3A_465 = vector.shape_cast %mul3A_461 : vector<16xf32> to vector<1x16xf32>
        tpu.vector_store %arg8[%swap3A, %swap3A_462], %swap3A_465 {strides = array<i32>} : memref<8x2048xf32, #tpu.memory_space<vmem>>, vector<1x16xf32>,
        %scan3A_466 = arith.constant 1 : i32
        %scan3A_467 = arith.addi %scan3A_451, %scan3A_466 : i32
        %mul3A_468 = arith.constant 1 : i32
        %mul3A_469 = arith.muli %scan3A_467, %mul3A_468 : i32
        %add3A_470 = arith.constant 0 : i32
        %add3A_471 = arith.addi %add3A_470, %mul3A_469 : i32
        %mul3A_472 = arith.constant 16 : i32
        %mul3A_473 = arith.muli %add3A_471, %mul3A_472 : i32
        %get3A_474 = arith.index_cast %add3A_445 : i32 to index
        %get3A_475 = arith.index_cast %mul3A_473 : i32 to index
        %get3A_476 = tpu.vector_load %arg8[%get3A_474, %get3A_475] {strides = array<i32>} : memref<8x2048xf32, #tpu.memory_space<vmem>>, vector<1x16xf32>,
        %get3A_477 = vector.shape_cast %get3A_476 : vector<1x16xf32> to vector<16xf32>
        %mul3A_478 = arith.mulf %get3A_477, %broadcast_in_dim3A_3 : vector<16xf32>
        %swap3A_479 = arith.index_cast %add3A_445 : i32 to index
        %swap3A_480 = arith.index_cast %mul3A_473 : i32 to index
        %swap3A_481 = tpu.vector_load %arg8[%swap3A_479, %swap3A_480] {strides = array<i32>} : memref<8x2048xf32, #tpu.memory_space<vmem>>, vector<1x16xf32>,
        %swap3A_482 = vector.shape_cast %swap3A_481 : vector<1x16xf32> to vector<16xf32>
        %swap3A_483 = vector.shape_cast %mul3A_478 : vector<16xf32> to vector<1x16xf32>
        tpu.vector_store %arg8[%swap3A_479, %swap3A_480], %swap3A_483 {strides = array<i32>} : memref<8x2048xf32, #tpu.memory_space<vmem>>, vector<1x16xf32>,
        %scan3A_484 = arith.constant 2 : i32
        %scan3A_485 = arith.addi %scan3A_451, %scan3A_484 : i32
        %mul3A_486 = arith.constant 1 : i32
        %mul3A_487 = arith.muli %scan3A_485, %mul3A_486 : i32
        %add3A_488 = arith.constant 0 : i32
        %add3A_489 = arith.addi %add3A_488, %mul3A_487 : i32
        %mul3A_490 = arith.constant 16 : i32
        %mul3A_491 = arith.muli %add3A_489, %mul3A_490 : i32
        %get3A_492 = arith.index_cast %add3A_445 : i32 to index
        %get3A_493 = arith.index_cast %mul3A_491 : i32 to index
        %get3A_494 = tpu.vector_load %arg8[%get3A_492, %get3A_493] {strides = array<i32>} : memref<8x2048xf32, #tpu.memory_space<vmem>>, vector<1x16xf32>,
        %get3A_495 = vector.shape_cast %get3A_494 : vector<1x16xf32> to vector<16xf32>
        %mul3A_496 = arith.mulf %get3A_495, %broadcast_in_dim3A_3 : vector<16xf32>
        %swap3A_497 = arith.index_cast %add3A_445 : i32 to index
        %swap3A_498 = arith.index_cast %mul3A_491 : i32 to index
        %swap3A_499 = tpu.vector_load %arg8[%swap3A_497, %swap3A_498] {strides = array<i32>} : memref<8x2048xf32, #tpu.memory_space<vmem>>, vector<1x16xf32>,
        %swap3A_500 = vector.shape_cast %swap3A_499 : vector<1x16xf32> to vector<16xf32>
        %swap3A_501 = vector.shape_cast %mul3A_496 : vector<16xf32> to vector<1x16xf32>
        tpu.vector_store %arg8[%swap3A_497, %swap3A_498], %swap3A_501 {strides = array<i32>} : memref<8x2048xf32, #tpu.memory_space<vmem>>, vector<1x16xf32>,
        %scan3A_502 = arith.constant 3 : i32
        %scan3A_503 = arith.addi %scan3A_451, %scan3A_502 : i32
        %mul3A_504 = arith.constant 1 : i32
        %mul3A_505 = arith.muli %scan3A_503, %mul3A_504 : i32
        %add3A_506 = arith.constant 0 : i32
        %add3A_507 = arith.addi %add3A_506, %mul3A_505 : i32
        %mul3A_508 = arith.constant 16 : i32
        %mul3A_509 = arith.muli %add3A_507, %mul3A_508 : i32
        %get3A_510 = arith.index_cast %add3A_445 : i32 to index
        %get3A_511 = arith.index_cast %mul3A_509 : i32 to index
        %get3A_512 = tpu.vector_load %arg8[%get3A_510, %get3A_511] {strides = array<i32>} : memref<8x2048xf32, #tpu.memory_space<vmem>>, vector<1x16xf32>,
        %get3A_513 = vector.shape_cast %get3A_512 : vector<1x16xf32> to vector<16xf32>
        %mul3A_514 = arith.mulf %get3A_513, %broadcast_in_dim3A_3 : vector<16xf32>
        %swap3A_515 = arith.index_cast %add3A_445 : i32 to index
        %swap3A_516 = arith.index_cast %mul3A_509 : i32 to index
        %swap3A_517 = tpu.vector_load %arg8[%swap3A_515, %swap3A_516] {strides = array<i32>} : memref<8x2048xf32, #tpu.memory_space<vmem>>, vector<1x16xf32>,
        %swap3A_518 = vector.shape_cast %swap3A_517 : vector<1x16xf32> to vector<16xf32>
        %swap3A_519 = vector.shape_cast %mul3A_514 : vector<16xf32> to vector<1x16xf32>
        tpu.vector_store %arg8[%swap3A_515, %swap3A_516], %swap3A_519 {strides = array<i32>} : memref<8x2048xf32, #tpu.memory_space<vmem>>, vector<1x16xf32>,
        %scan3A_520 = arith.constant 4 : i32
        %scan3A_521 = arith.addi %scan3A_451, %scan3A_520 : i32
        %mul3A_522 = arith.constant 1 : i32
        %mul3A_523 = arith.muli %scan3A_521, %mul3A_522 : i32
        %add3A_524 = arith.constant 0 : i32
        %add3A_525 = arith.addi %add3A_524, %mul3A_523 : i32
        %mul3A_526 = arith.constant 16 : i32
        %mul3A_527 = arith.muli %add3A_525, %mul3A_526 : i32
        %get3A_528 = arith.index_cast %add3A_445 : i32 to index
        %get3A_529 = arith.index_cast %mul3A_527 : i32 to index
        %get3A_530 = tpu.vector_load %arg8[%get3A_528, %get3A_529] {strides = array<i32>} : memref<8x2048xf32, #tpu.memory_space<vmem>>, vector<1x16xf32>,
        %get3A_531 = vector.shape_cast %get3A_530 : vector<1x16xf32> to vector<16xf32>
        %mul3A_532 = arith.mulf %get3A_531, %broadcast_in_dim3A_3 : vector<16xf32>
        %swap3A_533 = arith.index_cast %add3A_445 : i32 to index
        %swap3A_534 = arith.index_cast %mul3A_527 : i32 to index
        %swap3A_535 = tpu.vector_load %arg8[%swap3A_533, %swap3A_534] {strides = array<i32>} : memref<8x2048xf32, #tpu.memory_space<vmem>>, vector<1x16xf32>,
        %swap3A_536 = vector.shape_cast %swap3A_535 : vector<1x16xf32> to vector<16xf32>
        %swap3A_537 = vector.shape_cast %mul3A_532 : vector<16xf32> to vector<1x16xf32>
        tpu.vector_store %arg8[%swap3A_533, %swap3A_534], %swap3A_537 {strides = array<i32>} : memref<8x2048xf32, #tpu.memory_space<vmem>>, vector<1x16xf32>,
        %scan3A_538 = arith.constant 5 : i32
        %scan3A_539 = arith.addi %scan3A_451, %scan3A_538 : i32
        %mul3A_540 = arith.constant 1 : i32
        %mul3A_541 = arith.muli %scan3A_539, %mul3A_540 : i32
        %add3A_542 = arith.constant 0 : i32
        %add3A_543 = arith.addi %add3A_542, %mul3A_541 : i32
        %mul3A_544 = arith.constant 16 : i32
        %mul3A_545 = arith.muli %add3A_543, %mul3A_544 : i32
        %get3A_546 = arith.index_cast %add3A_445 : i32 to index
        %get3A_547 = arith.index_cast %mul3A_545 : i32 to index
        %get3A_548 = tpu.vector_load %arg8[%get3A_546, %get3A_547] {strides = array<i32>} : memref<8x2048xf32, #tpu.memory_space<vmem>>, vector<1x16xf32>,
        %get3A_549 = vector.shape_cast %get3A_548 : vector<1x16xf32> to vector<16xf32>
        %mul3A_550 = arith.mulf %get3A_549, %broadcast_in_dim3A_3 : vector<16xf32>
        %swap3A_551 = arith.index_cast %add3A_445 : i32 to index
        %swap3A_552 = arith.index_cast %mul3A_545 : i32 to index
        %swap3A_553 = tpu.vector_load %arg8[%swap3A_551, %swap3A_552] {strides = array<i32>} : memref<8x2048xf32, #tpu.memory_space<vmem>>, vector<1x16xf32>,
        %swap3A_554 = vector.shape_cast %swap3A_553 : vector<1x16xf32> to vector<16xf32>
        %swap3A_555 = vector.shape_cast %mul3A_550 : vector<16xf32> to vector<1x16xf32>
        tpu.vector_store %arg8[%swap3A_551, %swap3A_552], %swap3A_555 {strides = array<i32>} : memref<8x2048xf32, #tpu.memory_space<vmem>>, vector<1x16xf32>,
        %scan3A_556 = arith.constant 6 : i32
        %scan3A_557 = arith.addi %scan3A_451, %scan3A_556 : i32
        %mul3A_558 = arith.constant 1 : i32
        %mul3A_559 = arith.muli %scan3A_557, %mul3A_558 : i32
        %add3A_560 = arith.constant 0 : i32
        %add3A_561 = arith.addi %add3A_560, %mul3A_559 : i32
        %mul3A_562 = arith.constant 16 : i32
        %mul3A_563 = arith.muli %add3A_561, %mul3A_562 : i32
        %get3A_564 = arith.index_cast %add3A_445 : i32 to index
        %get3A_565 = arith.index_cast %mul3A_563 : i32 to index
        %get3A_566 = tpu.vector_load %arg8[%get3A_564, %get3A_565] {strides = array<i32>} : memref<8x2048xf32, #tpu.memory_space<vmem>>, vector<1x16xf32>,
        %get3A_567 = vector.shape_cast %get3A_566 : vector<1x16xf32> to vector<16xf32>
        %mul3A_568 = arith.mulf %get3A_567, %broadcast_in_dim3A_3 : vector<16xf32>
        %swap3A_569 = arith.index_cast %add3A_445 : i32 to index
        %swap3A_570 = arith.index_cast %mul3A_563 : i32 to index
        %swap3A_571 = tpu.vector_load %arg8[%swap3A_569, %swap3A_570] {strides = array<i32>} : memref<8x2048xf32, #tpu.memory_space<vmem>>, vector<1x16xf32>,
        %swap3A_572 = vector.shape_cast %swap3A_571 : vector<1x16xf32> to vector<16xf32>
        %swap3A_573 = vector.shape_cast %mul3A_568 : vector<16xf32> to vector<1x16xf32>
        tpu.vector_store %arg8[%swap3A_569, %swap3A_570], %swap3A_573 {strides = array<i32>} : memref<8x2048xf32, #tpu.memory_space<vmem>>, vector<1x16xf32>,
        %scan3A_574 = arith.constant 7 : i32
        %scan3A_575 = arith.addi %scan3A_451, %scan3A_574 : i32
        %mul3A_576 = arith.constant 1 : i32
        %mul3A_577 = arith.muli %scan3A_575, %mul3A_576 : i32
        %add3A_578 = arith.constant 0 : i32
        %add3A_579 = arith.addi %add3A_578, %mul3A_577 : i32
        %mul3A_580 = arith.constant 16 : i32
        %mul3A_581 = arith.muli %add3A_579, %mul3A_580 : i32
        %get3A_582 = arith.index_cast %add3A_445 : i32 to index
        %get3A_583 = arith.index_cast %mul3A_581 : i32 to index
        %get3A_584 = tpu.vector_load %arg8[%get3A_582, %get3A_583] {strides = array<i32>} : memref<8x2048xf32, #tpu.memory_space<vmem>>, vector<1x16xf32>,
        %get3A_585 = vector.shape_cast %get3A_584 : vector<1x16xf32> to vector<16xf32>
        %mul3A_586 = arith.mulf %get3A_585, %broadcast_in_dim3A_3 : vector<16xf32>
        %swap3A_587 = arith.index_cast %add3A_445 : i32 to index
        %swap3A_588 = arith.index_cast %mul3A_581 : i32 to index
        %swap3A_589 = tpu.vector_load %arg8[%swap3A_587, %swap3A_588] {strides = array<i32>} : memref<8x2048xf32, #tpu.memory_space<vmem>>, vector<1x16xf32>,
        %swap3A_590 = vector.shape_cast %swap3A_589 : vector<1x16xf32> to vector<16xf32>
        %swap3A_591 = vector.shape_cast %mul3A_586 : vector<16xf32> to vector<1x16xf32>
        tpu.vector_store %arg8[%swap3A_587, %swap3A_588], %swap3A_591 {strides = array<i32>} : memref<8x2048xf32, #tpu.memory_space<vmem>>, vector<1x16xf32>,
      }
      %scan3A_450 = arith.constant 128 : i32
    }
    %scan3A_108 = arith.constant 8 : i32
    %add3A_109 = arith.constant 16 : i32
    %add3A_110 = arith.addi %mul3A_2, %add3A_109 : i32
    %dma_start3A_111 = arith.constant 0 : i32
    %dma_start3A_112 = tpu.memref_slice %arg4[%add3A_110, %dma_start3A_111] : memref<16384x2048xf32, #tpu.memory_space<hbm>> -> memref<8x2048xf32, #tpu.memory_space<hbm>>
    %dma_start3A_113 = arith.constant 0 : i32
    %dma_start3A_114 = tpu.memref_slice %arg4[%add3A_110, %dma_start3A_113] : memref<16384x2048xf32, #tpu.memory_space<hbm>> -> memref<8x2048xf32, #tpu.memory_space<hbm>>
    tpu.enqueue_dma source(%arg8 : memref<8x2048xf32, #tpu.memory_space<vmem>>) target(%dma_start3A_114 : memref<8x2048xf32, #tpu.memory_space<hbm>>) target_semaphore(%arg22 : memref<!tpu.dma_semaphore, #tpu.memory_space<semaphore_mem>>)
    %dma_wait3A_115 = arith.constant 0 : i32
    %dma_wait3A_116 = arith.constant 0 : i32
    %dma_wait3A_117 = tpu.memref_slice %arg5[%dma_wait3A_115, %dma_wait3A_116] : memref<64x8xi32, #tpu.memory_space<vmem>> -> memref<1x8xi32, #tpu.memory_space<vmem>>
    %dma_wait3A_118 = tpu.memref_squeeze %dma_wait3A_117 : memref<1x8xi32, #tpu.memory_space<vmem>> -> memref<8xi32, #tpu.memory_space<vmem>>
    %dma_wait3A_119 = arith.constant 0 : i32
    %dma_wait3A_120 = arith.constant 0 : i32
    %dma_wait3A_121 = tpu.memref_slice %arg3[%dma_wait3A_119, %dma_wait3A_120] : memref<100000x2048xf32, #tpu.memory_space<hbm>> -> memref<100000x2048xf32, #tpu.memory_space<hbm>>
    tpu.wait_indirect_dma semaphore(%arg16 : memref<!tpu.dma_semaphore, #tpu.memory_space<semaphore_mem>>) src(%dma_wait3A_121 : memref<100000x2048xf32, #tpu.memory_space<hbm>>) dst(%arg9 : memref<8x2048xf32, #tpu.memory_space<vmem>>)
    %dma_wait3A_122 = arith.constant 0 : i32
    %dma_wait3A_123 = tpu.memref_slice %arg4[%mul3A_2, %dma_wait3A_122] : memref<16384x2048xf32, #tpu.memory_space<hbm>> -> memref<8x2048xf32, #tpu.memory_space<hbm>>
    %dma_wait3A_124 = arith.constant 0 : i32
    %dma_wait3A_125 = tpu.memref_slice %arg4[%mul3A_2, %dma_wait3A_124] : memref<16384x2048xf32, #tpu.memory_space<hbm>> -> memref<8x2048xf32, #tpu.memory_space<hbm>>
    tpu.wait_dma2 semaphore(%arg21 : memref<!tpu.dma_semaphore, #tpu.memory_space<semaphore_mem>>) src(%arg7 : memref<8x2048xf32, #tpu.memory_space<vmem>>) dst(%dma_wait3A_125 : memref<8x2048xf32, #tpu.memory_space<hbm>>)
    %dma_start3A_126 = arith.constant 8 : i32
    %dma_start3A_127 = arith.constant 0 : i32
    %dma_start3A_128 = tpu.memref_slice %arg5[%dma_start3A_126, %dma_start3A_127] : memref<64x8xi32, #tpu.memory_space<vmem>> -> memref<1x8xi32, #tpu.memory_space<vmem>>
    %dma_start3A_129 = tpu.memref_squeeze %dma_start3A_128 : memref<1x8xi32, #tpu.memory_space<vmem>> -> memref<8xi32, #tpu.memory_space<vmem>>
    %dma_start3A_130 = arith.constant 0 : i32
    %dma_start3A_131 = arith.constant 0 : i32
    %dma_start3A_132 = tpu.memref_slice %arg3[%dma_start3A_130, %dma_start3A_131] : memref<100000x2048xf32, #tpu.memory_space<hbm>> -> memref<100000x2048xf32, #tpu.memory_space<hbm>>
    tpu.enqueue_indirect_dma source(%dma_start3A_132 : memref<100000x2048xf32, #tpu.memory_space<hbm>>) target(%arg7 : memref<8x2048xf32, #tpu.memory_space<vmem>>) offsets(%dma_start3A_129 : memref<8xi32, #tpu.memory_space<vmem>>) semaphore(%arg14 : memref<!tpu.dma_semaphore, #tpu.memory_space<semaphore_mem>>)
    %scan3A_133 = arith.constant 0 : i32
    %scan3A_134 = arith.constant 8 : i32
    %scan3A_135 = arith.addi %scan3A_133, %scan3A_134 : i32
    %scan3A_136 = arith.constant 1 : i32
    scf.for %scan3A_441 = %scan3A_133 to %scan3A_135 step %scan3A_136  : i32 {
      %mul3A_442 = arith.constant 1 : i32
      %mul3A_443 = arith.muli %scan3A_441, %mul3A_442 : i32
      %add3A_444 = arith.constant 0 : i32
      %add3A_445 = arith.addi %add3A_444, %mul3A_443 : i32
      %scan3A_446 = arith.constant 0 : i32
      %scan3A_447 = arith.constant 128 : i32
      %scan3A_448 = arith.addi %scan3A_446, %scan3A_447 : i32
      %scan3A_449 = arith.constant 8 : i32
      scf.for %scan3A_451 = %scan3A_446 to %scan3A_448 step %scan3A_449  : i32 {
        %mul3A_452 = arith.constant 1 : i32
        %mul3A_453 = arith.muli %scan3A_451, %mul3A_452 : i32
        %add3A_454 = arith.constant 0 : i32
        %add3A_455 = arith.addi %add3A_454, %mul3A_453 : i32
        %mul3A_456 = arith.constant 16 : i32
        %mul3A_457 = arith.muli %add3A_455, %mul3A_456 : i32
        %get3A = arith.index_cast %add3A_445 : i32 to index
        %get3A_458 = arith.index_cast %mul3A_457 : i32 to index
        %get3A_459 = tpu.vector_load %arg9[%get3A, %get3A_458] {strides = array<i32>} : memref<8x2048xf32, #tpu.memory_space<vmem>>, vector<1x16xf32>,
        %get3A_460 = vector.shape_cast %get3A_459 : vector<1x16xf32> to vector<16xf32>
        %mul3A_461 = arith.mulf %get3A_460, %broadcast_in_dim3A_3 : vector<16xf32>
        %swap3A = arith.index_cast %add3A_445 : i32 to index
        %swap3A_462 = arith.index_cast %mul3A_457 : i32 to index
        %swap3A_463 = tpu.vector_load %arg9[%swap3A, %swap3A_462] {strides = array<i32>} : memref<8x2048xf32, #tpu.memory_space<vmem>>, vector<1x16xf32>,
        %swap3A_464 = vector.shape_cast %swap3A_463 : vector<1x16xf32> to vector<16xf32>
        %swap3A_465 = vector.shape_cast %mul3A_461 : vector<16xf32> to vector<1x16xf32>
        tpu.vector_store %arg9[%swap3A, %swap3A_462], %swap3A_465 {strides = array<i32>} : memref<8x2048xf32, #tpu.memory_space<vmem>>, vector<1x16xf32>,
        %scan3A_466 = arith.constant 1 : i32
        %scan3A_467 = arith.addi %scan3A_451, %scan3A_466 : i32
        %mul3A_468 = arith.constant 1 : i32
        %mul3A_469 = arith.muli %scan3A_467, %mul3A_468 : i32
        %add3A_470 = arith.constant 0 : i32
        %add3A_471 = arith.addi %add3A_470, %mul3A_469 : i32
        %mul3A_472 = arith.constant 16 : i32
        %mul3A_473 = arith.muli %add3A_471, %mul3A_472 : i32
        %get3A_474 = arith.index_cast %add3A_445 : i32 to index
        %get3A_475 = arith.index_cast %mul3A_473 : i32 to index
        %get3A_476 = tpu.vector_load %arg9[%get3A_474, %get3A_475] {strides = array<i32>} : memref<8x2048xf32, #tpu.memory_space<vmem>>, vector<1x16xf32>,
        %get3A_477 = vector.shape_cast %get3A_476 : vector<1x16xf32> to vector<16xf32>
        %mul3A_478 = arith.mulf %get3A_477, %broadcast_in_dim3A_3 : vector<16xf32>
        %swap3A_479 = arith.index_cast %add3A_445 : i32 to index
        %swap3A_480 = arith.index_cast %mul3A_473 : i32 to index
        %swap3A_481 = tpu.vector_load %arg9[%swap3A_479, %swap3A_480] {strides = array<i32>} : memref<8x2048xf32, #tpu.memory_space<vmem>>, vector<1x16xf32>,
        %swap3A_482 = vector.shape_cast %swap3A_481 : vector<1x16xf32> to vector<16xf32>
        %swap3A_483 = vector.shape_cast %mul3A_478 : vector<16xf32> to vector<1x16xf32>
        tpu.vector_store %arg9[%swap3A_479, %swap3A_480], %swap3A_483 {strides = array<i32>} : memref<8x2048xf32, #tpu.memory_space<vmem>>, vector<1x16xf32>,
        %scan3A_484 = arith.constant 2 : i32
        %scan3A_485 = arith.addi %scan3A_451, %scan3A_484 : i32
        %mul3A_486 = arith.constant 1 : i32
        %mul3A_487 = arith.muli %scan3A_485, %mul3A_486 : i32
        %add3A_488 = arith.constant 0 : i32
        %add3A_489 = arith.addi %add3A_488, %mul3A_487 : i32
        %mul3A_490 = arith.constant 16 : i32
        %mul3A_491 = arith.muli %add3A_489, %mul3A_490 : i32
        %get3A_492 = arith.index_cast %add3A_445 : i32 to index
        %get3A_493 = arith.index_cast %mul3A_491 : i32 to index
        %get3A_494 = tpu.vector_load %arg9[%get3A_492, %get3A_493] {strides = array<i32>} : memref<8x2048xf32, #tpu.memory_space<vmem>>, vector<1x16xf32>,
        %get3A_495 = vector.shape_cast %get3A_494 : vector<1x16xf32> to vector<16xf32>
        %mul3A_496 = arith.mulf %get3A_495, %broadcast_in_dim3A_3 : vector<16xf32>
        %swap3A_497 = arith.index_cast %add3A_445 : i32 to index
        %swap3A_498 = arith.index_cast %mul3A_491 : i32 to index
        %swap3A_499 = tpu.vector_load %arg9[%swap3A_497, %swap3A_498] {strides = array<i32>} : memref<8x2048xf32, #tpu.memory_space<vmem>>, vector<1x16xf32>,
        %swap3A_500 = vector.shape_cast %swap3A_499 : vector<1x16xf32> to vector<16xf32>
        %swap3A_501 = vector.shape_cast %mul3A_496 : vector<16xf32> to vector<1x16xf32>
        tpu.vector_store %arg9[%swap3A_497, %swap3A_498], %swap3A_501 {strides = array<i32>} : memref<8x2048xf32, #tpu.memory_space<vmem>>, vector<1x16xf32>,
        %scan3A_502 = arith.constant 3 : i32
        %scan3A_503 = arith.addi %scan3A_451, %scan3A_502 : i32
        %mul3A_504 = arith.constant 1 : i32
        %mul3A_505 = arith.muli %scan3A_503, %mul3A_504 : i32
        %add3A_506 = arith.constant 0 : i32
        %add3A_507 = arith.addi %add3A_506, %mul3A_505 : i32
        %mul3A_508 = arith.constant 16 : i32
        %mul3A_509 = arith.muli %add3A_507, %mul3A_508 : i32
        %get3A_510 = arith.index_cast %add3A_445 : i32 to index
        %get3A_511 = arith.index_cast %mul3A_509 : i32 to index
        %get3A_512 = tpu.vector_load %arg9[%get3A_510, %get3A_511] {strides = array<i32>} : memref<8x2048xf32, #tpu.memory_space<vmem>>, vector<1x16xf32>,
        %get3A_513 = vector.shape_cast %get3A_512 : vector<1x16xf32> to vector<16xf32>
        %mul3A_514 = arith.mulf %get3A_513, %broadcast_in_dim3A_3 : vector<16xf32>
        %swap3A_515 = arith.index_cast %add3A_445 : i32 to index
        %swap3A_516 = arith.index_cast %mul3A_509 : i32 to index
        %swap3A_517 = tpu.vector_load %arg9[%swap3A_515, %swap3A_516] {strides = array<i32>} : memref<8x2048xf32, #tpu.memory_space<vmem>>, vector<1x16xf32>,
        %swap3A_518 = vector.shape_cast %swap3A_517 : vector<1x16xf32> to vector<16xf32>
        %swap3A_519 = vector.shape_cast %mul3A_514 : vector<16xf32> to vector<1x16xf32>
        tpu.vector_store %arg9[%swap3A_515, %swap3A_516], %swap3A_519 {strides = array<i32>} : memref<8x2048xf32, #tpu.memory_space<vmem>>, vector<1x16xf32>,
        %scan3A_520 = arith.constant 4 : i32
        %scan3A_521 = arith.addi %scan3A_451, %scan3A_520 : i32
        %mul3A_522 = arith.constant 1 : i32
        %mul3A_523 = arith.muli %scan3A_521, %mul3A_522 : i32
        %add3A_524 = arith.constant 0 : i32
        %add3A_525 = arith.addi %add3A_524, %mul3A_523 : i32
        %mul3A_526 = arith.constant 16 : i32
        %mul3A_527 = arith.muli %add3A_525, %mul3A_526 : i32
        %get3A_528 = arith.index_cast %add3A_445 : i32 to index
        %get3A_529 = arith.index_cast %mul3A_527 : i32 to index
        %get3A_530 = tpu.vector_load %arg9[%get3A_528, %get3A_529] {strides = array<i32>} : memref<8x2048xf32, #tpu.memory_space<vmem>>, vector<1x16xf32>,
        %get3A_531 = vector.shape_cast %get3A_530 : vector<1x16xf32> to vector<16xf32>
        %mul3A_532 = arith.mulf %get3A_531, %broadcast_in_dim3A_3 : vector<16xf32>
        %swap3A_533 = arith.index_cast %add3A_445 : i32 to index
        %swap3A_534 = arith.index_cast %mul3A_527 : i32 to index
        %swap3A_535 = tpu.vector_load %arg9[%swap3A_533, %swap3A_534] {strides = array<i32>} : memref<8x2048xf32, #tpu.memory_space<vmem>>, vector<1x16xf32>,
        %swap3A_536 = vector.shape_cast %swap3A_535 : vector<1x16xf32> to vector<16xf32>
        %swap3A_537 = vector.shape_cast %mul3A_532 : vector<16xf32> to vector<1x16xf32>
        tpu.vector_store %arg9[%swap3A_533, %swap3A_534], %swap3A_537 {strides = array<i32>} : memref<8x2048xf32, #tpu.memory_space<vmem>>, vector<1x16xf32>,
        %scan3A_538 = arith.constant 5 : i32
        %scan3A_539 = arith.addi %scan3A_451, %scan3A_538 : i32
        %mul3A_540 = arith.constant 1 : i32
        %mul3A_541 = arith.muli %scan3A_539, %mul3A_540 : i32
        %add3A_542 = arith.constant 0 : i32
        %add3A_543 = arith.addi %add3A_542, %mul3A_541 : i32
        %mul3A_544 = arith.constant 16 : i32
        %mul3A_545 = arith.muli %add3A_543, %mul3A_544 : i32
        %get3A_546 = arith.index_cast %add3A_445 : i32 to index
        %get3A_547 = arith.index_cast %mul3A_545 : i32 to index
        %get3A_548 = tpu.vector_load %arg9[%get3A_546, %get3A_547] {strides = array<i32>} : memref<8x2048xf32, #tpu.memory_space<vmem>>, vector<1x16xf32>,
        %get3A_549 = vector.shape_cast %get3A_548 : vector<1x16xf32> to vector<16xf32>
        %mul3A_550 = arith.mulf %get3A_549, %broadcast_in_dim3A_3 : vector<16xf32>
        %swap3A_551 = arith.index_cast %add3A_445 : i32 to index
        %swap3A_552 = arith.index_cast %mul3A_545 : i32 to index
        %swap3A_553 = tpu.vector_load %arg9[%swap3A_551, %swap3A_552] {strides = array<i32>} : memref<8x2048xf32, #tpu.memory_space<vmem>>, vector<1x16xf32>,
        %swap3A_554 = vector.shape_cast %swap3A_553 : vector<1x16xf32> to vector<16xf32>
        %swap3A_555 = vector.shape_cast %mul3A_550 : vector<16xf32> to vector<1x16xf32>
        tpu.vector_store %arg9[%swap3A_551, %swap3A_552], %swap3A_555 {strides = array<i32>} : memref<8x2048xf32, #tpu.memory_space<vmem>>, vector<1x16xf32>,
        %scan3A_556 = arith.constant 6 : i32
        %scan3A_557 = arith.addi %scan3A_451, %scan3A_556 : i32
        %mul3A_558 = arith.constant 1 : i32
        %mul3A_559 = arith.muli %scan3A_557, %mul3A_558 : i32
        %add3A_560 = arith.constant 0 : i32
        %add3A_561 = arith.addi %add3A_560, %mul3A_559 : i32
        %mul3A_562 = arith.constant 16 : i32
        %mul3A_563 = arith.muli %add3A_561, %mul3A_562 : i32
        %get3A_564 = arith.index_cast %add3A_445 : i32 to index
        %get3A_565 = arith.index_cast %mul3A_563 : i32 to index
        %get3A_566 = tpu.vector_load %arg9[%get3A_564, %get3A_565] {strides = array<i32>} : memref<8x2048xf32, #tpu.memory_space<vmem>>, vector<1x16xf32>,
        %get3A_567 = vector.shape_cast %get3A_566 : vector<1x16xf32> to vector<16xf32>
        %mul3A_568 = arith.mulf %get3A_567, %broadcast_in_dim3A_3 : vector<16xf32>
        %swap3A_569 = arith.index_cast %add3A_445 : i32 to index
        %swap3A_570 = arith.index_cast %mul3A_563 : i32 to index
        %swap3A_571 = tpu.vector_load %arg9[%swap3A_569, %swap3A_570] {strides = array<i32>} : memref<8x2048xf32, #tpu.memory_space<vmem>>, vector<1x16xf32>,
        %swap3A_572 = vector.shape_cast %swap3A_571 : vector<1x16xf32> to vector<16xf32>
        %swap3A_573 = vector.shape_cast %mul3A_568 : vector<16xf32> to vector<1x16xf32>
        tpu.vector_store %arg9[%swap3A_569, %swap3A_570], %swap3A_573 {strides = array<i32>} : memref<8x2048xf32, #tpu.memory_space<vmem>>, vector<1x16xf32>,
        %scan3A_574 = arith.constant 7 : i32
        %scan3A_575 = arith.addi %scan3A_451, %scan3A_574 : i32
        %mul3A_576 = arith.constant 1 : i32
        %mul3A_577 = arith.muli %scan3A_575, %mul3A_576 : i32
        %add3A_578 = arith.constant 0 : i32
        %add3A_579 = arith.addi %add3A_578, %mul3A_577 : i32
        %mul3A_580 = arith.constant 16 : i32
        %mul3A_581 = arith.muli %add3A_579, %mul3A_580 : i32
        %get3A_582 = arith.index_cast %add3A_445 : i32 to index
        %get3A_583 = arith.index_cast %mul3A_581 : i32 to index
        %get3A_584 = tpu.vector_load %arg9[%get3A_582, %get3A_583] {strides = array<i32>} : memref<8x2048xf32, #tpu.memory_space<vmem>>, vector<1x16xf32>,
        %get3A_585 = vector.shape_cast %get3A_584 : vector<1x16xf32> to vector<16xf32>
        %mul3A_586 = arith.mulf %get3A_585, %broadcast_in_dim3A_3 : vector<16xf32>
        %swap3A_587 = arith.index_cast %add3A_445 : i32 to index
        %swap3A_588 = arith.index_cast %mul3A_581 : i32 to index
        %swap3A_589 = tpu.vector_load %arg9[%swap3A_587, %swap3A_588] {strides = array<i32>} : memref<8x2048xf32, #tpu.memory_space<vmem>>, vector<1x16xf32>,
        %swap3A_590 = vector.shape_cast %swap3A_589 : vector<1x16xf32> to vector<16xf32>
        %swap3A_591 = vector.shape_cast %mul3A_586 : vector<16xf32> to vector<1x16xf32>
        tpu.vector_store %arg9[%swap3A_587, %swap3A_588], %swap3A_591 {strides = array<i32>} : memref<8x2048xf32, #tpu.memory_space<vmem>>, vector<1x16xf32>,
      }
      %scan3A_450 = arith.constant 128 : i32
    }
    %scan3A_137 = arith.constant 8 : i32
    %add3A_138 = arith.constant 24 : i32
    %add3A_139 = arith.addi %mul3A_2, %add3A_138 : i32
    %dma_start3A_140 = arith.constant 0 : i32
    %dma_start3A_141 = tpu.memref_slice %arg4[%add3A_139, %dma_start3A_140] : memref<16384x2048xf32, #tpu.memory_space<hbm>> -> memref<8x2048xf32, #tpu.memory_space<hbm>>
    %dma_start3A_142 = arith.constant 0 : i32
    %dma_start3A_143 = tpu.memref_slice %arg4[%add3A_139, %dma_start3A_142] : memref<16384x2048xf32, #tpu.memory_space<hbm>> -> memref<8x2048xf32, #tpu.memory_space<hbm>>
    tpu.enqueue_dma source(%arg9 : memref<8x2048xf32, #tpu.memory_space<vmem>>) target(%dma_start3A_143 : memref<8x2048xf32, #tpu.memory_space<hbm>>) target_semaphore(%arg23 : memref<!tpu.dma_semaphore, #tpu.memory_space<semaphore_mem>>)
    %dma_wait3A_144 = arith.constant 0 : i32
    %dma_wait3A_145 = arith.constant 0 : i32
    %dma_wait3A_146 = tpu.memref_slice %arg5[%dma_wait3A_144, %dma_wait3A_145] : memref<64x8xi32, #tpu.memory_space<vmem>> -> memref<1x8xi32, #tpu.memory_space<vmem>>
    %dma_wait3A_147 = tpu.memref_squeeze %dma_wait3A_146 : memref<1x8xi32, #tpu.memory_space<vmem>> -> memref<8xi32, #tpu.memory_space<vmem>>
    %dma_wait3A_148 = arith.constant 0 : i32
    %dma_wait3A_149 = arith.constant 0 : i32
    %dma_wait3A_150 = tpu.memref_slice %arg3[%dma_wait3A_148, %dma_wait3A_149] : memref<100000x2048xf32, #tpu.memory_space<hbm>> -> memref<100000x2048xf32, #tpu.memory_space<hbm>>
    tpu.wait_indirect_dma semaphore(%arg17 : memref<!tpu.dma_semaphore, #tpu.memory_space<semaphore_mem>>) src(%dma_wait3A_150 : memref<100000x2048xf32, #tpu.memory_space<hbm>>) dst(%arg10 : memref<8x2048xf32, #tpu.memory_space<vmem>>)
    %dma_wait3A_151 = arith.constant 0 : i32
    %dma_wait3A_152 = tpu.memref_slice %arg4[%mul3A_2, %dma_wait3A_151] : memref<16384x2048xf32, #tpu.memory_space<hbm>> -> memref<8x2048xf32, #tpu.memory_space<hbm>>
    %dma_wait3A_153 = arith.constant 0 : i32
    %dma_wait3A_154 = tpu.memref_slice %arg4[%mul3A_2, %dma_wait3A_153] : memref<16384x2048xf32, #tpu.memory_space<hbm>> -> memref<8x2048xf32, #tpu.memory_space<hbm>>
    tpu.wait_dma2 semaphore(%arg22 : memref<!tpu.dma_semaphore, #tpu.memory_space<semaphore_mem>>) src(%arg8 : memref<8x2048xf32, #tpu.memory_space<vmem>>) dst(%dma_wait3A_154 : memref<8x2048xf32, #tpu.memory_space<hbm>>)
    %dma_start3A_155 = arith.constant 9 : i32
    %dma_start3A_156 = arith.constant 0 : i32
    %dma_start3A_157 = tpu.memref_slice %arg5[%dma_start3A_155, %dma_start3A_156] : memref<64x8xi32, #tpu.memory_space<vmem>> -> memref<1x8xi32, #tpu.memory_space<vmem>>
    %dma_start3A_158 = tpu.memref_squeeze %dma_start3A_157 : memref<1x8xi32, #tpu.memory_space<vmem>> -> memref<8xi32, #tpu.memory_space<vmem>>
    %dma_start3A_159 = arith.constant 0 : i32
    %dma_start3A_160 = arith.constant 0 : i32
    %dma_start3A_161 = tpu.memref_slice %arg3[%dma_start3A_159, %dma_start3A_160] : memref<100000x2048xf32, #tpu.memory_space<hbm>> -> memref<100000x2048xf32, #tpu.memory_space<hbm>>
    tpu.enqueue_indirect_dma source(%dma_start3A_161 : memref<100000x2048xf32, #tpu.memory_space<hbm>>) target(%arg8 : memref<8x2048xf32, #tpu.memory_space<vmem>>) offsets(%dma_start3A_158 : memref<8xi32, #tpu.memory_space<vmem>>) semaphore(%arg15 : memref<!tpu.dma_semaphore, #tpu.memory_space<semaphore_mem>>)
    %scan3A_162 = arith.constant 0 : i32
    %scan3A_163 = arith.constant 8 : i32
    %scan3A_164 = arith.addi %scan3A_162, %scan3A_163 : i32
    %scan3A_165 = arith.constant 1 : i32
    scf.for %scan3A_441 = %scan3A_162 to %scan3A_164 step %scan3A_165  : i32 {
      %mul3A_442 = arith.constant 1 : i32
      %mul3A_443 = arith.muli %scan3A_441, %mul3A_442 : i32
      %add3A_444 = arith.constant 0 : i32
      %add3A_445 = arith.addi %add3A_444, %mul3A_443 : i32
      %scan3A_446 = arith.constant 0 : i32
      %scan3A_447 = arith.constant 128 : i32
      %scan3A_448 = arith.addi %scan3A_446, %scan3A_447 : i32
      %scan3A_449 = arith.constant 8 : i32
      scf.for %scan3A_451 = %scan3A_446 to %scan3A_448 step %scan3A_449  : i32 {
        %mul3A_452 = arith.constant 1 : i32
        %mul3A_453 = arith.muli %scan3A_451, %mul3A_452 : i32
        %add3A_454 = arith.constant 0 : i32
        %add3A_455 = arith.addi %add3A_454, %mul3A_453 : i32
        %mul3A_456 = arith.constant 16 : i32
        %mul3A_457 = arith.muli %add3A_455, %mul3A_456 : i32
        %get3A = arith.index_cast %add3A_445 : i32 to index
        %get3A_458 = arith.index_cast %mul3A_457 : i32 to index
        %get3A_459 = tpu.vector_load %arg10[%get3A, %get3A_458] {strides = array<i32>} : memref<8x2048xf32, #tpu.memory_space<vmem>>, vector<1x16xf32>,
        %get3A_460 = vector.shape_cast %get3A_459 : vector<1x16xf32> to vector<16xf32>
        %mul3A_461 = arith.mulf %get3A_460, %broadcast_in_dim3A_3 : vector<16xf32>
        %swap3A = arith.index_cast %add3A_445 : i32 to index
        %swap3A_462 = arith.index_cast %mul3A_457 : i32 to index
        %swap3A_463 = tpu.vector_load %arg10[%swap3A, %swap3A_462] {strides = array<i32>} : memref<8x2048xf32, #tpu.memory_space<vmem>>, vector<1x16xf32>,
        %swap3A_464 = vector.shape_cast %swap3A_463 : vector<1x16xf32> to vector<16xf32>
        %swap3A_465 = vector.shape_cast %mul3A_461 : vector<16xf32> to vector<1x16xf32>
        tpu.vector_store %arg10[%swap3A, %swap3A_462], %swap3A_465 {strides = array<i32>} : memref<8x2048xf32, #tpu.memory_space<vmem>>, vector<1x16xf32>,
        %scan3A_466 = arith.constant 1 : i32
        %scan3A_467 = arith.addi %scan3A_451, %scan3A_466 : i32
        %mul3A_468 = arith.constant 1 : i32
        %mul3A_469 = arith.muli %scan3A_467, %mul3A_468 : i32
        %add3A_470 = arith.constant 0 : i32
        %add3A_471 = arith.addi %add3A_470, %mul3A_469 : i32
        %mul3A_472 = arith.constant 16 : i32
        %mul3A_473 = arith.muli %add3A_471, %mul3A_472 : i32
        %get3A_474 = arith.index_cast %add3A_445 : i32 to index
        %get3A_475 = arith.index_cast %mul3A_473 : i32 to index
        %get3A_476 = tpu.vector_load %arg10[%get3A_474, %get3A_475] {strides = array<i32>} : memref<8x2048xf32, #tpu.memory_space<vmem>>, vector<1x16xf32>,
        %get3A_477 = vector.shape_cast %get3A_476 : vector<1x16xf32> to vector<16xf32>
        %mul3A_478 = arith.mulf %get3A_477, %broadcast_in_dim3A_3 : vector<16xf32>
        %swap3A_479 = arith.index_cast %add3A_445 : i32 to index
        %swap3A_480 = arith.index_cast %mul3A_473 : i32 to index
        %swap3A_481 = tpu.vector_load %arg10[%swap3A_479, %swap3A_480] {strides = array<i32>} : memref<8x2048xf32, #tpu.memory_space<vmem>>, vector<1x16xf32>,
        %swap3A_482 = vector.shape_cast %swap3A_481 : vector<1x16xf32> to vector<16xf32>
        %swap3A_483 = vector.shape_cast %mul3A_478 : vector<16xf32> to vector<1x16xf32>
        tpu.vector_store %arg10[%swap3A_479, %swap3A_480], %swap3A_483 {strides = array<i32>} : memref<8x2048xf32, #tpu.memory_space<vmem>>, vector<1x16xf32>,
        %scan3A_484 = arith.constant 2 : i32
        %scan3A_485 = arith.addi %scan3A_451, %scan3A_484 : i32
        %mul3A_486 = arith.constant 1 : i32
        %mul3A_487 = arith.muli %scan3A_485, %mul3A_486 : i32
        %add3A_488 = arith.constant 0 : i32
        %add3A_489 = arith.addi %add3A_488, %mul3A_487 : i32
        %mul3A_490 = arith.constant 16 : i32
        %mul3A_491 = arith.muli %add3A_489, %mul3A_490 : i32
        %get3A_492 = arith.index_cast %add3A_445 : i32 to index
        %get3A_493 = arith.index_cast %mul3A_491 : i32 to index
        %get3A_494 = tpu.vector_load %arg10[%get3A_492, %get3A_493] {strides = array<i32>} : memref<8x2048xf32, #tpu.memory_space<vmem>>, vector<1x16xf32>,
        %get3A_495 = vector.shape_cast %get3A_494 : vector<1x16xf32> to vector<16xf32>
        %mul3A_496 = arith.mulf %get3A_495, %broadcast_in_dim3A_3 : vector<16xf32>
        %swap3A_497 = arith.index_cast %add3A_445 : i32 to index
        %swap3A_498 = arith.index_cast %mul3A_491 : i32 to index
        %swap3A_499 = tpu.vector_load %arg10[%swap3A_497, %swap3A_498] {strides = array<i32>} : memref<8x2048xf32, #tpu.memory_space<vmem>>, vector<1x16xf32>,
        %swap3A_500 = vector.shape_cast %swap3A_499 : vector<1x16xf32> to vector<16xf32>
        %swap3A_501 = vector.shape_cast %mul3A_496 : vector<16xf32> to vector<1x16xf32>
        tpu.vector_store %arg10[%swap3A_497, %swap3A_498], %swap3A_501 {strides = array<i32>} : memref<8x2048xf32, #tpu.memory_space<vmem>>, vector<1x16xf32>,
        %scan3A_502 = arith.constant 3 : i32
        %scan3A_503 = arith.addi %scan3A_451, %scan3A_502 : i32
        %mul3A_504 = arith.constant 1 : i32
        %mul3A_505 = arith.muli %scan3A_503, %mul3A_504 : i32
        %add3A_506 = arith.constant 0 : i32
        %add3A_507 = arith.addi %add3A_506, %mul3A_505 : i32
        %mul3A_508 = arith.constant 16 : i32
        %mul3A_509 = arith.muli %add3A_507, %mul3A_508 : i32
        %get3A_510 = arith.index_cast %add3A_445 : i32 to index
        %get3A_511 = arith.index_cast %mul3A_509 : i32 to index
        %get3A_512 = tpu.vector_load %arg10[%get3A_510, %get3A_511] {strides = array<i32>} : memref<8x2048xf32, #tpu.memory_space<vmem>>, vector<1x16xf32>,
        %get3A_513 = vector.shape_cast %get3A_512 : vector<1x16xf32> to vector<16xf32>
        %mul3A_514 = arith.mulf %get3A_513, %broadcast_in_dim3A_3 : vector<16xf32>
        %swap3A_515 = arith.index_cast %add3A_445 : i32 to index
        %swap3A_516 = arith.index_cast %mul3A_509 : i32 to index
        %swap3A_517 = tpu.vector_load %arg10[%swap3A_515, %swap3A_516] {strides = array<i32>} : memref<8x2048xf32, #tpu.memory_space<vmem>>, vector<1x16xf32>,
        %swap3A_518 = vector.shape_cast %swap3A_517 : vector<1x16xf32> to vector<16xf32>
        %swap3A_519 = vector.shape_cast %mul3A_514 : vector<16xf32> to vector<1x16xf32>
        tpu.vector_store %arg10[%swap3A_515, %swap3A_516], %swap3A_519 {strides = array<i32>} : memref<8x2048xf32, #tpu.memory_space<vmem>>, vector<1x16xf32>,
        %scan3A_520 = arith.constant 4 : i32
        %scan3A_521 = arith.addi %scan3A_451, %scan3A_520 : i32
        %mul3A_522 = arith.constant 1 : i32
        %mul3A_523 = arith.muli %scan3A_521, %mul3A_522 : i32
        %add3A_524 = arith.constant 0 : i32
        %add3A_525 = arith.addi %add3A_524, %mul3A_523 : i32
        %mul3A_526 = arith.constant 16 : i32
        %mul3A_527 = arith.muli %add3A_525, %mul3A_526 : i32
        %get3A_528 = arith.index_cast %add3A_445 : i32 to index
        %get3A_529 = arith.index_cast %mul3A_527 : i32 to index
        %get3A_530 = tpu.vector_load %arg10[%get3A_528, %get3A_529] {strides = array<i32>} : memref<8x2048xf32, #tpu.memory_space<vmem>>, vector<1x16xf32>,
        %get3A_531 = vector.shape_cast %get3A_530 : vector<1x16xf32> to vector<16xf32>
        %mul3A_532 = arith.mulf %get3A_531, %broadcast_in_dim3A_3 : vector<16xf32>
        %swap3A_533 = arith.index_cast %add3A_445 : i32 to index
        %swap3A_534 = arith.index_cast %mul3A_527 : i32 to index
        %swap3A_535 = tpu.vector_load %arg10[%swap3A_533, %swap3A_534] {strides = array<i32>} : memref<8x2048xf32, #tpu.memory_space<vmem>>, vector<1x16xf32>,
        %swap3A_536 = vector.shape_cast %swap3A_535 : vector<1x16xf32> to vector<16xf32>
        %swap3A_537 = vector.shape_cast %mul3A_532 : vector<16xf32> to vector<1x16xf32>
        tpu.vector_store %arg10[%swap3A_533, %swap3A_534], %swap3A_537 {strides = array<i32>} : memref<8x2048xf32, #tpu.memory_space<vmem>>, vector<1x16xf32>,
        %scan3A_538 = arith.constant 5 : i32
        %scan3A_539 = arith.addi %scan3A_451, %scan3A_538 : i32
        %mul3A_540 = arith.constant 1 : i32
        %mul3A_541 = arith.muli %scan3A_539, %mul3A_540 : i32
        %add3A_542 = arith.constant 0 : i32
        %add3A_543 = arith.addi %add3A_542, %mul3A_541 : i32
        %mul3A_544 = arith.constant 16 : i32
        %mul3A_545 = arith.muli %add3A_543, %mul3A_544 : i32
        %get3A_546 = arith.index_cast %add3A_445 : i32 to index
        %get3A_547 = arith.index_cast %mul3A_545 : i32 to index
        %get3A_548 = tpu.vector_load %arg10[%get3A_546, %get3A_547] {strides = array<i32>} : memref<8x2048xf32, #tpu.memory_space<vmem>>, vector<1x16xf32>,
        %get3A_549 = vector.shape_cast %get3A_548 : vector<1x16xf32> to vector<16xf32>
        %mul3A_550 = arith.mulf %get3A_549, %broadcast_in_dim3A_3 : vector<16xf32>
        %swap3A_551 = arith.index_cast %add3A_445 : i32 to index
        %swap3A_552 = arith.index_cast %mul3A_545 : i32 to index
        %swap3A_553 = tpu.vector_load %arg10[%swap3A_551, %swap3A_552] {strides = array<i32>} : memref<8x2048xf32, #tpu.memory_space<vmem>>, vector<1x16xf32>,
        %swap3A_554 = vector.shape_cast %swap3A_553 : vector<1x16xf32> to vector<16xf32>
        %swap3A_555 = vector.shape_cast %mul3A_550 : vector<16xf32> to vector<1x16xf32>
        tpu.vector_store %arg10[%swap3A_551, %swap3A_552], %swap3A_555 {strides = array<i32>} : memref<8x2048xf32, #tpu.memory_space<vmem>>, vector<1x16xf32>,
        %scan3A_556 = arith.constant 6 : i32
        %scan3A_557 = arith.addi %scan3A_451, %scan3A_556 : i32
        %mul3A_558 = arith.constant 1 : i32
        %mul3A_559 = arith.muli %scan3A_557, %mul3A_558 : i32
        %add3A_560 = arith.constant 0 : i32
        %add3A_561 = arith.addi %add3A_560, %mul3A_559 : i32
        %mul3A_562 = arith.constant 16 : i32
        %mul3A_563 = arith.muli %add3A_561, %mul3A_562 : i32
        %get3A_564 = arith.index_cast %add3A_445 : i32 to index
        %get3A_565 = arith.index_cast %mul3A_563 : i32 to index
        %get3A_566 = tpu.vector_load %arg10[%get3A_564, %get3A_565] {strides = array<i32>} : memref<8x2048xf32, #tpu.memory_space<vmem>>, vector<1x16xf32>,
        %get3A_567 = vector.shape_cast %get3A_566 : vector<1x16xf32> to vector<16xf32>
        %mul3A_568 = arith.mulf %get3A_567, %broadcast_in_dim3A_3 : vector<16xf32>
        %swap3A_569 = arith.index_cast %add3A_445 : i32 to index
        %swap3A_570 = arith.index_cast %mul3A_563 : i32 to index
        %swap3A_571 = tpu.vector_load %arg10[%swap3A_569, %swap3A_570] {strides = array<i32>} : memref<8x2048xf32, #tpu.memory_space<vmem>>, vector<1x16xf32>,
        %swap3A_572 = vector.shape_cast %swap3A_571 : vector<1x16xf32> to vector<16xf32>
        %swap3A_573 = vector.shape_cast %mul3A_568 : vector<16xf32> to vector<1x16xf32>
        tpu.vector_store %arg10[%swap3A_569, %swap3A_570], %swap3A_573 {strides = array<i32>} : memref<8x2048xf32, #tpu.memory_space<vmem>>, vector<1x16xf32>,
        %scan3A_574 = arith.constant 7 : i32
        %scan3A_575 = arith.addi %scan3A_451, %scan3A_574 : i32
        %mul3A_576 = arith.constant 1 : i32
        %mul3A_577 = arith.muli %scan3A_575, %mul3A_576 : i32
        %add3A_578 = arith.constant 0 : i32
        %add3A_579 = arith.addi %add3A_578, %mul3A_577 : i32
        %mul3A_580 = arith.constant 16 : i32
        %mul3A_581 = arith.muli %add3A_579, %mul3A_580 : i32
        %get3A_582 = arith.index_cast %add3A_445 : i32 to index
        %get3A_583 = arith.index_cast %mul3A_581 : i32 to index
        %get3A_584 = tpu.vector_load %arg10[%get3A_582, %get3A_583] {strides = array<i32>} : memref<8x2048xf32, #tpu.memory_space<vmem>>, vector<1x16xf32>,
        %get3A_585 = vector.shape_cast %get3A_584 : vector<1x16xf32> to vector<16xf32>
        %mul3A_586 = arith.mulf %get3A_585, %broadcast_in_dim3A_3 : vector<16xf32>
        %swap3A_587 = arith.index_cast %add3A_445 : i32 to index
        %swap3A_588 = arith.index_cast %mul3A_581 : i32 to index
        %swap3A_589 = tpu.vector_load %arg10[%swap3A_587, %swap3A_588] {strides = array<i32>} : memref<8x2048xf32, #tpu.memory_space<vmem>>, vector<1x16xf32>,
        %swap3A_590 = vector.shape_cast %swap3A_589 : vector<1x16xf32> to vector<16xf32>
        %swap3A_591 = vector.shape_cast %mul3A_586 : vector<16xf32> to vector<1x16xf32>
        tpu.vector_store %arg10[%swap3A_587, %swap3A_588], %swap3A_591 {strides = array<i32>} : memref<8x2048xf32, #tpu.memory_space<vmem>>, vector<1x16xf32>,
      }
      %scan3A_450 = arith.constant 128 : i32
    }
    %scan3A_166 = arith.constant 8 : i32
    %add3A_167 = arith.constant 32 : i32
    %add3A_168 = arith.addi %mul3A_2, %add3A_167 : i32
    %dma_start3A_169 = arith.constant 0 : i32
    %dma_start3A_170 = tpu.memref_slice %arg4[%add3A_168, %dma_start3A_169] : memref<16384x2048xf32, #tpu.memory_space<hbm>> -> memref<8x2048xf32, #tpu.memory_space<hbm>>
    %dma_start3A_171 = arith.constant 0 : i32
    %dma_start3A_172 = tpu.memref_slice %arg4[%add3A_168, %dma_start3A_171] : memref<16384x2048xf32, #tpu.memory_space<hbm>> -> memref<8x2048xf32, #tpu.memory_space<hbm>>
    tpu.enqueue_dma source(%arg10 : memref<8x2048xf32, #tpu.memory_space<vmem>>) target(%dma_start3A_172 : memref<8x2048xf32, #tpu.memory_space<hbm>>) target_semaphore(%arg24 : memref<!tpu.dma_semaphore, #tpu.memory_space<semaphore_mem>>)
    %dma_wait3A_173 = arith.constant 0 : i32
    %dma_wait3A_174 = arith.constant 0 : i32
    %dma_wait3A_175 = tpu.memref_slice %arg5[%dma_wait3A_173, %dma_wait3A_174] : memref<64x8xi32, #tpu.memory_space<vmem>> -> memref<1x8xi32, #tpu.memory_space<vmem>>
    %dma_wait3A_176 = tpu.memref_squeeze %dma_wait3A_175 : memref<1x8xi32, #tpu.memory_space<vmem>> -> memref<8xi32, #tpu.memory_space<vmem>>
    %dma_wait3A_177 = arith.constant 0 : i32
    %dma_wait3A_178 = arith.constant 0 : i32
    %dma_wait3A_179 = tpu.memref_slice %arg3[%dma_wait3A_177, %dma_wait3A_178] : memref<100000x2048xf32, #tpu.memory_space<hbm>> -> memref<100000x2048xf32, #tpu.memory_space<hbm>>
    tpu.wait_indirect_dma semaphore(%arg18 : memref<!tpu.dma_semaphore, #tpu.memory_space<semaphore_mem>>) src(%dma_wait3A_179 : memref<100000x2048xf32, #tpu.memory_space<hbm>>) dst(%arg11 : memref<8x2048xf32, #tpu.memory_space<vmem>>)
    %dma_wait3A_180 = arith.constant 0 : i32
    %dma_wait3A_181 = tpu.memref_slice %arg4[%mul3A_2, %dma_wait3A_180] : memref<16384x2048xf32, #tpu.memory_space<hbm>> -> memref<8x2048xf32, #tpu.memory_space<hbm>>
    %dma_wait3A_182 = arith.constant 0 : i32
    %dma_wait3A_183 = tpu.memref_slice %arg4[%mul3A_2, %dma_wait3A_182] : memref<16384x2048xf32, #tpu.memory_space<hbm>> -> memref<8x2048xf32, #tpu.memory_space<hbm>>
    tpu.wait_dma2 semaphore(%arg23 : memref<!tpu.dma_semaphore, #tpu.memory_space<semaphore_mem>>) src(%arg9 : memref<8x2048xf32, #tpu.memory_space<vmem>>) dst(%dma_wait3A_183 : memref<8x2048xf32, #tpu.memory_space<hbm>>)
    %dma_start3A_184 = arith.constant 10 : i32
    %dma_start3A_185 = arith.constant 0 : i32
    %dma_start3A_186 = tpu.memref_slice %arg5[%dma_start3A_184, %dma_start3A_185] : memref<64x8xi32, #tpu.memory_space<vmem>> -> memref<1x8xi32, #tpu.memory_space<vmem>>
    %dma_start3A_187 = tpu.memref_squeeze %dma_start3A_186 : memref<1x8xi32, #tpu.memory_space<vmem>> -> memref<8xi32, #tpu.memory_space<vmem>>
    %dma_start3A_188 = arith.constant 0 : i32
    %dma_start3A_189 = arith.constant 0 : i32
    %dma_start3A_190 = tpu.memref_slice %arg3[%dma_start3A_188, %dma_start3A_189] : memref<100000x2048xf32, #tpu.memory_space<hbm>> -> memref<100000x2048xf32, #tpu.memory_space<hbm>>
    tpu.enqueue_indirect_dma source(%dma_start3A_190 : memref<100000x2048xf32, #tpu.memory_space<hbm>>) target(%arg9 : memref<8x2048xf32, #tpu.memory_space<vmem>>) offsets(%dma_start3A_187 : memref<8xi32, #tpu.memory_space<vmem>>) semaphore(%arg16 : memref<!tpu.dma_semaphore, #tpu.memory_space<semaphore_mem>>)
    %scan3A_191 = arith.constant 0 : i32
    %scan3A_192 = arith.constant 8 : i32
    %scan3A_193 = arith.addi %scan3A_191, %scan3A_192 : i32
    %scan3A_194 = arith.constant 1 : i32
    scf.for %scan3A_441 = %scan3A_191 to %scan3A_193 step %scan3A_194  : i32 {
      %mul3A_442 = arith.constant 1 : i32
      %mul3A_443 = arith.muli %scan3A_441, %mul3A_442 : i32
      %add3A_444 = arith.constant 0 : i32
      %add3A_445 = arith.addi %add3A_444, %mul3A_443 : i32
      %scan3A_446 = arith.constant 0 : i32
      %scan3A_447 = arith.constant 128 : i32
      %scan3A_448 = arith.addi %scan3A_446, %scan3A_447 : i32
      %scan3A_449 = arith.constant 8 : i32
      scf.for %scan3A_451 = %scan3A_446 to %scan3A_448 step %scan3A_449  : i32 {
        %mul3A_452 = arith.constant 1 : i32
        %mul3A_453 = arith.muli %scan3A_451, %mul3A_452 : i32
        %add3A_454 = arith.constant 0 : i32
        %add3A_455 = arith.addi %add3A_454, %mul3A_453 : i32
        %mul3A_456 = arith.constant 16 : i32
        %mul3A_457 = arith.muli %add3A_455, %mul3A_456 : i32
        %get3A = arith.index_cast %add3A_445 : i32 to index
        %get3A_458 = arith.index_cast %mul3A_457 : i32 to index
        %get3A_459 = tpu.vector_load %arg11[%get3A, %get3A_458] {strides = array<i32>} : memref<8x2048xf32, #tpu.memory_space<vmem>>, vector<1x16xf32>,
        %get3A_460 = vector.shape_cast %get3A_459 : vector<1x16xf32> to vector<16xf32>
        %mul3A_461 = arith.mulf %get3A_460, %broadcast_in_dim3A_3 : vector<16xf32>
        %swap3A = arith.index_cast %add3A_445 : i32 to index
        %swap3A_462 = arith.index_cast %mul3A_457 : i32 to index
        %swap3A_463 = tpu.vector_load %arg11[%swap3A, %swap3A_462] {strides = array<i32>} : memref<8x2048xf32, #tpu.memory_space<vmem>>, vector<1x16xf32>,
        %swap3A_464 = vector.shape_cast %swap3A_463 : vector<1x16xf32> to vector<16xf32>
        %swap3A_465 = vector.shape_cast %mul3A_461 : vector<16xf32> to vector<1x16xf32>
        tpu.vector_store %arg11[%swap3A, %swap3A_462], %swap3A_465 {strides = array<i32>} : memref<8x2048xf32, #tpu.memory_space<vmem>>, vector<1x16xf32>,
        %scan3A_466 = arith.constant 1 : i32
        %scan3A_467 = arith.addi %scan3A_451, %scan3A_466 : i32
        %mul3A_468 = arith.constant 1 : i32
        %mul3A_469 = arith.muli %scan3A_467, %mul3A_468 : i32
        %add3A_470 = arith.constant 0 : i32
        %add3A_471 = arith.addi %add3A_470, %mul3A_469 : i32
        %mul3A_472 = arith.constant 16 : i32
        %mul3A_473 = arith.muli %add3A_471, %mul3A_472 : i32
        %get3A_474 = arith.index_cast %add3A_445 : i32 to index
        %get3A_475 = arith.index_cast %mul3A_473 : i32 to index
        %get3A_476 = tpu.vector_load %arg11[%get3A_474, %get3A_475] {strides = array<i32>} : memref<8x2048xf32, #tpu.memory_space<vmem>>, vector<1x16xf32>,
        %get3A_477 = vector.shape_cast %get3A_476 : vector<1x16xf32> to vector<16xf32>
        %mul3A_478 = arith.mulf %get3A_477, %broadcast_in_dim3A_3 : vector<16xf32>
        %swap3A_479 = arith.index_cast %add3A_445 : i32 to index
        %swap3A_480 = arith.index_cast %mul3A_473 : i32 to index
        %swap3A_481 = tpu.vector_load %arg11[%swap3A_479, %swap3A_480] {strides = array<i32>} : memref<8x2048xf32, #tpu.memory_space<vmem>>, vector<1x16xf32>,
        %swap3A_482 = vector.shape_cast %swap3A_481 : vector<1x16xf32> to vector<16xf32>
        %swap3A_483 = vector.shape_cast %mul3A_478 : vector<16xf32> to vector<1x16xf32>
        tpu.vector_store %arg11[%swap3A_479, %swap3A_480], %swap3A_483 {strides = array<i32>} : memref<8x2048xf32, #tpu.memory_space<vmem>>, vector<1x16xf32>,
        %scan3A_484 = arith.constant 2 : i32
        %scan3A_485 = arith.addi %scan3A_451, %scan3A_484 : i32
        %mul3A_486 = arith.constant 1 : i32
        %mul3A_487 = arith.muli %scan3A_485, %mul3A_486 : i32
        %add3A_488 = arith.constant 0 : i32
        %add3A_489 = arith.addi %add3A_488, %mul3A_487 : i32
        %mul3A_490 = arith.constant 16 : i32
        %mul3A_491 = arith.muli %add3A_489, %mul3A_490 : i32
        %get3A_492 = arith.index_cast %add3A_445 : i32 to index
        %get3A_493 = arith.index_cast %mul3A_491 : i32 to index
        %get3A_494 = tpu.vector_load %arg11[%get3A_492, %get3A_493] {strides = array<i32>} : memref<8x2048xf32, #tpu.memory_space<vmem>>, vector<1x16xf32>,
        %get3A_495 = vector.shape_cast %get3A_494 : vector<1x16xf32> to vector<16xf32>
        %mul3A_496 = arith.mulf %get3A_495, %broadcast_in_dim3A_3 : vector<16xf32>
        %swap3A_497 = arith.index_cast %add3A_445 : i32 to index
        %swap3A_498 = arith.index_cast %mul3A_491 : i32 to index
        %swap3A_499 = tpu.vector_load %arg11[%swap3A_497, %swap3A_498] {strides = array<i32>} : memref<8x2048xf32, #tpu.memory_space<vmem>>, vector<1x16xf32>,
        %swap3A_500 = vector.shape_cast %swap3A_499 : vector<1x16xf32> to vector<16xf32>
        %swap3A_501 = vector.shape_cast %mul3A_496 : vector<16xf32> to vector<1x16xf32>
        tpu.vector_store %arg11[%swap3A_497, %swap3A_498], %swap3A_501 {strides = array<i32>} : memref<8x2048xf32, #tpu.memory_space<vmem>>, vector<1x16xf32>,
        %scan3A_502 = arith.constant 3 : i32
        %scan3A_503 = arith.addi %scan3A_451, %scan3A_502 : i32
        %mul3A_504 = arith.constant 1 : i32
        %mul3A_505 = arith.muli %scan3A_503, %mul3A_504 : i32
        %add3A_506 = arith.constant 0 : i32
        %add3A_507 = arith.addi %add3A_506, %mul3A_505 : i32
        %mul3A_508 = arith.constant 16 : i32
        %mul3A_509 = arith.muli %add3A_507, %mul3A_508 : i32
        %get3A_510 = arith.index_cast %add3A_445 : i32 to index
        %get3A_511 = arith.index_cast %mul3A_509 : i32 to index
        %get3A_512 = tpu.vector_load %arg11[%get3A_510, %get3A_511] {strides = array<i32>} : memref<8x2048xf32, #tpu.memory_space<vmem>>, vector<1x16xf32>,
        %get3A_513 = vector.shape_cast %get3A_512 : vector<1x16xf32> to vector<16xf32>
        %mul3A_514 = arith.mulf %get3A_513, %broadcast_in_dim3A_3 : vector<16xf32>
        %swap3A_515 = arith.index_cast %add3A_445 : i32 to index
        %swap3A_516 = arith.index_cast %mul3A_509 : i32 to index
        %swap3A_517 = tpu.vector_load %arg11[%swap3A_515, %swap3A_516] {strides = array<i32>} : memref<8x2048xf32, #tpu.memory_space<vmem>>, vector<1x16xf32>,
        %swap3A_518 = vector.shape_cast %swap3A_517 : vector<1x16xf32> to vector<16xf32>
        %swap3A_519 = vector.shape_cast %mul3A_514 : vector<16xf32> to vector<1x16xf32>
        tpu.vector_store %arg11[%swap3A_515, %swap3A_516], %swap3A_519 {strides = array<i32>} : memref<8x2048xf32, #tpu.memory_space<vmem>>, vector<1x16xf32>,
        %scan3A_520 = arith.constant 4 : i32
        %scan3A_521 = arith.addi %scan3A_451, %scan3A_520 : i32
        %mul3A_522 = arith.constant 1 : i32
        %mul3A_523 = arith.muli %scan3A_521, %mul3A_522 : i32
        %add3A_524 = arith.constant 0 : i32
        %add3A_525 = arith.addi %add3A_524, %mul3A_523 : i32
        %mul3A_526 = arith.constant 16 : i32
        %mul3A_527 = arith.muli %add3A_525, %mul3A_526 : i32
        %get3A_528 = arith.index_cast %add3A_445 : i32 to index
        %get3A_529 = arith.index_cast %mul3A_527 : i32 to index
        %get3A_530 = tpu.vector_load %arg11[%get3A_528, %get3A_529] {strides = array<i32>} : memref<8x2048xf32, #tpu.memory_space<vmem>>, vector<1x16xf32>,
        %get3A_531 = vector.shape_cast %get3A_530 : vector<1x16xf32> to vector<16xf32>
        %mul3A_532 = arith.mulf %get3A_531, %broadcast_in_dim3A_3 : vector<16xf32>
        %swap3A_533 = arith.index_cast %add3A_445 : i32 to index
        %swap3A_534 = arith.index_cast %mul3A_527 : i32 to index
        %swap3A_535 = tpu.vector_load %arg11[%swap3A_533, %swap3A_534] {strides = array<i32>} : memref<8x2048xf32, #tpu.memory_space<vmem>>, vector<1x16xf32>,
        %swap3A_536 = vector.shape_cast %swap3A_535 : vector<1x16xf32> to vector<16xf32>
        %swap3A_537 = vector.shape_cast %mul3A_532 : vector<16xf32> to vector<1x16xf32>
        tpu.vector_store %arg11[%swap3A_533, %swap3A_534], %swap3A_537 {strides = array<i32>} : memref<8x2048xf32, #tpu.memory_space<vmem>>, vector<1x16xf32>,
        %scan3A_538 = arith.constant 5 : i32
        %scan3A_539 = arith.addi %scan3A_451, %scan3A_538 : i32
        %mul3A_540 = arith.constant 1 : i32
        %mul3A_541 = arith.muli %scan3A_539, %mul3A_540 : i32
        %add3A_542 = arith.constant 0 : i32
        %add3A_543 = arith.addi %add3A_542, %mul3A_541 : i32
        %mul3A_544 = arith.constant 16 : i32
        %mul3A_545 = arith.muli %add3A_543, %mul3A_544 : i32
        %get3A_546 = arith.index_cast %add3A_445 : i32 to index
        %get3A_547 = arith.index_cast %mul3A_545 : i32 to index
        %get3A_548 = tpu.vector_load %arg11[%get3A_546, %get3A_547] {strides = array<i32>} : memref<8x2048xf32, #tpu.memory_space<vmem>>, vector<1x16xf32>,
        %get3A_549 = vector.shape_cast %get3A_548 : vector<1x16xf32> to vector<16xf32>
        %mul3A_550 = arith.mulf %get3A_549, %broadcast_in_dim3A_3 : vector<16xf32>
        %swap3A_551 = arith.index_cast %add3A_445 : i32 to index
        %swap3A_552 = arith.index_cast %mul3A_545 : i32 to index
        %swap3A_553 = tpu.vector_load %arg11[%swap3A_551, %swap3A_552] {strides = array<i32>} : memref<8x2048xf32, #tpu.memory_space<vmem>>, vector<1x16xf32>,
        %swap3A_554 = vector.shape_cast %swap3A_553 : vector<1x16xf32> to vector<16xf32>
        %swap3A_555 = vector.shape_cast %mul3A_550 : vector<16xf32> to vector<1x16xf32>
        tpu.vector_store %arg11[%swap3A_551, %swap3A_552], %swap3A_555 {strides = array<i32>} : memref<8x2048xf32, #tpu.memory_space<vmem>>, vector<1x16xf32>,
        %scan3A_556 = arith.constant 6 : i32
        %scan3A_557 = arith.addi %scan3A_451, %scan3A_556 : i32
        %mul3A_558 = arith.constant 1 : i32
        %mul3A_559 = arith.muli %scan3A_557, %mul3A_558 : i32
        %add3A_560 = arith.constant 0 : i32
        %add3A_561 = arith.addi %add3A_560, %mul3A_559 : i32
        %mul3A_562 = arith.constant 16 : i32
        %mul3A_563 = arith.muli %add3A_561, %mul3A_562 : i32
        %get3A_564 = arith.index_cast %add3A_445 : i32 to index
        %get3A_565 = arith.index_cast %mul3A_563 : i32 to index
        %get3A_566 = tpu.vector_load %arg11[%get3A_564, %get3A_565] {strides = array<i32>} : memref<8x2048xf32, #tpu.memory_space<vmem>>, vector<1x16xf32>,
        %get3A_567 = vector.shape_cast %get3A_566 : vector<1x16xf32> to vector<16xf32>
        %mul3A_568 = arith.mulf %get3A_567, %broadcast_in_dim3A_3 : vector<16xf32>
        %swap3A_569 = arith.index_cast %add3A_445 : i32 to index
        %swap3A_570 = arith.index_cast %mul3A_563 : i32 to index
        %swap3A_571 = tpu.vector_load %arg11[%swap3A_569, %swap3A_570] {strides = array<i32>} : memref<8x2048xf32, #tpu.memory_space<vmem>>, vector<1x16xf32>,
        %swap3A_572 = vector.shape_cast %swap3A_571 : vector<1x16xf32> to vector<16xf32>
        %swap3A_573 = vector.shape_cast %mul3A_568 : vector<16xf32> to vector<1x16xf32>
        tpu.vector_store %arg11[%swap3A_569, %swap3A_570], %swap3A_573 {strides = array<i32>} : memref<8x2048xf32, #tpu.memory_space<vmem>>, vector<1x16xf32>,
        %scan3A_574 = arith.constant 7 : i32
        %scan3A_575 = arith.addi %scan3A_451, %scan3A_574 : i32
        %mul3A_576 = arith.constant 1 : i32
        %mul3A_577 = arith.muli %scan3A_575, %mul3A_576 : i32
        %add3A_578 = arith.constant 0 : i32
        %add3A_579 = arith.addi %add3A_578, %mul3A_577 : i32
        %mul3A_580 = arith.constant 16 : i32
        %mul3A_581 = arith.muli %add3A_579, %mul3A_580 : i32
        %get3A_582 = arith.index_cast %add3A_445 : i32 to index
        %get3A_583 = arith.index_cast %mul3A_581 : i32 to index
        %get3A_584 = tpu.vector_load %arg11[%get3A_582, %get3A_583] {strides = array<i32>} : memref<8x2048xf32, #tpu.memory_space<vmem>>, vector<1x16xf32>,
        %get3A_585 = vector.shape_cast %get3A_584 : vector<1x16xf32> to vector<16xf32>
        %mul3A_586 = arith.mulf %get3A_585, %broadcast_in_dim3A_3 : vector<16xf32>
        %swap3A_587 = arith.index_cast %add3A_445 : i32 to index
        %swap3A_588 = arith.index_cast %mul3A_581 : i32 to index
        %swap3A_589 = tpu.vector_load %arg11[%swap3A_587, %swap3A_588] {strides = array<i32>} : memref<8x2048xf32, #tpu.memory_space<vmem>>, vector<1x16xf32>,
        %swap3A_590 = vector.shape_cast %swap3A_589 : vector<1x16xf32> to vector<16xf32>
        %swap3A_591 = vector.shape_cast %mul3A_586 : vector<16xf32> to vector<1x16xf32>
        tpu.vector_store %arg11[%swap3A_587, %swap3A_588], %swap3A_591 {strides = array<i32>} : memref<8x2048xf32, #tpu.memory_space<vmem>>, vector<1x16xf32>,
      }
      %scan3A_450 = arith.constant 128 : i32
    }
    %scan3A_195 = arith.constant 8 : i32
    %add3A_196 = arith.constant 40 : i32
    %add3A_197 = arith.addi %mul3A_2, %add3A_196 : i32
    %dma_start3A_198 = arith.constant 0 : i32
    %dma_start3A_199 = tpu.memref_slice %arg4[%add3A_197, %dma_start3A_198] : memref<16384x2048xf32, #tpu.memory_space<hbm>> -> memref<8x2048xf32, #tpu.memory_space<hbm>>
    %dma_start3A_200 = arith.constant 0 : i32
    %dma_start3A_201 = tpu.memref_slice %arg4[%add3A_197, %dma_start3A_200] : memref<16384x2048xf32, #tpu.memory_space<hbm>> -> memref<8x2048xf32, #tpu.memory_space<hbm>>
    tpu.enqueue_dma source(%arg11 : memref<8x2048xf32, #tpu.memory_space<vmem>>) target(%dma_start3A_201 : memref<8x2048xf32, #tpu.memory_space<hbm>>) target_semaphore(%arg25 : memref<!tpu.dma_semaphore, #tpu.memory_space<semaphore_mem>>)
    %dma_wait3A_202 = arith.constant 0 : i32
    %dma_wait3A_203 = arith.constant 0 : i32
    %dma_wait3A_204 = tpu.memref_slice %arg5[%dma_wait3A_202, %dma_wait3A_203] : memref<64x8xi32, #tpu.memory_space<vmem>> -> memref<1x8xi32, #tpu.memory_space<vmem>>
    %dma_wait3A_205 = tpu.memref_squeeze %dma_wait3A_204 : memref<1x8xi32, #tpu.memory_space<vmem>> -> memref<8xi32, #tpu.memory_space<vmem>>
    %dma_wait3A_206 = arith.constant 0 : i32
    %dma_wait3A_207 = arith.constant 0 : i32
    %dma_wait3A_208 = tpu.memref_slice %arg3[%dma_wait3A_206, %dma_wait3A_207] : memref<100000x2048xf32, #tpu.memory_space<hbm>> -> memref<100000x2048xf32, #tpu.memory_space<hbm>>
    tpu.wait_indirect_dma semaphore(%arg19 : memref<!tpu.dma_semaphore, #tpu.memory_space<semaphore_mem>>) src(%dma_wait3A_208 : memref<100000x2048xf32, #tpu.memory_space<hbm>>) dst(%arg12 : memref<8x2048xf32, #tpu.memory_space<vmem>>)
    %dma_wait3A_209 = arith.constant 0 : i32
    %dma_wait3A_210 = tpu.memref_slice %arg4[%mul3A_2, %dma_wait3A_209] : memref<16384x2048xf32, #tpu.memory_space<hbm>> -> memref<8x2048xf32, #tpu.memory_space<hbm>>
    %dma_wait3A_211 = arith.constant 0 : i32
    %dma_wait3A_212 = tpu.memref_slice %arg4[%mul3A_2, %dma_wait3A_211] : memref<16384x2048xf32, #tpu.memory_space<hbm>> -> memref<8x2048xf32, #tpu.memory_space<hbm>>
    tpu.wait_dma2 semaphore(%arg24 : memref<!tpu.dma_semaphore, #tpu.memory_space<semaphore_mem>>) src(%arg10 : memref<8x2048xf32, #tpu.memory_space<vmem>>) dst(%dma_wait3A_212 : memref<8x2048xf32, #tpu.memory_space<hbm>>)
    %dma_start3A_213 = arith.constant 11 : i32
    %dma_start3A_214 = arith.constant 0 : i32
    %dma_start3A_215 = tpu.memref_slice %arg5[%dma_start3A_213, %dma_start3A_214] : memref<64x8xi32, #tpu.memory_space<vmem>> -> memref<1x8xi32, #tpu.memory_space<vmem>>
    %dma_start3A_216 = tpu.memref_squeeze %dma_start3A_215 : memref<1x8xi32, #tpu.memory_space<vmem>> -> memref<8xi32, #tpu.memory_space<vmem>>
    %dma_start3A_217 = arith.constant 0 : i32
    %dma_start3A_218 = arith.constant 0 : i32
    %dma_start3A_219 = tpu.memref_slice %arg3[%dma_start3A_217, %dma_start3A_218] : memref<100000x2048xf32, #tpu.memory_space<hbm>> -> memref<100000x2048xf32, #tpu.memory_space<hbm>>
    tpu.enqueue_indirect_dma source(%dma_start3A_219 : memref<100000x2048xf32, #tpu.memory_space<hbm>>) target(%arg10 : memref<8x2048xf32, #tpu.memory_space<vmem>>) offsets(%dma_start3A_216 : memref<8xi32, #tpu.memory_space<vmem>>) semaphore(%arg17 : memref<!tpu.dma_semaphore, #tpu.memory_space<semaphore_mem>>)
    %scan3A_220 = arith.constant 0 : i32
    %scan3A_221 = arith.constant 8 : i32
    %scan3A_222 = arith.addi %scan3A_220, %scan3A_221 : i32
    %scan3A_223 = arith.constant 1 : i32
    scf.for %scan3A_441 = %scan3A_220 to %scan3A_222 step %scan3A_223  : i32 {
      %mul3A_442 = arith.constant 1 : i32
      %mul3A_443 = arith.muli %scan3A_441, %mul3A_442 : i32
      %add3A_444 = arith.constant 0 : i32
      %add3A_445 = arith.addi %add3A_444, %mul3A_443 : i32
      %scan3A_446 = arith.constant 0 : i32
      %scan3A_447 = arith.constant 128 : i32
      %scan3A_448 = arith.addi %scan3A_446, %scan3A_447 : i32
      %scan3A_449 = arith.constant 8 : i32
      scf.for %scan3A_451 = %scan3A_446 to %scan3A_448 step %scan3A_449  : i32 {
        %mul3A_452 = arith.constant 1 : i32
        %mul3A_453 = arith.muli %scan3A_451, %mul3A_452 : i32
        %add3A_454 = arith.constant 0 : i32
        %add3A_455 = arith.addi %add3A_454, %mul3A_453 : i32
        %mul3A_456 = arith.constant 16 : i32
        %mul3A_457 = arith.muli %add3A_455, %mul3A_456 : i32
        %get3A = arith.index_cast %add3A_445 : i32 to index
        %get3A_458 = arith.index_cast %mul3A_457 : i32 to index
        %get3A_459 = tpu.vector_load %arg12[%get3A, %get3A_458] {strides = array<i32>} : memref<8x2048xf32, #tpu.memory_space<vmem>>, vector<1x16xf32>,
        %get3A_460 = vector.shape_cast %get3A_459 : vector<1x16xf32> to vector<16xf32>
        %mul3A_461 = arith.mulf %get3A_460, %broadcast_in_dim3A_3 : vector<16xf32>
        %swap3A = arith.index_cast %add3A_445 : i32 to index
        %swap3A_462 = arith.index_cast %mul3A_457 : i32 to index
        %swap3A_463 = tpu.vector_load %arg12[%swap3A, %swap3A_462] {strides = array<i32>} : memref<8x2048xf32, #tpu.memory_space<vmem>>, vector<1x16xf32>,
        %swap3A_464 = vector.shape_cast %swap3A_463 : vector<1x16xf32> to vector<16xf32>
        %swap3A_465 = vector.shape_cast %mul3A_461 : vector<16xf32> to vector<1x16xf32>
        tpu.vector_store %arg12[%swap3A, %swap3A_462], %swap3A_465 {strides = array<i32>} : memref<8x2048xf32, #tpu.memory_space<vmem>>, vector<1x16xf32>,
        %scan3A_466 = arith.constant 1 : i32
        %scan3A_467 = arith.addi %scan3A_451, %scan3A_466 : i32
        %mul3A_468 = arith.constant 1 : i32
        %mul3A_469 = arith.muli %scan3A_467, %mul3A_468 : i32
        %add3A_470 = arith.constant 0 : i32
        %add3A_471 = arith.addi %add3A_470, %mul3A_469 : i32
        %mul3A_472 = arith.constant 16 : i32
        %mul3A_473 = arith.muli %add3A_471, %mul3A_472 : i32
        %get3A_474 = arith.index_cast %add3A_445 : i32 to index
        %get3A_475 = arith.index_cast %mul3A_473 : i32 to index
        %get3A_476 = tpu.vector_load %arg12[%get3A_474, %get3A_475] {strides = array<i32>} : memref<8x2048xf32, #tpu.memory_space<vmem>>, vector<1x16xf32>,
        %get3A_477 = vector.shape_cast %get3A_476 : vector<1x16xf32> to vector<16xf32>
        %mul3A_478 = arith.mulf %get3A_477, %broadcast_in_dim3A_3 : vector<16xf32>
        %swap3A_479 = arith.index_cast %add3A_445 : i32 to index
        %swap3A_480 = arith.index_cast %mul3A_473 : i32 to index
        %swap3A_481 = tpu.vector_load %arg12[%swap3A_479, %swap3A_480] {strides = array<i32>} : memref<8x2048xf32, #tpu.memory_space<vmem>>, vector<1x16xf32>,
        %swap3A_482 = vector.shape_cast %swap3A_481 : vector<1x16xf32> to vector<16xf32>
        %swap3A_483 = vector.shape_cast %mul3A_478 : vector<16xf32> to vector<1x16xf32>
        tpu.vector_store %arg12[%swap3A_479, %swap3A_480], %swap3A_483 {strides = array<i32>} : memref<8x2048xf32, #tpu.memory_space<vmem>>, vector<1x16xf32>,
        %scan3A_484 = arith.constant 2 : i32
        %scan3A_485 = arith.addi %scan3A_451, %scan3A_484 : i32
        %mul3A_486 = arith.constant 1 : i32
        %mul3A_487 = arith.muli %scan3A_485, %mul3A_486 : i32
        %add3A_488 = arith.constant 0 : i32
        %add3A_489 = arith.addi %add3A_488, %mul3A_487 : i32
        %mul3A_490 = arith.constant 16 : i32
        %mul3A_491 = arith.muli %add3A_489, %mul3A_490 : i32
        %get3A_492 = arith.index_cast %add3A_445 : i32 to index
        %get3A_493 = arith.index_cast %mul3A_491 : i32 to index
        %get3A_494 = tpu.vector_load %arg12[%get3A_492, %get3A_493] {strides = array<i32>} : memref<8x2048xf32, #tpu.memory_space<vmem>>, vector<1x16xf32>,
        %get3A_495 = vector.shape_cast %get3A_494 : vector<1x16xf32> to vector<16xf32>
        %mul3A_496 = arith.mulf %get3A_495, %broadcast_in_dim3A_3 : vector<16xf32>
        %swap3A_497 = arith.index_cast %add3A_445 : i32 to index
        %swap3A_498 = arith.index_cast %mul3A_491 : i32 to index
        %swap3A_499 = tpu.vector_load %arg12[%swap3A_497, %swap3A_498] {strides = array<i32>} : memref<8x2048xf32, #tpu.memory_space<vmem>>, vector<1x16xf32>,
        %swap3A_500 = vector.shape_cast %swap3A_499 : vector<1x16xf32> to vector<16xf32>
        %swap3A_501 = vector.shape_cast %mul3A_496 : vector<16xf32> to vector<1x16xf32>
        tpu.vector_store %arg12[%swap3A_497, %swap3A_498], %swap3A_501 {strides = array<i32>} : memref<8x2048xf32, #tpu.memory_space<vmem>>, vector<1x16xf32>,
        %scan3A_502 = arith.constant 3 : i32
        %scan3A_503 = arith.addi %scan3A_451, %scan3A_502 : i32
        %mul3A_504 = arith.constant 1 : i32
        %mul3A_505 = arith.muli %scan3A_503, %mul3A_504 : i32
        %add3A_506 = arith.constant 0 : i32
        %add3A_507 = arith.addi %add3A_506, %mul3A_505 : i32
        %mul3A_508 = arith.constant 16 : i32
        %mul3A_509 = arith.muli %add3A_507, %mul3A_508 : i32
        %get3A_510 = arith.index_cast %add3A_445 : i32 to index
        %get3A_511 = arith.index_cast %mul3A_509 : i32 to index
        %get3A_512 = tpu.vector_load %arg12[%get3A_510, %get3A_511] {strides = array<i32>} : memref<8x2048xf32, #tpu.memory_space<vmem>>, vector<1x16xf32>,
        %get3A_513 = vector.shape_cast %get3A_512 : vector<1x16xf32> to vector<16xf32>
        %mul3A_514 = arith.mulf %get3A_513, %broadcast_in_dim3A_3 : vector<16xf32>
        %swap3A_515 = arith.index_cast %add3A_445 : i32 to index
        %swap3A_516 = arith.index_cast %mul3A_509 : i32 to index
        %swap3A_517 = tpu.vector_load %arg12[%swap3A_515, %swap3A_516] {strides = array<i32>} : memref<8x2048xf32, #tpu.memory_space<vmem>>, vector<1x16xf32>,
        %swap3A_518 = vector.shape_cast %swap3A_517 : vector<1x16xf32> to vector<16xf32>
        %swap3A_519 = vector.shape_cast %mul3A_514 : vector<16xf32> to vector<1x16xf32>
        tpu.vector_store %arg12[%swap3A_515, %swap3A_516], %swap3A_519 {strides = array<i32>} : memref<8x2048xf32, #tpu.memory_space<vmem>>, vector<1x16xf32>,
        %scan3A_520 = arith.constant 4 : i32
        %scan3A_521 = arith.addi %scan3A_451, %scan3A_520 : i32
        %mul3A_522 = arith.constant 1 : i32
        %mul3A_523 = arith.muli %scan3A_521, %mul3A_522 : i32
        %add3A_524 = arith.constant 0 : i32
        %add3A_525 = arith.addi %add3A_524, %mul3A_523 : i32
        %mul3A_526 = arith.constant 16 : i32
        %mul3A_527 = arith.muli %add3A_525, %mul3A_526 : i32
        %get3A_528 = arith.index_cast %add3A_445 : i32 to index
        %get3A_529 = arith.index_cast %mul3A_527 : i32 to index
        %get3A_530 = tpu.vector_load %arg12[%get3A_528, %get3A_529] {strides = array<i32>} : memref<8x2048xf32, #tpu.memory_space<vmem>>, vector<1x16xf32>,
        %get3A_531 = vector.shape_cast %get3A_530 : vector<1x16xf32> to vector<16xf32>
        %mul3A_532 = arith.mulf %get3A_531, %broadcast_in_dim3A_3 : vector<16xf32>
        %swap3A_533 = arith.index_cast %add3A_445 : i32 to index
        %swap3A_534 = arith.index_cast %mul3A_527 : i32 to index
        %swap3A_535 = tpu.vector_load %arg12[%swap3A_533, %swap3A_534] {strides = array<i32>} : memref<8x2048xf32, #tpu.memory_space<vmem>>, vector<1x16xf32>,
        %swap3A_536 = vector.shape_cast %swap3A_535 : vector<1x16xf32> to vector<16xf32>
        %swap3A_537 = vector.shape_cast %mul3A_532 : vector<16xf32> to vector<1x16xf32>
        tpu.vector_store %arg12[%swap3A_533, %swap3A_534], %swap3A_537 {strides = array<i32>} : memref<8x2048xf32, #tpu.memory_space<vmem>>, vector<1x16xf32>,
        %scan3A_538 = arith.constant 5 : i32
        %scan3A_539 = arith.addi %scan3A_451, %scan3A_538 : i32
        %mul3A_540 = arith.constant 1 : i32
        %mul3A_541 = arith.muli %scan3A_539, %mul3A_540 : i32
        %add3A_542 = arith.constant 0 : i32
        %add3A_543 = arith.addi %add3A_542, %mul3A_541 : i32
        %mul3A_544 = arith.constant 16 : i32
        %mul3A_545 = arith.muli %add3A_543, %mul3A_544 : i32
        %get3A_546 = arith.index_cast %add3A_445 : i32 to index
        %get3A_547 = arith.index_cast %mul3A_545 : i32 to index
        %get3A_548 = tpu.vector_load %arg12[%get3A_546, %get3A_547] {strides = array<i32>} : memref<8x2048xf32, #tpu.memory_space<vmem>>, vector<1x16xf32>,
        %get3A_549 = vector.shape_cast %get3A_548 : vector<1x16xf32> to vector<16xf32>
        %mul3A_550 = arith.mulf %get3A_549, %broadcast_in_dim3A_3 : vector<16xf32>
        %swap3A_551 = arith.index_cast %add3A_445 : i32 to index
        %swap3A_552 = arith.index_cast %mul3A_545 : i32 to index
        %swap3A_553 = tpu.vector_load %arg12[%swap3A_551, %swap3A_552] {strides = array<i32>} : memref<8x2048xf32, #tpu.memory_space<vmem>>, vector<1x16xf32>,
        %swap3A_554 = vector.shape_cast %swap3A_553 : vector<1x16xf32> to vector<16xf32>
        %swap3A_555 = vector.shape_cast %mul3A_550 : vector<16xf32> to vector<1x16xf32>
        tpu.vector_store %arg12[%swap3A_551, %swap3A_552], %swap3A_555 {strides = array<i32>} : memref<8x2048xf32, #tpu.memory_space<vmem>>, vector<1x16xf32>,
        %scan3A_556 = arith.constant 6 : i32
        %scan3A_557 = arith.addi %scan3A_451, %scan3A_556 : i32
        %mul3A_558 = arith.constant 1 : i32
        %mul3A_559 = arith.muli %scan3A_557, %mul3A_558 : i32
        %add3A_560 = arith.constant 0 : i32
        %add3A_561 = arith.addi %add3A_560, %mul3A_559 : i32
        %mul3A_562 = arith.constant 16 : i32
        %mul3A_563 = arith.muli %add3A_561, %mul3A_562 : i32
        %get3A_564 = arith.index_cast %add3A_445 : i32 to index
        %get3A_565 = arith.index_cast %mul3A_563 : i32 to index
        %get3A_566 = tpu.vector_load %arg12[%get3A_564, %get3A_565] {strides = array<i32>} : memref<8x2048xf32, #tpu.memory_space<vmem>>, vector<1x16xf32>,
        %get3A_567 = vector.shape_cast %get3A_566 : vector<1x16xf32> to vector<16xf32>
        %mul3A_568 = arith.mulf %get3A_567, %broadcast_in_dim3A_3 : vector<16xf32>
        %swap3A_569 = arith.index_cast %add3A_445 : i32 to index
        %swap3A_570 = arith.index_cast %mul3A_563 : i32 to index
        %swap3A_571 = tpu.vector_load %arg12[%swap3A_569, %swap3A_570] {strides = array<i32>} : memref<8x2048xf32, #tpu.memory_space<vmem>>, vector<1x16xf32>,
        %swap3A_572 = vector.shape_cast %swap3A_571 : vector<1x16xf32> to vector<16xf32>
        %swap3A_573 = vector.shape_cast %mul3A_568 : vector<16xf32> to vector<1x16xf32>
        tpu.vector_store %arg12[%swap3A_569, %swap3A_570], %swap3A_573 {strides = array<i32>} : memref<8x2048xf32, #tpu.memory_space<vmem>>, vector<1x16xf32>,
        %scan3A_574 = arith.constant 7 : i32
        %scan3A_575 = arith.addi %scan3A_451, %scan3A_574 : i32
        %mul3A_576 = arith.constant 1 : i32
        %mul3A_577 = arith.muli %scan3A_575, %mul3A_576 : i32
        %add3A_578 = arith.constant 0 : i32
        %add3A_579 = arith.addi %add3A_578, %mul3A_577 : i32
        %mul3A_580 = arith.constant 16 : i32
        %mul3A_581 = arith.muli %add3A_579, %mul3A_580 : i32
        %get3A_582 = arith.index_cast %add3A_445 : i32 to index
        %get3A_583 = arith.index_cast %mul3A_581 : i32 to index
        %get3A_584 = tpu.vector_load %arg12[%get3A_582, %get3A_583] {strides = array<i32>} : memref<8x2048xf32, #tpu.memory_space<vmem>>, vector<1x16xf32>,
        %get3A_585 = vector.shape_cast %get3A_584 : vector<1x16xf32> to vector<16xf32>
        %mul3A_586 = arith.mulf %get3A_585, %broadcast_in_dim3A_3 : vector<16xf32>
        %swap3A_587 = arith.index_cast %add3A_445 : i32 to index
        %swap3A_588 = arith.index_cast %mul3A_581 : i32 to index
        %swap3A_589 = tpu.vector_load %arg12[%swap3A_587, %swap3A_588] {strides = array<i32>} : memref<8x2048xf32, #tpu.memory_space<vmem>>, vector<1x16xf32>,
        %swap3A_590 = vector.shape_cast %swap3A_589 : vector<1x16xf32> to vector<16xf32>
        %swap3A_591 = vector.shape_cast %mul3A_586 : vector<16xf32> to vector<1x16xf32>
        tpu.vector_store %arg12[%swap3A_587, %swap3A_588], %swap3A_591 {strides = array<i32>} : memref<8x2048xf32, #tpu.memory_space<vmem>>, vector<1x16xf32>,
      }
      %scan3A_450 = arith.constant 128 : i32
    }
    %scan3A_224 = arith.constant 8 : i32
    %add3A_225 = arith.constant 48 : i32
    %add3A_226 = arith.addi %mul3A_2, %add3A_225 : i32
    %dma_start3A_227 = arith.constant 0 : i32
    %dma_start3A_228 = tpu.memref_slice %arg4[%add3A_226, %dma_start3A_227] : memref<16384x2048xf32, #tpu.memory_space<hbm>> -> memref<8x2048xf32, #tpu.memory_space<hbm>>
    %dma_start3A_229 = arith.constant 0 : i32
    %dma_start3A_230 = tpu.memref_slice %arg4[%add3A_226, %dma_start3A_229] : memref<16384x2048xf32, #tpu.memory_space<hbm>> -> memref<8x2048xf32, #tpu.memory_space<hbm>>
    tpu.enqueue_dma source(%arg12 : memref<8x2048xf32, #tpu.memory_space<vmem>>) target(%dma_start3A_230 : memref<8x2048xf32, #tpu.memory_space<hbm>>) target_semaphore(%arg26 : memref<!tpu.dma_semaphore, #tpu.memory_space<semaphore_mem>>)
    %scan3A_231 = arith.constant 0 : i32
    %scan3A_232 = arith.constant 7 : i32
    %scan3A_233 = arith.addi %scan3A_231, %scan3A_232 : i32
    %scan3A_234 = arith.constant 1 : i32
    scf.for %scan3A_441 = %scan3A_231 to %scan3A_233 step %scan3A_234  : i32 {
      %mul3A_442 = arith.constant 7 : i32
      %mul3A_443 = arith.muli %scan3A_441, %mul3A_442 : i32
      %add3A_444 = arith.constant 7 : i32
      %add3A_445 = arith.addi %add3A_444, %mul3A_443 : i32
      %add3A_446 = arith.constant 0 : i32
      %add3A_447 = arith.addi %add3A_445, %add3A_446 : i32
      %dma_wait3A_448 = arith.constant 0 : i32
      %dma_wait3A_449 = arith.constant 0 : i32
      %dma_wait3A_450 = tpu.memref_slice %arg5[%dma_wait3A_448, %dma_wait3A_449] : memref<64x8xi32, #tpu.memory_space<vmem>> -> memref<1x8xi32, #tpu.memory_space<vmem>>
      %dma_wait3A_451 = tpu.memref_squeeze %dma_wait3A_450 : memref<1x8xi32, #tpu.memory_space<vmem>> -> memref<8xi32, #tpu.memory_space<vmem>>
      %dma_wait3A_452 = arith.constant 0 : i32
      %dma_wait3A_453 = arith.constant 0 : i32
      %dma_wait3A_454 = tpu.memref_slice %arg3[%dma_wait3A_452, %dma_wait3A_453] : memref<100000x2048xf32, #tpu.memory_space<hbm>> -> memref<100000x2048xf32, #tpu.memory_space<hbm>>
      tpu.wait_indirect_dma semaphore(%arg13 : memref<!tpu.dma_semaphore, #tpu.memory_space<semaphore_mem>>) src(%dma_wait3A_454 : memref<100000x2048xf32, #tpu.memory_space<hbm>>) dst(%arg6 : memref<8x2048xf32, #tpu.memory_space<vmem>>)
      %dma_wait3A_455 = arith.constant 0 : i32
      %dma_wait3A_456 = tpu.memref_slice %arg4[%mul3A_2, %dma_wait3A_455] : memref<16384x2048xf32, #tpu.memory_space<hbm>> -> memref<8x2048xf32, #tpu.memory_space<hbm>>
      %dma_wait3A_457 = arith.constant 0 : i32
      %dma_wait3A_458 = tpu.memref_slice %arg4[%mul3A_2, %dma_wait3A_457] : memref<16384x2048xf32, #tpu.memory_space<hbm>> -> memref<8x2048xf32, #tpu.memory_space<hbm>>
      tpu.wait_dma2 semaphore(%arg25 : memref<!tpu.dma_semaphore, #tpu.memory_space<semaphore_mem>>) src(%arg11 : memref<8x2048xf32, #tpu.memory_space<vmem>>) dst(%dma_wait3A_458 : memref<8x2048xf32, #tpu.memory_space<hbm>>)
      %add3A_459 = arith.constant 5 : i32
      %add3A_460 = arith.addi %add3A_447, %add3A_459 : i32
      %dma_start3A_461 = arith.constant 0 : i32
      %dma_start3A_462 = tpu.memref_slice %arg5[%add3A_460, %dma_start3A_461] : memref<64x8xi32, #tpu.memory_space<vmem>> -> memref<1x8xi32, #tpu.memory_space<vmem>>
      %dma_start3A_463 = tpu.memref_squeeze %dma_start3A_462 : memref<1x8xi32, #tpu.memory_space<vmem>> -> memref<8xi32, #tpu.memory_space<vmem>>
      %dma_start3A_464 = arith.constant 0 : i32
      %dma_start3A_465 = arith.constant 0 : i32
      %dma_start3A_466 = tpu.memref_slice %arg3[%dma_start3A_464, %dma_start3A_465] : memref<100000x2048xf32, #tpu.memory_space<hbm>> -> memref<100000x2048xf32, #tpu.memory_space<hbm>>
      tpu.enqueue_indirect_dma source(%dma_start3A_466 : memref<100000x2048xf32, #tpu.memory_space<hbm>>) target(%arg11 : memref<8x2048xf32, #tpu.memory_space<vmem>>) offsets(%dma_start3A_463 : memref<8xi32, #tpu.memory_space<vmem>>) semaphore(%arg18 : memref<!tpu.dma_semaphore, #tpu.memory_space<semaphore_mem>>)
      %scan3A_467 = arith.constant 0 : i32
      %scan3A_468 = arith.constant 8 : i32
      %scan3A_469 = arith.addi %scan3A_467, %scan3A_468 : i32
      %scan3A_470 = arith.constant 1 : i32
      scf.for %scan3A_677 = %scan3A_467 to %scan3A_469 step %scan3A_470  : i32 {
        %mul3A_678 = arith.constant 1 : i32
        %mul3A_679 = arith.muli %scan3A_677, %mul3A_678 : i32
        %add3A_680 = arith.constant 0 : i32
        %add3A_681 = arith.addi %add3A_680, %mul3A_679 : i32
        %scan3A_682 = arith.constant 0 : i32
        %scan3A_683 = arith.constant 128 : i32
        %scan3A_684 = arith.addi %scan3A_682, %scan3A_683 : i32
        %scan3A_685 = arith.constant 8 : i32
        scf.for %scan3A_687 = %scan3A_682 to %scan3A_684 step %scan3A_685  : i32 {
          %mul3A_688 = arith.constant 1 : i32
          %mul3A_689 = arith.muli %scan3A_687, %mul3A_688 : i32
          %add3A_690 = arith.constant 0 : i32
          %add3A_691 = arith.addi %add3A_690, %mul3A_689 : i32
          %mul3A_692 = arith.constant 16 : i32
          %mul3A_693 = arith.muli %add3A_691, %mul3A_692 : i32
          %get3A = arith.index_cast %add3A_681 : i32 to index
          %get3A_694 = arith.index_cast %mul3A_693 : i32 to index
          %get3A_695 = tpu.vector_load %arg6[%get3A, %get3A_694] {strides = array<i32>} : memref<8x2048xf32, #tpu.memory_space<vmem>>, vector<1x16xf32>,
          %get3A_696 = vector.shape_cast %get3A_695 : vector<1x16xf32> to vector<16xf32>
          %mul3A_697 = arith.mulf %get3A_696, %broadcast_in_dim3A_3 : vector<16xf32>
          %swap3A = arith.index_cast %add3A_681 : i32 to index
          %swap3A_698 = arith.index_cast %mul3A_693 : i32 to index
          %swap3A_699 = tpu.vector_load %arg6[%swap3A, %swap3A_698] {strides = array<i32>} : memref<8x2048xf32, #tpu.memory_space<vmem>>, vector<1x16xf32>,
          %swap3A_700 = vector.shape_cast %swap3A_699 : vector<1x16xf32> to vector<16xf32>
          %swap3A_701 = vector.shape_cast %mul3A_697 : vector<16xf32> to vector<1x16xf32>
          tpu.vector_store %arg6[%swap3A, %swap3A_698], %swap3A_701 {strides = array<i32>} : memref<8x2048xf32, #tpu.memory_space<vmem>>, vector<1x16xf32>,
          %scan3A_702 = arith.constant 1 : i32
          %scan3A_703 = arith.addi %scan3A_687, %scan3A_702 : i32
          %mul3A_704 = arith.constant 1 : i32
          %mul3A_705 = arith.muli %scan3A_703, %mul3A_704 : i32
          %add3A_706 = arith.constant 0 : i32
          %add3A_707 = arith.addi %add3A_706, %mul3A_705 : i32
          %mul3A_708 = arith.constant 16 : i32
          %mul3A_709 = arith.muli %add3A_707, %mul3A_708 : i32
          %get3A_710 = arith.index_cast %add3A_681 : i32 to index
          %get3A_711 = arith.index_cast %mul3A_709 : i32 to index
          %get3A_712 = tpu.vector_load %arg6[%get3A_710, %get3A_711] {strides = array<i32>} : memref<8x2048xf32, #tpu.memory_space<vmem>>, vector<1x16xf32>,
          %get3A_713 = vector.shape_cast %get3A_712 : vector<1x16xf32> to vector<16xf32>
          %mul3A_714 = arith.mulf %get3A_713, %broadcast_in_dim3A_3 : vector<16xf32>
          %swap3A_715 = arith.index_cast %add3A_681 : i32 to index
          %swap3A_716 = arith.index_cast %mul3A_709 : i32 to index
          %swap3A_717 = tpu.vector_load %arg6[%swap3A_715, %swap3A_716] {strides = array<i32>} : memref<8x2048xf32, #tpu.memory_space<vmem>>, vector<1x16xf32>,
          %swap3A_718 = vector.shape_cast %swap3A_717 : vector<1x16xf32> to vector<16xf32>
          %swap3A_719 = vector.shape_cast %mul3A_714 : vector<16xf32> to vector<1x16xf32>
          tpu.vector_store %arg6[%swap3A_715, %swap3A_716], %swap3A_719 {strides = array<i32>} : memref<8x2048xf32, #tpu.memory_space<vmem>>, vector<1x16xf32>,
          %scan3A_720 = arith.constant 2 : i32
          %scan3A_721 = arith.addi %scan3A_687, %scan3A_720 : i32
          %mul3A_722 = arith.constant 1 : i32
          %mul3A_723 = arith.muli %scan3A_721, %mul3A_722 : i32
          %add3A_724 = arith.constant 0 : i32
          %add3A_725 = arith.addi %add3A_724, %mul3A_723 : i32
          %mul3A_726 = arith.constant 16 : i32
          %mul3A_727 = arith.muli %add3A_725, %mul3A_726 : i32
          %get3A_728 = arith.index_cast %add3A_681 : i32 to index
          %get3A_729 = arith.index_cast %mul3A_727 : i32 to index
          %get3A_730 = tpu.vector_load %arg6[%get3A_728, %get3A_729] {strides = array<i32>} : memref<8x2048xf32, #tpu.memory_space<vmem>>, vector<1x16xf32>,
          %get3A_731 = vector.shape_cast %get3A_730 : vector<1x16xf32> to vector<16xf32>
          %mul3A_732 = arith.mulf %get3A_731, %broadcast_in_dim3A_3 : vector<16xf32>
          %swap3A_733 = arith.index_cast %add3A_681 : i32 to index
          %swap3A_734 = arith.index_cast %mul3A_727 : i32 to index
          %swap3A_735 = tpu.vector_load %arg6[%swap3A_733, %swap3A_734] {strides = array<i32>} : memref<8x2048xf32, #tpu.memory_space<vmem>>, vector<1x16xf32>,
          %swap3A_736 = vector.shape_cast %swap3A_735 : vector<1x16xf32> to vector<16xf32>
          %swap3A_737 = vector.shape_cast %mul3A_732 : vector<16xf32> to vector<1x16xf32>
          tpu.vector_store %arg6[%swap3A_733, %swap3A_734], %swap3A_737 {strides = array<i32>} : memref<8x2048xf32, #tpu.memory_space<vmem>>, vector<1x16xf32>,
          %scan3A_738 = arith.constant 3 : i32
          %scan3A_739 = arith.addi %scan3A_687, %scan3A_738 : i32
          %mul3A_740 = arith.constant 1 : i32
          %mul3A_741 = arith.muli %scan3A_739, %mul3A_740 : i32
          %add3A_742 = arith.constant 0 : i32
          %add3A_743 = arith.addi %add3A_742, %mul3A_741 : i32
          %mul3A_744 = arith.constant 16 : i32
          %mul3A_745 = arith.muli %add3A_743, %mul3A_744 : i32
          %get3A_746 = arith.index_cast %add3A_681 : i32 to index
          %get3A_747 = arith.index_cast %mul3A_745 : i32 to index
          %get3A_748 = tpu.vector_load %arg6[%get3A_746, %get3A_747] {strides = array<i32>} : memref<8x2048xf32, #tpu.memory_space<vmem>>, vector<1x16xf32>,
          %get3A_749 = vector.shape_cast %get3A_748 : vector<1x16xf32> to vector<16xf32>
          %mul3A_750 = arith.mulf %get3A_749, %broadcast_in_dim3A_3 : vector<16xf32>
          %swap3A_751 = arith.index_cast %add3A_681 : i32 to index
          %swap3A_752 = arith.index_cast %mul3A_745 : i32 to index
          %swap3A_753 = tpu.vector_load %arg6[%swap3A_751, %swap3A_752] {strides = array<i32>} : memref<8x2048xf32, #tpu.memory_space<vmem>>, vector<1x16xf32>,
          %swap3A_754 = vector.shape_cast %swap3A_753 : vector<1x16xf32> to vector<16xf32>
          %swap3A_755 = vector.shape_cast %mul3A_750 : vector<16xf32> to vector<1x16xf32>
          tpu.vector_store %arg6[%swap3A_751, %swap3A_752], %swap3A_755 {strides = array<i32>} : memref<8x2048xf32, #tpu.memory_space<vmem>>, vector<1x16xf32>,
          %scan3A_756 = arith.constant 4 : i32
          %scan3A_757 = arith.addi %scan3A_687, %scan3A_756 : i32
          %mul3A_758 = arith.constant 1 : i32
          %mul3A_759 = arith.muli %scan3A_757, %mul3A_758 : i32
          %add3A_760 = arith.constant 0 : i32
          %add3A_761 = arith.addi %add3A_760, %mul3A_759 : i32
          %mul3A_762 = arith.constant 16 : i32
          %mul3A_763 = arith.muli %add3A_761, %mul3A_762 : i32
          %get3A_764 = arith.index_cast %add3A_681 : i32 to index
          %get3A_765 = arith.index_cast %mul3A_763 : i32 to index
          %get3A_766 = tpu.vector_load %arg6[%get3A_764, %get3A_765] {strides = array<i32>} : memref<8x2048xf32, #tpu.memory_space<vmem>>, vector<1x16xf32>,
          %get3A_767 = vector.shape_cast %get3A_766 : vector<1x16xf32> to vector<16xf32>
          %mul3A_768 = arith.mulf %get3A_767, %broadcast_in_dim3A_3 : vector<16xf32>
          %swap3A_769 = arith.index_cast %add3A_681 : i32 to index
          %swap3A_770 = arith.index_cast %mul3A_763 : i32 to index
          %swap3A_771 = tpu.vector_load %arg6[%swap3A_769, %swap3A_770] {strides = array<i32>} : memref<8x2048xf32, #tpu.memory_space<vmem>>, vector<1x16xf32>,
          %swap3A_772 = vector.shape_cast %swap3A_771 : vector<1x16xf32> to vector<16xf32>
          %swap3A_773 = vector.shape_cast %mul3A_768 : vector<16xf32> to vector<1x16xf32>
          tpu.vector_store %arg6[%swap3A_769, %swap3A_770], %swap3A_773 {strides = array<i32>} : memref<8x2048xf32, #tpu.memory_space<vmem>>, vector<1x16xf32>,
          %scan3A_774 = arith.constant 5 : i32
          %scan3A_775 = arith.addi %scan3A_687, %scan3A_774 : i32
          %mul3A_776 = arith.constant 1 : i32
          %mul3A_777 = arith.muli %scan3A_775, %mul3A_776 : i32
          %add3A_778 = arith.constant 0 : i32
          %add3A_779 = arith.addi %add3A_778, %mul3A_777 : i32
          %mul3A_780 = arith.constant 16 : i32
          %mul3A_781 = arith.muli %add3A_779, %mul3A_780 : i32
          %get3A_782 = arith.index_cast %add3A_681 : i32 to index
          %get3A_783 = arith.index_cast %mul3A_781 : i32 to index
          %get3A_784 = tpu.vector_load %arg6[%get3A_782, %get3A_783] {strides = array<i32>} : memref<8x2048xf32, #tpu.memory_space<vmem>>, vector<1x16xf32>,
          %get3A_785 = vector.shape_cast %get3A_784 : vector<1x16xf32> to vector<16xf32>
          %mul3A_786 = arith.mulf %get3A_785, %broadcast_in_dim3A_3 : vector<16xf32>
          %swap3A_787 = arith.index_cast %add3A_681 : i32 to index
          %swap3A_788 = arith.index_cast %mul3A_781 : i32 to index
          %swap3A_789 = tpu.vector_load %arg6[%swap3A_787, %swap3A_788] {strides = array<i32>} : memref<8x2048xf32, #tpu.memory_space<vmem>>, vector<1x16xf32>,
          %swap3A_790 = vector.shape_cast %swap3A_789 : vector<1x16xf32> to vector<16xf32>
          %swap3A_791 = vector.shape_cast %mul3A_786 : vector<16xf32> to vector<1x16xf32>
          tpu.vector_store %arg6[%swap3A_787, %swap3A_788], %swap3A_791 {strides = array<i32>} : memref<8x2048xf32, #tpu.memory_space<vmem>>, vector<1x16xf32>,
          %scan3A_792 = arith.constant 6 : i32
          %scan3A_793 = arith.addi %scan3A_687, %scan3A_792 : i32
          %mul3A_794 = arith.constant 1 : i32
          %mul3A_795 = arith.muli %scan3A_793, %mul3A_794 : i32
          %add3A_796 = arith.constant 0 : i32
          %add3A_797 = arith.addi %add3A_796, %mul3A_795 : i32
          %mul3A_798 = arith.constant 16 : i32
          %mul3A_799 = arith.muli %add3A_797, %mul3A_798 : i32
          %get3A_800 = arith.index_cast %add3A_681 : i32 to index
          %get3A_801 = arith.index_cast %mul3A_799 : i32 to index
          %get3A_802 = tpu.vector_load %arg6[%get3A_800, %get3A_801] {strides = array<i32>} : memref<8x2048xf32, #tpu.memory_space<vmem>>, vector<1x16xf32>,
          %get3A_803 = vector.shape_cast %get3A_802 : vector<1x16xf32> to vector<16xf32>
          %mul3A_804 = arith.mulf %get3A_803, %broadcast_in_dim3A_3 : vector<16xf32>
          %swap3A_805 = arith.index_cast %add3A_681 : i32 to index
          %swap3A_806 = arith.index_cast %mul3A_799 : i32 to index
          %swap3A_807 = tpu.vector_load %arg6[%swap3A_805, %swap3A_806] {strides = array<i32>} : memref<8x2048xf32, #tpu.memory_space<vmem>>, vector<1x16xf32>,
          %swap3A_808 = vector.shape_cast %swap3A_807 : vector<1x16xf32> to vector<16xf32>
          %swap3A_809 = vector.shape_cast %mul3A_804 : vector<16xf32> to vector<1x16xf32>
          tpu.vector_store %arg6[%swap3A_805, %swap3A_806], %swap3A_809 {strides = array<i32>} : memref<8x2048xf32, #tpu.memory_space<vmem>>, vector<1x16xf32>,
          %scan3A_810 = arith.constant 7 : i32
          %scan3A_811 = arith.addi %scan3A_687, %scan3A_810 : i32
          %mul3A_812 = arith.constant 1 : i32
          %mul3A_813 = arith.muli %scan3A_811, %mul3A_812 : i32
          %add3A_814 = arith.constant 0 : i32
          %add3A_815 = arith.addi %add3A_814, %mul3A_813 : i32
          %mul3A_816 = arith.constant 16 : i32
          %mul3A_817 = arith.muli %add3A_815, %mul3A_816 : i32
          %get3A_818 = arith.index_cast %add3A_681 : i32 to index
          %get3A_819 = arith.index_cast %mul3A_817 : i32 to index
          %get3A_820 = tpu.vector_load %arg6[%get3A_818, %get3A_819] {strides = array<i32>} : memref<8x2048xf32, #tpu.memory_space<vmem>>, vector<1x16xf32>,
          %get3A_821 = vector.shape_cast %get3A_820 : vector<1x16xf32> to vector<16xf32>
          %mul3A_822 = arith.mulf %get3A_821, %broadcast_in_dim3A_3 : vector<16xf32>
          %swap3A_823 = arith.index_cast %add3A_681 : i32 to index
          %swap3A_824 = arith.index_cast %mul3A_817 : i32 to index
          %swap3A_825 = tpu.vector_load %arg6[%swap3A_823, %swap3A_824] {strides = array<i32>} : memref<8x2048xf32, #tpu.memory_space<vmem>>, vector<1x16xf32>,
          %swap3A_826 = vector.shape_cast %swap3A_825 : vector<1x16xf32> to vector<16xf32>
          %swap3A_827 = vector.shape_cast %mul3A_822 : vector<16xf32> to vector<1x16xf32>
          tpu.vector_store %arg6[%swap3A_823, %swap3A_824], %swap3A_827 {strides = array<i32>} : memref<8x2048xf32, #tpu.memory_space<vmem>>, vector<1x16xf32>,
        }
        %scan3A_686 = arith.constant 128 : i32
      }
      %scan3A_471 = arith.constant 8 : i32
      %mul3A_472 = arith.constant 8 : i32
      %mul3A_473 = arith.muli %add3A_447, %mul3A_472 : i32
      %add3A_474 = arith.addi %mul3A_2, %mul3A_473 : i32
      %dma_start3A_475 = arith.constant 0 : i32
      %dma_start3A_476 = tpu.memref_slice %arg4[%add3A_474, %dma_start3A_475] : memref<16384x2048xf32, #tpu.memory_space<hbm>> -> memref<8x2048xf32, #tpu.memory_space<hbm>>
      %dma_start3A_477 = arith.constant 0 : i32
      %dma_start3A_478 = tpu.memref_slice %arg4[%add3A_474, %dma_start3A_477] : memref<16384x2048xf32, #tpu.memory_space<hbm>> -> memref<8x2048xf32, #tpu.memory_space<hbm>>
      tpu.enqueue_dma source(%arg6 : memref<8x2048xf32, #tpu.memory_space<vmem>>) target(%dma_start3A_478 : memref<8x2048xf32, #tpu.memory_space<hbm>>) target_semaphore(%arg20 : memref<!tpu.dma_semaphore, #tpu.memory_space<semaphore_mem>>)
      %add3A_479 = arith.constant 1 : i32
      %add3A_480 = arith.addi %add3A_445, %add3A_479 : i32
      %dma_wait3A_481 = arith.constant 0 : i32
      %dma_wait3A_482 = arith.constant 0 : i32
      %dma_wait3A_483 = tpu.memref_slice %arg5[%dma_wait3A_481, %dma_wait3A_482] : memref<64x8xi32, #tpu.memory_space<vmem>> -> memref<1x8xi32, #tpu.memory_space<vmem>>
      %dma_wait3A_484 = tpu.memref_squeeze %dma_wait3A_483 : memref<1x8xi32, #tpu.memory_space<vmem>> -> memref<8xi32, #tpu.memory_space<vmem>>
      %dma_wait3A_485 = arith.constant 0 : i32
      %dma_wait3A_486 = arith.constant 0 : i32
      %dma_wait3A_487 = tpu.memref_slice %arg3[%dma_wait3A_485, %dma_wait3A_486] : memref<100000x2048xf32, #tpu.memory_space<hbm>> -> memref<100000x2048xf32, #tpu.memory_space<hbm>>
      tpu.wait_indirect_dma semaphore(%arg14 : memref<!tpu.dma_semaphore, #tpu.memory_space<semaphore_mem>>) src(%dma_wait3A_487 : memref<100000x2048xf32, #tpu.memory_space<hbm>>) dst(%arg7 : memref<8x2048xf32, #tpu.memory_space<vmem>>)
      %dma_wait3A_488 = arith.constant 0 : i32
      %dma_wait3A_489 = tpu.memref_slice %arg4[%mul3A_2, %dma_wait3A_488] : memref<16384x2048xf32, #tpu.memory_space<hbm>> -> memref<8x2048xf32, #tpu.memory_space<hbm>>
      %dma_wait3A_490 = arith.constant 0 : i32
      %dma_wait3A_491 = tpu.memref_slice %arg4[%mul3A_2, %dma_wait3A_490] : memref<16384x2048xf32, #tpu.memory_space<hbm>> -> memref<8x2048xf32, #tpu.memory_space<hbm>>
      tpu.wait_dma2 semaphore(%arg26 : memref<!tpu.dma_semaphore, #tpu.memory_space<semaphore_mem>>) src(%arg12 : memref<8x2048xf32, #tpu.memory_space<vmem>>) dst(%dma_wait3A_491 : memref<8x2048xf32, #tpu.memory_space<hbm>>)
      %add3A_492 = arith.constant 5 : i32
      %add3A_493 = arith.addi %add3A_480, %add3A_492 : i32
      %dma_start3A_494 = arith.constant 0 : i32
      %dma_start3A_495 = tpu.memref_slice %arg5[%add3A_493, %dma_start3A_494] : memref<64x8xi32, #tpu.memory_space<vmem>> -> memref<1x8xi32, #tpu.memory_space<vmem>>
      %dma_start3A_496 = tpu.memref_squeeze %dma_start3A_495 : memref<1x8xi32, #tpu.memory_space<vmem>> -> memref<8xi32, #tpu.memory_space<vmem>>
      %dma_start3A_497 = arith.constant 0 : i32
      %dma_start3A_498 = arith.constant 0 : i32
      %dma_start3A_499 = tpu.memref_slice %arg3[%dma_start3A_497, %dma_start3A_498] : memref<100000x2048xf32, #tpu.memory_space<hbm>> -> memref<100000x2048xf32, #tpu.memory_space<hbm>>
      tpu.enqueue_indirect_dma source(%dma_start3A_499 : memref<100000x2048xf32, #tpu.memory_space<hbm>>) target(%arg12 : memref<8x2048xf32, #tpu.memory_space<vmem>>) offsets(%dma_start3A_496 : memref<8xi32, #tpu.memory_space<vmem>>) semaphore(%arg19 : memref<!tpu.dma_semaphore, #tpu.memory_space<semaphore_mem>>)
      %scan3A_500 = arith.constant 0 : i32
      %scan3A_501 = arith.constant 8 : i32
      %scan3A_502 = arith.addi %scan3A_500, %scan3A_501 : i32
      %scan3A_503 = arith.constant 1 : i32
      scf.for %scan3A_677 = %scan3A_500 to %scan3A_502 step %scan3A_503  : i32 {
        %mul3A_678 = arith.constant 1 : i32
        %mul3A_679 = arith.muli %scan3A_677, %mul3A_678 : i32
        %add3A_680 = arith.constant 0 : i32
        %add3A_681 = arith.addi %add3A_680, %mul3A_679 : i32
        %scan3A_682 = arith.constant 0 : i32
        %scan3A_683 = arith.constant 128 : i32
        %scan3A_684 = arith.addi %scan3A_682, %scan3A_683 : i32
        %scan3A_685 = arith.constant 8 : i32
        scf.for %scan3A_687 = %scan3A_682 to %scan3A_684 step %scan3A_685  : i32 {
          %mul3A_688 = arith.constant 1 : i32
          %mul3A_689 = arith.muli %scan3A_687, %mul3A_688 : i32
          %add3A_690 = arith.constant 0 : i32
          %add3A_691 = arith.addi %add3A_690, %mul3A_689 : i32
          %mul3A_692 = arith.constant 16 : i32
          %mul3A_693 = arith.muli %add3A_691, %mul3A_692 : i32
          %get3A = arith.index_cast %add3A_681 : i32 to index
          %get3A_694 = arith.index_cast %mul3A_693 : i32 to index
          %get3A_695 = tpu.vector_load %arg7[%get3A, %get3A_694] {strides = array<i32>} : memref<8x2048xf32, #tpu.memory_space<vmem>>, vector<1x16xf32>,
          %get3A_696 = vector.shape_cast %get3A_695 : vector<1x16xf32> to vector<16xf32>
          %mul3A_697 = arith.mulf %get3A_696, %broadcast_in_dim3A_3 : vector<16xf32>
          %swap3A = arith.index_cast %add3A_681 : i32 to index
          %swap3A_698 = arith.index_cast %mul3A_693 : i32 to index
          %swap3A_699 = tpu.vector_load %arg7[%swap3A, %swap3A_698] {strides = array<i32>} : memref<8x2048xf32, #tpu.memory_space<vmem>>, vector<1x16xf32>,
          %swap3A_700 = vector.shape_cast %swap3A_699 : vector<1x16xf32> to vector<16xf32>
          %swap3A_701 = vector.shape_cast %mul3A_697 : vector<16xf32> to vector<1x16xf32>
          tpu.vector_store %arg7[%swap3A, %swap3A_698], %swap3A_701 {strides = array<i32>} : memref<8x2048xf32, #tpu.memory_space<vmem>>, vector<1x16xf32>,
          %scan3A_702 = arith.constant 1 : i32
          %scan3A_703 = arith.addi %scan3A_687, %scan3A_702 : i32
          %mul3A_704 = arith.constant 1 : i32
          %mul3A_705 = arith.muli %scan3A_703, %mul3A_704 : i32
          %add3A_706 = arith.constant 0 : i32
          %add3A_707 = arith.addi %add3A_706, %mul3A_705 : i32
          %mul3A_708 = arith.constant 16 : i32
          %mul3A_709 = arith.muli %add3A_707, %mul3A_708 : i32
          %get3A_710 = arith.index_cast %add3A_681 : i32 to index
          %get3A_711 = arith.index_cast %mul3A_709 : i32 to index
          %get3A_712 = tpu.vector_load %arg7[%get3A_710, %get3A_711] {strides = array<i32>} : memref<8x2048xf32, #tpu.memory_space<vmem>>, vector<1x16xf32>,
          %get3A_713 = vector.shape_cast %get3A_712 : vector<1x16xf32> to vector<16xf32>
          %mul3A_714 = arith.mulf %get3A_713, %broadcast_in_dim3A_3 : vector<16xf32>
          %swap3A_715 = arith.index_cast %add3A_681 : i32 to index
          %swap3A_716 = arith.index_cast %mul3A_709 : i32 to index
          %swap3A_717 = tpu.vector_load %arg7[%swap3A_715, %swap3A_716] {strides = array<i32>} : memref<8x2048xf32, #tpu.memory_space<vmem>>, vector<1x16xf32>,
          %swap3A_718 = vector.shape_cast %swap3A_717 : vector<1x16xf32> to vector<16xf32>
          %swap3A_719 = vector.shape_cast %mul3A_714 : vector<16xf32> to vector<1x16xf32>
          tpu.vector_store %arg7[%swap3A_715, %swap3A_716], %swap3A_719 {strides = array<i32>} : memref<8x2048xf32, #tpu.memory_space<vmem>>, vector<1x16xf32>,
          %scan3A_720 = arith.constant 2 : i32
          %scan3A_721 = arith.addi %scan3A_687, %scan3A_720 : i32
          %mul3A_722 = arith.constant 1 : i32
          %mul3A_723 = arith.muli %scan3A_721, %mul3A_722 : i32
          %add3A_724 = arith.constant 0 : i32
          %add3A_725 = arith.addi %add3A_724, %mul3A_723 : i32
          %mul3A_726 = arith.constant 16 : i32
          %mul3A_727 = arith.muli %add3A_725, %mul3A_726 : i32
          %get3A_728 = arith.index_cast %add3A_681 : i32 to index
          %get3A_729 = arith.index_cast %mul3A_727 : i32 to index
          %get3A_730 = tpu.vector_load %arg7[%get3A_728, %get3A_729] {strides = array<i32>} : memref<8x2048xf32, #tpu.memory_space<vmem>>, vector<1x16xf32>,
          %get3A_731 = vector.shape_cast %get3A_730 : vector<1x16xf32> to vector<16xf32>
          %mul3A_732 = arith.mulf %get3A_731, %broadcast_in_dim3A_3 : vector<16xf32>
          %swap3A_733 = arith.index_cast %add3A_681 : i32 to index
          %swap3A_734 = arith.index_cast %mul3A_727 : i32 to index
          %swap3A_735 = tpu.vector_load %arg7[%swap3A_733, %swap3A_734] {strides = array<i32>} : memref<8x2048xf32, #tpu.memory_space<vmem>>, vector<1x16xf32>,
          %swap3A_736 = vector.shape_cast %swap3A_735 : vector<1x16xf32> to vector<16xf32>
          %swap3A_737 = vector.shape_cast %mul3A_732 : vector<16xf32> to vector<1x16xf32>
          tpu.vector_store %arg7[%swap3A_733, %swap3A_734], %swap3A_737 {strides = array<i32>} : memref<8x2048xf32, #tpu.memory_space<vmem>>, vector<1x16xf32>,
          %scan3A_738 = arith.constant 3 : i32
          %scan3A_739 = arith.addi %scan3A_687, %scan3A_738 : i32
          %mul3A_740 = arith.constant 1 : i32
          %mul3A_741 = arith.muli %scan3A_739, %mul3A_740 : i32
          %add3A_742 = arith.constant 0 : i32
          %add3A_743 = arith.addi %add3A_742, %mul3A_741 : i32
          %mul3A_744 = arith.constant 16 : i32
          %mul3A_745 = arith.muli %add3A_743, %mul3A_744 : i32
          %get3A_746 = arith.index_cast %add3A_681 : i32 to index
          %get3A_747 = arith.index_cast %mul3A_745 : i32 to index
          %get3A_748 = tpu.vector_load %arg7[%get3A_746, %get3A_747] {strides = array<i32>} : memref<8x2048xf32, #tpu.memory_space<vmem>>, vector<1x16xf32>,
          %get3A_749 = vector.shape_cast %get3A_748 : vector<1x16xf32> to vector<16xf32>
          %mul3A_750 = arith.mulf %get3A_749, %broadcast_in_dim3A_3 : vector<16xf32>
          %swap3A_751 = arith.index_cast %add3A_681 : i32 to index
          %swap3A_752 = arith.index_cast %mul3A_745 : i32 to index
          %swap3A_753 = tpu.vector_load %arg7[%swap3A_751, %swap3A_752] {strides = array<i32>} : memref<8x2048xf32, #tpu.memory_space<vmem>>, vector<1x16xf32>,
          %swap3A_754 = vector.shape_cast %swap3A_753 : vector<1x16xf32> to vector<16xf32>
          %swap3A_755 = vector.shape_cast %mul3A_750 : vector<16xf32> to vector<1x16xf32>
          tpu.vector_store %arg7[%swap3A_751, %swap3A_752], %swap3A_755 {strides = array<i32>} : memref<8x2048xf32, #tpu.memory_space<vmem>>, vector<1x16xf32>,
          %scan3A_756 = arith.constant 4 : i32
          %scan3A_757 = arith.addi %scan3A_687, %scan3A_756 : i32
          %mul3A_758 = arith.constant 1 : i32
          %mul3A_759 = arith.muli %scan3A_757, %mul3A_758 : i32
          %add3A_760 = arith.constant 0 : i32
          %add3A_761 = arith.addi %add3A_760, %mul3A_759 : i32
          %mul3A_762 = arith.constant 16 : i32
          %mul3A_763 = arith.muli %add3A_761, %mul3A_762 : i32
          %get3A_764 = arith.index_cast %add3A_681 : i32 to index
          %get3A_765 = arith.index_cast %mul3A_763 : i32 to index
          %get3A_766 = tpu.vector_load %arg7[%get3A_764, %get3A_765] {strides = array<i32>} : memref<8x2048xf32, #tpu.memory_space<vmem>>, vector<1x16xf32>,
          %get3A_767 = vector.shape_cast %get3A_766 : vector<1x16xf32> to vector<16xf32>
          %mul3A_768 = arith.mulf %get3A_767, %broadcast_in_dim3A_3 : vector<16xf32>
          %swap3A_769 = arith.index_cast %add3A_681 : i32 to index
          %swap3A_770 = arith.index_cast %mul3A_763 : i32 to index
          %swap3A_771 = tpu.vector_load %arg7[%swap3A_769, %swap3A_770] {strides = array<i32>} : memref<8x2048xf32, #tpu.memory_space<vmem>>, vector<1x16xf32>,
          %swap3A_772 = vector.shape_cast %swap3A_771 : vector<1x16xf32> to vector<16xf32>
          %swap3A_773 = vector.shape_cast %mul3A_768 : vector<16xf32> to vector<1x16xf32>
          tpu.vector_store %arg7[%swap3A_769, %swap3A_770], %swap3A_773 {strides = array<i32>} : memref<8x2048xf32, #tpu.memory_space<vmem>>, vector<1x16xf32>,
          %scan3A_774 = arith.constant 5 : i32
          %scan3A_775 = arith.addi %scan3A_687, %scan3A_774 : i32
          %mul3A_776 = arith.constant 1 : i32
          %mul3A_777 = arith.muli %scan3A_775, %mul3A_776 : i32
          %add3A_778 = arith.constant 0 : i32
          %add3A_779 = arith.addi %add3A_778, %mul3A_777 : i32
          %mul3A_780 = arith.constant 16 : i32
          %mul3A_781 = arith.muli %add3A_779, %mul3A_780 : i32
          %get3A_782 = arith.index_cast %add3A_681 : i32 to index
          %get3A_783 = arith.index_cast %mul3A_781 : i32 to index
          %get3A_784 = tpu.vector_load %arg7[%get3A_782, %get3A_783] {strides = array<i32>} : memref<8x2048xf32, #tpu.memory_space<vmem>>, vector<1x16xf32>,
          %get3A_785 = vector.shape_cast %get3A_784 : vector<1x16xf32> to vector<16xf32>
          %mul3A_786 = arith.mulf %get3A_785, %broadcast_in_dim3A_3 : vector<16xf32>
          %swap3A_787 = arith.index_cast %add3A_681 : i32 to index
          %swap3A_788 = arith.index_cast %mul3A_781 : i32 to index
          %swap3A_789 = tpu.vector_load %arg7[%swap3A_787, %swap3A_788] {strides = array<i32>} : memref<8x2048xf32, #tpu.memory_space<vmem>>, vector<1x16xf32>,
          %swap3A_790 = vector.shape_cast %swap3A_789 : vector<1x16xf32> to vector<16xf32>
          %swap3A_791 = vector.shape_cast %mul3A_786 : vector<16xf32> to vector<1x16xf32>
          tpu.vector_store %arg7[%swap3A_787, %swap3A_788], %swap3A_791 {strides = array<i32>} : memref<8x2048xf32, #tpu.memory_space<vmem>>, vector<1x16xf32>,
          %scan3A_792 = arith.constant 6 : i32
          %scan3A_793 = arith.addi %scan3A_687, %scan3A_792 : i32
          %mul3A_794 = arith.constant 1 : i32
          %mul3A_795 = arith.muli %scan3A_793, %mul3A_794 : i32
          %add3A_796 = arith.constant 0 : i32
          %add3A_797 = arith.addi %add3A_796, %mul3A_795 : i32
          %mul3A_798 = arith.constant 16 : i32
          %mul3A_799 = arith.muli %add3A_797, %mul3A_798 : i32
          %get3A_800 = arith.index_cast %add3A_681 : i32 to index
          %get3A_801 = arith.index_cast %mul3A_799 : i32 to index
          %get3A_802 = tpu.vector_load %arg7[%get3A_800, %get3A_801] {strides = array<i32>} : memref<8x2048xf32, #tpu.memory_space<vmem>>, vector<1x16xf32>,
          %get3A_803 = vector.shape_cast %get3A_802 : vector<1x16xf32> to vector<16xf32>
          %mul3A_804 = arith.mulf %get3A_803, %broadcast_in_dim3A_3 : vector<16xf32>
          %swap3A_805 = arith.index_cast %add3A_681 : i32 to index
          %swap3A_806 = arith.index_cast %mul3A_799 : i32 to index
          %swap3A_807 = tpu.vector_load %arg7[%swap3A_805, %swap3A_806] {strides = array<i32>} : memref<8x2048xf32, #tpu.memory_space<vmem>>, vector<1x16xf32>,
          %swap3A_808 = vector.shape_cast %swap3A_807 : vector<1x16xf32> to vector<16xf32>
          %swap3A_809 = vector.shape_cast %mul3A_804 : vector<16xf32> to vector<1x16xf32>
          tpu.vector_store %arg7[%swap3A_805, %swap3A_806], %swap3A_809 {strides = array<i32>} : memref<8x2048xf32, #tpu.memory_space<vmem>>, vector<1x16xf32>,
          %scan3A_810 = arith.constant 7 : i32
          %scan3A_811 = arith.addi %scan3A_687, %scan3A_810 : i32
          %mul3A_812 = arith.constant 1 : i32
          %mul3A_813 = arith.muli %scan3A_811, %mul3A_812 : i32
          %add3A_814 = arith.constant 0 : i32
          %add3A_815 = arith.addi %add3A_814, %mul3A_813 : i32
          %mul3A_816 = arith.constant 16 : i32
          %mul3A_817 = arith.muli %add3A_815, %mul3A_816 : i32
          %get3A_818 = arith.index_cast %add3A_681 : i32 to index
          %get3A_819 = arith.index_cast %mul3A_817 : i32 to index
          %get3A_820 = tpu.vector_load %arg7[%get3A_818, %get3A_819] {strides = array<i32>} : memref<8x2048xf32, #tpu.memory_space<vmem>>, vector<1x16xf32>,
          %get3A_821 = vector.shape_cast %get3A_820 : vector<1x16xf32> to vector<16xf32>
          %mul3A_822 = arith.mulf %get3A_821, %broadcast_in_dim3A_3 : vector<16xf32>
          %swap3A_823 = arith.index_cast %add3A_681 : i32 to index
          %swap3A_824 = arith.index_cast %mul3A_817 : i32 to index
          %swap3A_825 = tpu.vector_load %arg7[%swap3A_823, %swap3A_824] {strides = array<i32>} : memref<8x2048xf32, #tpu.memory_space<vmem>>, vector<1x16xf32>,
          %swap3A_826 = vector.shape_cast %swap3A_825 : vector<1x16xf32> to vector<16xf32>
          %swap3A_827 = vector.shape_cast %mul3A_822 : vector<16xf32> to vector<1x16xf32>
          tpu.vector_store %arg7[%swap3A_823, %swap3A_824], %swap3A_827 {strides = array<i32>} : memref<8x2048xf32, #tpu.memory_space<vmem>>, vector<1x16xf32>,
        }
        %scan3A_686 = arith.constant 128 : i32
      }
      %scan3A_504 = arith.constant 8 : i32
      %mul3A_505 = arith.constant 8 : i32
      %mul3A_506 = arith.muli %add3A_480, %mul3A_505 : i32
      %add3A_507 = arith.addi %mul3A_2, %mul3A_506 : i32
      %dma_start3A_508 = arith.constant 0 : i32
      %dma_start3A_509 = tpu.memref_slice %arg4[%add3A_507, %dma_start3A_508] : memref<16384x2048xf32, #tpu.memory_space<hbm>> -> memref<8x2048xf32, #tpu.memory_space<hbm>>
      %dma_start3A_510 = arith.constant 0 : i32
      %dma_start3A_511 = tpu.memref_slice %arg4[%add3A_507, %dma_start3A_510] : memref<16384x2048xf32, #tpu.memory_space<hbm>> -> memref<8x2048xf32, #tpu.memory_space<hbm>>
      tpu.enqueue_dma source(%arg7 : memref<8x2048xf32, #tpu.memory_space<vmem>>) target(%dma_start3A_511 : memref<8x2048xf32, #tpu.memory_space<hbm>>) target_semaphore(%arg21 : memref<!tpu.dma_semaphore, #tpu.memory_space<semaphore_mem>>)
      %add3A_512 = arith.constant 2 : i32
      %add3A_513 = arith.addi %add3A_445, %add3A_512 : i32
      %dma_wait3A_514 = arith.constant 0 : i32
      %dma_wait3A_515 = arith.constant 0 : i32
      %dma_wait3A_516 = tpu.memref_slice %arg5[%dma_wait3A_514, %dma_wait3A_515] : memref<64x8xi32, #tpu.memory_space<vmem>> -> memref<1x8xi32, #tpu.memory_space<vmem>>
      %dma_wait3A_517 = tpu.memref_squeeze %dma_wait3A_516 : memref<1x8xi32, #tpu.memory_space<vmem>> -> memref<8xi32, #tpu.memory_space<vmem>>
      %dma_wait3A_518 = arith.constant 0 : i32
      %dma_wait3A_519 = arith.constant 0 : i32
      %dma_wait3A_520 = tpu.memref_slice %arg3[%dma_wait3A_518, %dma_wait3A_519] : memref<100000x2048xf32, #tpu.memory_space<hbm>> -> memref<100000x2048xf32, #tpu.memory_space<hbm>>
      tpu.wait_indirect_dma semaphore(%arg15 : memref<!tpu.dma_semaphore, #tpu.memory_space<semaphore_mem>>) src(%dma_wait3A_520 : memref<100000x2048xf32, #tpu.memory_space<hbm>>) dst(%arg8 : memref<8x2048xf32, #tpu.memory_space<vmem>>)
      %dma_wait3A_521 = arith.constant 0 : i32
      %dma_wait3A_522 = tpu.memref_slice %arg4[%mul3A_2, %dma_wait3A_521] : memref<16384x2048xf32, #tpu.memory_space<hbm>> -> memref<8x2048xf32, #tpu.memory_space<hbm>>
      %dma_wait3A_523 = arith.constant 0 : i32
      %dma_wait3A_524 = tpu.memref_slice %arg4[%mul3A_2, %dma_wait3A_523] : memref<16384x2048xf32, #tpu.memory_space<hbm>> -> memref<8x2048xf32, #tpu.memory_space<hbm>>
      tpu.wait_dma2 semaphore(%arg20 : memref<!tpu.dma_semaphore, #tpu.memory_space<semaphore_mem>>) src(%arg6 : memref<8x2048xf32, #tpu.memory_space<vmem>>) dst(%dma_wait3A_524 : memref<8x2048xf32, #tpu.memory_space<hbm>>)
      %add3A_525 = arith.constant 5 : i32
      %add3A_526 = arith.addi %add3A_513, %add3A_525 : i32
      %dma_start3A_527 = arith.constant 0 : i32
      %dma_start3A_528 = tpu.memref_slice %arg5[%add3A_526, %dma_start3A_527] : memref<64x8xi32, #tpu.memory_space<vmem>> -> memref<1x8xi32, #tpu.memory_space<vmem>>
      %dma_start3A_529 = tpu.memref_squeeze %dma_start3A_528 : memref<1x8xi32, #tpu.memory_space<vmem>> -> memref<8xi32, #tpu.memory_space<vmem>>
      %dma_start3A_530 = arith.constant 0 : i32
      %dma_start3A_531 = arith.constant 0 : i32
      %dma_start3A_532 = tpu.memref_slice %arg3[%dma_start3A_530, %dma_start3A_531] : memref<100000x2048xf32, #tpu.memory_space<hbm>> -> memref<100000x2048xf32, #tpu.memory_space<hbm>>
      tpu.enqueue_indirect_dma source(%dma_start3A_532 : memref<100000x2048xf32, #tpu.memory_space<hbm>>) target(%arg6 : memref<8x2048xf32, #tpu.memory_space<vmem>>) offsets(%dma_start3A_529 : memref<8xi32, #tpu.memory_space<vmem>>) semaphore(%arg13 : memref<!tpu.dma_semaphore, #tpu.memory_space<semaphore_mem>>)
      %scan3A_533 = arith.constant 0 : i32
      %scan3A_534 = arith.constant 8 : i32
      %scan3A_535 = arith.addi %scan3A_533, %scan3A_534 : i32
      %scan3A_536 = arith.constant 1 : i32
      scf.for %scan3A_677 = %scan3A_533 to %scan3A_535 step %scan3A_536  : i32 {
        %mul3A_678 = arith.constant 1 : i32
        %mul3A_679 = arith.muli %scan3A_677, %mul3A_678 : i32
        %add3A_680 = arith.constant 0 : i32
        %add3A_681 = arith.addi %add3A_680, %mul3A_679 : i32
        %scan3A_682 = arith.constant 0 : i32
        %scan3A_683 = arith.constant 128 : i32
        %scan3A_684 = arith.addi %scan3A_682, %scan3A_683 : i32
        %scan3A_685 = arith.constant 8 : i32
        scf.for %scan3A_687 = %scan3A_682 to %scan3A_684 step %scan3A_685  : i32 {
          %mul3A_688 = arith.constant 1 : i32
          %mul3A_689 = arith.muli %scan3A_687, %mul3A_688 : i32
          %add3A_690 = arith.constant 0 : i32
          %add3A_691 = arith.addi %add3A_690, %mul3A_689 : i32
          %mul3A_692 = arith.constant 16 : i32
          %mul3A_693 = arith.muli %add3A_691, %mul3A_692 : i32
          %get3A = arith.index_cast %add3A_681 : i32 to index
          %get3A_694 = arith.index_cast %mul3A_693 : i32 to index
          %get3A_695 = tpu.vector_load %arg8[%get3A, %get3A_694] {strides = array<i32>} : memref<8x2048xf32, #tpu.memory_space<vmem>>, vector<1x16xf32>,
          %get3A_696 = vector.shape_cast %get3A_695 : vector<1x16xf32> to vector<16xf32>
          %mul3A_697 = arith.mulf %get3A_696, %broadcast_in_dim3A_3 : vector<16xf32>
          %swap3A = arith.index_cast %add3A_681 : i32 to index
          %swap3A_698 = arith.index_cast %mul3A_693 : i32 to index
          %swap3A_699 = tpu.vector_load %arg8[%swap3A, %swap3A_698] {strides = array<i32>} : memref<8x2048xf32, #tpu.memory_space<vmem>>, vector<1x16xf32>,
          %swap3A_700 = vector.shape_cast %swap3A_699 : vector<1x16xf32> to vector<16xf32>
          %swap3A_701 = vector.shape_cast %mul3A_697 : vector<16xf32> to vector<1x16xf32>
          tpu.vector_store %arg8[%swap3A, %swap3A_698], %swap3A_701 {strides = array<i32>} : memref<8x2048xf32, #tpu.memory_space<vmem>>, vector<1x16xf32>,
          %scan3A_702 = arith.constant 1 : i32
          %scan3A_703 = arith.addi %scan3A_687, %scan3A_702 : i32
          %mul3A_704 = arith.constant 1 : i32
          %mul3A_705 = arith.muli %scan3A_703, %mul3A_704 : i32
          %add3A_706 = arith.constant 0 : i32
          %add3A_707 = arith.addi %add3A_706, %mul3A_705 : i32
          %mul3A_708 = arith.constant 16 : i32
          %mul3A_709 = arith.muli %add3A_707, %mul3A_708 : i32
          %get3A_710 = arith.index_cast %add3A_681 : i32 to index
          %get3A_711 = arith.index_cast %mul3A_709 : i32 to index
          %get3A_712 = tpu.vector_load %arg8[%get3A_710, %get3A_711] {strides = array<i32>} : memref<8x2048xf32, #tpu.memory_space<vmem>>, vector<1x16xf32>,
          %get3A_713 = vector.shape_cast %get3A_712 : vector<1x16xf32> to vector<16xf32>
          %mul3A_714 = arith.mulf %get3A_713, %broadcast_in_dim3A_3 : vector<16xf32>
          %swap3A_715 = arith.index_cast %add3A_681 : i32 to index
          %swap3A_716 = arith.index_cast %mul3A_709 : i32 to index
          %swap3A_717 = tpu.vector_load %arg8[%swap3A_715, %swap3A_716] {strides = array<i32>} : memref<8x2048xf32, #tpu.memory_space<vmem>>, vector<1x16xf32>,
          %swap3A_718 = vector.shape_cast %swap3A_717 : vector<1x16xf32> to vector<16xf32>
          %swap3A_719 = vector.shape_cast %mul3A_714 : vector<16xf32> to vector<1x16xf32>
          tpu.vector_store %arg8[%swap3A_715, %swap3A_716], %swap3A_719 {strides = array<i32>} : memref<8x2048xf32, #tpu.memory_space<vmem>>, vector<1x16xf32>,
          %scan3A_720 = arith.constant 2 : i32
          %scan3A_721 = arith.addi %scan3A_687, %scan3A_720 : i32
          %mul3A_722 = arith.constant 1 : i32
          %mul3A_723 = arith.muli %scan3A_721, %mul3A_722 : i32
          %add3A_724 = arith.constant 0 : i32
          %add3A_725 = arith.addi %add3A_724, %mul3A_723 : i32
          %mul3A_726 = arith.constant 16 : i32
          %mul3A_727 = arith.muli %add3A_725, %mul3A_726 : i32
          %get3A_728 = arith.index_cast %add3A_681 : i32 to index
          %get3A_729 = arith.index_cast %mul3A_727 : i32 to index
          %get3A_730 = tpu.vector_load %arg8[%get3A_728, %get3A_729] {strides = array<i32>} : memref<8x2048xf32, #tpu.memory_space<vmem>>, vector<1x16xf32>,
          %get3A_731 = vector.shape_cast %get3A_730 : vector<1x16xf32> to vector<16xf32>
          %mul3A_732 = arith.mulf %get3A_731, %broadcast_in_dim3A_3 : vector<16xf32>
          %swap3A_733 = arith.index_cast %add3A_681 : i32 to index
          %swap3A_734 = arith.index_cast %mul3A_727 : i32 to index
          %swap3A_735 = tpu.vector_load %arg8[%swap3A_733, %swap3A_734] {strides = array<i32>} : memref<8x2048xf32, #tpu.memory_space<vmem>>, vector<1x16xf32>,
          %swap3A_736 = vector.shape_cast %swap3A_735 : vector<1x16xf32> to vector<16xf32>
          %swap3A_737 = vector.shape_cast %mul3A_732 : vector<16xf32> to vector<1x16xf32>
          tpu.vector_store %arg8[%swap3A_733, %swap3A_734], %swap3A_737 {strides = array<i32>} : memref<8x2048xf32, #tpu.memory_space<vmem>>, vector<1x16xf32>,
          %scan3A_738 = arith.constant 3 : i32
          %scan3A_739 = arith.addi %scan3A_687, %scan3A_738 : i32
          %mul3A_740 = arith.constant 1 : i32
          %mul3A_741 = arith.muli %scan3A_739, %mul3A_740 : i32
          %add3A_742 = arith.constant 0 : i32
          %add3A_743 = arith.addi %add3A_742, %mul3A_741 : i32
          %mul3A_744 = arith.constant 16 : i32
          %mul3A_745 = arith.muli %add3A_743, %mul3A_744 : i32
          %get3A_746 = arith.index_cast %add3A_681 : i32 to index
          %get3A_747 = arith.index_cast %mul3A_745 : i32 to index
          %get3A_748 = tpu.vector_load %arg8[%get3A_746, %get3A_747] {strides = array<i32>} : memref<8x2048xf32, #tpu.memory_space<vmem>>, vector<1x16xf32>,
          %get3A_749 = vector.shape_cast %get3A_748 : vector<1x16xf32> to vector<16xf32>
          %mul3A_750 = arith.mulf %get3A_749, %broadcast_in_dim3A_3 : vector<16xf32>
          %swap3A_751 = arith.index_cast %add3A_681 : i32 to index
          %swap3A_752 = arith.index_cast %mul3A_745 : i32 to index
          %swap3A_753 = tpu.vector_load %arg8[%swap3A_751, %swap3A_752] {strides = array<i32>} : memref<8x2048xf32, #tpu.memory_space<vmem>>, vector<1x16xf32>,
          %swap3A_754 = vector.shape_cast %swap3A_753 : vector<1x16xf32> to vector<16xf32>
          %swap3A_755 = vector.shape_cast %mul3A_750 : vector<16xf32> to vector<1x16xf32>
          tpu.vector_store %arg8[%swap3A_751, %swap3A_752], %swap3A_755 {strides = array<i32>} : memref<8x2048xf32, #tpu.memory_space<vmem>>, vector<1x16xf32>,
          %scan3A_756 = arith.constant 4 : i32
          %scan3A_757 = arith.addi %scan3A_687, %scan3A_756 : i32
          %mul3A_758 = arith.constant 1 : i32
          %mul3A_759 = arith.muli %scan3A_757, %mul3A_758 : i32
          %add3A_760 = arith.constant 0 : i32
          %add3A_761 = arith.addi %add3A_760, %mul3A_759 : i32
          %mul3A_762 = arith.constant 16 : i32
          %mul3A_763 = arith.muli %add3A_761, %mul3A_762 : i32
          %get3A_764 = arith.index_cast %add3A_681 : i32 to index
          %get3A_765 = arith.index_cast %mul3A_763 : i32 to index
          %get3A_766 = tpu.vector_load %arg8[%get3A_764, %get3A_765] {strides = array<i32>} : memref<8x2048xf32, #tpu.memory_space<vmem>>, vector<1x16xf32>,
          %get3A_767 = vector.shape_cast %get3A_766 : vector<1x16xf32> to vector<16xf32>
          %mul3A_768 = arith.mulf %get3A_767, %broadcast_in_dim3A_3 : vector<16xf32>
          %swap3A_769 = arith.index_cast %add3A_681 : i32 to index
          %swap3A_770 = arith.index_cast %mul3A_763 : i32 to index
          %swap3A_771 = tpu.vector_load %arg8[%swap3A_769, %swap3A_770] {strides = array<i32>} : memref<8x2048xf32, #tpu.memory_space<vmem>>, vector<1x16xf32>,
          %swap3A_772 = vector.shape_cast %swap3A_771 : vector<1x16xf32> to vector<16xf32>
          %swap3A_773 = vector.shape_cast %mul3A_768 : vector<16xf32> to vector<1x16xf32>
          tpu.vector_store %arg8[%swap3A_769, %swap3A_770], %swap3A_773 {strides = array<i32>} : memref<8x2048xf32, #tpu.memory_space<vmem>>, vector<1x16xf32>,
          %scan3A_774 = arith.constant 5 : i32
          %scan3A_775 = arith.addi %scan3A_687, %scan3A_774 : i32
          %mul3A_776 = arith.constant 1 : i32
          %mul3A_777 = arith.muli %scan3A_775, %mul3A_776 : i32
          %add3A_778 = arith.constant 0 : i32
          %add3A_779 = arith.addi %add3A_778, %mul3A_777 : i32
          %mul3A_780 = arith.constant 16 : i32
          %mul3A_781 = arith.muli %add3A_779, %mul3A_780 : i32
          %get3A_782 = arith.index_cast %add3A_681 : i32 to index
          %get3A_783 = arith.index_cast %mul3A_781 : i32 to index
          %get3A_784 = tpu.vector_load %arg8[%get3A_782, %get3A_783] {strides = array<i32>} : memref<8x2048xf32, #tpu.memory_space<vmem>>, vector<1x16xf32>,
          %get3A_785 = vector.shape_cast %get3A_784 : vector<1x16xf32> to vector<16xf32>
          %mul3A_786 = arith.mulf %get3A_785, %broadcast_in_dim3A_3 : vector<16xf32>
          %swap3A_787 = arith.index_cast %add3A_681 : i32 to index
          %swap3A_788 = arith.index_cast %mul3A_781 : i32 to index
          %swap3A_789 = tpu.vector_load %arg8[%swap3A_787, %swap3A_788] {strides = array<i32>} : memref<8x2048xf32, #tpu.memory_space<vmem>>, vector<1x16xf32>,
          %swap3A_790 = vector.shape_cast %swap3A_789 : vector<1x16xf32> to vector<16xf32>
          %swap3A_791 = vector.shape_cast %mul3A_786 : vector<16xf32> to vector<1x16xf32>
          tpu.vector_store %arg8[%swap3A_787, %swap3A_788], %swap3A_791 {strides = array<i32>} : memref<8x2048xf32, #tpu.memory_space<vmem>>, vector<1x16xf32>,
          %scan3A_792 = arith.constant 6 : i32
          %scan3A_793 = arith.addi %scan3A_687, %scan3A_792 : i32
          %mul3A_794 = arith.constant 1 : i32
          %mul3A_795 = arith.muli %scan3A_793, %mul3A_794 : i32
          %add3A_796 = arith.constant 0 : i32
          %add3A_797 = arith.addi %add3A_796, %mul3A_795 : i32
          %mul3A_798 = arith.constant 16 : i32
          %mul3A_799 = arith.muli %add3A_797, %mul3A_798 : i32
          %get3A_800 = arith.index_cast %add3A_681 : i32 to index
          %get3A_801 = arith.index_cast %mul3A_799 : i32 to index
          %get3A_802 = tpu.vector_load %arg8[%get3A_800, %get3A_801] {strides = array<i32>} : memref<8x2048xf32, #tpu.memory_space<vmem>>, vector<1x16xf32>,
          %get3A_803 = vector.shape_cast %get3A_802 : vector<1x16xf32> to vector<16xf32>
          %mul3A_804 = arith.mulf %get3A_803, %broadcast_in_dim3A_3 : vector<16xf32>
          %swap3A_805 = arith.index_cast %add3A_681 : i32 to index
          %swap3A_806 = arith.index_cast %mul3A_799 : i32 to index
          %swap3A_807 = tpu.vector_load %arg8[%swap3A_805, %swap3A_806] {strides = array<i32>} : memref<8x2048xf32, #tpu.memory_space<vmem>>, vector<1x16xf32>,
          %swap3A_808 = vector.shape_cast %swap3A_807 : vector<1x16xf32> to vector<16xf32>
          %swap3A_809 = vector.shape_cast %mul3A_804 : vector<16xf32> to vector<1x16xf32>
          tpu.vector_store %arg8[%swap3A_805, %swap3A_806], %swap3A_809 {strides = array<i32>} : memref<8x2048xf32, #tpu.memory_space<vmem>>, vector<1x16xf32>,
          %scan3A_810 = arith.constant 7 : i32
          %scan3A_811 = arith.addi %scan3A_687, %scan3A_810 : i32
          %mul3A_812 = arith.constant 1 : i32
          %mul3A_813 = arith.muli %scan3A_811, %mul3A_812 : i32
          %add3A_814 = arith.constant 0 : i32
          %add3A_815 = arith.addi %add3A_814, %mul3A_813 : i32
          %mul3A_816 = arith.constant 16 : i32
          %mul3A_817 = arith.muli %add3A_815, %mul3A_816 : i32
          %get3A_818 = arith.index_cast %add3A_681 : i32 to index
          %get3A_819 = arith.index_cast %mul3A_817 : i32 to index
          %get3A_820 = tpu.vector_load %arg8[%get3A_818, %get3A_819] {strides = array<i32>} : memref<8x2048xf32, #tpu.memory_space<vmem>>, vector<1x16xf32>,
          %get3A_821 = vector.shape_cast %get3A_820 : vector<1x16xf32> to vector<16xf32>
          %mul3A_822 = arith.mulf %get3A_821, %broadcast_in_dim3A_3 : vector<16xf32>
          %swap3A_823 = arith.index_cast %add3A_681 : i32 to index
          %swap3A_824 = arith.index_cast %mul3A_817 : i32 to index
          %swap3A_825 = tpu.vector_load %arg8[%swap3A_823, %swap3A_824] {strides = array<i32>} : memref<8x2048xf32, #tpu.memory_space<vmem>>, vector<1x16xf32>,
          %swap3A_826 = vector.shape_cast %swap3A_825 : vector<1x16xf32> to vector<16xf32>
          %swap3A_827 = vector.shape_cast %mul3A_822 : vector<16xf32> to vector<1x16xf32>
          tpu.vector_store %arg8[%swap3A_823, %swap3A_824], %swap3A_827 {strides = array<i32>} : memref<8x2048xf32, #tpu.memory_space<vmem>>, vector<1x16xf32>,
        }
        %scan3A_686 = arith.constant 128 : i32
      }
      %scan3A_537 = arith.constant 8 : i32
      %mul3A_538 = arith.constant 8 : i32
      %mul3A_539 = arith.muli %add3A_513, %mul3A_538 : i32
      %add3A_540 = arith.addi %mul3A_2, %mul3A_539 : i32
      %dma_start3A_541 = arith.constant 0 : i32
      %dma_start3A_542 = tpu.memref_slice %arg4[%add3A_540, %dma_start3A_541] : memref<16384x2048xf32, #tpu.memory_space<hbm>> -> memref<8x2048xf32, #tpu.memory_space<hbm>>
      %dma_start3A_543 = arith.constant 0 : i32
      %dma_start3A_544 = tpu.memref_slice %arg4[%add3A_540, %dma_start3A_543] : memref<16384x2048xf32, #tpu.memory_space<hbm>> -> memref<8x2048xf32, #tpu.memory_space<hbm>>
      tpu.enqueue_dma source(%arg8 : memref<8x2048xf32, #tpu.memory_space<vmem>>) target(%dma_start3A_544 : memref<8x2048xf32, #tpu.memory_space<hbm>>) target_semaphore(%arg22 : memref<!tpu.dma_semaphore, #tpu.memory_space<semaphore_mem>>)
      %add3A_545 = arith.constant 3 : i32
      %add3A_546 = arith.addi %add3A_445, %add3A_545 : i32
      %dma_wait3A_547 = arith.constant 0 : i32
      %dma_wait3A_548 = arith.constant 0 : i32
      %dma_wait3A_549 = tpu.memref_slice %arg5[%dma_wait3A_547, %dma_wait3A_548] : memref<64x8xi32, #tpu.memory_space<vmem>> -> memref<1x8xi32, #tpu.memory_space<vmem>>
      %dma_wait3A_550 = tpu.memref_squeeze %dma_wait3A_549 : memref<1x8xi32, #tpu.memory_space<vmem>> -> memref<8xi32, #tpu.memory_space<vmem>>
      %dma_wait3A_551 = arith.constant 0 : i32
      %dma_wait3A_552 = arith.constant 0 : i32
      %dma_wait3A_553 = tpu.memref_slice %arg3[%dma_wait3A_551, %dma_wait3A_552] : memref<100000x2048xf32, #tpu.memory_space<hbm>> -> memref<100000x2048xf32, #tpu.memory_space<hbm>>
      tpu.wait_indirect_dma semaphore(%arg16 : memref<!tpu.dma_semaphore, #tpu.memory_space<semaphore_mem>>) src(%dma_wait3A_553 : memref<100000x2048xf32, #tpu.memory_space<hbm>>) dst(%arg9 : memref<8x2048xf32, #tpu.memory_space<vmem>>)
      %dma_wait3A_554 = arith.constant 0 : i32
      %dma_wait3A_555 = tpu.memref_slice %arg4[%mul3A_2, %dma_wait3A_554] : memref<16384x2048xf32, #tpu.memory_space<hbm>> -> memref<8x2048xf32, #tpu.memory_space<hbm>>
      %dma_wait3A_556 = arith.constant 0 : i32
      %dma_wait3A_557 = tpu.memref_slice %arg4[%mul3A_2, %dma_wait3A_556] : memref<16384x2048xf32, #tpu.memory_space<hbm>> -> memref<8x2048xf32, #tpu.memory_space<hbm>>
      tpu.wait_dma2 semaphore(%arg21 : memref<!tpu.dma_semaphore, #tpu.memory_space<semaphore_mem>>) src(%arg7 : memref<8x2048xf32, #tpu.memory_space<vmem>>) dst(%dma_wait3A_557 : memref<8x2048xf32, #tpu.memory_space<hbm>>)
      %add3A_558 = arith.constant 5 : i32
      %add3A_559 = arith.addi %add3A_546, %add3A_558 : i32
      %dma_start3A_560 = arith.constant 0 : i32
      %dma_start3A_561 = tpu.memref_slice %arg5[%add3A_559, %dma_start3A_560] : memref<64x8xi32, #tpu.memory_space<vmem>> -> memref<1x8xi32, #tpu.memory_space<vmem>>
      %dma_start3A_562 = tpu.memref_squeeze %dma_start3A_561 : memref<1x8xi32, #tpu.memory_space<vmem>> -> memref<8xi32, #tpu.memory_space<vmem>>
      %dma_start3A_563 = arith.constant 0 : i32
      %dma_start3A_564 = arith.constant 0 : i32
      %dma_start3A_565 = tpu.memref_slice %arg3[%dma_start3A_563, %dma_start3A_564] : memref<100000x2048xf32, #tpu.memory_space<hbm>> -> memref<100000x2048xf32, #tpu.memory_space<hbm>>
      tpu.enqueue_indirect_dma source(%dma_start3A_565 : memref<100000x2048xf32, #tpu.memory_space<hbm>>) target(%arg7 : memref<8x2048xf32, #tpu.memory_space<vmem>>) offsets(%dma_start3A_562 : memref<8xi32, #tpu.memory_space<vmem>>) semaphore(%arg14 : memref<!tpu.dma_semaphore, #tpu.memory_space<semaphore_mem>>)
      %scan3A_566 = arith.constant 0 : i32
      %scan3A_567 = arith.constant 8 : i32
      %scan3A_568 = arith.addi %scan3A_566, %scan3A_567 : i32
      %scan3A_569 = arith.constant 1 : i32
      scf.for %scan3A_677 = %scan3A_566 to %scan3A_568 step %scan3A_569  : i32 {
        %mul3A_678 = arith.constant 1 : i32
        %mul3A_679 = arith.muli %scan3A_677, %mul3A_678 : i32
        %add3A_680 = arith.constant 0 : i32
        %add3A_681 = arith.addi %add3A_680, %mul3A_679 : i32
        %scan3A_682 = arith.constant 0 : i32
        %scan3A_683 = arith.constant 128 : i32
        %scan3A_684 = arith.addi %scan3A_682, %scan3A_683 : i32
        %scan3A_685 = arith.constant 8 : i32
        scf.for %scan3A_687 = %scan3A_682 to %scan3A_684 step %scan3A_685  : i32 {
          %mul3A_688 = arith.constant 1 : i32
          %mul3A_689 = arith.muli %scan3A_687, %mul3A_688 : i32
          %add3A_690 = arith.constant 0 : i32
          %add3A_691 = arith.addi %add3A_690, %mul3A_689 : i32
          %mul3A_692 = arith.constant 16 : i32
          %mul3A_693 = arith.muli %add3A_691, %mul3A_692 : i32
          %get3A = arith.index_cast %add3A_681 : i32 to index
          %get3A_694 = arith.index_cast %mul3A_693 : i32 to index
          %get3A_695 = tpu.vector_load %arg9[%get3A, %get3A_694] {strides = array<i32>} : memref<8x2048xf32, #tpu.memory_space<vmem>>, vector<1x16xf32>,
          %get3A_696 = vector.shape_cast %get3A_695 : vector<1x16xf32> to vector<16xf32>
          %mul3A_697 = arith.mulf %get3A_696, %broadcast_in_dim3A_3 : vector<16xf32>
          %swap3A = arith.index_cast %add3A_681 : i32 to index
          %swap3A_698 = arith.index_cast %mul3A_693 : i32 to index
          %swap3A_699 = tpu.vector_load %arg9[%swap3A, %swap3A_698] {strides = array<i32>} : memref<8x2048xf32, #tpu.memory_space<vmem>>, vector<1x16xf32>,
          %swap3A_700 = vector.shape_cast %swap3A_699 : vector<1x16xf32> to vector<16xf32>
          %swap3A_701 = vector.shape_cast %mul3A_697 : vector<16xf32> to vector<1x16xf32>
          tpu.vector_store %arg9[%swap3A, %swap3A_698], %swap3A_701 {strides = array<i32>} : memref<8x2048xf32, #tpu.memory_space<vmem>>, vector<1x16xf32>,
          %scan3A_702 = arith.constant 1 : i32
          %scan3A_703 = arith.addi %scan3A_687, %scan3A_702 : i32
          %mul3A_704 = arith.constant 1 : i32
          %mul3A_705 = arith.muli %scan3A_703, %mul3A_704 : i32
          %add3A_706 = arith.constant 0 : i32
          %add3A_707 = arith.addi %add3A_706, %mul3A_705 : i32
          %mul3A_708 = arith.constant 16 : i32
          %mul3A_709 = arith.muli %add3A_707, %mul3A_708 : i32
          %get3A_710 = arith.index_cast %add3A_681 : i32 to index
          %get3A_711 = arith.index_cast %mul3A_709 : i32 to index
          %get3A_712 = tpu.vector_load %arg9[%get3A_710, %get3A_711] {strides = array<i32>} : memref<8x2048xf32, #tpu.memory_space<vmem>>, vector<1x16xf32>,
          %get3A_713 = vector.shape_cast %get3A_712 : vector<1x16xf32> to vector<16xf32>
          %mul3A_714 = arith.mulf %get3A_713, %broadcast_in_dim3A_3 : vector<16xf32>
          %swap3A_715 = arith.index_cast %add3A_681 : i32 to index
          %swap3A_716 = arith.index_cast %mul3A_709 : i32 to index
          %swap3A_717 = tpu.vector_load %arg9[%swap3A_715, %swap3A_716] {strides = array<i32>} : memref<8x2048xf32, #tpu.memory_space<vmem>>, vector<1x16xf32>,
          %swap3A_718 = vector.shape_cast %swap3A_717 : vector<1x16xf32> to vector<16xf32>
          %swap3A_719 = vector.shape_cast %mul3A_714 : vector<16xf32> to vector<1x16xf32>
          tpu.vector_store %arg9[%swap3A_715, %swap3A_716], %swap3A_719 {strides = array<i32>} : memref<8x2048xf32, #tpu.memory_space<vmem>>, vector<1x16xf32>,
          %scan3A_720 = arith.constant 2 : i32
          %scan3A_721 = arith.addi %scan3A_687, %scan3A_720 : i32
          %mul3A_722 = arith.constant 1 : i32
          %mul3A_723 = arith.muli %scan3A_721, %mul3A_722 : i32
          %add3A_724 = arith.constant 0 : i32
          %add3A_725 = arith.addi %add3A_724, %mul3A_723 : i32
          %mul3A_726 = arith.constant 16 : i32
          %mul3A_727 = arith.muli %add3A_725, %mul3A_726 : i32
          %get3A_728 = arith.index_cast %add3A_681 : i32 to index
          %get3A_729 = arith.index_cast %mul3A_727 : i32 to index
          %get3A_730 = tpu.vector_load %arg9[%get3A_728, %get3A_729] {strides = array<i32>} : memref<8x2048xf32, #tpu.memory_space<vmem>>, vector<1x16xf32>,
          %get3A_731 = vector.shape_cast %get3A_730 : vector<1x16xf32> to vector<16xf32>
          %mul3A_732 = arith.mulf %get3A_731, %broadcast_in_dim3A_3 : vector<16xf32>
          %swap3A_733 = arith.index_cast %add3A_681 : i32 to index
          %swap3A_734 = arith.index_cast %mul3A_727 : i32 to index
          %swap3A_735 = tpu.vector_load %arg9[%swap3A_733, %swap3A_734] {strides = array<i32>} : memref<8x2048xf32, #tpu.memory_space<vmem>>, vector<1x16xf32>,
          %swap3A_736 = vector.shape_cast %swap3A_735 : vector<1x16xf32> to vector<16xf32>
          %swap3A_737 = vector.shape_cast %mul3A_732 : vector<16xf32> to vector<1x16xf32>
          tpu.vector_store %arg9[%swap3A_733, %swap3A_734], %swap3A_737 {strides = array<i32>} : memref<8x2048xf32, #tpu.memory_space<vmem>>, vector<1x16xf32>,
          %scan3A_738 = arith.constant 3 : i32
          %scan3A_739 = arith.addi %scan3A_687, %scan3A_738 : i32
          %mul3A_740 = arith.constant 1 : i32
          %mul3A_741 = arith.muli %scan3A_739, %mul3A_740 : i32
          %add3A_742 = arith.constant 0 : i32
          %add3A_743 = arith.addi %add3A_742, %mul3A_741 : i32
          %mul3A_744 = arith.constant 16 : i32
          %mul3A_745 = arith.muli %add3A_743, %mul3A_744 : i32
          %get3A_746 = arith.index_cast %add3A_681 : i32 to index
          %get3A_747 = arith.index_cast %mul3A_745 : i32 to index
          %get3A_748 = tpu.vector_load %arg9[%get3A_746, %get3A_747] {strides = array<i32>} : memref<8x2048xf32, #tpu.memory_space<vmem>>, vector<1x16xf32>,
          %get3A_749 = vector.shape_cast %get3A_748 : vector<1x16xf32> to vector<16xf32>
          %mul3A_750 = arith.mulf %get3A_749, %broadcast_in_dim3A_3 : vector<16xf32>
          %swap3A_751 = arith.index_cast %add3A_681 : i32 to index
          %swap3A_752 = arith.index_cast %mul3A_745 : i32 to index
          %swap3A_753 = tpu.vector_load %arg9[%swap3A_751, %swap3A_752] {strides = array<i32>} : memref<8x2048xf32, #tpu.memory_space<vmem>>, vector<1x16xf32>,
          %swap3A_754 = vector.shape_cast %swap3A_753 : vector<1x16xf32> to vector<16xf32>
          %swap3A_755 = vector.shape_cast %mul3A_750 : vector<16xf32> to vector<1x16xf32>
          tpu.vector_store %arg9[%swap3A_751, %swap3A_752], %swap3A_755 {strides = array<i32>} : memref<8x2048xf32, #tpu.memory_space<vmem>>, vector<1x16xf32>,
          %scan3A_756 = arith.constant 4 : i32
          %scan3A_757 = arith.addi %scan3A_687, %scan3A_756 : i32
          %mul3A_758 = arith.constant 1 : i32
          %mul3A_759 = arith.muli %scan3A_757, %mul3A_758 : i32
          %add3A_760 = arith.constant 0 : i32
          %add3A_761 = arith.addi %add3A_760, %mul3A_759 : i32
          %mul3A_762 = arith.constant 16 : i32
          %mul3A_763 = arith.muli %add3A_761, %mul3A_762 : i32
          %get3A_764 = arith.index_cast %add3A_681 : i32 to index
          %get3A_765 = arith.index_cast %mul3A_763 : i32 to index
          %get3A_766 = tpu.vector_load %arg9[%get3A_764, %get3A_765] {strides = array<i32>} : memref<8x2048xf32, #tpu.memory_space<vmem>>, vector<1x16xf32>,
          %get3A_767 = vector.shape_cast %get3A_766 : vector<1x16xf32> to vector<16xf32>
          %mul3A_768 = arith.mulf %get3A_767, %broadcast_in_dim3A_3 : vector<16xf32>
          %swap3A_769 = arith.index_cast %add3A_681 : i32 to index
          %swap3A_770 = arith.index_cast %mul3A_763 : i32 to index
          %swap3A_771 = tpu.vector_load %arg9[%swap3A_769, %swap3A_770] {strides = array<i32>} : memref<8x2048xf32, #tpu.memory_space<vmem>>, vector<1x16xf32>,
          %swap3A_772 = vector.shape_cast %swap3A_771 : vector<1x16xf32> to vector<16xf32>
          %swap3A_773 = vector.shape_cast %mul3A_768 : vector<16xf32> to vector<1x16xf32>
          tpu.vector_store %arg9[%swap3A_769, %swap3A_770], %swap3A_773 {strides = array<i32>} : memref<8x2048xf32, #tpu.memory_space<vmem>>, vector<1x16xf32>,
          %scan3A_774 = arith.constant 5 : i32
          %scan3A_775 = arith.addi %scan3A_687, %scan3A_774 : i32
          %mul3A_776 = arith.constant 1 : i32
          %mul3A_777 = arith.muli %scan3A_775, %mul3A_776 : i32
          %add3A_778 = arith.constant 0 : i32
          %add3A_779 = arith.addi %add3A_778, %mul3A_777 : i32
          %mul3A_780 = arith.constant 16 : i32
          %mul3A_781 = arith.muli %add3A_779, %mul3A_780 : i32
          %get3A_782 = arith.index_cast %add3A_681 : i32 to index
          %get3A_783 = arith.index_cast %mul3A_781 : i32 to index
          %get3A_784 = tpu.vector_load %arg9[%get3A_782, %get3A_783] {strides = array<i32>} : memref<8x2048xf32, #tpu.memory_space<vmem>>, vector<1x16xf32>,
          %get3A_785 = vector.shape_cast %get3A_784 : vector<1x16xf32> to vector<16xf32>
          %mul3A_786 = arith.mulf %get3A_785, %broadcast_in_dim3A_3 : vector<16xf32>
          %swap3A_787 = arith.index_cast %add3A_681 : i32 to index
          %swap3A_788 = arith.index_cast %mul3A_781 : i32 to index
          %swap3A_789 = tpu.vector_load %arg9[%swap3A_787, %swap3A_788] {strides = array<i32>} : memref<8x2048xf32, #tpu.memory_space<vmem>>, vector<1x16xf32>,
          %swap3A_790 = vector.shape_cast %swap3A_789 : vector<1x16xf32> to vector<16xf32>
          %swap3A_791 = vector.shape_cast %mul3A_786 : vector<16xf32> to vector<1x16xf32>
          tpu.vector_store %arg9[%swap3A_787, %swap3A_788], %swap3A_791 {strides = array<i32>} : memref<8x2048xf32, #tpu.memory_space<vmem>>, vector<1x16xf32>,
          %scan3A_792 = arith.constant 6 : i32
          %scan3A_793 = arith.addi %scan3A_687, %scan3A_792 : i32
          %mul3A_794 = arith.constant 1 : i32
          %mul3A_795 = arith.muli %scan3A_793, %mul3A_794 : i32
          %add3A_796 = arith.constant 0 : i32
          %add3A_797 = arith.addi %add3A_796, %mul3A_795 : i32
          %mul3A_798 = arith.constant 16 : i32
          %mul3A_799 = arith.muli %add3A_797, %mul3A_798 : i32
          %get3A_800 = arith.index_cast %add3A_681 : i32 to index
          %get3A_801 = arith.index_cast %mul3A_799 : i32 to index
          %get3A_802 = tpu.vector_load %arg9[%get3A_800, %get3A_801] {strides = array<i32>} : memref<8x2048xf32, #tpu.memory_space<vmem>>, vector<1x16xf32>,
          %get3A_803 = vector.shape_cast %get3A_802 : vector<1x16xf32> to vector<16xf32>
          %mul3A_804 = arith.mulf %get3A_803, %broadcast_in_dim3A_3 : vector<16xf32>
          %swap3A_805 = arith.index_cast %add3A_681 : i32 to index
          %swap3A_806 = arith.index_cast %mul3A_799 : i32 to index
          %swap3A_807 = tpu.vector_load %arg9[%swap3A_805, %swap3A_806] {strides = array<i32>} : memref<8x2048xf32, #tpu.memory_space<vmem>>, vector<1x16xf32>,
          %swap3A_808 = vector.shape_cast %swap3A_807 : vector<1x16xf32> to vector<16xf32>
          %swap3A_809 = vector.shape_cast %mul3A_804 : vector<16xf32> to vector<1x16xf32>
          tpu.vector_store %arg9[%swap3A_805, %swap3A_806], %swap3A_809 {strides = array<i32>} : memref<8x2048xf32, #tpu.memory_space<vmem>>, vector<1x16xf32>,
          %scan3A_810 = arith.constant 7 : i32
          %scan3A_811 = arith.addi %scan3A_687, %scan3A_810 : i32
          %mul3A_812 = arith.constant 1 : i32
          %mul3A_813 = arith.muli %scan3A_811, %mul3A_812 : i32
          %add3A_814 = arith.constant 0 : i32
          %add3A_815 = arith.addi %add3A_814, %mul3A_813 : i32
          %mul3A_816 = arith.constant 16 : i32
          %mul3A_817 = arith.muli %add3A_815, %mul3A_816 : i32
          %get3A_818 = arith.index_cast %add3A_681 : i32 to index
          %get3A_819 = arith.index_cast %mul3A_817 : i32 to index
          %get3A_820 = tpu.vector_load %arg9[%get3A_818, %get3A_819] {strides = array<i32>} : memref<8x2048xf32, #tpu.memory_space<vmem>>, vector<1x16xf32>,
          %get3A_821 = vector.shape_cast %get3A_820 : vector<1x16xf32> to vector<16xf32>
          %mul3A_822 = arith.mulf %get3A_821, %broadcast_in_dim3A_3 : vector<16xf32>
          %swap3A_823 = arith.index_cast %add3A_681 : i32 to index
          %swap3A_824 = arith.index_cast %mul3A_817 : i32 to index
          %swap3A_825 = tpu.vector_load %arg9[%swap3A_823, %swap3A_824] {strides = array<i32>} : memref<8x2048xf32, #tpu.memory_space<vmem>>, vector<1x16xf32>,
          %swap3A_826 = vector.shape_cast %swap3A_825 : vector<1x16xf32> to vector<16xf32>
          %swap3A_827 = vector.shape_cast %mul3A_822 : vector<16xf32> to vector<1x16xf32>
          tpu.vector_store %arg9[%swap3A_823, %swap3A_824], %swap3A_827 {strides = array<i32>} : memref<8x2048xf32, #tpu.memory_space<vmem>>, vector<1x16xf32>,
        }
        %scan3A_686 = arith.constant 128 : i32
      }
      %scan3A_570 = arith.constant 8 : i32
      %mul3A_571 = arith.constant 8 : i32
      %mul3A_572 = arith.muli %add3A_546, %mul3A_571 : i32
      %add3A_573 = arith.addi %mul3A_2, %mul3A_572 : i32
      %dma_start3A_574 = arith.constant 0 : i32
      %dma_start3A_575 = tpu.memref_slice %arg4[%add3A_573, %dma_start3A_574] : memref<16384x2048xf32, #tpu.memory_space<hbm>> -> memref<8x2048xf32, #tpu.memory_space<hbm>>
      %dma_start3A_576 = arith.constant 0 : i32
      %dma_start3A_577 = tpu.memref_slice %arg4[%add3A_573, %dma_start3A_576] : memref<16384x2048xf32, #tpu.memory_space<hbm>> -> memref<8x2048xf32, #tpu.memory_space<hbm>>
      tpu.enqueue_dma source(%arg9 : memref<8x2048xf32, #tpu.memory_space<vmem>>) target(%dma_start3A_577 : memref<8x2048xf32, #tpu.memory_space<hbm>>) target_semaphore(%arg23 : memref<!tpu.dma_semaphore, #tpu.memory_space<semaphore_mem>>)
      %add3A_578 = arith.constant 4 : i32
      %add3A_579 = arith.addi %add3A_445, %add3A_578 : i32
      %dma_wait3A_580 = arith.constant 0 : i32
      %dma_wait3A_581 = arith.constant 0 : i32
      %dma_wait3A_582 = tpu.memref_slice %arg5[%dma_wait3A_580, %dma_wait3A_581] : memref<64x8xi32, #tpu.memory_space<vmem>> -> memref<1x8xi32, #tpu.memory_space<vmem>>
      %dma_wait3A_583 = tpu.memref_squeeze %dma_wait3A_582 : memref<1x8xi32, #tpu.memory_space<vmem>> -> memref<8xi32, #tpu.memory_space<vmem>>
      %dma_wait3A_584 = arith.constant 0 : i32
      %dma_wait3A_585 = arith.constant 0 : i32
      %dma_wait3A_586 = tpu.memref_slice %arg3[%dma_wait3A_584, %dma_wait3A_585] : memref<100000x2048xf32, #tpu.memory_space<hbm>> -> memref<100000x2048xf32, #tpu.memory_space<hbm>>
      tpu.wait_indirect_dma semaphore(%arg17 : memref<!tpu.dma_semaphore, #tpu.memory_space<semaphore_mem>>) src(%dma_wait3A_586 : memref<100000x2048xf32, #tpu.memory_space<hbm>>) dst(%arg10 : memref<8x2048xf32, #tpu.memory_space<vmem>>)
      %dma_wait3A_587 = arith.constant 0 : i32
      %dma_wait3A_588 = tpu.memref_slice %arg4[%mul3A_2, %dma_wait3A_587] : memref<16384x2048xf32, #tpu.memory_space<hbm>> -> memref<8x2048xf32, #tpu.memory_space<hbm>>
      %dma_wait3A_589 = arith.constant 0 : i32
      %dma_wait3A_590 = tpu.memref_slice %arg4[%mul3A_2, %dma_wait3A_589] : memref<16384x2048xf32, #tpu.memory_space<hbm>> -> memref<8x2048xf32, #tpu.memory_space<hbm>>
      tpu.wait_dma2 semaphore(%arg22 : memref<!tpu.dma_semaphore, #tpu.memory_space<semaphore_mem>>) src(%arg8 : memref<8x2048xf32, #tpu.memory_space<vmem>>) dst(%dma_wait3A_590 : memref<8x2048xf32, #tpu.memory_space<hbm>>)
      %add3A_591 = arith.constant 5 : i32
      %add3A_592 = arith.addi %add3A_579, %add3A_591 : i32
      %dma_start3A_593 = arith.constant 0 : i32
      %dma_start3A_594 = tpu.memref_slice %arg5[%add3A_592, %dma_start3A_593] : memref<64x8xi32, #tpu.memory_space<vmem>> -> memref<1x8xi32, #tpu.memory_space<vmem>>
      %dma_start3A_595 = tpu.memref_squeeze %dma_start3A_594 : memref<1x8xi32, #tpu.memory_space<vmem>> -> memref<8xi32, #tpu.memory_space<vmem>>
      %dma_start3A_596 = arith.constant 0 : i32
      %dma_start3A_597 = arith.constant 0 : i32
      %dma_start3A_598 = tpu.memref_slice %arg3[%dma_start3A_596, %dma_start3A_597] : memref<100000x2048xf32, #tpu.memory_space<hbm>> -> memref<100000x2048xf32, #tpu.memory_space<hbm>>
      tpu.enqueue_indirect_dma source(%dma_start3A_598 : memref<100000x2048xf32, #tpu.memory_space<hbm>>) target(%arg8 : memref<8x2048xf32, #tpu.memory_space<vmem>>) offsets(%dma_start3A_595 : memref<8xi32, #tpu.memory_space<vmem>>) semaphore(%arg15 : memref<!tpu.dma_semaphore, #tpu.memory_space<semaphore_mem>>)
      %scan3A_599 = arith.constant 0 : i32
      %scan3A_600 = arith.constant 8 : i32
      %scan3A_601 = arith.addi %scan3A_599, %scan3A_600 : i32
      %scan3A_602 = arith.constant 1 : i32
      scf.for %scan3A_677 = %scan3A_599 to %scan3A_601 step %scan3A_602  : i32 {
        %mul3A_678 = arith.constant 1 : i32
        %mul3A_679 = arith.muli %scan3A_677, %mul3A_678 : i32
        %add3A_680 = arith.constant 0 : i32
        %add3A_681 = arith.addi %add3A_680, %mul3A_679 : i32
        %scan3A_682 = arith.constant 0 : i32
        %scan3A_683 = arith.constant 128 : i32
        %scan3A_684 = arith.addi %scan3A_682, %scan3A_683 : i32
        %scan3A_685 = arith.constant 8 : i32
        scf.for %scan3A_687 = %scan3A_682 to %scan3A_684 step %scan3A_685  : i32 {
          %mul3A_688 = arith.constant 1 : i32
          %mul3A_689 = arith.muli %scan3A_687, %mul3A_688 : i32
          %add3A_690 = arith.constant 0 : i32
          %add3A_691 = arith.addi %add3A_690, %mul3A_689 : i32
          %mul3A_692 = arith.constant 16 : i32
          %mul3A_693 = arith.muli %add3A_691, %mul3A_692 : i32
          %get3A = arith.index_cast %add3A_681 : i32 to index
          %get3A_694 = arith.index_cast %mul3A_693 : i32 to index
          %get3A_695 = tpu.vector_load %arg10[%get3A, %get3A_694] {strides = array<i32>} : memref<8x2048xf32, #tpu.memory_space<vmem>>, vector<1x16xf32>,
          %get3A_696 = vector.shape_cast %get3A_695 : vector<1x16xf32> to vector<16xf32>
          %mul3A_697 = arith.mulf %get3A_696, %broadcast_in_dim3A_3 : vector<16xf32>
          %swap3A = arith.index_cast %add3A_681 : i32 to index
          %swap3A_698 = arith.index_cast %mul3A_693 : i32 to index
          %swap3A_699 = tpu.vector_load %arg10[%swap3A, %swap3A_698] {strides = array<i32>} : memref<8x2048xf32, #tpu.memory_space<vmem>>, vector<1x16xf32>,
          %swap3A_700 = vector.shape_cast %swap3A_699 : vector<1x16xf32> to vector<16xf32>
          %swap3A_701 = vector.shape_cast %mul3A_697 : vector<16xf32> to vector<1x16xf32>
          tpu.vector_store %arg10[%swap3A, %swap3A_698], %swap3A_701 {strides = array<i32>} : memref<8x2048xf32, #tpu.memory_space<vmem>>, vector<1x16xf32>,
          %scan3A_702 = arith.constant 1 : i32
          %scan3A_703 = arith.addi %scan3A_687, %scan3A_702 : i32
          %mul3A_704 = arith.constant 1 : i32
          %mul3A_705 = arith.muli %scan3A_703, %mul3A_704 : i32
          %add3A_706 = arith.constant 0 : i32
          %add3A_707 = arith.addi %add3A_706, %mul3A_705 : i32
          %mul3A_708 = arith.constant 16 : i32
          %mul3A_709 = arith.muli %add3A_707, %mul3A_708 : i32
          %get3A_710 = arith.index_cast %add3A_681 : i32 to index
          %get3A_711 = arith.index_cast %mul3A_709 : i32 to index
          %get3A_712 = tpu.vector_load %arg10[%get3A_710, %get3A_711] {strides = array<i32>} : memref<8x2048xf32, #tpu.memory_space<vmem>>, vector<1x16xf32>,
          %get3A_713 = vector.shape_cast %get3A_712 : vector<1x16xf32> to vector<16xf32>
          %mul3A_714 = arith.mulf %get3A_713, %broadcast_in_dim3A_3 : vector<16xf32>
          %swap3A_715 = arith.index_cast %add3A_681 : i32 to index
          %swap3A_716 = arith.index_cast %mul3A_709 : i32 to index
          %swap3A_717 = tpu.vector_load %arg10[%swap3A_715, %swap3A_716] {strides = array<i32>} : memref<8x2048xf32, #tpu.memory_space<vmem>>, vector<1x16xf32>,
          %swap3A_718 = vector.shape_cast %swap3A_717 : vector<1x16xf32> to vector<16xf32>
          %swap3A_719 = vector.shape_cast %mul3A_714 : vector<16xf32> to vector<1x16xf32>
          tpu.vector_store %arg10[%swap3A_715, %swap3A_716], %swap3A_719 {strides = array<i32>} : memref<8x2048xf32, #tpu.memory_space<vmem>>, vector<1x16xf32>,
          %scan3A_720 = arith.constant 2 : i32
          %scan3A_721 = arith.addi %scan3A_687, %scan3A_720 : i32
          %mul3A_722 = arith.constant 1 : i32
          %mul3A_723 = arith.muli %scan3A_721, %mul3A_722 : i32
          %add3A_724 = arith.constant 0 : i32
          %add3A_725 = arith.addi %add3A_724, %mul3A_723 : i32
          %mul3A_726 = arith.constant 16 : i32
          %mul3A_727 = arith.muli %add3A_725, %mul3A_726 : i32
          %get3A_728 = arith.index_cast %add3A_681 : i32 to index
          %get3A_729 = arith.index_cast %mul3A_727 : i32 to index
          %get3A_730 = tpu.vector_load %arg10[%get3A_728, %get3A_729] {strides = array<i32>} : memref<8x2048xf32, #tpu.memory_space<vmem>>, vector<1x16xf32>,
          %get3A_731 = vector.shape_cast %get3A_730 : vector<1x16xf32> to vector<16xf32>
          %mul3A_732 = arith.mulf %get3A_731, %broadcast_in_dim3A_3 : vector<16xf32>
          %swap3A_733 = arith.index_cast %add3A_681 : i32 to index
          %swap3A_734 = arith.index_cast %mul3A_727 : i32 to index
          %swap3A_735 = tpu.vector_load %arg10[%swap3A_733, %swap3A_734] {strides = array<i32>} : memref<8x2048xf32, #tpu.memory_space<vmem>>, vector<1x16xf32>,
          %swap3A_736 = vector.shape_cast %swap3A_735 : vector<1x16xf32> to vector<16xf32>
          %swap3A_737 = vector.shape_cast %mul3A_732 : vector<16xf32> to vector<1x16xf32>
          tpu.vector_store %arg10[%swap3A_733, %swap3A_734], %swap3A_737 {strides = array<i32>} : memref<8x2048xf32, #tpu.memory_space<vmem>>, vector<1x16xf32>,
          %scan3A_738 = arith.constant 3 : i32
          %scan3A_739 = arith.addi %scan3A_687, %scan3A_738 : i32
          %mul3A_740 = arith.constant 1 : i32
          %mul3A_741 = arith.muli %scan3A_739, %mul3A_740 : i32
          %add3A_742 = arith.constant 0 : i32
          %add3A_743 = arith.addi %add3A_742, %mul3A_741 : i32
          %mul3A_744 = arith.constant 16 : i32
          %mul3A_745 = arith.muli %add3A_743, %mul3A_744 : i32
          %get3A_746 = arith.index_cast %add3A_681 : i32 to index
          %get3A_747 = arith.index_cast %mul3A_745 : i32 to index
          %get3A_748 = tpu.vector_load %arg10[%get3A_746, %get3A_747] {strides = array<i32>} : memref<8x2048xf32, #tpu.memory_space<vmem>>, vector<1x16xf32>,
          %get3A_749 = vector.shape_cast %get3A_748 : vector<1x16xf32> to vector<16xf32>
          %mul3A_750 = arith.mulf %get3A_749, %broadcast_in_dim3A_3 : vector<16xf32>
          %swap3A_751 = arith.index_cast %add3A_681 : i32 to index
          %swap3A_752 = arith.index_cast %mul3A_745 : i32 to index
          %swap3A_753 = tpu.vector_load %arg10[%swap3A_751, %swap3A_752] {strides = array<i32>} : memref<8x2048xf32, #tpu.memory_space<vmem>>, vector<1x16xf32>,
          %swap3A_754 = vector.shape_cast %swap3A_753 : vector<1x16xf32> to vector<16xf32>
          %swap3A_755 = vector.shape_cast %mul3A_750 : vector<16xf32> to vector<1x16xf32>
          tpu.vector_store %arg10[%swap3A_751, %swap3A_752], %swap3A_755 {strides = array<i32>} : memref<8x2048xf32, #tpu.memory_space<vmem>>, vector<1x16xf32>,
          %scan3A_756 = arith.constant 4 : i32
          %scan3A_757 = arith.addi %scan3A_687, %scan3A_756 : i32
          %mul3A_758 = arith.constant 1 : i32
          %mul3A_759 = arith.muli %scan3A_757, %mul3A_758 : i32
          %add3A_760 = arith.constant 0 : i32
          %add3A_761 = arith.addi %add3A_760, %mul3A_759 : i32
          %mul3A_762 = arith.constant 16 : i32
          %mul3A_763 = arith.muli %add3A_761, %mul3A_762 : i32
          %get3A_764 = arith.index_cast %add3A_681 : i32 to index
          %get3A_765 = arith.index_cast %mul3A_763 : i32 to index
          %get3A_766 = tpu.vector_load %arg10[%get3A_764, %get3A_765] {strides = array<i32>} : memref<8x2048xf32, #tpu.memory_space<vmem>>, vector<1x16xf32>,
          %get3A_767 = vector.shape_cast %get3A_766 : vector<1x16xf32> to vector<16xf32>
          %mul3A_768 = arith.mulf %get3A_767, %broadcast_in_dim3A_3 : vector<16xf32>
          %swap3A_769 = arith.index_cast %add3A_681 : i32 to index
          %swap3A_770 = arith.index_cast %mul3A_763 : i32 to index
          %swap3A_771 = tpu.vector_load %arg10[%swap3A_769, %swap3A_770] {strides = array<i32>} : memref<8x2048xf32, #tpu.memory_space<vmem>>, vector<1x16xf32>,
          %swap3A_772 = vector.shape_cast %swap3A_771 : vector<1x16xf32> to vector<16xf32>
          %swap3A_773 = vector.shape_cast %mul3A_768 : vector<16xf32> to vector<1x16xf32>
          tpu.vector_store %arg10[%swap3A_769, %swap3A_770], %swap3A_773 {strides = array<i32>} : memref<8x2048xf32, #tpu.memory_space<vmem>>, vector<1x16xf32>,
          %scan3A_774 = arith.constant 5 : i32
          %scan3A_775 = arith.addi %scan3A_687, %scan3A_774 : i32
          %mul3A_776 = arith.constant 1 : i32
          %mul3A_777 = arith.muli %scan3A_775, %mul3A_776 : i32
          %add3A_778 = arith.constant 0 : i32
          %add3A_779 = arith.addi %add3A_778, %mul3A_777 : i32
          %mul3A_780 = arith.constant 16 : i32
          %mul3A_781 = arith.muli %add3A_779, %mul3A_780 : i32
          %get3A_782 = arith.index_cast %add3A_681 : i32 to index
          %get3A_783 = arith.index_cast %mul3A_781 : i32 to index
          %get3A_784 = tpu.vector_load %arg10[%get3A_782, %get3A_783] {strides = array<i32>} : memref<8x2048xf32, #tpu.memory_space<vmem>>, vector<1x16xf32>,
          %get3A_785 = vector.shape_cast %get3A_784 : vector<1x16xf32> to vector<16xf32>
          %mul3A_786 = arith.mulf %get3A_785, %broadcast_in_dim3A_3 : vector<16xf32>
          %swap3A_787 = arith.index_cast %add3A_681 : i32 to index
          %swap3A_788 = arith.index_cast %mul3A_781 : i32 to index
          %swap3A_789 = tpu.vector_load %arg10[%swap3A_787, %swap3A_788] {strides = array<i32>} : memref<8x2048xf32, #tpu.memory_space<vmem>>, vector<1x16xf32>,
          %swap3A_790 = vector.shape_cast %swap3A_789 : vector<1x16xf32> to vector<16xf32>
          %swap3A_791 = vector.shape_cast %mul3A_786 : vector<16xf32> to vector<1x16xf32>
          tpu.vector_store %arg10[%swap3A_787, %swap3A_788], %swap3A_791 {strides = array<i32>} : memref<8x2048xf32, #tpu.memory_space<vmem>>, vector<1x16xf32>,
          %scan3A_792 = arith.constant 6 : i32
          %scan3A_793 = arith.addi %scan3A_687, %scan3A_792 : i32
          %mul3A_794 = arith.constant 1 : i32
          %mul3A_795 = arith.muli %scan3A_793, %mul3A_794 : i32
          %add3A_796 = arith.constant 0 : i32
          %add3A_797 = arith.addi %add3A_796, %mul3A_795 : i32
          %mul3A_798 = arith.constant 16 : i32
          %mul3A_799 = arith.muli %add3A_797, %mul3A_798 : i32
          %get3A_800 = arith.index_cast %add3A_681 : i32 to index
          %get3A_801 = arith.index_cast %mul3A_799 : i32 to index
          %get3A_802 = tpu.vector_load %arg10[%get3A_800, %get3A_801] {strides = array<i32>} : memref<8x2048xf32, #tpu.memory_space<vmem>>, vector<1x16xf32>,
          %get3A_803 = vector.shape_cast %get3A_802 : vector<1x16xf32> to vector<16xf32>
          %mul3A_804 = arith.mulf %get3A_803, %broadcast_in_dim3A_3 : vector<16xf32>
          %swap3A_805 = arith.index_cast %add3A_681 : i32 to index
          %swap3A_806 = arith.index_cast %mul3A_799 : i32 to index
          %swap3A_807 = tpu.vector_load %arg10[%swap3A_805, %swap3A_806] {strides = array<i32>} : memref<8x2048xf32, #tpu.memory_space<vmem>>, vector<1x16xf32>,
          %swap3A_808 = vector.shape_cast %swap3A_807 : vector<1x16xf32> to vector<16xf32>
          %swap3A_809 = vector.shape_cast %mul3A_804 : vector<16xf32> to vector<1x16xf32>
          tpu.vector_store %arg10[%swap3A_805, %swap3A_806], %swap3A_809 {strides = array<i32>} : memref<8x2048xf32, #tpu.memory_space<vmem>>, vector<1x16xf32>,
          %scan3A_810 = arith.constant 7 : i32
          %scan3A_811 = arith.addi %scan3A_687, %scan3A_810 : i32
          %mul3A_812 = arith.constant 1 : i32
          %mul3A_813 = arith.muli %scan3A_811, %mul3A_812 : i32
          %add3A_814 = arith.constant 0 : i32
          %add3A_815 = arith.addi %add3A_814, %mul3A_813 : i32
          %mul3A_816 = arith.constant 16 : i32
          %mul3A_817 = arith.muli %add3A_815, %mul3A_816 : i32
          %get3A_818 = arith.index_cast %add3A_681 : i32 to index
          %get3A_819 = arith.index_cast %mul3A_817 : i32 to index
          %get3A_820 = tpu.vector_load %arg10[%get3A_818, %get3A_819] {strides = array<i32>} : memref<8x2048xf32, #tpu.memory_space<vmem>>, vector<1x16xf32>,
          %get3A_821 = vector.shape_cast %get3A_820 : vector<1x16xf32> to vector<16xf32>
          %mul3A_822 = arith.mulf %get3A_821, %broadcast_in_dim3A_3 : vector<16xf32>
          %swap3A_823 = arith.index_cast %add3A_681 : i32 to index
          %swap3A_824 = arith.index_cast %mul3A_817 : i32 to index
          %swap3A_825 = tpu.vector_load %arg10[%swap3A_823, %swap3A_824] {strides = array<i32>} : memref<8x2048xf32, #tpu.memory_space<vmem>>, vector<1x16xf32>,
          %swap3A_826 = vector.shape_cast %swap3A_825 : vector<1x16xf32> to vector<16xf32>
          %swap3A_827 = vector.shape_cast %mul3A_822 : vector<16xf32> to vector<1x16xf32>
          tpu.vector_store %arg10[%swap3A_823, %swap3A_824], %swap3A_827 {strides = array<i32>} : memref<8x2048xf32, #tpu.memory_space<vmem>>, vector<1x16xf32>,
        }
        %scan3A_686 = arith.constant 128 : i32
      }
      %scan3A_603 = arith.constant 8 : i32
      %mul3A_604 = arith.constant 8 : i32
      %mul3A_605 = arith.muli %add3A_579, %mul3A_604 : i32
      %add3A_606 = arith.addi %mul3A_2, %mul3A_605 : i32
      %dma_start3A_607 = arith.constant 0 : i32
      %dma_start3A_608 = tpu.memref_slice %arg4[%add3A_606, %dma_start3A_607] : memref<16384x2048xf32, #tpu.memory_space<hbm>> -> memref<8x2048xf32, #tpu.memory_space<hbm>>
      %dma_start3A_609 = arith.constant 0 : i32
      %dma_start3A_610 = tpu.memref_slice %arg4[%add3A_606, %dma_start3A_609] : memref<16384x2048xf32, #tpu.memory_space<hbm>> -> memref<8x2048xf32, #tpu.memory_space<hbm>>
      tpu.enqueue_dma source(%arg10 : memref<8x2048xf32, #tpu.memory_space<vmem>>) target(%dma_start3A_610 : memref<8x2048xf32, #tpu.memory_space<hbm>>) target_semaphore(%arg24 : memref<!tpu.dma_semaphore, #tpu.memory_space<semaphore_mem>>)
      %add3A_611 = arith.constant 5 : i32
      %add3A_612 = arith.addi %add3A_445, %add3A_611 : i32
      %dma_wait3A_613 = arith.constant 0 : i32
      %dma_wait3A_614 = arith.constant 0 : i32
      %dma_wait3A_615 = tpu.memref_slice %arg5[%dma_wait3A_613, %dma_wait3A_614] : memref<64x8xi32, #tpu.memory_space<vmem>> -> memref<1x8xi32, #tpu.memory_space<vmem>>
      %dma_wait3A_616 = tpu.memref_squeeze %dma_wait3A_615 : memref<1x8xi32, #tpu.memory_space<vmem>> -> memref<8xi32, #tpu.memory_space<vmem>>
      %dma_wait3A_617 = arith.constant 0 : i32
      %dma_wait3A_618 = arith.constant 0 : i32
      %dma_wait3A_619 = tpu.memref_slice %arg3[%dma_wait3A_617, %dma_wait3A_618] : memref<100000x2048xf32, #tpu.memory_space<hbm>> -> memref<100000x2048xf32, #tpu.memory_space<hbm>>
      tpu.wait_indirect_dma semaphore(%arg18 : memref<!tpu.dma_semaphore, #tpu.memory_space<semaphore_mem>>) src(%dma_wait3A_619 : memref<100000x2048xf32, #tpu.memory_space<hbm>>) dst(%arg11 : memref<8x2048xf32, #tpu.memory_space<vmem>>)
      %dma_wait3A_620 = arith.constant 0 : i32
      %dma_wait3A_621 = tpu.memref_slice %arg4[%mul3A_2, %dma_wait3A_620] : memref<16384x2048xf32, #tpu.memory_space<hbm>> -> memref<8x2048xf32, #tpu.memory_space<hbm>>
      %dma_wait3A_622 = arith.constant 0 : i32
      %dma_wait3A_623 = tpu.memref_slice %arg4[%mul3A_2, %dma_wait3A_622] : memref<16384x2048xf32, #tpu.memory_space<hbm>> -> memref<8x2048xf32, #tpu.memory_space<hbm>>
      tpu.wait_dma2 semaphore(%arg23 : memref<!tpu.dma_semaphore, #tpu.memory_space<semaphore_mem>>) src(%arg9 : memref<8x2048xf32, #tpu.memory_space<vmem>>) dst(%dma_wait3A_623 : memref<8x2048xf32, #tpu.memory_space<hbm>>)
      %add3A_624 = arith.constant 5 : i32
      %add3A_625 = arith.addi %add3A_612, %add3A_624 : i32
      %dma_start3A_626 = arith.constant 0 : i32
      %dma_start3A_627 = tpu.memref_slice %arg5[%add3A_625, %dma_start3A_626] : memref<64x8xi32, #tpu.memory_space<vmem>> -> memref<1x8xi32, #tpu.memory_space<vmem>>
      %dma_start3A_628 = tpu.memref_squeeze %dma_start3A_627 : memref<1x8xi32, #tpu.memory_space<vmem>> -> memref<8xi32, #tpu.memory_space<vmem>>
      %dma_start3A_629 = arith.constant 0 : i32
      %dma_start3A_630 = arith.constant 0 : i32
      %dma_start3A_631 = tpu.memref_slice %arg3[%dma_start3A_629, %dma_start3A_630] : memref<100000x2048xf32, #tpu.memory_space<hbm>> -> memref<100000x2048xf32, #tpu.memory_space<hbm>>
      tpu.enqueue_indirect_dma source(%dma_start3A_631 : memref<100000x2048xf32, #tpu.memory_space<hbm>>) target(%arg9 : memref<8x2048xf32, #tpu.memory_space<vmem>>) offsets(%dma_start3A_628 : memref<8xi32, #tpu.memory_space<vmem>>) semaphore(%arg16 : memref<!tpu.dma_semaphore, #tpu.memory_space<semaphore_mem>>)
      %scan3A_632 = arith.constant 0 : i32
      %scan3A_633 = arith.constant 8 : i32
      %scan3A_634 = arith.addi %scan3A_632, %scan3A_633 : i32
      %scan3A_635 = arith.constant 1 : i32
      scf.for %scan3A_677 = %scan3A_632 to %scan3A_634 step %scan3A_635  : i32 {
        %mul3A_678 = arith.constant 1 : i32
        %mul3A_679 = arith.muli %scan3A_677, %mul3A_678 : i32
        %add3A_680 = arith.constant 0 : i32
        %add3A_681 = arith.addi %add3A_680, %mul3A_679 : i32
        %scan3A_682 = arith.constant 0 : i32
        %scan3A_683 = arith.constant 128 : i32
        %scan3A_684 = arith.addi %scan3A_682, %scan3A_683 : i32
        %scan3A_685 = arith.constant 8 : i32
        scf.for %scan3A_687 = %scan3A_682 to %scan3A_684 step %scan3A_685  : i32 {
          %mul3A_688 = arith.constant 1 : i32
          %mul3A_689 = arith.muli %scan3A_687, %mul3A_688 : i32
          %add3A_690 = arith.constant 0 : i32
          %add3A_691 = arith.addi %add3A_690, %mul3A_689 : i32
          %mul3A_692 = arith.constant 16 : i32
          %mul3A_693 = arith.muli %add3A_691, %mul3A_692 : i32
          %get3A = arith.index_cast %add3A_681 : i32 to index
          %get3A_694 = arith.index_cast %mul3A_693 : i32 to index
          %get3A_695 = tpu.vector_load %arg11[%get3A, %get3A_694] {strides = array<i32>} : memref<8x2048xf32, #tpu.memory_space<vmem>>, vector<1x16xf32>,
          %get3A_696 = vector.shape_cast %get3A_695 : vector<1x16xf32> to vector<16xf32>
          %mul3A_697 = arith.mulf %get3A_696, %broadcast_in_dim3A_3 : vector<16xf32>
          %swap3A = arith.index_cast %add3A_681 : i32 to index
          %swap3A_698 = arith.index_cast %mul3A_693 : i32 to index
          %swap3A_699 = tpu.vector_load %arg11[%swap3A, %swap3A_698] {strides = array<i32>} : memref<8x2048xf32, #tpu.memory_space<vmem>>, vector<1x16xf32>,
          %swap3A_700 = vector.shape_cast %swap3A_699 : vector<1x16xf32> to vector<16xf32>
          %swap3A_701 = vector.shape_cast %mul3A_697 : vector<16xf32> to vector<1x16xf32>
          tpu.vector_store %arg11[%swap3A, %swap3A_698], %swap3A_701 {strides = array<i32>} : memref<8x2048xf32, #tpu.memory_space<vmem>>, vector<1x16xf32>,
          %scan3A_702 = arith.constant 1 : i32
          %scan3A_703 = arith.addi %scan3A_687, %scan3A_702 : i32
          %mul3A_704 = arith.constant 1 : i32
          %mul3A_705 = arith.muli %scan3A_703, %mul3A_704 : i32
          %add3A_706 = arith.constant 0 : i32
          %add3A_707 = arith.addi %add3A_706, %mul3A_705 : i32
          %mul3A_708 = arith.constant 16 : i32
          %mul3A_709 = arith.muli %add3A_707, %mul3A_708 : i32
          %get3A_710 = arith.index_cast %add3A_681 : i32 to index
          %get3A_711 = arith.index_cast %mul3A_709 : i32 to index
          %get3A_712 = tpu.vector_load %arg11[%get3A_710, %get3A_711] {strides = array<i32>} : memref<8x2048xf32, #tpu.memory_space<vmem>>, vector<1x16xf32>,
          %get3A_713 = vector.shape_cast %get3A_712 : vector<1x16xf32> to vector<16xf32>
          %mul3A_714 = arith.mulf %get3A_713, %broadcast_in_dim3A_3 : vector<16xf32>
          %swap3A_715 = arith.index_cast %add3A_681 : i32 to index
          %swap3A_716 = arith.index_cast %mul3A_709 : i32 to index
          %swap3A_717 = tpu.vector_load %arg11[%swap3A_715, %swap3A_716] {strides = array<i32>} : memref<8x2048xf32, #tpu.memory_space<vmem>>, vector<1x16xf32>,
          %swap3A_718 = vector.shape_cast %swap3A_717 : vector<1x16xf32> to vector<16xf32>
          %swap3A_719 = vector.shape_cast %mul3A_714 : vector<16xf32> to vector<1x16xf32>
          tpu.vector_store %arg11[%swap3A_715, %swap3A_716], %swap3A_719 {strides = array<i32>} : memref<8x2048xf32, #tpu.memory_space<vmem>>, vector<1x16xf32>,
          %scan3A_720 = arith.constant 2 : i32
          %scan3A_721 = arith.addi %scan3A_687, %scan3A_720 : i32
          %mul3A_722 = arith.constant 1 : i32
          %mul3A_723 = arith.muli %scan3A_721, %mul3A_722 : i32
          %add3A_724 = arith.constant 0 : i32
          %add3A_725 = arith.addi %add3A_724, %mul3A_723 : i32
          %mul3A_726 = arith.constant 16 : i32
          %mul3A_727 = arith.muli %add3A_725, %mul3A_726 : i32
          %get3A_728 = arith.index_cast %add3A_681 : i32 to index
          %get3A_729 = arith.index_cast %mul3A_727 : i32 to index
          %get3A_730 = tpu.vector_load %arg11[%get3A_728, %get3A_729] {strides = array<i32>} : memref<8x2048xf32, #tpu.memory_space<vmem>>, vector<1x16xf32>,
          %get3A_731 = vector.shape_cast %get3A_730 : vector<1x16xf32> to vector<16xf32>
          %mul3A_732 = arith.mulf %get3A_731, %broadcast_in_dim3A_3 : vector<16xf32>
          %swap3A_733 = arith.index_cast %add3A_681 : i32 to index
          %swap3A_734 = arith.index_cast %mul3A_727 : i32 to index
          %swap3A_735 = tpu.vector_load %arg11[%swap3A_733, %swap3A_734] {strides = array<i32>} : memref<8x2048xf32, #tpu.memory_space<vmem>>, vector<1x16xf32>,
          %swap3A_736 = vector.shape_cast %swap3A_735 : vector<1x16xf32> to vector<16xf32>
          %swap3A_737 = vector.shape_cast %mul3A_732 : vector<16xf32> to vector<1x16xf32>
          tpu.vector_store %arg11[%swap3A_733, %swap3A_734], %swap3A_737 {strides = array<i32>} : memref<8x2048xf32, #tpu.memory_space<vmem>>, vector<1x16xf32>,
          %scan3A_738 = arith.constant 3 : i32
          %scan3A_739 = arith.addi %scan3A_687, %scan3A_738 : i32
          %mul3A_740 = arith.constant 1 : i32
          %mul3A_741 = arith.muli %scan3A_739, %mul3A_740 : i32
          %add3A_742 = arith.constant 0 : i32
          %add3A_743 = arith.addi %add3A_742, %mul3A_741 : i32
          %mul3A_744 = arith.constant 16 : i32
          %mul3A_745 = arith.muli %add3A_743, %mul3A_744 : i32
          %get3A_746 = arith.index_cast %add3A_681 : i32 to index
          %get3A_747 = arith.index_cast %mul3A_745 : i32 to index
          %get3A_748 = tpu.vector_load %arg11[%get3A_746, %get3A_747] {strides = array<i32>} : memref<8x2048xf32, #tpu.memory_space<vmem>>, vector<1x16xf32>,
          %get3A_749 = vector.shape_cast %get3A_748 : vector<1x16xf32> to vector<16xf32>
          %mul3A_750 = arith.mulf %get3A_749, %broadcast_in_dim3A_3 : vector<16xf32>
          %swap3A_751 = arith.index_cast %add3A_681 : i32 to index
          %swap3A_752 = arith.index_cast %mul3A_745 : i32 to index
          %swap3A_753 = tpu.vector_load %arg11[%swap3A_751, %swap3A_752] {strides = array<i32>} : memref<8x2048xf32, #tpu.memory_space<vmem>>, vector<1x16xf32>,
          %swap3A_754 = vector.shape_cast %swap3A_753 : vector<1x16xf32> to vector<16xf32>
          %swap3A_755 = vector.shape_cast %mul3A_750 : vector<16xf32> to vector<1x16xf32>
          tpu.vector_store %arg11[%swap3A_751, %swap3A_752], %swap3A_755 {strides = array<i32>} : memref<8x2048xf32, #tpu.memory_space<vmem>>, vector<1x16xf32>,
          %scan3A_756 = arith.constant 4 : i32
          %scan3A_757 = arith.addi %scan3A_687, %scan3A_756 : i32
          %mul3A_758 = arith.constant 1 : i32
          %mul3A_759 = arith.muli %scan3A_757, %mul3A_758 : i32
          %add3A_760 = arith.constant 0 : i32
          %add3A_761 = arith.addi %add3A_760, %mul3A_759 : i32
          %mul3A_762 = arith.constant 16 : i32
          %mul3A_763 = arith.muli %add3A_761, %mul3A_762 : i32
          %get3A_764 = arith.index_cast %add3A_681 : i32 to index
          %get3A_765 = arith.index_cast %mul3A_763 : i32 to index
          %get3A_766 = tpu.vector_load %arg11[%get3A_764, %get3A_765] {strides = array<i32>} : memref<8x2048xf32, #tpu.memory_space<vmem>>, vector<1x16xf32>,
          %get3A_767 = vector.shape_cast %get3A_766 : vector<1x16xf32> to vector<16xf32>
          %mul3A_768 = arith.mulf %get3A_767, %broadcast_in_dim3A_3 : vector<16xf32>
          %swap3A_769 = arith.index_cast %add3A_681 : i32 to index
          %swap3A_770 = arith.index_cast %mul3A_763 : i32 to index
          %swap3A_771 = tpu.vector_load %arg11[%swap3A_769, %swap3A_770] {strides = array<i32>} : memref<8x2048xf32, #tpu.memory_space<vmem>>, vector<1x16xf32>,
          %swap3A_772 = vector.shape_cast %swap3A_771 : vector<1x16xf32> to vector<16xf32>
          %swap3A_773 = vector.shape_cast %mul3A_768 : vector<16xf32> to vector<1x16xf32>
          tpu.vector_store %arg11[%swap3A_769, %swap3A_770], %swap3A_773 {strides = array<i32>} : memref<8x2048xf32, #tpu.memory_space<vmem>>, vector<1x16xf32>,
          %scan3A_774 = arith.constant 5 : i32
          %scan3A_775 = arith.addi %scan3A_687, %scan3A_774 : i32
          %mul3A_776 = arith.constant 1 : i32
          %mul3A_777 = arith.muli %scan3A_775, %mul3A_776 : i32
          %add3A_778 = arith.constant 0 : i32
          %add3A_779 = arith.addi %add3A_778, %mul3A_777 : i32
          %mul3A_780 = arith.constant 16 : i32
          %mul3A_781 = arith.muli %add3A_779, %mul3A_780 : i32
          %get3A_782 = arith.index_cast %add3A_681 : i32 to index
          %get3A_783 = arith.index_cast %mul3A_781 : i32 to index
          %get3A_784 = tpu.vector_load %arg11[%get3A_782, %get3A_783] {strides = array<i32>} : memref<8x2048xf32, #tpu.memory_space<vmem>>, vector<1x16xf32>,
          %get3A_785 = vector.shape_cast %get3A_784 : vector<1x16xf32> to vector<16xf32>
          %mul3A_786 = arith.mulf %get3A_785, %broadcast_in_dim3A_3 : vector<16xf32>
          %swap3A_787 = arith.index_cast %add3A_681 : i32 to index
          %swap3A_788 = arith.index_cast %mul3A_781 : i32 to index
          %swap3A_789 = tpu.vector_load %arg11[%swap3A_787, %swap3A_788] {strides = array<i32>} : memref<8x2048xf32, #tpu.memory_space<vmem>>, vector<1x16xf32>,
          %swap3A_790 = vector.shape_cast %swap3A_789 : vector<1x16xf32> to vector<16xf32>
          %swap3A_791 = vector.shape_cast %mul3A_786 : vector<16xf32> to vector<1x16xf32>
          tpu.vector_store %arg11[%swap3A_787, %swap3A_788], %swap3A_791 {strides = array<i32>} : memref<8x2048xf32, #tpu.memory_space<vmem>>, vector<1x16xf32>,
          %scan3A_792 = arith.constant 6 : i32
          %scan3A_793 = arith.addi %scan3A_687, %scan3A_792 : i32
          %mul3A_794 = arith.constant 1 : i32
          %mul3A_795 = arith.muli %scan3A_793, %mul3A_794 : i32
          %add3A_796 = arith.constant 0 : i32
          %add3A_797 = arith.addi %add3A_796, %mul3A_795 : i32
          %mul3A_798 = arith.constant 16 : i32
          %mul3A_799 = arith.muli %add3A_797, %mul3A_798 : i32
          %get3A_800 = arith.index_cast %add3A_681 : i32 to index
          %get3A_801 = arith.index_cast %mul3A_799 : i32 to index
          %get3A_802 = tpu.vector_load %arg11[%get3A_800, %get3A_801] {strides = array<i32>} : memref<8x2048xf32, #tpu.memory_space<vmem>>, vector<1x16xf32>,
          %get3A_803 = vector.shape_cast %get3A_802 : vector<1x16xf32> to vector<16xf32>
          %mul3A_804 = arith.mulf %get3A_803, %broadcast_in_dim3A_3 : vector<16xf32>
          %swap3A_805 = arith.index_cast %add3A_681 : i32 to index
          %swap3A_806 = arith.index_cast %mul3A_799 : i32 to index
          %swap3A_807 = tpu.vector_load %arg11[%swap3A_805, %swap3A_806] {strides = array<i32>} : memref<8x2048xf32, #tpu.memory_space<vmem>>, vector<1x16xf32>,
          %swap3A_808 = vector.shape_cast %swap3A_807 : vector<1x16xf32> to vector<16xf32>
          %swap3A_809 = vector.shape_cast %mul3A_804 : vector<16xf32> to vector<1x16xf32>
          tpu.vector_store %arg11[%swap3A_805, %swap3A_806], %swap3A_809 {strides = array<i32>} : memref<8x2048xf32, #tpu.memory_space<vmem>>, vector<1x16xf32>,
          %scan3A_810 = arith.constant 7 : i32
          %scan3A_811 = arith.addi %scan3A_687, %scan3A_810 : i32
          %mul3A_812 = arith.constant 1 : i32
          %mul3A_813 = arith.muli %scan3A_811, %mul3A_812 : i32
          %add3A_814 = arith.constant 0 : i32
          %add3A_815 = arith.addi %add3A_814, %mul3A_813 : i32
          %mul3A_816 = arith.constant 16 : i32
          %mul3A_817 = arith.muli %add3A_815, %mul3A_816 : i32
          %get3A_818 = arith.index_cast %add3A_681 : i32 to index
          %get3A_819 = arith.index_cast %mul3A_817 : i32 to index
          %get3A_820 = tpu.vector_load %arg11[%get3A_818, %get3A_819] {strides = array<i32>} : memref<8x2048xf32, #tpu.memory_space<vmem>>, vector<1x16xf32>,
          %get3A_821 = vector.shape_cast %get3A_820 : vector<1x16xf32> to vector<16xf32>
          %mul3A_822 = arith.mulf %get3A_821, %broadcast_in_dim3A_3 : vector<16xf32>
          %swap3A_823 = arith.index_cast %add3A_681 : i32 to index
          %swap3A_824 = arith.index_cast %mul3A_817 : i32 to index
          %swap3A_825 = tpu.vector_load %arg11[%swap3A_823, %swap3A_824] {strides = array<i32>} : memref<8x2048xf32, #tpu.memory_space<vmem>>, vector<1x16xf32>,
          %swap3A_826 = vector.shape_cast %swap3A_825 : vector<1x16xf32> to vector<16xf32>
          %swap3A_827 = vector.shape_cast %mul3A_822 : vector<16xf32> to vector<1x16xf32>
          tpu.vector_store %arg11[%swap3A_823, %swap3A_824], %swap3A_827 {strides = array<i32>} : memref<8x2048xf32, #tpu.memory_space<vmem>>, vector<1x16xf32>,
        }
        %scan3A_686 = arith.constant 128 : i32
      }
      %scan3A_636 = arith.constant 8 : i32
      %mul3A_637 = arith.constant 8 : i32
      %mul3A_638 = arith.muli %add3A_612, %mul3A_637 : i32
      %add3A_639 = arith.addi %mul3A_2, %mul3A_638 : i32
      %dma_start3A_640 = arith.constant 0 : i32
      %dma_start3A_641 = tpu.memref_slice %arg4[%add3A_639, %dma_start3A_640] : memref<16384x2048xf32, #tpu.memory_space<hbm>> -> memref<8x2048xf32, #tpu.memory_space<hbm>>
      %dma_start3A_642 = arith.constant 0 : i32
      %dma_start3A_643 = tpu.memref_slice %arg4[%add3A_639, %dma_start3A_642] : memref<16384x2048xf32, #tpu.memory_space<hbm>> -> memref<8x2048xf32, #tpu.memory_space<hbm>>
      tpu.enqueue_dma source(%arg11 : memref<8x2048xf32, #tpu.memory_space<vmem>>) target(%dma_start3A_643 : memref<8x2048xf32, #tpu.memory_space<hbm>>) target_semaphore(%arg25 : memref<!tpu.dma_semaphore, #tpu.memory_space<semaphore_mem>>)
      %add3A_644 = arith.constant 6 : i32
      %add3A_645 = arith.addi %add3A_445, %add3A_644 : i32
      %dma_wait3A_646 = arith.constant 0 : i32
      %dma_wait3A_647 = arith.constant 0 : i32
      %dma_wait3A_648 = tpu.memref_slice %arg5[%dma_wait3A_646, %dma_wait3A_647] : memref<64x8xi32, #tpu.memory_space<vmem>> -> memref<1x8xi32, #tpu.memory_space<vmem>>
      %dma_wait3A_649 = tpu.memref_squeeze %dma_wait3A_648 : memref<1x8xi32, #tpu.memory_space<vmem>> -> memref<8xi32, #tpu.memory_space<vmem>>
      %dma_wait3A_650 = arith.constant 0 : i32
      %dma_wait3A_651 = arith.constant 0 : i32
      %dma_wait3A_652 = tpu.memref_slice %arg3[%dma_wait3A_650, %dma_wait3A_651] : memref<100000x2048xf32, #tpu.memory_space<hbm>> -> memref<100000x2048xf32, #tpu.memory_space<hbm>>
      tpu.wait_indirect_dma semaphore(%arg19 : memref<!tpu.dma_semaphore, #tpu.memory_space<semaphore_mem>>) src(%dma_wait3A_652 : memref<100000x2048xf32, #tpu.memory_space<hbm>>) dst(%arg12 : memref<8x2048xf32, #tpu.memory_space<vmem>>)
      %dma_wait3A_653 = arith.constant 0 : i32
      %dma_wait3A_654 = tpu.memref_slice %arg4[%mul3A_2, %dma_wait3A_653] : memref<16384x2048xf32, #tpu.memory_space<hbm>> -> memref<8x2048xf32, #tpu.memory_space<hbm>>
      %dma_wait3A_655 = arith.constant 0 : i32
      %dma_wait3A_656 = tpu.memref_slice %arg4[%mul3A_2, %dma_wait3A_655] : memref<16384x2048xf32, #tpu.memory_space<hbm>> -> memref<8x2048xf32, #tpu.memory_space<hbm>>
      tpu.wait_dma2 semaphore(%arg24 : memref<!tpu.dma_semaphore, #tpu.memory_space<semaphore_mem>>) src(%arg10 : memref<8x2048xf32, #tpu.memory_space<vmem>>) dst(%dma_wait3A_656 : memref<8x2048xf32, #tpu.memory_space<hbm>>)
      %add3A_657 = arith.constant 5 : i32
      %add3A_658 = arith.addi %add3A_645, %add3A_657 : i32
      %dma_start3A_659 = arith.constant 0 : i32
      %dma_start3A_660 = tpu.memref_slice %arg5[%add3A_658, %dma_start3A_659] : memref<64x8xi32, #tpu.memory_space<vmem>> -> memref<1x8xi32, #tpu.memory_space<vmem>>
      %dma_start3A_661 = tpu.memref_squeeze %dma_start3A_660 : memref<1x8xi32, #tpu.memory_space<vmem>> -> memref<8xi32, #tpu.memory_space<vmem>>
      %dma_start3A_662 = arith.constant 0 : i32
      %dma_start3A_663 = arith.constant 0 : i32
      %dma_start3A_664 = tpu.memref_slice %arg3[%dma_start3A_662, %dma_start3A_663] : memref<100000x2048xf32, #tpu.memory_space<hbm>> -> memref<100000x2048xf32, #tpu.memory_space<hbm>>
      tpu.enqueue_indirect_dma source(%dma_start3A_664 : memref<100000x2048xf32, #tpu.memory_space<hbm>>) target(%arg10 : memref<8x2048xf32, #tpu.memory_space<vmem>>) offsets(%dma_start3A_661 : memref<8xi32, #tpu.memory_space<vmem>>) semaphore(%arg17 : memref<!tpu.dma_semaphore, #tpu.memory_space<semaphore_mem>>)
      %scan3A_665 = arith.constant 0 : i32
      %scan3A_666 = arith.constant 8 : i32
      %scan3A_667 = arith.addi %scan3A_665, %scan3A_666 : i32
      %scan3A_668 = arith.constant 1 : i32
      scf.for %scan3A_677 = %scan3A_665 to %scan3A_667 step %scan3A_668  : i32 {
        %mul3A_678 = arith.constant 1 : i32
        %mul3A_679 = arith.muli %scan3A_677, %mul3A_678 : i32
        %add3A_680 = arith.constant 0 : i32
        %add3A_681 = arith.addi %add3A_680, %mul3A_679 : i32
        %scan3A_682 = arith.constant 0 : i32
        %scan3A_683 = arith.constant 128 : i32
        %scan3A_684 = arith.addi %scan3A_682, %scan3A_683 : i32
        %scan3A_685 = arith.constant 8 : i32
        scf.for %scan3A_687 = %scan3A_682 to %scan3A_684 step %scan3A_685  : i32 {
          %mul3A_688 = arith.constant 1 : i32
          %mul3A_689 = arith.muli %scan3A_687, %mul3A_688 : i32
          %add3A_690 = arith.constant 0 : i32
          %add3A_691 = arith.addi %add3A_690, %mul3A_689 : i32
          %mul3A_692 = arith.constant 16 : i32
          %mul3A_693 = arith.muli %add3A_691, %mul3A_692 : i32
          %get3A = arith.index_cast %add3A_681 : i32 to index
          %get3A_694 = arith.index_cast %mul3A_693 : i32 to index
          %get3A_695 = tpu.vector_load %arg12[%get3A, %get3A_694] {strides = array<i32>} : memref<8x2048xf32, #tpu.memory_space<vmem>>, vector<1x16xf32>,
          %get3A_696 = vector.shape_cast %get3A_695 : vector<1x16xf32> to vector<16xf32>
          %mul3A_697 = arith.mulf %get3A_696, %broadcast_in_dim3A_3 : vector<16xf32>
          %swap3A = arith.index_cast %add3A_681 : i32 to index
          %swap3A_698 = arith.index_cast %mul3A_693 : i32 to index
          %swap3A_699 = tpu.vector_load %arg12[%swap3A, %swap3A_698] {strides = array<i32>} : memref<8x2048xf32, #tpu.memory_space<vmem>>, vector<1x16xf32>,
          %swap3A_700 = vector.shape_cast %swap3A_699 : vector<1x16xf32> to vector<16xf32>
          %swap3A_701 = vector.shape_cast %mul3A_697 : vector<16xf32> to vector<1x16xf32>
          tpu.vector_store %arg12[%swap3A, %swap3A_698], %swap3A_701 {strides = array<i32>} : memref<8x2048xf32, #tpu.memory_space<vmem>>, vector<1x16xf32>,
          %scan3A_702 = arith.constant 1 : i32
          %scan3A_703 = arith.addi %scan3A_687, %scan3A_702 : i32
          %mul3A_704 = arith.constant 1 : i32
          %mul3A_705 = arith.muli %scan3A_703, %mul3A_704 : i32
          %add3A_706 = arith.constant 0 : i32
          %add3A_707 = arith.addi %add3A_706, %mul3A_705 : i32
          %mul3A_708 = arith.constant 16 : i32
          %mul3A_709 = arith.muli %add3A_707, %mul3A_708 : i32
          %get3A_710 = arith.index_cast %add3A_681 : i32 to index
          %get3A_711 = arith.index_cast %mul3A_709 : i32 to index
          %get3A_712 = tpu.vector_load %arg12[%get3A_710, %get3A_711] {strides = array<i32>} : memref<8x2048xf32, #tpu.memory_space<vmem>>, vector<1x16xf32>,
          %get3A_713 = vector.shape_cast %get3A_712 : vector<1x16xf32> to vector<16xf32>
          %mul3A_714 = arith.mulf %get3A_713, %broadcast_in_dim3A_3 : vector<16xf32>
          %swap3A_715 = arith.index_cast %add3A_681 : i32 to index
          %swap3A_716 = arith.index_cast %mul3A_709 : i32 to index
          %swap3A_717 = tpu.vector_load %arg12[%swap3A_715, %swap3A_716] {strides = array<i32>} : memref<8x2048xf32, #tpu.memory_space<vmem>>, vector<1x16xf32>,
          %swap3A_718 = vector.shape_cast %swap3A_717 : vector<1x16xf32> to vector<16xf32>
          %swap3A_719 = vector.shape_cast %mul3A_714 : vector<16xf32> to vector<1x16xf32>
          tpu.vector_store %arg12[%swap3A_715, %swap3A_716], %swap3A_719 {strides = array<i32>} : memref<8x2048xf32, #tpu.memory_space<vmem>>, vector<1x16xf32>,
          %scan3A_720 = arith.constant 2 : i32
          %scan3A_721 = arith.addi %scan3A_687, %scan3A_720 : i32
          %mul3A_722 = arith.constant 1 : i32
          %mul3A_723 = arith.muli %scan3A_721, %mul3A_722 : i32
          %add3A_724 = arith.constant 0 : i32
          %add3A_725 = arith.addi %add3A_724, %mul3A_723 : i32
          %mul3A_726 = arith.constant 16 : i32
          %mul3A_727 = arith.muli %add3A_725, %mul3A_726 : i32
          %get3A_728 = arith.index_cast %add3A_681 : i32 to index
          %get3A_729 = arith.index_cast %mul3A_727 : i32 to index
          %get3A_730 = tpu.vector_load %arg12[%get3A_728, %get3A_729] {strides = array<i32>} : memref<8x2048xf32, #tpu.memory_space<vmem>>, vector<1x16xf32>,
          %get3A_731 = vector.shape_cast %get3A_730 : vector<1x16xf32> to vector<16xf32>
          %mul3A_732 = arith.mulf %get3A_731, %broadcast_in_dim3A_3 : vector<16xf32>
          %swap3A_733 = arith.index_cast %add3A_681 : i32 to index
          %swap3A_734 = arith.index_cast %mul3A_727 : i32 to index
          %swap3A_735 = tpu.vector_load %arg12[%swap3A_733, %swap3A_734] {strides = array<i32>} : memref<8x2048xf32, #tpu.memory_space<vmem>>, vector<1x16xf32>,
          %swap3A_736 = vector.shape_cast %swap3A_735 : vector<1x16xf32> to vector<16xf32>
          %swap3A_737 = vector.shape_cast %mul3A_732 : vector<16xf32> to vector<1x16xf32>
          tpu.vector_store %arg12[%swap3A_733, %swap3A_734], %swap3A_737 {strides = array<i32>} : memref<8x2048xf32, #tpu.memory_space<vmem>>, vector<1x16xf32>,
          %scan3A_738 = arith.constant 3 : i32
          %scan3A_739 = arith.addi %scan3A_687, %scan3A_738 : i32
          %mul3A_740 = arith.constant 1 : i32
          %mul3A_741 = arith.muli %scan3A_739, %mul3A_740 : i32
          %add3A_742 = arith.constant 0 : i32
          %add3A_743 = arith.addi %add3A_742, %mul3A_741 : i32
          %mul3A_744 = arith.constant 16 : i32
          %mul3A_745 = arith.muli %add3A_743, %mul3A_744 : i32
          %get3A_746 = arith.index_cast %add3A_681 : i32 to index
          %get3A_747 = arith.index_cast %mul3A_745 : i32 to index
          %get3A_748 = tpu.vector_load %arg12[%get3A_746, %get3A_747] {strides = array<i32>} : memref<8x2048xf32, #tpu.memory_space<vmem>>, vector<1x16xf32>,
          %get3A_749 = vector.shape_cast %get3A_748 : vector<1x16xf32> to vector<16xf32>
          %mul3A_750 = arith.mulf %get3A_749, %broadcast_in_dim3A_3 : vector<16xf32>
          %swap3A_751 = arith.index_cast %add3A_681 : i32 to index
          %swap3A_752 = arith.index_cast %mul3A_745 : i32 to index
          %swap3A_753 = tpu.vector_load %arg12[%swap3A_751, %swap3A_752] {strides = array<i32>} : memref<8x2048xf32, #tpu.memory_space<vmem>>, vector<1x16xf32>,
          %swap3A_754 = vector.shape_cast %swap3A_753 : vector<1x16xf32> to vector<16xf32>
          %swap3A_755 = vector.shape_cast %mul3A_750 : vector<16xf32> to vector<1x16xf32>
          tpu.vector_store %arg12[%swap3A_751, %swap3A_752], %swap3A_755 {strides = array<i32>} : memref<8x2048xf32, #tpu.memory_space<vmem>>, vector<1x16xf32>,
          %scan3A_756 = arith.constant 4 : i32
          %scan3A_757 = arith.addi %scan3A_687, %scan3A_756 : i32
          %mul3A_758 = arith.constant 1 : i32
          %mul3A_759 = arith.muli %scan3A_757, %mul3A_758 : i32
          %add3A_760 = arith.constant 0 : i32
          %add3A_761 = arith.addi %add3A_760, %mul3A_759 : i32
          %mul3A_762 = arith.constant 16 : i32
          %mul3A_763 = arith.muli %add3A_761, %mul3A_762 : i32
          %get3A_764 = arith.index_cast %add3A_681 : i32 to index
          %get3A_765 = arith.index_cast %mul3A_763 : i32 to index
          %get3A_766 = tpu.vector_load %arg12[%get3A_764, %get3A_765] {strides = array<i32>} : memref<8x2048xf32, #tpu.memory_space<vmem>>, vector<1x16xf32>,
          %get3A_767 = vector.shape_cast %get3A_766 : vector<1x16xf32> to vector<16xf32>
          %mul3A_768 = arith.mulf %get3A_767, %broadcast_in_dim3A_3 : vector<16xf32>
          %swap3A_769 = arith.index_cast %add3A_681 : i32 to index
          %swap3A_770 = arith.index_cast %mul3A_763 : i32 to index
          %swap3A_771 = tpu.vector_load %arg12[%swap3A_769, %swap3A_770] {strides = array<i32>} : memref<8x2048xf32, #tpu.memory_space<vmem>>, vector<1x16xf32>,
          %swap3A_772 = vector.shape_cast %swap3A_771 : vector<1x16xf32> to vector<16xf32>
          %swap3A_773 = vector.shape_cast %mul3A_768 : vector<16xf32> to vector<1x16xf32>
          tpu.vector_store %arg12[%swap3A_769, %swap3A_770], %swap3A_773 {strides = array<i32>} : memref<8x2048xf32, #tpu.memory_space<vmem>>, vector<1x16xf32>,
          %scan3A_774 = arith.constant 5 : i32
          %scan3A_775 = arith.addi %scan3A_687, %scan3A_774 : i32
          %mul3A_776 = arith.constant 1 : i32
          %mul3A_777 = arith.muli %scan3A_775, %mul3A_776 : i32
          %add3A_778 = arith.constant 0 : i32
          %add3A_779 = arith.addi %add3A_778, %mul3A_777 : i32
          %mul3A_780 = arith.constant 16 : i32
          %mul3A_781 = arith.muli %add3A_779, %mul3A_780 : i32
          %get3A_782 = arith.index_cast %add3A_681 : i32 to index
          %get3A_783 = arith.index_cast %mul3A_781 : i32 to index
          %get3A_784 = tpu.vector_load %arg12[%get3A_782, %get3A_783] {strides = array<i32>} : memref<8x2048xf32, #tpu.memory_space<vmem>>, vector<1x16xf32>,
          %get3A_785 = vector.shape_cast %get3A_784 : vector<1x16xf32> to vector<16xf32>
          %mul3A_786 = arith.mulf %get3A_785, %broadcast_in_dim3A_3 : vector<16xf32>
          %swap3A_787 = arith.index_cast %add3A_681 : i32 to index
          %swap3A_788 = arith.index_cast %mul3A_781 : i32 to index
          %swap3A_789 = tpu.vector_load %arg12[%swap3A_787, %swap3A_788] {strides = array<i32>} : memref<8x2048xf32, #tpu.memory_space<vmem>>, vector<1x16xf32>,
          %swap3A_790 = vector.shape_cast %swap3A_789 : vector<1x16xf32> to vector<16xf32>
          %swap3A_791 = vector.shape_cast %mul3A_786 : vector<16xf32> to vector<1x16xf32>
          tpu.vector_store %arg12[%swap3A_787, %swap3A_788], %swap3A_791 {strides = array<i32>} : memref<8x2048xf32, #tpu.memory_space<vmem>>, vector<1x16xf32>,
          %scan3A_792 = arith.constant 6 : i32
          %scan3A_793 = arith.addi %scan3A_687, %scan3A_792 : i32
          %mul3A_794 = arith.constant 1 : i32
          %mul3A_795 = arith.muli %scan3A_793, %mul3A_794 : i32
          %add3A_796 = arith.constant 0 : i32
          %add3A_797 = arith.addi %add3A_796, %mul3A_795 : i32
          %mul3A_798 = arith.constant 16 : i32
          %mul3A_799 = arith.muli %add3A_797, %mul3A_798 : i32
          %get3A_800 = arith.index_cast %add3A_681 : i32 to index
          %get3A_801 = arith.index_cast %mul3A_799 : i32 to index
          %get3A_802 = tpu.vector_load %arg12[%get3A_800, %get3A_801] {strides = array<i32>} : memref<8x2048xf32, #tpu.memory_space<vmem>>, vector<1x16xf32>,
          %get3A_803 = vector.shape_cast %get3A_802 : vector<1x16xf32> to vector<16xf32>
          %mul3A_804 = arith.mulf %get3A_803, %broadcast_in_dim3A_3 : vector<16xf32>
          %swap3A_805 = arith.index_cast %add3A_681 : i32 to index
          %swap3A_806 = arith.index_cast %mul3A_799 : i32 to index
          %swap3A_807 = tpu.vector_load %arg12[%swap3A_805, %swap3A_806] {strides = array<i32>} : memref<8x2048xf32, #tpu.memory_space<vmem>>, vector<1x16xf32>,
          %swap3A_808 = vector.shape_cast %swap3A_807 : vector<1x16xf32> to vector<16xf32>
          %swap3A_809 = vector.shape_cast %mul3A_804 : vector<16xf32> to vector<1x16xf32>
          tpu.vector_store %arg12[%swap3A_805, %swap3A_806], %swap3A_809 {strides = array<i32>} : memref<8x2048xf32, #tpu.memory_space<vmem>>, vector<1x16xf32>,
          %scan3A_810 = arith.constant 7 : i32
          %scan3A_811 = arith.addi %scan3A_687, %scan3A_810 : i32
          %mul3A_812 = arith.constant 1 : i32
          %mul3A_813 = arith.muli %scan3A_811, %mul3A_812 : i32
          %add3A_814 = arith.constant 0 : i32
          %add3A_815 = arith.addi %add3A_814, %mul3A_813 : i32
          %mul3A_816 = arith.constant 16 : i32
          %mul3A_817 = arith.muli %add3A_815, %mul3A_816 : i32
          %get3A_818 = arith.index_cast %add3A_681 : i32 to index
          %get3A_819 = arith.index_cast %mul3A_817 : i32 to index
          %get3A_820 = tpu.vector_load %arg12[%get3A_818, %get3A_819] {strides = array<i32>} : memref<8x2048xf32, #tpu.memory_space<vmem>>, vector<1x16xf32>,
          %get3A_821 = vector.shape_cast %get3A_820 : vector<1x16xf32> to vector<16xf32>
          %mul3A_822 = arith.mulf %get3A_821, %broadcast_in_dim3A_3 : vector<16xf32>
          %swap3A_823 = arith.index_cast %add3A_681 : i32 to index
          %swap3A_824 = arith.index_cast %mul3A_817 : i32 to index
          %swap3A_825 = tpu.vector_load %arg12[%swap3A_823, %swap3A_824] {strides = array<i32>} : memref<8x2048xf32, #tpu.memory_space<vmem>>, vector<1x16xf32>,
          %swap3A_826 = vector.shape_cast %swap3A_825 : vector<1x16xf32> to vector<16xf32>
          %swap3A_827 = vector.shape_cast %mul3A_822 : vector<16xf32> to vector<1x16xf32>
          tpu.vector_store %arg12[%swap3A_823, %swap3A_824], %swap3A_827 {strides = array<i32>} : memref<8x2048xf32, #tpu.memory_space<vmem>>, vector<1x16xf32>,
        }
        %scan3A_686 = arith.constant 128 : i32
      }
      %scan3A_669 = arith.constant 8 : i32
      %mul3A_670 = arith.constant 8 : i32
      %mul3A_671 = arith.muli %add3A_645, %mul3A_670 : i32
      %add3A_672 = arith.addi %mul3A_2, %mul3A_671 : i32
      %dma_start3A_673 = arith.constant 0 : i32
      %dma_start3A_674 = tpu.memref_slice %arg4[%add3A_672, %dma_start3A_673] : memref<16384x2048xf32, #tpu.memory_space<hbm>> -> memref<8x2048xf32, #tpu.memory_space<hbm>>
      %dma_start3A_675 = arith.constant 0 : i32
      %dma_start3A_676 = tpu.memref_slice %arg4[%add3A_672, %dma_start3A_675] : memref<16384x2048xf32, #tpu.memory_space<hbm>> -> memref<8x2048xf32, #tpu.memory_space<hbm>>
      tpu.enqueue_dma source(%arg12 : memref<8x2048xf32, #tpu.memory_space<vmem>>) target(%dma_start3A_676 : memref<8x2048xf32, #tpu.memory_space<hbm>>) target_semaphore(%arg26 : memref<!tpu.dma_semaphore, #tpu.memory_space<semaphore_mem>>)
    }
    %scan3A_235 = arith.constant 7 : i32
    %dma_wait3A_236 = arith.constant 0 : i32
    %dma_wait3A_237 = arith.constant 0 : i32
    %dma_wait3A_238 = tpu.memref_slice %arg5[%dma_wait3A_236, %dma_wait3A_237] : memref<64x8xi32, #tpu.memory_space<vmem>> -> memref<1x8xi32, #tpu.memory_space<vmem>>
    %dma_wait3A_239 = tpu.memref_squeeze %dma_wait3A_238 : memref<1x8xi32, #tpu.memory_space<vmem>> -> memref<8xi32, #tpu.memory_space<vmem>>
    %dma_wait3A_240 = arith.constant 0 : i32
    %dma_wait3A_241 = arith.constant 0 : i32
    %dma_wait3A_242 = tpu.memref_slice %arg3[%dma_wait3A_240, %dma_wait3A_241] : memref<100000x2048xf32, #tpu.memory_space<hbm>> -> memref<100000x2048xf32, #tpu.memory_space<hbm>>
    tpu.wait_indirect_dma semaphore(%arg13 : memref<!tpu.dma_semaphore, #tpu.memory_space<semaphore_mem>>) src(%dma_wait3A_242 : memref<100000x2048xf32, #tpu.memory_space<hbm>>) dst(%arg6 : memref<8x2048xf32, #tpu.memory_space<vmem>>)
    %dma_wait3A_243 = arith.constant 0 : i32
    %dma_wait3A_244 = tpu.memref_slice %arg4[%mul3A_2, %dma_wait3A_243] : memref<16384x2048xf32, #tpu.memory_space<hbm>> -> memref<8x2048xf32, #tpu.memory_space<hbm>>
    %dma_wait3A_245 = arith.constant 0 : i32
    %dma_wait3A_246 = tpu.memref_slice %arg4[%mul3A_2, %dma_wait3A_245] : memref<16384x2048xf32, #tpu.memory_space<hbm>> -> memref<8x2048xf32, #tpu.memory_space<hbm>>
    tpu.wait_dma2 semaphore(%arg25 : memref<!tpu.dma_semaphore, #tpu.memory_space<semaphore_mem>>) src(%arg11 : memref<8x2048xf32, #tpu.memory_space<vmem>>) dst(%dma_wait3A_246 : memref<8x2048xf32, #tpu.memory_space<hbm>>)
    %dma_start3A_247 = arith.constant 61 : i32
    %dma_start3A_248 = arith.constant 0 : i32
    %dma_start3A_249 = tpu.memref_slice %arg5[%dma_start3A_247, %dma_start3A_248] : memref<64x8xi32, #tpu.memory_space<vmem>> -> memref<1x8xi32, #tpu.memory_space<vmem>>
    %dma_start3A_250 = tpu.memref_squeeze %dma_start3A_249 : memref<1x8xi32, #tpu.memory_space<vmem>> -> memref<8xi32, #tpu.memory_space<vmem>>
    %dma_start3A_251 = arith.constant 0 : i32
    %dma_start3A_252 = arith.constant 0 : i32
    %dma_start3A_253 = tpu.memref_slice %arg3[%dma_start3A_251, %dma_start3A_252] : memref<100000x2048xf32, #tpu.memory_space<hbm>> -> memref<100000x2048xf32, #tpu.memory_space<hbm>>
    tpu.enqueue_indirect_dma source(%dma_start3A_253 : memref<100000x2048xf32, #tpu.memory_space<hbm>>) target(%arg11 : memref<8x2048xf32, #tpu.memory_space<vmem>>) offsets(%dma_start3A_250 : memref<8xi32, #tpu.memory_space<vmem>>) semaphore(%arg18 : memref<!tpu.dma_semaphore, #tpu.memory_space<semaphore_mem>>)
    %scan3A_254 = arith.constant 0 : i32
    %scan3A_255 = arith.constant 8 : i32
    %scan3A_256 = arith.addi %scan3A_254, %scan3A_255 : i32
    %scan3A_257 = arith.constant 1 : i32
    scf.for %scan3A_441 = %scan3A_254 to %scan3A_256 step %scan3A_257  : i32 {
      %mul3A_442 = arith.constant 1 : i32
      %mul3A_443 = arith.muli %scan3A_441, %mul3A_442 : i32
      %add3A_444 = arith.constant 0 : i32
      %add3A_445 = arith.addi %add3A_444, %mul3A_443 : i32
      %scan3A_446 = arith.constant 0 : i32
      %scan3A_447 = arith.constant 128 : i32
      %scan3A_448 = arith.addi %scan3A_446, %scan3A_447 : i32
      %scan3A_449 = arith.constant 8 : i32
      scf.for %scan3A_451 = %scan3A_446 to %scan3A_448 step %scan3A_449  : i32 {
        %mul3A_452 = arith.constant 1 : i32
        %mul3A_453 = arith.muli %scan3A_451, %mul3A_452 : i32
        %add3A_454 = arith.constant 0 : i32
        %add3A_455 = arith.addi %add3A_454, %mul3A_453 : i32
        %mul3A_456 = arith.constant 16 : i32
        %mul3A_457 = arith.muli %add3A_455, %mul3A_456 : i32
        %get3A = arith.index_cast %add3A_445 : i32 to index
        %get3A_458 = arith.index_cast %mul3A_457 : i32 to index
        %get3A_459 = tpu.vector_load %arg6[%get3A, %get3A_458] {strides = array<i32>} : memref<8x2048xf32, #tpu.memory_space<vmem>>, vector<1x16xf32>,
        %get3A_460 = vector.shape_cast %get3A_459 : vector<1x16xf32> to vector<16xf32>
        %mul3A_461 = arith.mulf %get3A_460, %broadcast_in_dim3A_3 : vector<16xf32>
        %swap3A = arith.index_cast %add3A_445 : i32 to index
        %swap3A_462 = arith.index_cast %mul3A_457 : i32 to index
        %swap3A_463 = tpu.vector_load %arg6[%swap3A, %swap3A_462] {strides = array<i32>} : memref<8x2048xf32, #tpu.memory_space<vmem>>, vector<1x16xf32>,
        %swap3A_464 = vector.shape_cast %swap3A_463 : vector<1x16xf32> to vector<16xf32>
        %swap3A_465 = vector.shape_cast %mul3A_461 : vector<16xf32> to vector<1x16xf32>
        tpu.vector_store %arg6[%swap3A, %swap3A_462], %swap3A_465 {strides = array<i32>} : memref<8x2048xf32, #tpu.memory_space<vmem>>, vector<1x16xf32>,
        %scan3A_466 = arith.constant 1 : i32
        %scan3A_467 = arith.addi %scan3A_451, %scan3A_466 : i32
        %mul3A_468 = arith.constant 1 : i32
        %mul3A_469 = arith.muli %scan3A_467, %mul3A_468 : i32
        %add3A_470 = arith.constant 0 : i32
        %add3A_471 = arith.addi %add3A_470, %mul3A_469 : i32
        %mul3A_472 = arith.constant 16 : i32
        %mul3A_473 = arith.muli %add3A_471, %mul3A_472 : i32
        %get3A_474 = arith.index_cast %add3A_445 : i32 to index
        %get3A_475 = arith.index_cast %mul3A_473 : i32 to index
        %get3A_476 = tpu.vector_load %arg6[%get3A_474, %get3A_475] {strides = array<i32>} : memref<8x2048xf32, #tpu.memory_space<vmem>>, vector<1x16xf32>,
        %get3A_477 = vector.shape_cast %get3A_476 : vector<1x16xf32> to vector<16xf32>
        %mul3A_478 = arith.mulf %get3A_477, %broadcast_in_dim3A_3 : vector<16xf32>
        %swap3A_479 = arith.index_cast %add3A_445 : i32 to index
        %swap3A_480 = arith.index_cast %mul3A_473 : i32 to index
        %swap3A_481 = tpu.vector_load %arg6[%swap3A_479, %swap3A_480] {strides = array<i32>} : memref<8x2048xf32, #tpu.memory_space<vmem>>, vector<1x16xf32>,
        %swap3A_482 = vector.shape_cast %swap3A_481 : vector<1x16xf32> to vector<16xf32>
        %swap3A_483 = vector.shape_cast %mul3A_478 : vector<16xf32> to vector<1x16xf32>
        tpu.vector_store %arg6[%swap3A_479, %swap3A_480], %swap3A_483 {strides = array<i32>} : memref<8x2048xf32, #tpu.memory_space<vmem>>, vector<1x16xf32>,
        %scan3A_484 = arith.constant 2 : i32
        %scan3A_485 = arith.addi %scan3A_451, %scan3A_484 : i32
        %mul3A_486 = arith.constant 1 : i32
        %mul3A_487 = arith.muli %scan3A_485, %mul3A_486 : i32
        %add3A_488 = arith.constant 0 : i32
        %add3A_489 = arith.addi %add3A_488, %mul3A_487 : i32
        %mul3A_490 = arith.constant 16 : i32
        %mul3A_491 = arith.muli %add3A_489, %mul3A_490 : i32
        %get3A_492 = arith.index_cast %add3A_445 : i32 to index
        %get3A_493 = arith.index_cast %mul3A_491 : i32 to index
        %get3A_494 = tpu.vector_load %arg6[%get3A_492, %get3A_493] {strides = array<i32>} : memref<8x2048xf32, #tpu.memory_space<vmem>>, vector<1x16xf32>,
        %get3A_495 = vector.shape_cast %get3A_494 : vector<1x16xf32> to vector<16xf32>
        %mul3A_496 = arith.mulf %get3A_495, %broadcast_in_dim3A_3 : vector<16xf32>
        %swap3A_497 = arith.index_cast %add3A_445 : i32 to index
        %swap3A_498 = arith.index_cast %mul3A_491 : i32 to index
        %swap3A_499 = tpu.vector_load %arg6[%swap3A_497, %swap3A_498] {strides = array<i32>} : memref<8x2048xf32, #tpu.memory_space<vmem>>, vector<1x16xf32>,
        %swap3A_500 = vector.shape_cast %swap3A_499 : vector<1x16xf32> to vector<16xf32>
        %swap3A_501 = vector.shape_cast %mul3A_496 : vector<16xf32> to vector<1x16xf32>
        tpu.vector_store %arg6[%swap3A_497, %swap3A_498], %swap3A_501 {strides = array<i32>} : memref<8x2048xf32, #tpu.memory_space<vmem>>, vector<1x16xf32>,
        %scan3A_502 = arith.constant 3 : i32
        %scan3A_503 = arith.addi %scan3A_451, %scan3A_502 : i32
        %mul3A_504 = arith.constant 1 : i32
        %mul3A_505 = arith.muli %scan3A_503, %mul3A_504 : i32
        %add3A_506 = arith.constant 0 : i32
        %add3A_507 = arith.addi %add3A_506, %mul3A_505 : i32
        %mul3A_508 = arith.constant 16 : i32
        %mul3A_509 = arith.muli %add3A_507, %mul3A_508 : i32
        %get3A_510 = arith.index_cast %add3A_445 : i32 to index
        %get3A_511 = arith.index_cast %mul3A_509 : i32 to index
        %get3A_512 = tpu.vector_load %arg6[%get3A_510, %get3A_511] {strides = array<i32>} : memref<8x2048xf32, #tpu.memory_space<vmem>>, vector<1x16xf32>,
        %get3A_513 = vector.shape_cast %get3A_512 : vector<1x16xf32> to vector<16xf32>
        %mul3A_514 = arith.mulf %get3A_513, %broadcast_in_dim3A_3 : vector<16xf32>
        %swap3A_515 = arith.index_cast %add3A_445 : i32 to index
        %swap3A_516 = arith.index_cast %mul3A_509 : i32 to index
        %swap3A_517 = tpu.vector_load %arg6[%swap3A_515, %swap3A_516] {strides = array<i32>} : memref<8x2048xf32, #tpu.memory_space<vmem>>, vector<1x16xf32>,
        %swap3A_518 = vector.shape_cast %swap3A_517 : vector<1x16xf32> to vector<16xf32>
        %swap3A_519 = vector.shape_cast %mul3A_514 : vector<16xf32> to vector<1x16xf32>
        tpu.vector_store %arg6[%swap3A_515, %swap3A_516], %swap3A_519 {strides = array<i32>} : memref<8x2048xf32, #tpu.memory_space<vmem>>, vector<1x16xf32>,
        %scan3A_520 = arith.constant 4 : i32
        %scan3A_521 = arith.addi %scan3A_451, %scan3A_520 : i32
        %mul3A_522 = arith.constant 1 : i32
        %mul3A_523 = arith.muli %scan3A_521, %mul3A_522 : i32
        %add3A_524 = arith.constant 0 : i32
        %add3A_525 = arith.addi %add3A_524, %mul3A_523 : i32
        %mul3A_526 = arith.constant 16 : i32
        %mul3A_527 = arith.muli %add3A_525, %mul3A_526 : i32
        %get3A_528 = arith.index_cast %add3A_445 : i32 to index
        %get3A_529 = arith.index_cast %mul3A_527 : i32 to index
        %get3A_530 = tpu.vector_load %arg6[%get3A_528, %get3A_529] {strides = array<i32>} : memref<8x2048xf32, #tpu.memory_space<vmem>>, vector<1x16xf32>,
        %get3A_531 = vector.shape_cast %get3A_530 : vector<1x16xf32> to vector<16xf32>
        %mul3A_532 = arith.mulf %get3A_531, %broadcast_in_dim3A_3 : vector<16xf32>
        %swap3A_533 = arith.index_cast %add3A_445 : i32 to index
        %swap3A_534 = arith.index_cast %mul3A_527 : i32 to index
        %swap3A_535 = tpu.vector_load %arg6[%swap3A_533, %swap3A_534] {strides = array<i32>} : memref<8x2048xf32, #tpu.memory_space<vmem>>, vector<1x16xf32>,
        %swap3A_536 = vector.shape_cast %swap3A_535 : vector<1x16xf32> to vector<16xf32>
        %swap3A_537 = vector.shape_cast %mul3A_532 : vector<16xf32> to vector<1x16xf32>
        tpu.vector_store %arg6[%swap3A_533, %swap3A_534], %swap3A_537 {strides = array<i32>} : memref<8x2048xf32, #tpu.memory_space<vmem>>, vector<1x16xf32>,
        %scan3A_538 = arith.constant 5 : i32
        %scan3A_539 = arith.addi %scan3A_451, %scan3A_538 : i32
        %mul3A_540 = arith.constant 1 : i32
        %mul3A_541 = arith.muli %scan3A_539, %mul3A_540 : i32
        %add3A_542 = arith.constant 0 : i32
        %add3A_543 = arith.addi %add3A_542, %mul3A_541 : i32
        %mul3A_544 = arith.constant 16 : i32
        %mul3A_545 = arith.muli %add3A_543, %mul3A_544 : i32
        %get3A_546 = arith.index_cast %add3A_445 : i32 to index
        %get3A_547 = arith.index_cast %mul3A_545 : i32 to index
        %get3A_548 = tpu.vector_load %arg6[%get3A_546, %get3A_547] {strides = array<i32>} : memref<8x2048xf32, #tpu.memory_space<vmem>>, vector<1x16xf32>,
        %get3A_549 = vector.shape_cast %get3A_548 : vector<1x16xf32> to vector<16xf32>
        %mul3A_550 = arith.mulf %get3A_549, %broadcast_in_dim3A_3 : vector<16xf32>
        %swap3A_551 = arith.index_cast %add3A_445 : i32 to index
        %swap3A_552 = arith.index_cast %mul3A_545 : i32 to index
        %swap3A_553 = tpu.vector_load %arg6[%swap3A_551, %swap3A_552] {strides = array<i32>} : memref<8x2048xf32, #tpu.memory_space<vmem>>, vector<1x16xf32>,
        %swap3A_554 = vector.shape_cast %swap3A_553 : vector<1x16xf32> to vector<16xf32>
        %swap3A_555 = vector.shape_cast %mul3A_550 : vector<16xf32> to vector<1x16xf32>
        tpu.vector_store %arg6[%swap3A_551, %swap3A_552], %swap3A_555 {strides = array<i32>} : memref<8x2048xf32, #tpu.memory_space<vmem>>, vector<1x16xf32>,
        %scan3A_556 = arith.constant 6 : i32
        %scan3A_557 = arith.addi %scan3A_451, %scan3A_556 : i32
        %mul3A_558 = arith.constant 1 : i32
        %mul3A_559 = arith.muli %scan3A_557, %mul3A_558 : i32
        %add3A_560 = arith.constant 0 : i32
        %add3A_561 = arith.addi %add3A_560, %mul3A_559 : i32
        %mul3A_562 = arith.constant 16 : i32
        %mul3A_563 = arith.muli %add3A_561, %mul3A_562 : i32
        %get3A_564 = arith.index_cast %add3A_445 : i32 to index
        %get3A_565 = arith.index_cast %mul3A_563 : i32 to index
        %get3A_566 = tpu.vector_load %arg6[%get3A_564, %get3A_565] {strides = array<i32>} : memref<8x2048xf32, #tpu.memory_space<vmem>>, vector<1x16xf32>,
        %get3A_567 = vector.shape_cast %get3A_566 : vector<1x16xf32> to vector<16xf32>
        %mul3A_568 = arith.mulf %get3A_567, %broadcast_in_dim3A_3 : vector<16xf32>
        %swap3A_569 = arith.index_cast %add3A_445 : i32 to index
        %swap3A_570 = arith.index_cast %mul3A_563 : i32 to index
        %swap3A_571 = tpu.vector_load %arg6[%swap3A_569, %swap3A_570] {strides = array<i32>} : memref<8x2048xf32, #tpu.memory_space<vmem>>, vector<1x16xf32>,
        %swap3A_572 = vector.shape_cast %swap3A_571 : vector<1x16xf32> to vector<16xf32>
        %swap3A_573 = vector.shape_cast %mul3A_568 : vector<16xf32> to vector<1x16xf32>
        tpu.vector_store %arg6[%swap3A_569, %swap3A_570], %swap3A_573 {strides = array<i32>} : memref<8x2048xf32, #tpu.memory_space<vmem>>, vector<1x16xf32>,
        %scan3A_574 = arith.constant 7 : i32
        %scan3A_575 = arith.addi %scan3A_451, %scan3A_574 : i32
        %mul3A_576 = arith.constant 1 : i32
        %mul3A_577 = arith.muli %scan3A_575, %mul3A_576 : i32
        %add3A_578 = arith.constant 0 : i32
        %add3A_579 = arith.addi %add3A_578, %mul3A_577 : i32
        %mul3A_580 = arith.constant 16 : i32
        %mul3A_581 = arith.muli %add3A_579, %mul3A_580 : i32
        %get3A_582 = arith.index_cast %add3A_445 : i32 to index
        %get3A_583 = arith.index_cast %mul3A_581 : i32 to index
        %get3A_584 = tpu.vector_load %arg6[%get3A_582, %get3A_583] {strides = array<i32>} : memref<8x2048xf32, #tpu.memory_space<vmem>>, vector<1x16xf32>,
        %get3A_585 = vector.shape_cast %get3A_584 : vector<1x16xf32> to vector<16xf32>
        %mul3A_586 = arith.mulf %get3A_585, %broadcast_in_dim3A_3 : vector<16xf32>
        %swap3A_587 = arith.index_cast %add3A_445 : i32 to index
        %swap3A_588 = arith.index_cast %mul3A_581 : i32 to index
        %swap3A_589 = tpu.vector_load %arg6[%swap3A_587, %swap3A_588] {strides = array<i32>} : memref<8x2048xf32, #tpu.memory_space<vmem>>, vector<1x16xf32>,
        %swap3A_590 = vector.shape_cast %swap3A_589 : vector<1x16xf32> to vector<16xf32>
        %swap3A_591 = vector.shape_cast %mul3A_586 : vector<16xf32> to vector<1x16xf32>
        tpu.vector_store %arg6[%swap3A_587, %swap3A_588], %swap3A_591 {strides = array<i32>} : memref<8x2048xf32, #tpu.memory_space<vmem>>, vector<1x16xf32>,
      }
      %scan3A_450 = arith.constant 128 : i32
    }
    %scan3A_258 = arith.constant 8 : i32
    %add3A_259 = arith.constant 448 : i32
    %add3A_260 = arith.addi %mul3A_2, %add3A_259 : i32
    %dma_start3A_261 = arith.constant 0 : i32
    %dma_start3A_262 = tpu.memref_slice %arg4[%add3A_260, %dma_start3A_261] : memref<16384x2048xf32, #tpu.memory_space<hbm>> -> memref<8x2048xf32, #tpu.memory_space<hbm>>
    %dma_start3A_263 = arith.constant 0 : i32
    %dma_start3A_264 = tpu.memref_slice %arg4[%add3A_260, %dma_start3A_263] : memref<16384x2048xf32, #tpu.memory_space<hbm>> -> memref<8x2048xf32, #tpu.memory_space<hbm>>
    tpu.enqueue_dma source(%arg6 : memref<8x2048xf32, #tpu.memory_space<vmem>>) target(%dma_start3A_264 : memref<8x2048xf32, #tpu.memory_space<hbm>>) target_semaphore(%arg20 : memref<!tpu.dma_semaphore, #tpu.memory_space<semaphore_mem>>)
    %dma_wait3A_265 = arith.constant 0 : i32
    %dma_wait3A_266 = arith.constant 0 : i32
    %dma_wait3A_267 = tpu.memref_slice %arg5[%dma_wait3A_265, %dma_wait3A_266] : memref<64x8xi32, #tpu.memory_space<vmem>> -> memref<1x8xi32, #tpu.memory_space<vmem>>
    %dma_wait3A_268 = tpu.memref_squeeze %dma_wait3A_267 : memref<1x8xi32, #tpu.memory_space<vmem>> -> memref<8xi32, #tpu.memory_space<vmem>>
    %dma_wait3A_269 = arith.constant 0 : i32
    %dma_wait3A_270 = arith.constant 0 : i32
    %dma_wait3A_271 = tpu.memref_slice %arg3[%dma_wait3A_269, %dma_wait3A_270] : memref<100000x2048xf32, #tpu.memory_space<hbm>> -> memref<100000x2048xf32, #tpu.memory_space<hbm>>
    tpu.wait_indirect_dma semaphore(%arg14 : memref<!tpu.dma_semaphore, #tpu.memory_space<semaphore_mem>>) src(%dma_wait3A_271 : memref<100000x2048xf32, #tpu.memory_space<hbm>>) dst(%arg7 : memref<8x2048xf32, #tpu.memory_space<vmem>>)
    %dma_wait3A_272 = arith.constant 0 : i32
    %dma_wait3A_273 = tpu.memref_slice %arg4[%mul3A_2, %dma_wait3A_272] : memref<16384x2048xf32, #tpu.memory_space<hbm>> -> memref<8x2048xf32, #tpu.memory_space<hbm>>
    %dma_wait3A_274 = arith.constant 0 : i32
    %dma_wait3A_275 = tpu.memref_slice %arg4[%mul3A_2, %dma_wait3A_274] : memref<16384x2048xf32, #tpu.memory_space<hbm>> -> memref<8x2048xf32, #tpu.memory_space<hbm>>
    tpu.wait_dma2 semaphore(%arg26 : memref<!tpu.dma_semaphore, #tpu.memory_space<semaphore_mem>>) src(%arg12 : memref<8x2048xf32, #tpu.memory_space<vmem>>) dst(%dma_wait3A_275 : memref<8x2048xf32, #tpu.memory_space<hbm>>)
    %dma_start3A_276 = arith.constant 62 : i32
    %dma_start3A_277 = arith.constant 0 : i32
    %dma_start3A_278 = tpu.memref_slice %arg5[%dma_start3A_276, %dma_start3A_277] : memref<64x8xi32, #tpu.memory_space<vmem>> -> memref<1x8xi32, #tpu.memory_space<vmem>>
    %dma_start3A_279 = tpu.memref_squeeze %dma_start3A_278 : memref<1x8xi32, #tpu.memory_space<vmem>> -> memref<8xi32, #tpu.memory_space<vmem>>
    %dma_start3A_280 = arith.constant 0 : i32
    %dma_start3A_281 = arith.constant 0 : i32
    %dma_start3A_282 = tpu.memref_slice %arg3[%dma_start3A_280, %dma_start3A_281] : memref<100000x2048xf32, #tpu.memory_space<hbm>> -> memref<100000x2048xf32, #tpu.memory_space<hbm>>
    tpu.enqueue_indirect_dma source(%dma_start3A_282 : memref<100000x2048xf32, #tpu.memory_space<hbm>>) target(%arg12 : memref<8x2048xf32, #tpu.memory_space<vmem>>) offsets(%dma_start3A_279 : memref<8xi32, #tpu.memory_space<vmem>>) semaphore(%arg19 : memref<!tpu.dma_semaphore, #tpu.memory_space<semaphore_mem>>)
    %scan3A_283 = arith.constant 0 : i32
    %scan3A_284 = arith.constant 8 : i32
    %scan3A_285 = arith.addi %scan3A_283, %scan3A_284 : i32
    %scan3A_286 = arith.constant 1 : i32
    scf.for %scan3A_441 = %scan3A_283 to %scan3A_285 step %scan3A_286  : i32 {
      %mul3A_442 = arith.constant 1 : i32
      %mul3A_443 = arith.muli %scan3A_441, %mul3A_442 : i32
      %add3A_444 = arith.constant 0 : i32
      %add3A_445 = arith.addi %add3A_444, %mul3A_443 : i32
      %scan3A_446 = arith.constant 0 : i32
      %scan3A_447 = arith.constant 128 : i32
      %scan3A_448 = arith.addi %scan3A_446, %scan3A_447 : i32
      %scan3A_449 = arith.constant 8 : i32
      scf.for %scan3A_451 = %scan3A_446 to %scan3A_448 step %scan3A_449  : i32 {
        %mul3A_452 = arith.constant 1 : i32
        %mul3A_453 = arith.muli %scan3A_451, %mul3A_452 : i32
        %add3A_454 = arith.constant 0 : i32
        %add3A_455 = arith.addi %add3A_454, %mul3A_453 : i32
        %mul3A_456 = arith.constant 16 : i32
        %mul3A_457 = arith.muli %add3A_455, %mul3A_456 : i32
        %get3A = arith.index_cast %add3A_445 : i32 to index
        %get3A_458 = arith.index_cast %mul3A_457 : i32 to index
        %get3A_459 = tpu.vector_load %arg7[%get3A, %get3A_458] {strides = array<i32>} : memref<8x2048xf32, #tpu.memory_space<vmem>>, vector<1x16xf32>,
        %get3A_460 = vector.shape_cast %get3A_459 : vector<1x16xf32> to vector<16xf32>
        %mul3A_461 = arith.mulf %get3A_460, %broadcast_in_dim3A_3 : vector<16xf32>
        %swap3A = arith.index_cast %add3A_445 : i32 to index
        %swap3A_462 = arith.index_cast %mul3A_457 : i32 to index
        %swap3A_463 = tpu.vector_load %arg7[%swap3A, %swap3A_462] {strides = array<i32>} : memref<8x2048xf32, #tpu.memory_space<vmem>>, vector<1x16xf32>,
        %swap3A_464 = vector.shape_cast %swap3A_463 : vector<1x16xf32> to vector<16xf32>
        %swap3A_465 = vector.shape_cast %mul3A_461 : vector<16xf32> to vector<1x16xf32>
        tpu.vector_store %arg7[%swap3A, %swap3A_462], %swap3A_465 {strides = array<i32>} : memref<8x2048xf32, #tpu.memory_space<vmem>>, vector<1x16xf32>,
        %scan3A_466 = arith.constant 1 : i32
        %scan3A_467 = arith.addi %scan3A_451, %scan3A_466 : i32
        %mul3A_468 = arith.constant 1 : i32
        %mul3A_469 = arith.muli %scan3A_467, %mul3A_468 : i32
        %add3A_470 = arith.constant 0 : i32
        %add3A_471 = arith.addi %add3A_470, %mul3A_469 : i32
        %mul3A_472 = arith.constant 16 : i32
        %mul3A_473 = arith.muli %add3A_471, %mul3A_472 : i32
        %get3A_474 = arith.index_cast %add3A_445 : i32 to index
        %get3A_475 = arith.index_cast %mul3A_473 : i32 to index
        %get3A_476 = tpu.vector_load %arg7[%get3A_474, %get3A_475] {strides = array<i32>} : memref<8x2048xf32, #tpu.memory_space<vmem>>, vector<1x16xf32>,
        %get3A_477 = vector.shape_cast %get3A_476 : vector<1x16xf32> to vector<16xf32>
        %mul3A_478 = arith.mulf %get3A_477, %broadcast_in_dim3A_3 : vector<16xf32>
        %swap3A_479 = arith.index_cast %add3A_445 : i32 to index
        %swap3A_480 = arith.index_cast %mul3A_473 : i32 to index
        %swap3A_481 = tpu.vector_load %arg7[%swap3A_479, %swap3A_480] {strides = array<i32>} : memref<8x2048xf32, #tpu.memory_space<vmem>>, vector<1x16xf32>,
        %swap3A_482 = vector.shape_cast %swap3A_481 : vector<1x16xf32> to vector<16xf32>
        %swap3A_483 = vector.shape_cast %mul3A_478 : vector<16xf32> to vector<1x16xf32>
        tpu.vector_store %arg7[%swap3A_479, %swap3A_480], %swap3A_483 {strides = array<i32>} : memref<8x2048xf32, #tpu.memory_space<vmem>>, vector<1x16xf32>,
        %scan3A_484 = arith.constant 2 : i32
        %scan3A_485 = arith.addi %scan3A_451, %scan3A_484 : i32
        %mul3A_486 = arith.constant 1 : i32
        %mul3A_487 = arith.muli %scan3A_485, %mul3A_486 : i32
        %add3A_488 = arith.constant 0 : i32
        %add3A_489 = arith.addi %add3A_488, %mul3A_487 : i32
        %mul3A_490 = arith.constant 16 : i32
        %mul3A_491 = arith.muli %add3A_489, %mul3A_490 : i32
        %get3A_492 = arith.index_cast %add3A_445 : i32 to index
        %get3A_493 = arith.index_cast %mul3A_491 : i32 to index
        %get3A_494 = tpu.vector_load %arg7[%get3A_492, %get3A_493] {strides = array<i32>} : memref<8x2048xf32, #tpu.memory_space<vmem>>, vector<1x16xf32>,
        %get3A_495 = vector.shape_cast %get3A_494 : vector<1x16xf32> to vector<16xf32>
        %mul3A_496 = arith.mulf %get3A_495, %broadcast_in_dim3A_3 : vector<16xf32>
        %swap3A_497 = arith.index_cast %add3A_445 : i32 to index
        %swap3A_498 = arith.index_cast %mul3A_491 : i32 to index
        %swap3A_499 = tpu.vector_load %arg7[%swap3A_497, %swap3A_498] {strides = array<i32>} : memref<8x2048xf32, #tpu.memory_space<vmem>>, vector<1x16xf32>,
        %swap3A_500 = vector.shape_cast %swap3A_499 : vector<1x16xf32> to vector<16xf32>
        %swap3A_501 = vector.shape_cast %mul3A_496 : vector<16xf32> to vector<1x16xf32>
        tpu.vector_store %arg7[%swap3A_497, %swap3A_498], %swap3A_501 {strides = array<i32>} : memref<8x2048xf32, #tpu.memory_space<vmem>>, vector<1x16xf32>,
        %scan3A_502 = arith.constant 3 : i32
        %scan3A_503 = arith.addi %scan3A_451, %scan3A_502 : i32
        %mul3A_504 = arith.constant 1 : i32
        %mul3A_505 = arith.muli %scan3A_503, %mul3A_504 : i32
        %add3A_506 = arith.constant 0 : i32
        %add3A_507 = arith.addi %add3A_506, %mul3A_505 : i32
        %mul3A_508 = arith.constant 16 : i32
        %mul3A_509 = arith.muli %add3A_507, %mul3A_508 : i32
        %get3A_510 = arith.index_cast %add3A_445 : i32 to index
        %get3A_511 = arith.index_cast %mul3A_509 : i32 to index
        %get3A_512 = tpu.vector_load %arg7[%get3A_510, %get3A_511] {strides = array<i32>} : memref<8x2048xf32, #tpu.memory_space<vmem>>, vector<1x16xf32>,
        %get3A_513 = vector.shape_cast %get3A_512 : vector<1x16xf32> to vector<16xf32>
        %mul3A_514 = arith.mulf %get3A_513, %broadcast_in_dim3A_3 : vector<16xf32>
        %swap3A_515 = arith.index_cast %add3A_445 : i32 to index
        %swap3A_516 = arith.index_cast %mul3A_509 : i32 to index
        %swap3A_517 = tpu.vector_load %arg7[%swap3A_515, %swap3A_516] {strides = array<i32>} : memref<8x2048xf32, #tpu.memory_space<vmem>>, vector<1x16xf32>,
        %swap3A_518 = vector.shape_cast %swap3A_517 : vector<1x16xf32> to vector<16xf32>
        %swap3A_519 = vector.shape_cast %mul3A_514 : vector<16xf32> to vector<1x16xf32>
        tpu.vector_store %arg7[%swap3A_515, %swap3A_516], %swap3A_519 {strides = array<i32>} : memref<8x2048xf32, #tpu.memory_space<vmem>>, vector<1x16xf32>,
        %scan3A_520 = arith.constant 4 : i32
        %scan3A_521 = arith.addi %scan3A_451, %scan3A_520 : i32
        %mul3A_522 = arith.constant 1 : i32
        %mul3A_523 = arith.muli %scan3A_521, %mul3A_522 : i32
        %add3A_524 = arith.constant 0 : i32
        %add3A_525 = arith.addi %add3A_524, %mul3A_523 : i32
        %mul3A_526 = arith.constant 16 : i32
        %mul3A_527 = arith.muli %add3A_525, %mul3A_526 : i32
        %get3A_528 = arith.index_cast %add3A_445 : i32 to index
        %get3A_529 = arith.index_cast %mul3A_527 : i32 to index
        %get3A_530 = tpu.vector_load %arg7[%get3A_528, %get3A_529] {strides = array<i32>} : memref<8x2048xf32, #tpu.memory_space<vmem>>, vector<1x16xf32>,
        %get3A_531 = vector.shape_cast %get3A_530 : vector<1x16xf32> to vector<16xf32>
        %mul3A_532 = arith.mulf %get3A_531, %broadcast_in_dim3A_3 : vector<16xf32>
        %swap3A_533 = arith.index_cast %add3A_445 : i32 to index
        %swap3A_534 = arith.index_cast %mul3A_527 : i32 to index
        %swap3A_535 = tpu.vector_load %arg7[%swap3A_533, %swap3A_534] {strides = array<i32>} : memref<8x2048xf32, #tpu.memory_space<vmem>>, vector<1x16xf32>,
        %swap3A_536 = vector.shape_cast %swap3A_535 : vector<1x16xf32> to vector<16xf32>
        %swap3A_537 = vector.shape_cast %mul3A_532 : vector<16xf32> to vector<1x16xf32>
        tpu.vector_store %arg7[%swap3A_533, %swap3A_534], %swap3A_537 {strides = array<i32>} : memref<8x2048xf32, #tpu.memory_space<vmem>>, vector<1x16xf32>,
        %scan3A_538 = arith.constant 5 : i32
        %scan3A_539 = arith.addi %scan3A_451, %scan3A_538 : i32
        %mul3A_540 = arith.constant 1 : i32
        %mul3A_541 = arith.muli %scan3A_539, %mul3A_540 : i32
        %add3A_542 = arith.constant 0 : i32
        %add3A_543 = arith.addi %add3A_542, %mul3A_541 : i32
        %mul3A_544 = arith.constant 16 : i32
        %mul3A_545 = arith.muli %add3A_543, %mul3A_544 : i32
        %get3A_546 = arith.index_cast %add3A_445 : i32 to index
        %get3A_547 = arith.index_cast %mul3A_545 : i32 to index
        %get3A_548 = tpu.vector_load %arg7[%get3A_546, %get3A_547] {strides = array<i32>} : memref<8x2048xf32, #tpu.memory_space<vmem>>, vector<1x16xf32>,
        %get3A_549 = vector.shape_cast %get3A_548 : vector<1x16xf32> to vector<16xf32>
        %mul3A_550 = arith.mulf %get3A_549, %broadcast_in_dim3A_3 : vector<16xf32>
        %swap3A_551 = arith.index_cast %add3A_445 : i32 to index
        %swap3A_552 = arith.index_cast %mul3A_545 : i32 to index
        %swap3A_553 = tpu.vector_load %arg7[%swap3A_551, %swap3A_552] {strides = array<i32>} : memref<8x2048xf32, #tpu.memory_space<vmem>>, vector<1x16xf32>,
        %swap3A_554 = vector.shape_cast %swap3A_553 : vector<1x16xf32> to vector<16xf32>
        %swap3A_555 = vector.shape_cast %mul3A_550 : vector<16xf32> to vector<1x16xf32>
        tpu.vector_store %arg7[%swap3A_551, %swap3A_552], %swap3A_555 {strides = array<i32>} : memref<8x2048xf32, #tpu.memory_space<vmem>>, vector<1x16xf32>,
        %scan3A_556 = arith.constant 6 : i32
        %scan3A_557 = arith.addi %scan3A_451, %scan3A_556 : i32
        %mul3A_558 = arith.constant 1 : i32
        %mul3A_559 = arith.muli %scan3A_557, %mul3A_558 : i32
        %add3A_560 = arith.constant 0 : i32
        %add3A_561 = arith.addi %add3A_560, %mul3A_559 : i32
        %mul3A_562 = arith.constant 16 : i32
        %mul3A_563 = arith.muli %add3A_561, %mul3A_562 : i32
        %get3A_564 = arith.index_cast %add3A_445 : i32 to index
        %get3A_565 = arith.index_cast %mul3A_563 : i32 to index
        %get3A_566 = tpu.vector_load %arg7[%get3A_564, %get3A_565] {strides = array<i32>} : memref<8x2048xf32, #tpu.memory_space<vmem>>, vector<1x16xf32>,
        %get3A_567 = vector.shape_cast %get3A_566 : vector<1x16xf32> to vector<16xf32>
        %mul3A_568 = arith.mulf %get3A_567, %broadcast_in_dim3A_3 : vector<16xf32>
        %swap3A_569 = arith.index_cast %add3A_445 : i32 to index
        %swap3A_570 = arith.index_cast %mul3A_563 : i32 to index
        %swap3A_571 = tpu.vector_load %arg7[%swap3A_569, %swap3A_570] {strides = array<i32>} : memref<8x2048xf32, #tpu.memory_space<vmem>>, vector<1x16xf32>,
        %swap3A_572 = vector.shape_cast %swap3A_571 : vector<1x16xf32> to vector<16xf32>
        %swap3A_573 = vector.shape_cast %mul3A_568 : vector<16xf32> to vector<1x16xf32>
        tpu.vector_store %arg7[%swap3A_569, %swap3A_570], %swap3A_573 {strides = array<i32>} : memref<8x2048xf32, #tpu.memory_space<vmem>>, vector<1x16xf32>,
        %scan3A_574 = arith.constant 7 : i32
        %scan3A_575 = arith.addi %scan3A_451, %scan3A_574 : i32
        %mul3A_576 = arith.constant 1 : i32
        %mul3A_577 = arith.muli %scan3A_575, %mul3A_576 : i32
        %add3A_578 = arith.constant 0 : i32
        %add3A_579 = arith.addi %add3A_578, %mul3A_577 : i32
        %mul3A_580 = arith.constant 16 : i32
        %mul3A_581 = arith.muli %add3A_579, %mul3A_580 : i32
        %get3A_582 = arith.index_cast %add3A_445 : i32 to index
        %get3A_583 = arith.index_cast %mul3A_581 : i32 to index
        %get3A_584 = tpu.vector_load %arg7[%get3A_582, %get3A_583] {strides = array<i32>} : memref<8x2048xf32, #tpu.memory_space<vmem>>, vector<1x16xf32>,
        %get3A_585 = vector.shape_cast %get3A_584 : vector<1x16xf32> to vector<16xf32>
        %mul3A_586 = arith.mulf %get3A_585, %broadcast_in_dim3A_3 : vector<16xf32>
        %swap3A_587 = arith.index_cast %add3A_445 : i32 to index
        %swap3A_588 = arith.index_cast %mul3A_581 : i32 to index
        %swap3A_589 = tpu.vector_load %arg7[%swap3A_587, %swap3A_588] {strides = array<i32>} : memref<8x2048xf32, #tpu.memory_space<vmem>>, vector<1x16xf32>,
        %swap3A_590 = vector.shape_cast %swap3A_589 : vector<1x16xf32> to vector<16xf32>
        %swap3A_591 = vector.shape_cast %mul3A_586 : vector<16xf32> to vector<1x16xf32>
        tpu.vector_store %arg7[%swap3A_587, %swap3A_588], %swap3A_591 {strides = array<i32>} : memref<8x2048xf32, #tpu.memory_space<vmem>>, vector<1x16xf32>,
      }
      %scan3A_450 = arith.constant 128 : i32
    }
    %scan3A_287 = arith.constant 8 : i32
    %add3A_288 = arith.constant 456 : i32
    %add3A_289 = arith.addi %mul3A_2, %add3A_288 : i32
    %dma_start3A_290 = arith.constant 0 : i32
    %dma_start3A_291 = tpu.memref_slice %arg4[%add3A_289, %dma_start3A_290] : memref<16384x2048xf32, #tpu.memory_space<hbm>> -> memref<8x2048xf32, #tpu.memory_space<hbm>>
    %dma_start3A_292 = arith.constant 0 : i32
    %dma_start3A_293 = tpu.memref_slice %arg4[%add3A_289, %dma_start3A_292] : memref<16384x2048xf32, #tpu.memory_space<hbm>> -> memref<8x2048xf32, #tpu.memory_space<hbm>>
    tpu.enqueue_dma source(%arg7 : memref<8x2048xf32, #tpu.memory_space<vmem>>) target(%dma_start3A_293 : memref<8x2048xf32, #tpu.memory_space<hbm>>) target_semaphore(%arg21 : memref<!tpu.dma_semaphore, #tpu.memory_space<semaphore_mem>>)
    %dma_wait3A_294 = arith.constant 0 : i32
    %dma_wait3A_295 = arith.constant 0 : i32
    %dma_wait3A_296 = tpu.memref_slice %arg5[%dma_wait3A_294, %dma_wait3A_295] : memref<64x8xi32, #tpu.memory_space<vmem>> -> memref<1x8xi32, #tpu.memory_space<vmem>>
    %dma_wait3A_297 = tpu.memref_squeeze %dma_wait3A_296 : memref<1x8xi32, #tpu.memory_space<vmem>> -> memref<8xi32, #tpu.memory_space<vmem>>
    %dma_wait3A_298 = arith.constant 0 : i32
    %dma_wait3A_299 = arith.constant 0 : i32
    %dma_wait3A_300 = tpu.memref_slice %arg3[%dma_wait3A_298, %dma_wait3A_299] : memref<100000x2048xf32, #tpu.memory_space<hbm>> -> memref<100000x2048xf32, #tpu.memory_space<hbm>>
    tpu.wait_indirect_dma semaphore(%arg15 : memref<!tpu.dma_semaphore, #tpu.memory_space<semaphore_mem>>) src(%dma_wait3A_300 : memref<100000x2048xf32, #tpu.memory_space<hbm>>) dst(%arg8 : memref<8x2048xf32, #tpu.memory_space<vmem>>)
    %dma_wait3A_301 = arith.constant 0 : i32
    %dma_wait3A_302 = tpu.memref_slice %arg4[%mul3A_2, %dma_wait3A_301] : memref<16384x2048xf32, #tpu.memory_space<hbm>> -> memref<8x2048xf32, #tpu.memory_space<hbm>>
    %dma_wait3A_303 = arith.constant 0 : i32
    %dma_wait3A_304 = tpu.memref_slice %arg4[%mul3A_2, %dma_wait3A_303] : memref<16384x2048xf32, #tpu.memory_space<hbm>> -> memref<8x2048xf32, #tpu.memory_space<hbm>>
    tpu.wait_dma2 semaphore(%arg20 : memref<!tpu.dma_semaphore, #tpu.memory_space<semaphore_mem>>) src(%arg6 : memref<8x2048xf32, #tpu.memory_space<vmem>>) dst(%dma_wait3A_304 : memref<8x2048xf32, #tpu.memory_space<hbm>>)
    %dma_start3A_305 = arith.constant 63 : i32
    %dma_start3A_306 = arith.constant 0 : i32
    %dma_start3A_307 = tpu.memref_slice %arg5[%dma_start3A_305, %dma_start3A_306] : memref<64x8xi32, #tpu.memory_space<vmem>> -> memref<1x8xi32, #tpu.memory_space<vmem>>
    %dma_start3A_308 = tpu.memref_squeeze %dma_start3A_307 : memref<1x8xi32, #tpu.memory_space<vmem>> -> memref<8xi32, #tpu.memory_space<vmem>>
    %dma_start3A_309 = arith.constant 0 : i32
    %dma_start3A_310 = arith.constant 0 : i32
    %dma_start3A_311 = tpu.memref_slice %arg3[%dma_start3A_309, %dma_start3A_310] : memref<100000x2048xf32, #tpu.memory_space<hbm>> -> memref<100000x2048xf32, #tpu.memory_space<hbm>>
    tpu.enqueue_indirect_dma source(%dma_start3A_311 : memref<100000x2048xf32, #tpu.memory_space<hbm>>) target(%arg6 : memref<8x2048xf32, #tpu.memory_space<vmem>>) offsets(%dma_start3A_308 : memref<8xi32, #tpu.memory_space<vmem>>) semaphore(%arg13 : memref<!tpu.dma_semaphore, #tpu.memory_space<semaphore_mem>>)
    %scan3A_312 = arith.constant 0 : i32
    %scan3A_313 = arith.constant 8 : i32
    %scan3A_314 = arith.addi %scan3A_312, %scan3A_313 : i32
    %scan3A_315 = arith.constant 1 : i32
    scf.for %scan3A_441 = %scan3A_312 to %scan3A_314 step %scan3A_315  : i32 {
      %mul3A_442 = arith.constant 1 : i32
      %mul3A_443 = arith.muli %scan3A_441, %mul3A_442 : i32
      %add3A_444 = arith.constant 0 : i32
      %add3A_445 = arith.addi %add3A_444, %mul3A_443 : i32
      %scan3A_446 = arith.constant 0 : i32
      %scan3A_447 = arith.constant 128 : i32
      %scan3A_448 = arith.addi %scan3A_446, %scan3A_447 : i32
      %scan3A_449 = arith.constant 8 : i32
      scf.for %scan3A_451 = %scan3A_446 to %scan3A_448 step %scan3A_449  : i32 {
        %mul3A_452 = arith.constant 1 : i32
        %mul3A_453 = arith.muli %scan3A_451, %mul3A_452 : i32
        %add3A_454 = arith.constant 0 : i32
        %add3A_455 = arith.addi %add3A_454, %mul3A_453 : i32
        %mul3A_456 = arith.constant 16 : i32
        %mul3A_457 = arith.muli %add3A_455, %mul3A_456 : i32
        %get3A = arith.index_cast %add3A_445 : i32 to index
        %get3A_458 = arith.index_cast %mul3A_457 : i32 to index
        %get3A_459 = tpu.vector_load %arg8[%get3A, %get3A_458] {strides = array<i32>} : memref<8x2048xf32, #tpu.memory_space<vmem>>, vector<1x16xf32>,
        %get3A_460 = vector.shape_cast %get3A_459 : vector<1x16xf32> to vector<16xf32>
        %mul3A_461 = arith.mulf %get3A_460, %broadcast_in_dim3A_3 : vector<16xf32>
        %swap3A = arith.index_cast %add3A_445 : i32 to index
        %swap3A_462 = arith.index_cast %mul3A_457 : i32 to index
        %swap3A_463 = tpu.vector_load %arg8[%swap3A, %swap3A_462] {strides = array<i32>} : memref<8x2048xf32, #tpu.memory_space<vmem>>, vector<1x16xf32>,
        %swap3A_464 = vector.shape_cast %swap3A_463 : vector<1x16xf32> to vector<16xf32>
        %swap3A_465 = vector.shape_cast %mul3A_461 : vector<16xf32> to vector<1x16xf32>
        tpu.vector_store %arg8[%swap3A, %swap3A_462], %swap3A_465 {strides = array<i32>} : memref<8x2048xf32, #tpu.memory_space<vmem>>, vector<1x16xf32>,
        %scan3A_466 = arith.constant 1 : i32
        %scan3A_467 = arith.addi %scan3A_451, %scan3A_466 : i32
        %mul3A_468 = arith.constant 1 : i32
        %mul3A_469 = arith.muli %scan3A_467, %mul3A_468 : i32
        %add3A_470 = arith.constant 0 : i32
        %add3A_471 = arith.addi %add3A_470, %mul3A_469 : i32
        %mul3A_472 = arith.constant 16 : i32
        %mul3A_473 = arith.muli %add3A_471, %mul3A_472 : i32
        %get3A_474 = arith.index_cast %add3A_445 : i32 to index
        %get3A_475 = arith.index_cast %mul3A_473 : i32 to index
        %get3A_476 = tpu.vector_load %arg8[%get3A_474, %get3A_475] {strides = array<i32>} : memref<8x2048xf32, #tpu.memory_space<vmem>>, vector<1x16xf32>,
        %get3A_477 = vector.shape_cast %get3A_476 : vector<1x16xf32> to vector<16xf32>
        %mul3A_478 = arith.mulf %get3A_477, %broadcast_in_dim3A_3 : vector<16xf32>
        %swap3A_479 = arith.index_cast %add3A_445 : i32 to index
        %swap3A_480 = arith.index_cast %mul3A_473 : i32 to index
        %swap3A_481 = tpu.vector_load %arg8[%swap3A_479, %swap3A_480] {strides = array<i32>} : memref<8x2048xf32, #tpu.memory_space<vmem>>, vector<1x16xf32>,
        %swap3A_482 = vector.shape_cast %swap3A_481 : vector<1x16xf32> to vector<16xf32>
        %swap3A_483 = vector.shape_cast %mul3A_478 : vector<16xf32> to vector<1x16xf32>
        tpu.vector_store %arg8[%swap3A_479, %swap3A_480], %swap3A_483 {strides = array<i32>} : memref<8x2048xf32, #tpu.memory_space<vmem>>, vector<1x16xf32>,
        %scan3A_484 = arith.constant 2 : i32
        %scan3A_485 = arith.addi %scan3A_451, %scan3A_484 : i32
        %mul3A_486 = arith.constant 1 : i32
        %mul3A_487 = arith.muli %scan3A_485, %mul3A_486 : i32
        %add3A_488 = arith.constant 0 : i32
        %add3A_489 = arith.addi %add3A_488, %mul3A_487 : i32
        %mul3A_490 = arith.constant 16 : i32
        %mul3A_491 = arith.muli %add3A_489, %mul3A_490 : i32
        %get3A_492 = arith.index_cast %add3A_445 : i32 to index
        %get3A_493 = arith.index_cast %mul3A_491 : i32 to index
        %get3A_494 = tpu.vector_load %arg8[%get3A_492, %get3A_493] {strides = array<i32>} : memref<8x2048xf32, #tpu.memory_space<vmem>>, vector<1x16xf32>,
        %get3A_495 = vector.shape_cast %get3A_494 : vector<1x16xf32> to vector<16xf32>
        %mul3A_496 = arith.mulf %get3A_495, %broadcast_in_dim3A_3 : vector<16xf32>
        %swap3A_497 = arith.index_cast %add3A_445 : i32 to index
        %swap3A_498 = arith.index_cast %mul3A_491 : i32 to index
        %swap3A_499 = tpu.vector_load %arg8[%swap3A_497, %swap3A_498] {strides = array<i32>} : memref<8x2048xf32, #tpu.memory_space<vmem>>, vector<1x16xf32>,
        %swap3A_500 = vector.shape_cast %swap3A_499 : vector<1x16xf32> to vector<16xf32>
        %swap3A_501 = vector.shape_cast %mul3A_496 : vector<16xf32> to vector<1x16xf32>
        tpu.vector_store %arg8[%swap3A_497, %swap3A_498], %swap3A_501 {strides = array<i32>} : memref<8x2048xf32, #tpu.memory_space<vmem>>, vector<1x16xf32>,
        %scan3A_502 = arith.constant 3 : i32
        %scan3A_503 = arith.addi %scan3A_451, %scan3A_502 : i32
        %mul3A_504 = arith.constant 1 : i32
        %mul3A_505 = arith.muli %scan3A_503, %mul3A_504 : i32
        %add3A_506 = arith.constant 0 : i32
        %add3A_507 = arith.addi %add3A_506, %mul3A_505 : i32
        %mul3A_508 = arith.constant 16 : i32
        %mul3A_509 = arith.muli %add3A_507, %mul3A_508 : i32
        %get3A_510 = arith.index_cast %add3A_445 : i32 to index
        %get3A_511 = arith.index_cast %mul3A_509 : i32 to index
        %get3A_512 = tpu.vector_load %arg8[%get3A_510, %get3A_511] {strides = array<i32>} : memref<8x2048xf32, #tpu.memory_space<vmem>>, vector<1x16xf32>,
        %get3A_513 = vector.shape_cast %get3A_512 : vector<1x16xf32> to vector<16xf32>
        %mul3A_514 = arith.mulf %get3A_513, %broadcast_in_dim3A_3 : vector<16xf32>
        %swap3A_515 = arith.index_cast %add3A_445 : i32 to index
        %swap3A_516 = arith.index_cast %mul3A_509 : i32 to index
        %swap3A_517 = tpu.vector_load %arg8[%swap3A_515, %swap3A_516] {strides = array<i32>} : memref<8x2048xf32, #tpu.memory_space<vmem>>, vector<1x16xf32>,
        %swap3A_518 = vector.shape_cast %swap3A_517 : vector<1x16xf32> to vector<16xf32>
        %swap3A_519 = vector.shape_cast %mul3A_514 : vector<16xf32> to vector<1x16xf32>
        tpu.vector_store %arg8[%swap3A_515, %swap3A_516], %swap3A_519 {strides = array<i32>} : memref<8x2048xf32, #tpu.memory_space<vmem>>, vector<1x16xf32>,
        %scan3A_520 = arith.constant 4 : i32
        %scan3A_521 = arith.addi %scan3A_451, %scan3A_520 : i32
        %mul3A_522 = arith.constant 1 : i32
        %mul3A_523 = arith.muli %scan3A_521, %mul3A_522 : i32
        %add3A_524 = arith.constant 0 : i32
        %add3A_525 = arith.addi %add3A_524, %mul3A_523 : i32
        %mul3A_526 = arith.constant 16 : i32
        %mul3A_527 = arith.muli %add3A_525, %mul3A_526 : i32
        %get3A_528 = arith.index_cast %add3A_445 : i32 to index
        %get3A_529 = arith.index_cast %mul3A_527 : i32 to index
        %get3A_530 = tpu.vector_load %arg8[%get3A_528, %get3A_529] {strides = array<i32>} : memref<8x2048xf32, #tpu.memory_space<vmem>>, vector<1x16xf32>,
        %get3A_531 = vector.shape_cast %get3A_530 : vector<1x16xf32> to vector<16xf32>
        %mul3A_532 = arith.mulf %get3A_531, %broadcast_in_dim3A_3 : vector<16xf32>
        %swap3A_533 = arith.index_cast %add3A_445 : i32 to index
        %swap3A_534 = arith.index_cast %mul3A_527 : i32 to index
        %swap3A_535 = tpu.vector_load %arg8[%swap3A_533, %swap3A_534] {strides = array<i32>} : memref<8x2048xf32, #tpu.memory_space<vmem>>, vector<1x16xf32>,
        %swap3A_536 = vector.shape_cast %swap3A_535 : vector<1x16xf32> to vector<16xf32>
        %swap3A_537 = vector.shape_cast %mul3A_532 : vector<16xf32> to vector<1x16xf32>
        tpu.vector_store %arg8[%swap3A_533, %swap3A_534], %swap3A_537 {strides = array<i32>} : memref<8x2048xf32, #tpu.memory_space<vmem>>, vector<1x16xf32>,
        %scan3A_538 = arith.constant 5 : i32
        %scan3A_539 = arith.addi %scan3A_451, %scan3A_538 : i32
        %mul3A_540 = arith.constant 1 : i32
        %mul3A_541 = arith.muli %scan3A_539, %mul3A_540 : i32
        %add3A_542 = arith.constant 0 : i32
        %add3A_543 = arith.addi %add3A_542, %mul3A_541 : i32
        %mul3A_544 = arith.constant 16 : i32
        %mul3A_545 = arith.muli %add3A_543, %mul3A_544 : i32
        %get3A_546 = arith.index_cast %add3A_445 : i32 to index
        %get3A_547 = arith.index_cast %mul3A_545 : i32 to index
        %get3A_548 = tpu.vector_load %arg8[%get3A_546, %get3A_547] {strides = array<i32>} : memref<8x2048xf32, #tpu.memory_space<vmem>>, vector<1x16xf32>,
        %get3A_549 = vector.shape_cast %get3A_548 : vector<1x16xf32> to vector<16xf32>
        %mul3A_550 = arith.mulf %get3A_549, %broadcast_in_dim3A_3 : vector<16xf32>
        %swap3A_551 = arith.index_cast %add3A_445 : i32 to index
        %swap3A_552 = arith.index_cast %mul3A_545 : i32 to index
        %swap3A_553 = tpu.vector_load %arg8[%swap3A_551, %swap3A_552] {strides = array<i32>} : memref<8x2048xf32, #tpu.memory_space<vmem>>, vector<1x16xf32>,
        %swap3A_554 = vector.shape_cast %swap3A_553 : vector<1x16xf32> to vector<16xf32>
        %swap3A_555 = vector.shape_cast %mul3A_550 : vector<16xf32> to vector<1x16xf32>
        tpu.vector_store %arg8[%swap3A_551, %swap3A_552], %swap3A_555 {strides = array<i32>} : memref<8x2048xf32, #tpu.memory_space<vmem>>, vector<1x16xf32>,
        %scan3A_556 = arith.constant 6 : i32
        %scan3A_557 = arith.addi %scan3A_451, %scan3A_556 : i32
        %mul3A_558 = arith.constant 1 : i32
        %mul3A_559 = arith.muli %scan3A_557, %mul3A_558 : i32
        %add3A_560 = arith.constant 0 : i32
        %add3A_561 = arith.addi %add3A_560, %mul3A_559 : i32
        %mul3A_562 = arith.constant 16 : i32
        %mul3A_563 = arith.muli %add3A_561, %mul3A_562 : i32
        %get3A_564 = arith.index_cast %add3A_445 : i32 to index
        %get3A_565 = arith.index_cast %mul3A_563 : i32 to index
        %get3A_566 = tpu.vector_load %arg8[%get3A_564, %get3A_565] {strides = array<i32>} : memref<8x2048xf32, #tpu.memory_space<vmem>>, vector<1x16xf32>,
        %get3A_567 = vector.shape_cast %get3A_566 : vector<1x16xf32> to vector<16xf32>
        %mul3A_568 = arith.mulf %get3A_567, %broadcast_in_dim3A_3 : vector<16xf32>
        %swap3A_569 = arith.index_cast %add3A_445 : i32 to index
        %swap3A_570 = arith.index_cast %mul3A_563 : i32 to index
        %swap3A_571 = tpu.vector_load %arg8[%swap3A_569, %swap3A_570] {strides = array<i32>} : memref<8x2048xf32, #tpu.memory_space<vmem>>, vector<1x16xf32>,
        %swap3A_572 = vector.shape_cast %swap3A_571 : vector<1x16xf32> to vector<16xf32>
        %swap3A_573 = vector.shape_cast %mul3A_568 : vector<16xf32> to vector<1x16xf32>
        tpu.vector_store %arg8[%swap3A_569, %swap3A_570], %swap3A_573 {strides = array<i32>} : memref<8x2048xf32, #tpu.memory_space<vmem>>, vector<1x16xf32>,
        %scan3A_574 = arith.constant 7 : i32
        %scan3A_575 = arith.addi %scan3A_451, %scan3A_574 : i32
        %mul3A_576 = arith.constant 1 : i32
        %mul3A_577 = arith.muli %scan3A_575, %mul3A_576 : i32
        %add3A_578 = arith.constant 0 : i32
        %add3A_579 = arith.addi %add3A_578, %mul3A_577 : i32
        %mul3A_580 = arith.constant 16 : i32
        %mul3A_581 = arith.muli %add3A_579, %mul3A_580 : i32
        %get3A_582 = arith.index_cast %add3A_445 : i32 to index
        %get3A_583 = arith.index_cast %mul3A_581 : i32 to index
        %get3A_584 = tpu.vector_load %arg8[%get3A_582, %get3A_583] {strides = array<i32>} : memref<8x2048xf32, #tpu.memory_space<vmem>>, vector<1x16xf32>,
        %get3A_585 = vector.shape_cast %get3A_584 : vector<1x16xf32> to vector<16xf32>
        %mul3A_586 = arith.mulf %get3A_585, %broadcast_in_dim3A_3 : vector<16xf32>
        %swap3A_587 = arith.index_cast %add3A_445 : i32 to index
        %swap3A_588 = arith.index_cast %mul3A_581 : i32 to index
        %swap3A_589 = tpu.vector_load %arg8[%swap3A_587, %swap3A_588] {strides = array<i32>} : memref<8x2048xf32, #tpu.memory_space<vmem>>, vector<1x16xf32>,
        %swap3A_590 = vector.shape_cast %swap3A_589 : vector<1x16xf32> to vector<16xf32>
        %swap3A_591 = vector.shape_cast %mul3A_586 : vector<16xf32> to vector<1x16xf32>
        tpu.vector_store %arg8[%swap3A_587, %swap3A_588], %swap3A_591 {strides = array<i32>} : memref<8x2048xf32, #tpu.memory_space<vmem>>, vector<1x16xf32>,
      }
      %scan3A_450 = arith.constant 128 : i32
    }
    %scan3A_316 = arith.constant 8 : i32
    %add3A_317 = arith.constant 464 : i32
    %add3A_318 = arith.addi %mul3A_2, %add3A_317 : i32
    %dma_start3A_319 = arith.constant 0 : i32
    %dma_start3A_320 = tpu.memref_slice %arg4[%add3A_318, %dma_start3A_319] : memref<16384x2048xf32, #tpu.memory_space<hbm>> -> memref<8x2048xf32, #tpu.memory_space<hbm>>
    %dma_start3A_321 = arith.constant 0 : i32
    %dma_start3A_322 = tpu.memref_slice %arg4[%add3A_318, %dma_start3A_321] : memref<16384x2048xf32, #tpu.memory_space<hbm>> -> memref<8x2048xf32, #tpu.memory_space<hbm>>
    tpu.enqueue_dma source(%arg8 : memref<8x2048xf32, #tpu.memory_space<vmem>>) target(%dma_start3A_322 : memref<8x2048xf32, #tpu.memory_space<hbm>>) target_semaphore(%arg22 : memref<!tpu.dma_semaphore, #tpu.memory_space<semaphore_mem>>)
    %dma_wait3A_323 = arith.constant 0 : i32
    %dma_wait3A_324 = arith.constant 0 : i32
    %dma_wait3A_325 = tpu.memref_slice %arg5[%dma_wait3A_323, %dma_wait3A_324] : memref<64x8xi32, #tpu.memory_space<vmem>> -> memref<1x8xi32, #tpu.memory_space<vmem>>
    %dma_wait3A_326 = tpu.memref_squeeze %dma_wait3A_325 : memref<1x8xi32, #tpu.memory_space<vmem>> -> memref<8xi32, #tpu.memory_space<vmem>>
    %dma_wait3A_327 = arith.constant 0 : i32
    %dma_wait3A_328 = arith.constant 0 : i32
    %dma_wait3A_329 = tpu.memref_slice %arg3[%dma_wait3A_327, %dma_wait3A_328] : memref<100000x2048xf32, #tpu.memory_space<hbm>> -> memref<100000x2048xf32, #tpu.memory_space<hbm>>
    tpu.wait_indirect_dma semaphore(%arg16 : memref<!tpu.dma_semaphore, #tpu.memory_space<semaphore_mem>>) src(%dma_wait3A_329 : memref<100000x2048xf32, #tpu.memory_space<hbm>>) dst(%arg9 : memref<8x2048xf32, #tpu.memory_space<vmem>>)
    %scan3A_330 = arith.constant 0 : i32
    %scan3A_331 = arith.constant 8 : i32
    %scan3A_332 = arith.addi %scan3A_330, %scan3A_331 : i32
    %scan3A_333 = arith.constant 1 : i32
    scf.for %scan3A_441 = %scan3A_330 to %scan3A_332 step %scan3A_333  : i32 {
      %mul3A_442 = arith.constant 1 : i32
      %mul3A_443 = arith.muli %scan3A_441, %mul3A_442 : i32
      %add3A_444 = arith.constant 0 : i32
      %add3A_445 = arith.addi %add3A_444, %mul3A_443 : i32
      %scan3A_446 = arith.constant 0 : i32
      %scan3A_447 = arith.constant 128 : i32
      %scan3A_448 = arith.addi %scan3A_446, %scan3A_447 : i32
      %scan3A_449 = arith.constant 8 : i32
      scf.for %scan3A_451 = %scan3A_446 to %scan3A_448 step %scan3A_449  : i32 {
        %mul3A_452 = arith.constant 1 : i32
        %mul3A_453 = arith.muli %scan3A_451, %mul3A_452 : i32
        %add3A_454 = arith.constant 0 : i32
        %add3A_455 = arith.addi %add3A_454, %mul3A_453 : i32
        %mul3A_456 = arith.constant 16 : i32
        %mul3A_457 = arith.muli %add3A_455, %mul3A_456 : i32
        %get3A = arith.index_cast %add3A_445 : i32 to index
        %get3A_458 = arith.index_cast %mul3A_457 : i32 to index
        %get3A_459 = tpu.vector_load %arg9[%get3A, %get3A_458] {strides = array<i32>} : memref<8x2048xf32, #tpu.memory_space<vmem>>, vector<1x16xf32>,
        %get3A_460 = vector.shape_cast %get3A_459 : vector<1x16xf32> to vector<16xf32>
        %mul3A_461 = arith.mulf %get3A_460, %broadcast_in_dim3A_3 : vector<16xf32>
        %swap3A = arith.index_cast %add3A_445 : i32 to index
        %swap3A_462 = arith.index_cast %mul3A_457 : i32 to index
        %swap3A_463 = tpu.vector_load %arg9[%swap3A, %swap3A_462] {strides = array<i32>} : memref<8x2048xf32, #tpu.memory_space<vmem>>, vector<1x16xf32>,
        %swap3A_464 = vector.shape_cast %swap3A_463 : vector<1x16xf32> to vector<16xf32>
        %swap3A_465 = vector.shape_cast %mul3A_461 : vector<16xf32> to vector<1x16xf32>
        tpu.vector_store %arg9[%swap3A, %swap3A_462], %swap3A_465 {strides = array<i32>} : memref<8x2048xf32, #tpu.memory_space<vmem>>, vector<1x16xf32>,
        %scan3A_466 = arith.constant 1 : i32
        %scan3A_467 = arith.addi %scan3A_451, %scan3A_466 : i32
        %mul3A_468 = arith.constant 1 : i32
        %mul3A_469 = arith.muli %scan3A_467, %mul3A_468 : i32
        %add3A_470 = arith.constant 0 : i32
        %add3A_471 = arith.addi %add3A_470, %mul3A_469 : i32
        %mul3A_472 = arith.constant 16 : i32
        %mul3A_473 = arith.muli %add3A_471, %mul3A_472 : i32
        %get3A_474 = arith.index_cast %add3A_445 : i32 to index
        %get3A_475 = arith.index_cast %mul3A_473 : i32 to index
        %get3A_476 = tpu.vector_load %arg9[%get3A_474, %get3A_475] {strides = array<i32>} : memref<8x2048xf32, #tpu.memory_space<vmem>>, vector<1x16xf32>,
        %get3A_477 = vector.shape_cast %get3A_476 : vector<1x16xf32> to vector<16xf32>
        %mul3A_478 = arith.mulf %get3A_477, %broadcast_in_dim3A_3 : vector<16xf32>
        %swap3A_479 = arith.index_cast %add3A_445 : i32 to index
        %swap3A_480 = arith.index_cast %mul3A_473 : i32 to index
        %swap3A_481 = tpu.vector_load %arg9[%swap3A_479, %swap3A_480] {strides = array<i32>} : memref<8x2048xf32, #tpu.memory_space<vmem>>, vector<1x16xf32>,
        %swap3A_482 = vector.shape_cast %swap3A_481 : vector<1x16xf32> to vector<16xf32>
        %swap3A_483 = vector.shape_cast %mul3A_478 : vector<16xf32> to vector<1x16xf32>
        tpu.vector_store %arg9[%swap3A_479, %swap3A_480], %swap3A_483 {strides = array<i32>} : memref<8x2048xf32, #tpu.memory_space<vmem>>, vector<1x16xf32>,
        %scan3A_484 = arith.constant 2 : i32
        %scan3A_485 = arith.addi %scan3A_451, %scan3A_484 : i32
        %mul3A_486 = arith.constant 1 : i32
        %mul3A_487 = arith.muli %scan3A_485, %mul3A_486 : i32
        %add3A_488 = arith.constant 0 : i32
        %add3A_489 = arith.addi %add3A_488, %mul3A_487 : i32
        %mul3A_490 = arith.constant 16 : i32
        %mul3A_491 = arith.muli %add3A_489, %mul3A_490 : i32
        %get3A_492 = arith.index_cast %add3A_445 : i32 to index
        %get3A_493 = arith.index_cast %mul3A_491 : i32 to index
        %get3A_494 = tpu.vector_load %arg9[%get3A_492, %get3A_493] {strides = array<i32>} : memref<8x2048xf32, #tpu.memory_space<vmem>>, vector<1x16xf32>,
        %get3A_495 = vector.shape_cast %get3A_494 : vector<1x16xf32> to vector<16xf32>
        %mul3A_496 = arith.mulf %get3A_495, %broadcast_in_dim3A_3 : vector<16xf32>
        %swap3A_497 = arith.index_cast %add3A_445 : i32 to index
        %swap3A_498 = arith.index_cast %mul3A_491 : i32 to index
        %swap3A_499 = tpu.vector_load %arg9[%swap3A_497, %swap3A_498] {strides = array<i32>} : memref<8x2048xf32, #tpu.memory_space<vmem>>, vector<1x16xf32>,
        %swap3A_500 = vector.shape_cast %swap3A_499 : vector<1x16xf32> to vector<16xf32>
        %swap3A_501 = vector.shape_cast %mul3A_496 : vector<16xf32> to vector<1x16xf32>
        tpu.vector_store %arg9[%swap3A_497, %swap3A_498], %swap3A_501 {strides = array<i32>} : memref<8x2048xf32, #tpu.memory_space<vmem>>, vector<1x16xf32>,
        %scan3A_502 = arith.constant 3 : i32
        %scan3A_503 = arith.addi %scan3A_451, %scan3A_502 : i32
        %mul3A_504 = arith.constant 1 : i32
        %mul3A_505 = arith.muli %scan3A_503, %mul3A_504 : i32
        %add3A_506 = arith.constant 0 : i32
        %add3A_507 = arith.addi %add3A_506, %mul3A_505 : i32
        %mul3A_508 = arith.constant 16 : i32
        %mul3A_509 = arith.muli %add3A_507, %mul3A_508 : i32
        %get3A_510 = arith.index_cast %add3A_445 : i32 to index
        %get3A_511 = arith.index_cast %mul3A_509 : i32 to index
        %get3A_512 = tpu.vector_load %arg9[%get3A_510, %get3A_511] {strides = array<i32>} : memref<8x2048xf32, #tpu.memory_space<vmem>>, vector<1x16xf32>,
        %get3A_513 = vector.shape_cast %get3A_512 : vector<1x16xf32> to vector<16xf32>
        %mul3A_514 = arith.mulf %get3A_513, %broadcast_in_dim3A_3 : vector<16xf32>
        %swap3A_515 = arith.index_cast %add3A_445 : i32 to index
        %swap3A_516 = arith.index_cast %mul3A_509 : i32 to index
        %swap3A_517 = tpu.vector_load %arg9[%swap3A_515, %swap3A_516] {strides = array<i32>} : memref<8x2048xf32, #tpu.memory_space<vmem>>, vector<1x16xf32>,
        %swap3A_518 = vector.shape_cast %swap3A_517 : vector<1x16xf32> to vector<16xf32>
        %swap3A_519 = vector.shape_cast %mul3A_514 : vector<16xf32> to vector<1x16xf32>
        tpu.vector_store %arg9[%swap3A_515, %swap3A_516], %swap3A_519 {strides = array<i32>} : memref<8x2048xf32, #tpu.memory_space<vmem>>, vector<1x16xf32>,
        %scan3A_520 = arith.constant 4 : i32
        %scan3A_521 = arith.addi %scan3A_451, %scan3A_520 : i32
        %mul3A_522 = arith.constant 1 : i32
        %mul3A_523 = arith.muli %scan3A_521, %mul3A_522 : i32
        %add3A_524 = arith.constant 0 : i32
        %add3A_525 = arith.addi %add3A_524, %mul3A_523 : i32
        %mul3A_526 = arith.constant 16 : i32
        %mul3A_527 = arith.muli %add3A_525, %mul3A_526 : i32
        %get3A_528 = arith.index_cast %add3A_445 : i32 to index
        %get3A_529 = arith.index_cast %mul3A_527 : i32 to index
        %get3A_530 = tpu.vector_load %arg9[%get3A_528, %get3A_529] {strides = array<i32>} : memref<8x2048xf32, #tpu.memory_space<vmem>>, vector<1x16xf32>,
        %get3A_531 = vector.shape_cast %get3A_530 : vector<1x16xf32> to vector<16xf32>
        %mul3A_532 = arith.mulf %get3A_531, %broadcast_in_dim3A_3 : vector<16xf32>
        %swap3A_533 = arith.index_cast %add3A_445 : i32 to index
        %swap3A_534 = arith.index_cast %mul3A_527 : i32 to index
        %swap3A_535 = tpu.vector_load %arg9[%swap3A_533, %swap3A_534] {strides = array<i32>} : memref<8x2048xf32, #tpu.memory_space<vmem>>, vector<1x16xf32>,
        %swap3A_536 = vector.shape_cast %swap3A_535 : vector<1x16xf32> to vector<16xf32>
        %swap3A_537 = vector.shape_cast %mul3A_532 : vector<16xf32> to vector<1x16xf32>
        tpu.vector_store %arg9[%swap3A_533, %swap3A_534], %swap3A_537 {strides = array<i32>} : memref<8x2048xf32, #tpu.memory_space<vmem>>, vector<1x16xf32>,
        %scan3A_538 = arith.constant 5 : i32
        %scan3A_539 = arith.addi %scan3A_451, %scan3A_538 : i32
        %mul3A_540 = arith.constant 1 : i32
        %mul3A_541 = arith.muli %scan3A_539, %mul3A_540 : i32
        %add3A_542 = arith.constant 0 : i32
        %add3A_543 = arith.addi %add3A_542, %mul3A_541 : i32
        %mul3A_544 = arith.constant 16 : i32
        %mul3A_545 = arith.muli %add3A_543, %mul3A_544 : i32
        %get3A_546 = arith.index_cast %add3A_445 : i32 to index
        %get3A_547 = arith.index_cast %mul3A_545 : i32 to index
        %get3A_548 = tpu.vector_load %arg9[%get3A_546, %get3A_547] {strides = array<i32>} : memref<8x2048xf32, #tpu.memory_space<vmem>>, vector<1x16xf32>,
        %get3A_549 = vector.shape_cast %get3A_548 : vector<1x16xf32> to vector<16xf32>
        %mul3A_550 = arith.mulf %get3A_549, %broadcast_in_dim3A_3 : vector<16xf32>
        %swap3A_551 = arith.index_cast %add3A_445 : i32 to index
        %swap3A_552 = arith.index_cast %mul3A_545 : i32 to index
        %swap3A_553 = tpu.vector_load %arg9[%swap3A_551, %swap3A_552] {strides = array<i32>} : memref<8x2048xf32, #tpu.memory_space<vmem>>, vector<1x16xf32>,
        %swap3A_554 = vector.shape_cast %swap3A_553 : vector<1x16xf32> to vector<16xf32>
        %swap3A_555 = vector.shape_cast %mul3A_550 : vector<16xf32> to vector<1x16xf32>
        tpu.vector_store %arg9[%swap3A_551, %swap3A_552], %swap3A_555 {strides = array<i32>} : memref<8x2048xf32, #tpu.memory_space<vmem>>, vector<1x16xf32>,
        %scan3A_556 = arith.constant 6 : i32
        %scan3A_557 = arith.addi %scan3A_451, %scan3A_556 : i32
        %mul3A_558 = arith.constant 1 : i32
        %mul3A_559 = arith.muli %scan3A_557, %mul3A_558 : i32
        %add3A_560 = arith.constant 0 : i32
        %add3A_561 = arith.addi %add3A_560, %mul3A_559 : i32
        %mul3A_562 = arith.constant 16 : i32
        %mul3A_563 = arith.muli %add3A_561, %mul3A_562 : i32
        %get3A_564 = arith.index_cast %add3A_445 : i32 to index
        %get3A_565 = arith.index_cast %mul3A_563 : i32 to index
        %get3A_566 = tpu.vector_load %arg9[%get3A_564, %get3A_565] {strides = array<i32>} : memref<8x2048xf32, #tpu.memory_space<vmem>>, vector<1x16xf32>,
        %get3A_567 = vector.shape_cast %get3A_566 : vector<1x16xf32> to vector<16xf32>
        %mul3A_568 = arith.mulf %get3A_567, %broadcast_in_dim3A_3 : vector<16xf32>
        %swap3A_569 = arith.index_cast %add3A_445 : i32 to index
        %swap3A_570 = arith.index_cast %mul3A_563 : i32 to index
        %swap3A_571 = tpu.vector_load %arg9[%swap3A_569, %swap3A_570] {strides = array<i32>} : memref<8x2048xf32, #tpu.memory_space<vmem>>, vector<1x16xf32>,
        %swap3A_572 = vector.shape_cast %swap3A_571 : vector<1x16xf32> to vector<16xf32>
        %swap3A_573 = vector.shape_cast %mul3A_568 : vector<16xf32> to vector<1x16xf32>
        tpu.vector_store %arg9[%swap3A_569, %swap3A_570], %swap3A_573 {strides = array<i32>} : memref<8x2048xf32, #tpu.memory_space<vmem>>, vector<1x16xf32>,
        %scan3A_574 = arith.constant 7 : i32
        %scan3A_575 = arith.addi %scan3A_451, %scan3A_574 : i32
        %mul3A_576 = arith.constant 1 : i32
        %mul3A_577 = arith.muli %scan3A_575, %mul3A_576 : i32
        %add3A_578 = arith.constant 0 : i32
        %add3A_579 = arith.addi %add3A_578, %mul3A_577 : i32
        %mul3A_580 = arith.constant 16 : i32
        %mul3A_581 = arith.muli %add3A_579, %mul3A_580 : i32
        %get3A_582 = arith.index_cast %add3A_445 : i32 to index
        %get3A_583 = arith.index_cast %mul3A_581 : i32 to index
        %get3A_584 = tpu.vector_load %arg9[%get3A_582, %get3A_583] {strides = array<i32>} : memref<8x2048xf32, #tpu.memory_space<vmem>>, vector<1x16xf32>,
        %get3A_585 = vector.shape_cast %get3A_584 : vector<1x16xf32> to vector<16xf32>
        %mul3A_586 = arith.mulf %get3A_585, %broadcast_in_dim3A_3 : vector<16xf32>
        %swap3A_587 = arith.index_cast %add3A_445 : i32 to index
        %swap3A_588 = arith.index_cast %mul3A_581 : i32 to index
        %swap3A_589 = tpu.vector_load %arg9[%swap3A_587, %swap3A_588] {strides = array<i32>} : memref<8x2048xf32, #tpu.memory_space<vmem>>, vector<1x16xf32>,
        %swap3A_590 = vector.shape_cast %swap3A_589 : vector<1x16xf32> to vector<16xf32>
        %swap3A_591 = vector.shape_cast %mul3A_586 : vector<16xf32> to vector<1x16xf32>
        tpu.vector_store %arg9[%swap3A_587, %swap3A_588], %swap3A_591 {strides = array<i32>} : memref<8x2048xf32, #tpu.memory_space<vmem>>, vector<1x16xf32>,
      }
      %scan3A_450 = arith.constant 128 : i32
    }
    %scan3A_334 = arith.constant 8 : i32
    %add3A_335 = arith.constant 472 : i32
    %add3A_336 = arith.addi %mul3A_2, %add3A_335 : i32
    %dma_start3A_337 = arith.constant 0 : i32
    %dma_start3A_338 = tpu.memref_slice %arg4[%add3A_336, %dma_start3A_337] : memref<16384x2048xf32, #tpu.memory_space<hbm>> -> memref<8x2048xf32, #tpu.memory_space<hbm>>
    %dma_start3A_339 = arith.constant 0 : i32
    %dma_start3A_340 = tpu.memref_slice %arg4[%add3A_336, %dma_start3A_339] : memref<16384x2048xf32, #tpu.memory_space<hbm>> -> memref<8x2048xf32, #tpu.memory_space<hbm>>
    tpu.enqueue_dma source(%arg9 : memref<8x2048xf32, #tpu.memory_space<vmem>>) target(%dma_start3A_340 : memref<8x2048xf32, #tpu.memory_space<hbm>>) target_semaphore(%arg23 : memref<!tpu.dma_semaphore, #tpu.memory_space<semaphore_mem>>)
    %dma_wait3A_341 = arith.constant 0 : i32
    %dma_wait3A_342 = arith.constant 0 : i32
    %dma_wait3A_343 = tpu.memref_slice %arg5[%dma_wait3A_341, %dma_wait3A_342] : memref<64x8xi32, #tpu.memory_space<vmem>> -> memref<1x8xi32, #tpu.memory_space<vmem>>
    %dma_wait3A_344 = tpu.memref_squeeze %dma_wait3A_343 : memref<1x8xi32, #tpu.memory_space<vmem>> -> memref<8xi32, #tpu.memory_space<vmem>>
    %dma_wait3A_345 = arith.constant 0 : i32
    %dma_wait3A_346 = arith.constant 0 : i32
    %dma_wait3A_347 = tpu.memref_slice %arg3[%dma_wait3A_345, %dma_wait3A_346] : memref<100000x2048xf32, #tpu.memory_space<hbm>> -> memref<100000x2048xf32, #tpu.memory_space<hbm>>
    tpu.wait_indirect_dma semaphore(%arg17 : memref<!tpu.dma_semaphore, #tpu.memory_space<semaphore_mem>>) src(%dma_wait3A_347 : memref<100000x2048xf32, #tpu.memory_space<hbm>>) dst(%arg10 : memref<8x2048xf32, #tpu.memory_space<vmem>>)
    %scan3A_348 = arith.constant 0 : i32
    %scan3A_349 = arith.constant 8 : i32
    %scan3A_350 = arith.addi %scan3A_348, %scan3A_349 : i32
    %scan3A_351 = arith.constant 1 : i32
    scf.for %scan3A_441 = %scan3A_348 to %scan3A_350 step %scan3A_351  : i32 {
      %mul3A_442 = arith.constant 1 : i32
      %mul3A_443 = arith.muli %scan3A_441, %mul3A_442 : i32
      %add3A_444 = arith.constant 0 : i32
      %add3A_445 = arith.addi %add3A_444, %mul3A_443 : i32
      %scan3A_446 = arith.constant 0 : i32
      %scan3A_447 = arith.constant 128 : i32
      %scan3A_448 = arith.addi %scan3A_446, %scan3A_447 : i32
      %scan3A_449 = arith.constant 8 : i32
      scf.for %scan3A_451 = %scan3A_446 to %scan3A_448 step %scan3A_449  : i32 {
        %mul3A_452 = arith.constant 1 : i32
        %mul3A_453 = arith.muli %scan3A_451, %mul3A_452 : i32
        %add3A_454 = arith.constant 0 : i32
        %add3A_455 = arith.addi %add3A_454, %mul3A_453 : i32
        %mul3A_456 = arith.constant 16 : i32
        %mul3A_457 = arith.muli %add3A_455, %mul3A_456 : i32
        %get3A = arith.index_cast %add3A_445 : i32 to index
        %get3A_458 = arith.index_cast %mul3A_457 : i32 to index
        %get3A_459 = tpu.vector_load %arg10[%get3A, %get3A_458] {strides = array<i32>} : memref<8x2048xf32, #tpu.memory_space<vmem>>, vector<1x16xf32>,
        %get3A_460 = vector.shape_cast %get3A_459 : vector<1x16xf32> to vector<16xf32>
        %mul3A_461 = arith.mulf %get3A_460, %broadcast_in_dim3A_3 : vector<16xf32>
        %swap3A = arith.index_cast %add3A_445 : i32 to index
        %swap3A_462 = arith.index_cast %mul3A_457 : i32 to index
        %swap3A_463 = tpu.vector_load %arg10[%swap3A, %swap3A_462] {strides = array<i32>} : memref<8x2048xf32, #tpu.memory_space<vmem>>, vector<1x16xf32>,
        %swap3A_464 = vector.shape_cast %swap3A_463 : vector<1x16xf32> to vector<16xf32>
        %swap3A_465 = vector.shape_cast %mul3A_461 : vector<16xf32> to vector<1x16xf32>
        tpu.vector_store %arg10[%swap3A, %swap3A_462], %swap3A_465 {strides = array<i32>} : memref<8x2048xf32, #tpu.memory_space<vmem>>, vector<1x16xf32>,
        %scan3A_466 = arith.constant 1 : i32
        %scan3A_467 = arith.addi %scan3A_451, %scan3A_466 : i32
        %mul3A_468 = arith.constant 1 : i32
        %mul3A_469 = arith.muli %scan3A_467, %mul3A_468 : i32
        %add3A_470 = arith.constant 0 : i32
        %add3A_471 = arith.addi %add3A_470, %mul3A_469 : i32
        %mul3A_472 = arith.constant 16 : i32
        %mul3A_473 = arith.muli %add3A_471, %mul3A_472 : i32
        %get3A_474 = arith.index_cast %add3A_445 : i32 to index
        %get3A_475 = arith.index_cast %mul3A_473 : i32 to index
        %get3A_476 = tpu.vector_load %arg10[%get3A_474, %get3A_475] {strides = array<i32>} : memref<8x2048xf32, #tpu.memory_space<vmem>>, vector<1x16xf32>,
        %get3A_477 = vector.shape_cast %get3A_476 : vector<1x16xf32> to vector<16xf32>
        %mul3A_478 = arith.mulf %get3A_477, %broadcast_in_dim3A_3 : vector<16xf32>
        %swap3A_479 = arith.index_cast %add3A_445 : i32 to index
        %swap3A_480 = arith.index_cast %mul3A_473 : i32 to index
        %swap3A_481 = tpu.vector_load %arg10[%swap3A_479, %swap3A_480] {strides = array<i32>} : memref<8x2048xf32, #tpu.memory_space<vmem>>, vector<1x16xf32>,
        %swap3A_482 = vector.shape_cast %swap3A_481 : vector<1x16xf32> to vector<16xf32>
        %swap3A_483 = vector.shape_cast %mul3A_478 : vector<16xf32> to vector<1x16xf32>
        tpu.vector_store %arg10[%swap3A_479, %swap3A_480], %swap3A_483 {strides = array<i32>} : memref<8x2048xf32, #tpu.memory_space<vmem>>, vector<1x16xf32>,
        %scan3A_484 = arith.constant 2 : i32
        %scan3A_485 = arith.addi %scan3A_451, %scan3A_484 : i32
        %mul3A_486 = arith.constant 1 : i32
        %mul3A_487 = arith.muli %scan3A_485, %mul3A_486 : i32
        %add3A_488 = arith.constant 0 : i32
        %add3A_489 = arith.addi %add3A_488, %mul3A_487 : i32
        %mul3A_490 = arith.constant 16 : i32
        %mul3A_491 = arith.muli %add3A_489, %mul3A_490 : i32
        %get3A_492 = arith.index_cast %add3A_445 : i32 to index
        %get3A_493 = arith.index_cast %mul3A_491 : i32 to index
        %get3A_494 = tpu.vector_load %arg10[%get3A_492, %get3A_493] {strides = array<i32>} : memref<8x2048xf32, #tpu.memory_space<vmem>>, vector<1x16xf32>,
        %get3A_495 = vector.shape_cast %get3A_494 : vector<1x16xf32> to vector<16xf32>
        %mul3A_496 = arith.mulf %get3A_495, %broadcast_in_dim3A_3 : vector<16xf32>
        %swap3A_497 = arith.index_cast %add3A_445 : i32 to index
        %swap3A_498 = arith.index_cast %mul3A_491 : i32 to index
        %swap3A_499 = tpu.vector_load %arg10[%swap3A_497, %swap3A_498] {strides = array<i32>} : memref<8x2048xf32, #tpu.memory_space<vmem>>, vector<1x16xf32>,
        %swap3A_500 = vector.shape_cast %swap3A_499 : vector<1x16xf32> to vector<16xf32>
        %swap3A_501 = vector.shape_cast %mul3A_496 : vector<16xf32> to vector<1x16xf32>
        tpu.vector_store %arg10[%swap3A_497, %swap3A_498], %swap3A_501 {strides = array<i32>} : memref<8x2048xf32, #tpu.memory_space<vmem>>, vector<1x16xf32>,
        %scan3A_502 = arith.constant 3 : i32
        %scan3A_503 = arith.addi %scan3A_451, %scan3A_502 : i32
        %mul3A_504 = arith.constant 1 : i32
        %mul3A_505 = arith.muli %scan3A_503, %mul3A_504 : i32
        %add3A_506 = arith.constant 0 : i32
        %add3A_507 = arith.addi %add3A_506, %mul3A_505 : i32
        %mul3A_508 = arith.constant 16 : i32
        %mul3A_509 = arith.muli %add3A_507, %mul3A_508 : i32
        %get3A_510 = arith.index_cast %add3A_445 : i32 to index
        %get3A_511 = arith.index_cast %mul3A_509 : i32 to index
        %get3A_512 = tpu.vector_load %arg10[%get3A_510, %get3A_511] {strides = array<i32>} : memref<8x2048xf32, #tpu.memory_space<vmem>>, vector<1x16xf32>,
        %get3A_513 = vector.shape_cast %get3A_512 : vector<1x16xf32> to vector<16xf32>
        %mul3A_514 = arith.mulf %get3A_513, %broadcast_in_dim3A_3 : vector<16xf32>
        %swap3A_515 = arith.index_cast %add3A_445 : i32 to index
        %swap3A_516 = arith.index_cast %mul3A_509 : i32 to index
        %swap3A_517 = tpu.vector_load %arg10[%swap3A_515, %swap3A_516] {strides = array<i32>} : memref<8x2048xf32, #tpu.memory_space<vmem>>, vector<1x16xf32>,
        %swap3A_518 = vector.shape_cast %swap3A_517 : vector<1x16xf32> to vector<16xf32>
        %swap3A_519 = vector.shape_cast %mul3A_514 : vector<16xf32> to vector<1x16xf32>
        tpu.vector_store %arg10[%swap3A_515, %swap3A_516], %swap3A_519 {strides = array<i32>} : memref<8x2048xf32, #tpu.memory_space<vmem>>, vector<1x16xf32>,
        %scan3A_520 = arith.constant 4 : i32
        %scan3A_521 = arith.addi %scan3A_451, %scan3A_520 : i32
        %mul3A_522 = arith.constant 1 : i32
        %mul3A_523 = arith.muli %scan3A_521, %mul3A_522 : i32
        %add3A_524 = arith.constant 0 : i32
        %add3A_525 = arith.addi %add3A_524, %mul3A_523 : i32
        %mul3A_526 = arith.constant 16 : i32
        %mul3A_527 = arith.muli %add3A_525, %mul3A_526 : i32
        %get3A_528 = arith.index_cast %add3A_445 : i32 to index
        %get3A_529 = arith.index_cast %mul3A_527 : i32 to index
        %get3A_530 = tpu.vector_load %arg10[%get3A_528, %get3A_529] {strides = array<i32>} : memref<8x2048xf32, #tpu.memory_space<vmem>>, vector<1x16xf32>,
        %get3A_531 = vector.shape_cast %get3A_530 : vector<1x16xf32> to vector<16xf32>
        %mul3A_532 = arith.mulf %get3A_531, %broadcast_in_dim3A_3 : vector<16xf32>
        %swap3A_533 = arith.index_cast %add3A_445 : i32 to index
        %swap3A_534 = arith.index_cast %mul3A_527 : i32 to index
        %swap3A_535 = tpu.vector_load %arg10[%swap3A_533, %swap3A_534] {strides = array<i32>} : memref<8x2048xf32, #tpu.memory_space<vmem>>, vector<1x16xf32>,
        %swap3A_536 = vector.shape_cast %swap3A_535 : vector<1x16xf32> to vector<16xf32>
        %swap3A_537 = vector.shape_cast %mul3A_532 : vector<16xf32> to vector<1x16xf32>
        tpu.vector_store %arg10[%swap3A_533, %swap3A_534], %swap3A_537 {strides = array<i32>} : memref<8x2048xf32, #tpu.memory_space<vmem>>, vector<1x16xf32>,
        %scan3A_538 = arith.constant 5 : i32
        %scan3A_539 = arith.addi %scan3A_451, %scan3A_538 : i32
        %mul3A_540 = arith.constant 1 : i32
        %mul3A_541 = arith.muli %scan3A_539, %mul3A_540 : i32
        %add3A_542 = arith.constant 0 : i32
        %add3A_543 = arith.addi %add3A_542, %mul3A_541 : i32
        %mul3A_544 = arith.constant 16 : i32
        %mul3A_545 = arith.muli %add3A_543, %mul3A_544 : i32
        %get3A_546 = arith.index_cast %add3A_445 : i32 to index
        %get3A_547 = arith.index_cast %mul3A_545 : i32 to index
        %get3A_548 = tpu.vector_load %arg10[%get3A_546, %get3A_547] {strides = array<i32>} : memref<8x2048xf32, #tpu.memory_space<vmem>>, vector<1x16xf32>,
        %get3A_549 = vector.shape_cast %get3A_548 : vector<1x16xf32> to vector<16xf32>
        %mul3A_550 = arith.mulf %get3A_549, %broadcast_in_dim3A_3 : vector<16xf32>
        %swap3A_551 = arith.index_cast %add3A_445 : i32 to index
        %swap3A_552 = arith.index_cast %mul3A_545 : i32 to index
        %swap3A_553 = tpu.vector_load %arg10[%swap3A_551, %swap3A_552] {strides = array<i32>} : memref<8x2048xf32, #tpu.memory_space<vmem>>, vector<1x16xf32>,
        %swap3A_554 = vector.shape_cast %swap3A_553 : vector<1x16xf32> to vector<16xf32>
        %swap3A_555 = vector.shape_cast %mul3A_550 : vector<16xf32> to vector<1x16xf32>
        tpu.vector_store %arg10[%swap3A_551, %swap3A_552], %swap3A_555 {strides = array<i32>} : memref<8x2048xf32, #tpu.memory_space<vmem>>, vector<1x16xf32>,
        %scan3A_556 = arith.constant 6 : i32
        %scan3A_557 = arith.addi %scan3A_451, %scan3A_556 : i32
        %mul3A_558 = arith.constant 1 : i32
        %mul3A_559 = arith.muli %scan3A_557, %mul3A_558 : i32
        %add3A_560 = arith.constant 0 : i32
        %add3A_561 = arith.addi %add3A_560, %mul3A_559 : i32
        %mul3A_562 = arith.constant 16 : i32
        %mul3A_563 = arith.muli %add3A_561, %mul3A_562 : i32
        %get3A_564 = arith.index_cast %add3A_445 : i32 to index
        %get3A_565 = arith.index_cast %mul3A_563 : i32 to index
        %get3A_566 = tpu.vector_load %arg10[%get3A_564, %get3A_565] {strides = array<i32>} : memref<8x2048xf32, #tpu.memory_space<vmem>>, vector<1x16xf32>,
        %get3A_567 = vector.shape_cast %get3A_566 : vector<1x16xf32> to vector<16xf32>
        %mul3A_568 = arith.mulf %get3A_567, %broadcast_in_dim3A_3 : vector<16xf32>
        %swap3A_569 = arith.index_cast %add3A_445 : i32 to index
        %swap3A_570 = arith.index_cast %mul3A_563 : i32 to index
        %swap3A_571 = tpu.vector_load %arg10[%swap3A_569, %swap3A_570] {strides = array<i32>} : memref<8x2048xf32, #tpu.memory_space<vmem>>, vector<1x16xf32>,
        %swap3A_572 = vector.shape_cast %swap3A_571 : vector<1x16xf32> to vector<16xf32>
        %swap3A_573 = vector.shape_cast %mul3A_568 : vector<16xf32> to vector<1x16xf32>
        tpu.vector_store %arg10[%swap3A_569, %swap3A_570], %swap3A_573 {strides = array<i32>} : memref<8x2048xf32, #tpu.memory_space<vmem>>, vector<1x16xf32>,
        %scan3A_574 = arith.constant 7 : i32
        %scan3A_575 = arith.addi %scan3A_451, %scan3A_574 : i32
        %mul3A_576 = arith.constant 1 : i32
        %mul3A_577 = arith.muli %scan3A_575, %mul3A_576 : i32
        %add3A_578 = arith.constant 0 : i32
        %add3A_579 = arith.addi %add3A_578, %mul3A_577 : i32
        %mul3A_580 = arith.constant 16 : i32
        %mul3A_581 = arith.muli %add3A_579, %mul3A_580 : i32
        %get3A_582 = arith.index_cast %add3A_445 : i32 to index
        %get3A_583 = arith.index_cast %mul3A_581 : i32 to index
        %get3A_584 = tpu.vector_load %arg10[%get3A_582, %get3A_583] {strides = array<i32>} : memref<8x2048xf32, #tpu.memory_space<vmem>>, vector<1x16xf32>,
        %get3A_585 = vector.shape_cast %get3A_584 : vector<1x16xf32> to vector<16xf32>
        %mul3A_586 = arith.mulf %get3A_585, %broadcast_in_dim3A_3 : vector<16xf32>
        %swap3A_587 = arith.index_cast %add3A_445 : i32 to index
        %swap3A_588 = arith.index_cast %mul3A_581 : i32 to index
        %swap3A_589 = tpu.vector_load %arg10[%swap3A_587, %swap3A_588] {strides = array<i32>} : memref<8x2048xf32, #tpu.memory_space<vmem>>, vector<1x16xf32>,
        %swap3A_590 = vector.shape_cast %swap3A_589 : vector<1x16xf32> to vector<16xf32>
        %swap3A_591 = vector.shape_cast %mul3A_586 : vector<16xf32> to vector<1x16xf32>
        tpu.vector_store %arg10[%swap3A_587, %swap3A_588], %swap3A_591 {strides = array<i32>} : memref<8x2048xf32, #tpu.memory_space<vmem>>, vector<1x16xf32>,
      }
      %scan3A_450 = arith.constant 128 : i32
    }
    %scan3A_352 = arith.constant 8 : i32
    %add3A_353 = arith.constant 480 : i32
    %add3A_354 = arith.addi %mul3A_2, %add3A_353 : i32
    %dma_start3A_355 = arith.constant 0 : i32
    %dma_start3A_356 = tpu.memref_slice %arg4[%add3A_354, %dma_start3A_355] : memref<16384x2048xf32, #tpu.memory_space<hbm>> -> memref<8x2048xf32, #tpu.memory_space<hbm>>
    %dma_start3A_357 = arith.constant 0 : i32
    %dma_start3A_358 = tpu.memref_slice %arg4[%add3A_354, %dma_start3A_357] : memref<16384x2048xf32, #tpu.memory_space<hbm>> -> memref<8x2048xf32, #tpu.memory_space<hbm>>
    tpu.enqueue_dma source(%arg10 : memref<8x2048xf32, #tpu.memory_space<vmem>>) target(%dma_start3A_358 : memref<8x2048xf32, #tpu.memory_space<hbm>>) target_semaphore(%arg24 : memref<!tpu.dma_semaphore, #tpu.memory_space<semaphore_mem>>)
    %dma_wait3A_359 = arith.constant 0 : i32
    %dma_wait3A_360 = arith.constant 0 : i32
    %dma_wait3A_361 = tpu.memref_slice %arg5[%dma_wait3A_359, %dma_wait3A_360] : memref<64x8xi32, #tpu.memory_space<vmem>> -> memref<1x8xi32, #tpu.memory_space<vmem>>
    %dma_wait3A_362 = tpu.memref_squeeze %dma_wait3A_361 : memref<1x8xi32, #tpu.memory_space<vmem>> -> memref<8xi32, #tpu.memory_space<vmem>>
    %dma_wait3A_363 = arith.constant 0 : i32
    %dma_wait3A_364 = arith.constant 0 : i32
    %dma_wait3A_365 = tpu.memref_slice %arg3[%dma_wait3A_363, %dma_wait3A_364] : memref<100000x2048xf32, #tpu.memory_space<hbm>> -> memref<100000x2048xf32, #tpu.memory_space<hbm>>
    tpu.wait_indirect_dma semaphore(%arg18 : memref<!tpu.dma_semaphore, #tpu.memory_space<semaphore_mem>>) src(%dma_wait3A_365 : memref<100000x2048xf32, #tpu.memory_space<hbm>>) dst(%arg11 : memref<8x2048xf32, #tpu.memory_space<vmem>>)
    %scan3A_366 = arith.constant 0 : i32
    %scan3A_367 = arith.constant 8 : i32
    %scan3A_368 = arith.addi %scan3A_366, %scan3A_367 : i32
    %scan3A_369 = arith.constant 1 : i32
    scf.for %scan3A_441 = %scan3A_366 to %scan3A_368 step %scan3A_369  : i32 {
      %mul3A_442 = arith.constant 1 : i32
      %mul3A_443 = arith.muli %scan3A_441, %mul3A_442 : i32
      %add3A_444 = arith.constant 0 : i32
      %add3A_445 = arith.addi %add3A_444, %mul3A_443 : i32
      %scan3A_446 = arith.constant 0 : i32
      %scan3A_447 = arith.constant 128 : i32
      %scan3A_448 = arith.addi %scan3A_446, %scan3A_447 : i32
      %scan3A_449 = arith.constant 8 : i32
      scf.for %scan3A_451 = %scan3A_446 to %scan3A_448 step %scan3A_449  : i32 {
        %mul3A_452 = arith.constant 1 : i32
        %mul3A_453 = arith.muli %scan3A_451, %mul3A_452 : i32
        %add3A_454 = arith.constant 0 : i32
        %add3A_455 = arith.addi %add3A_454, %mul3A_453 : i32
        %mul3A_456 = arith.constant 16 : i32
        %mul3A_457 = arith.muli %add3A_455, %mul3A_456 : i32
        %get3A = arith.index_cast %add3A_445 : i32 to index
        %get3A_458 = arith.index_cast %mul3A_457 : i32 to index
        %get3A_459 = tpu.vector_load %arg11[%get3A, %get3A_458] {strides = array<i32>} : memref<8x2048xf32, #tpu.memory_space<vmem>>, vector<1x16xf32>,
        %get3A_460 = vector.shape_cast %get3A_459 : vector<1x16xf32> to vector<16xf32>
        %mul3A_461 = arith.mulf %get3A_460, %broadcast_in_dim3A_3 : vector<16xf32>
        %swap3A = arith.index_cast %add3A_445 : i32 to index
        %swap3A_462 = arith.index_cast %mul3A_457 : i32 to index
        %swap3A_463 = tpu.vector_load %arg11[%swap3A, %swap3A_462] {strides = array<i32>} : memref<8x2048xf32, #tpu.memory_space<vmem>>, vector<1x16xf32>,
        %swap3A_464 = vector.shape_cast %swap3A_463 : vector<1x16xf32> to vector<16xf32>
        %swap3A_465 = vector.shape_cast %mul3A_461 : vector<16xf32> to vector<1x16xf32>
        tpu.vector_store %arg11[%swap3A, %swap3A_462], %swap3A_465 {strides = array<i32>} : memref<8x2048xf32, #tpu.memory_space<vmem>>, vector<1x16xf32>,
        %scan3A_466 = arith.constant 1 : i32
        %scan3A_467 = arith.addi %scan3A_451, %scan3A_466 : i32
        %mul3A_468 = arith.constant 1 : i32
        %mul3A_469 = arith.muli %scan3A_467, %mul3A_468 : i32
        %add3A_470 = arith.constant 0 : i32
        %add3A_471 = arith.addi %add3A_470, %mul3A_469 : i32
        %mul3A_472 = arith.constant 16 : i32
        %mul3A_473 = arith.muli %add3A_471, %mul3A_472 : i32
        %get3A_474 = arith.index_cast %add3A_445 : i32 to index
        %get3A_475 = arith.index_cast %mul3A_473 : i32 to index
        %get3A_476 = tpu.vector_load %arg11[%get3A_474, %get3A_475] {strides = array<i32>} : memref<8x2048xf32, #tpu.memory_space<vmem>>, vector<1x16xf32>,
        %get3A_477 = vector.shape_cast %get3A_476 : vector<1x16xf32> to vector<16xf32>
        %mul3A_478 = arith.mulf %get3A_477, %broadcast_in_dim3A_3 : vector<16xf32>
        %swap3A_479 = arith.index_cast %add3A_445 : i32 to index
        %swap3A_480 = arith.index_cast %mul3A_473 : i32 to index
        %swap3A_481 = tpu.vector_load %arg11[%swap3A_479, %swap3A_480] {strides = array<i32>} : memref<8x2048xf32, #tpu.memory_space<vmem>>, vector<1x16xf32>,
        %swap3A_482 = vector.shape_cast %swap3A_481 : vector<1x16xf32> to vector<16xf32>
        %swap3A_483 = vector.shape_cast %mul3A_478 : vector<16xf32> to vector<1x16xf32>
        tpu.vector_store %arg11[%swap3A_479, %swap3A_480], %swap3A_483 {strides = array<i32>} : memref<8x2048xf32, #tpu.memory_space<vmem>>, vector<1x16xf32>,
        %scan3A_484 = arith.constant 2 : i32
        %scan3A_485 = arith.addi %scan3A_451, %scan3A_484 : i32
        %mul3A_486 = arith.constant 1 : i32
        %mul3A_487 = arith.muli %scan3A_485, %mul3A_486 : i32
        %add3A_488 = arith.constant 0 : i32
        %add3A_489 = arith.addi %add3A_488, %mul3A_487 : i32
        %mul3A_490 = arith.constant 16 : i32
        %mul3A_491 = arith.muli %add3A_489, %mul3A_490 : i32
        %get3A_492 = arith.index_cast %add3A_445 : i32 to index
        %get3A_493 = arith.index_cast %mul3A_491 : i32 to index
        %get3A_494 = tpu.vector_load %arg11[%get3A_492, %get3A_493] {strides = array<i32>} : memref<8x2048xf32, #tpu.memory_space<vmem>>, vector<1x16xf32>,
        %get3A_495 = vector.shape_cast %get3A_494 : vector<1x16xf32> to vector<16xf32>
        %mul3A_496 = arith.mulf %get3A_495, %broadcast_in_dim3A_3 : vector<16xf32>
        %swap3A_497 = arith.index_cast %add3A_445 : i32 to index
        %swap3A_498 = arith.index_cast %mul3A_491 : i32 to index
        %swap3A_499 = tpu.vector_load %arg11[%swap3A_497, %swap3A_498] {strides = array<i32>} : memref<8x2048xf32, #tpu.memory_space<vmem>>, vector<1x16xf32>,
        %swap3A_500 = vector.shape_cast %swap3A_499 : vector<1x16xf32> to vector<16xf32>
        %swap3A_501 = vector.shape_cast %mul3A_496 : vector<16xf32> to vector<1x16xf32>
        tpu.vector_store %arg11[%swap3A_497, %swap3A_498], %swap3A_501 {strides = array<i32>} : memref<8x2048xf32, #tpu.memory_space<vmem>>, vector<1x16xf32>,
        %scan3A_502 = arith.constant 3 : i32
        %scan3A_503 = arith.addi %scan3A_451, %scan3A_502 : i32
        %mul3A_504 = arith.constant 1 : i32
        %mul3A_505 = arith.muli %scan3A_503, %mul3A_504 : i32
        %add3A_506 = arith.constant 0 : i32
        %add3A_507 = arith.addi %add3A_506, %mul3A_505 : i32
        %mul3A_508 = arith.constant 16 : i32
        %mul3A_509 = arith.muli %add3A_507, %mul3A_508 : i32
        %get3A_510 = arith.index_cast %add3A_445 : i32 to index
        %get3A_511 = arith.index_cast %mul3A_509 : i32 to index
        %get3A_512 = tpu.vector_load %arg11[%get3A_510, %get3A_511] {strides = array<i32>} : memref<8x2048xf32, #tpu.memory_space<vmem>>, vector<1x16xf32>,
        %get3A_513 = vector.shape_cast %get3A_512 : vector<1x16xf32> to vector<16xf32>
        %mul3A_514 = arith.mulf %get3A_513, %broadcast_in_dim3A_3 : vector<16xf32>
        %swap3A_515 = arith.index_cast %add3A_445 : i32 to index
        %swap3A_516 = arith.index_cast %mul3A_509 : i32 to index
        %swap3A_517 = tpu.vector_load %arg11[%swap3A_515, %swap3A_516] {strides = array<i32>} : memref<8x2048xf32, #tpu.memory_space<vmem>>, vector<1x16xf32>,
        %swap3A_518 = vector.shape_cast %swap3A_517 : vector<1x16xf32> to vector<16xf32>
        %swap3A_519 = vector.shape_cast %mul3A_514 : vector<16xf32> to vector<1x16xf32>
        tpu.vector_store %arg11[%swap3A_515, %swap3A_516], %swap3A_519 {strides = array<i32>} : memref<8x2048xf32, #tpu.memory_space<vmem>>, vector<1x16xf32>,
        %scan3A_520 = arith.constant 4 : i32
        %scan3A_521 = arith.addi %scan3A_451, %scan3A_520 : i32
        %mul3A_522 = arith.constant 1 : i32
        %mul3A_523 = arith.muli %scan3A_521, %mul3A_522 : i32
        %add3A_524 = arith.constant 0 : i32
        %add3A_525 = arith.addi %add3A_524, %mul3A_523 : i32
        %mul3A_526 = arith.constant 16 : i32
        %mul3A_527 = arith.muli %add3A_525, %mul3A_526 : i32
        %get3A_528 = arith.index_cast %add3A_445 : i32 to index
        %get3A_529 = arith.index_cast %mul3A_527 : i32 to index
        %get3A_530 = tpu.vector_load %arg11[%get3A_528, %get3A_529] {strides = array<i32>} : memref<8x2048xf32, #tpu.memory_space<vmem>>, vector<1x16xf32>,
        %get3A_531 = vector.shape_cast %get3A_530 : vector<1x16xf32> to vector<16xf32>
        %mul3A_532 = arith.mulf %get3A_531, %broadcast_in_dim3A_3 : vector<16xf32>
        %swap3A_533 = arith.index_cast %add3A_445 : i32 to index
        %swap3A_534 = arith.index_cast %mul3A_527 : i32 to index
        %swap3A_535 = tpu.vector_load %arg11[%swap3A_533, %swap3A_534] {strides = array<i32>} : memref<8x2048xf32, #tpu.memory_space<vmem>>, vector<1x16xf32>,
        %swap3A_536 = vector.shape_cast %swap3A_535 : vector<1x16xf32> to vector<16xf32>
        %swap3A_537 = vector.shape_cast %mul3A_532 : vector<16xf32> to vector<1x16xf32>
        tpu.vector_store %arg11[%swap3A_533, %swap3A_534], %swap3A_537 {strides = array<i32>} : memref<8x2048xf32, #tpu.memory_space<vmem>>, vector<1x16xf32>,
        %scan3A_538 = arith.constant 5 : i32
        %scan3A_539 = arith.addi %scan3A_451, %scan3A_538 : i32
        %mul3A_540 = arith.constant 1 : i32
        %mul3A_541 = arith.muli %scan3A_539, %mul3A_540 : i32
        %add3A_542 = arith.constant 0 : i32
        %add3A_543 = arith.addi %add3A_542, %mul3A_541 : i32
        %mul3A_544 = arith.constant 16 : i32
        %mul3A_545 = arith.muli %add3A_543, %mul3A_544 : i32
        %get3A_546 = arith.index_cast %add3A_445 : i32 to index
        %get3A_547 = arith.index_cast %mul3A_545 : i32 to index
        %get3A_548 = tpu.vector_load %arg11[%get3A_546, %get3A_547] {strides = array<i32>} : memref<8x2048xf32, #tpu.memory_space<vmem>>, vector<1x16xf32>,
        %get3A_549 = vector.shape_cast %get3A_548 : vector<1x16xf32> to vector<16xf32>
        %mul3A_550 = arith.mulf %get3A_549, %broadcast_in_dim3A_3 : vector<16xf32>
        %swap3A_551 = arith.index_cast %add3A_445 : i32 to index
        %swap3A_552 = arith.index_cast %mul3A_545 : i32 to index
        %swap3A_553 = tpu.vector_load %arg11[%swap3A_551, %swap3A_552] {strides = array<i32>} : memref<8x2048xf32, #tpu.memory_space<vmem>>, vector<1x16xf32>,
        %swap3A_554 = vector.shape_cast %swap3A_553 : vector<1x16xf32> to vector<16xf32>
        %swap3A_555 = vector.shape_cast %mul3A_550 : vector<16xf32> to vector<1x16xf32>
        tpu.vector_store %arg11[%swap3A_551, %swap3A_552], %swap3A_555 {strides = array<i32>} : memref<8x2048xf32, #tpu.memory_space<vmem>>, vector<1x16xf32>,
        %scan3A_556 = arith.constant 6 : i32
        %scan3A_557 = arith.addi %scan3A_451, %scan3A_556 : i32
        %mul3A_558 = arith.constant 1 : i32
        %mul3A_559 = arith.muli %scan3A_557, %mul3A_558 : i32
        %add3A_560 = arith.constant 0 : i32
        %add3A_561 = arith.addi %add3A_560, %mul3A_559 : i32
        %mul3A_562 = arith.constant 16 : i32
        %mul3A_563 = arith.muli %add3A_561, %mul3A_562 : i32
        %get3A_564 = arith.index_cast %add3A_445 : i32 to index
        %get3A_565 = arith.index_cast %mul3A_563 : i32 to index
        %get3A_566 = tpu.vector_load %arg11[%get3A_564, %get3A_565] {strides = array<i32>} : memref<8x2048xf32, #tpu.memory_space<vmem>>, vector<1x16xf32>,
        %get3A_567 = vector.shape_cast %get3A_566 : vector<1x16xf32> to vector<16xf32>
        %mul3A_568 = arith.mulf %get3A_567, %broadcast_in_dim3A_3 : vector<16xf32>
        %swap3A_569 = arith.index_cast %add3A_445 : i32 to index
        %swap3A_570 = arith.index_cast %mul3A_563 : i32 to index
        %swap3A_571 = tpu.vector_load %arg11[%swap3A_569, %swap3A_570] {strides = array<i32>} : memref<8x2048xf32, #tpu.memory_space<vmem>>, vector<1x16xf32>,
        %swap3A_572 = vector.shape_cast %swap3A_571 : vector<1x16xf32> to vector<16xf32>
        %swap3A_573 = vector.shape_cast %mul3A_568 : vector<16xf32> to vector<1x16xf32>
        tpu.vector_store %arg11[%swap3A_569, %swap3A_570], %swap3A_573 {strides = array<i32>} : memref<8x2048xf32, #tpu.memory_space<vmem>>, vector<1x16xf32>,
        %scan3A_574 = arith.constant 7 : i32
        %scan3A_575 = arith.addi %scan3A_451, %scan3A_574 : i32
        %mul3A_576 = arith.constant 1 : i32
        %mul3A_577 = arith.muli %scan3A_575, %mul3A_576 : i32
        %add3A_578 = arith.constant 0 : i32
        %add3A_579 = arith.addi %add3A_578, %mul3A_577 : i32
        %mul3A_580 = arith.constant 16 : i32
        %mul3A_581 = arith.muli %add3A_579, %mul3A_580 : i32
        %get3A_582 = arith.index_cast %add3A_445 : i32 to index
        %get3A_583 = arith.index_cast %mul3A_581 : i32 to index
        %get3A_584 = tpu.vector_load %arg11[%get3A_582, %get3A_583] {strides = array<i32>} : memref<8x2048xf32, #tpu.memory_space<vmem>>, vector<1x16xf32>,
        %get3A_585 = vector.shape_cast %get3A_584 : vector<1x16xf32> to vector<16xf32>
        %mul3A_586 = arith.mulf %get3A_585, %broadcast_in_dim3A_3 : vector<16xf32>
        %swap3A_587 = arith.index_cast %add3A_445 : i32 to index
        %swap3A_588 = arith.index_cast %mul3A_581 : i32 to index
        %swap3A_589 = tpu.vector_load %arg11[%swap3A_587, %swap3A_588] {strides = array<i32>} : memref<8x2048xf32, #tpu.memory_space<vmem>>, vector<1x16xf32>,
        %swap3A_590 = vector.shape_cast %swap3A_589 : vector<1x16xf32> to vector<16xf32>
        %swap3A_591 = vector.shape_cast %mul3A_586 : vector<16xf32> to vector<1x16xf32>
        tpu.vector_store %arg11[%swap3A_587, %swap3A_588], %swap3A_591 {strides = array<i32>} : memref<8x2048xf32, #tpu.memory_space<vmem>>, vector<1x16xf32>,
      }
      %scan3A_450 = arith.constant 128 : i32
    }
    %scan3A_370 = arith.constant 8 : i32
    %add3A_371 = arith.constant 488 : i32
    %add3A_372 = arith.addi %mul3A_2, %add3A_371 : i32
    %dma_start3A_373 = arith.constant 0 : i32
    %dma_start3A_374 = tpu.memref_slice %arg4[%add3A_372, %dma_start3A_373] : memref<16384x2048xf32, #tpu.memory_space<hbm>> -> memref<8x2048xf32, #tpu.memory_space<hbm>>
    %dma_start3A_375 = arith.constant 0 : i32
    %dma_start3A_376 = tpu.memref_slice %arg4[%add3A_372, %dma_start3A_375] : memref<16384x2048xf32, #tpu.memory_space<hbm>> -> memref<8x2048xf32, #tpu.memory_space<hbm>>
    tpu.enqueue_dma source(%arg11 : memref<8x2048xf32, #tpu.memory_space<vmem>>) target(%dma_start3A_376 : memref<8x2048xf32, #tpu.memory_space<hbm>>) target_semaphore(%arg25 : memref<!tpu.dma_semaphore, #tpu.memory_space<semaphore_mem>>)
    %dma_wait3A_377 = arith.constant 0 : i32
    %dma_wait3A_378 = arith.constant 0 : i32
    %dma_wait3A_379 = tpu.memref_slice %arg5[%dma_wait3A_377, %dma_wait3A_378] : memref<64x8xi32, #tpu.memory_space<vmem>> -> memref<1x8xi32, #tpu.memory_space<vmem>>
    %dma_wait3A_380 = tpu.memref_squeeze %dma_wait3A_379 : memref<1x8xi32, #tpu.memory_space<vmem>> -> memref<8xi32, #tpu.memory_space<vmem>>
    %dma_wait3A_381 = arith.constant 0 : i32
    %dma_wait3A_382 = arith.constant 0 : i32
    %dma_wait3A_383 = tpu.memref_slice %arg3[%dma_wait3A_381, %dma_wait3A_382] : memref<100000x2048xf32, #tpu.memory_space<hbm>> -> memref<100000x2048xf32, #tpu.memory_space<hbm>>
    tpu.wait_indirect_dma semaphore(%arg19 : memref<!tpu.dma_semaphore, #tpu.memory_space<semaphore_mem>>) src(%dma_wait3A_383 : memref<100000x2048xf32, #tpu.memory_space<hbm>>) dst(%arg12 : memref<8x2048xf32, #tpu.memory_space<vmem>>)
    %scan3A_384 = arith.constant 0 : i32
    %scan3A_385 = arith.constant 8 : i32
    %scan3A_386 = arith.addi %scan3A_384, %scan3A_385 : i32
    %scan3A_387 = arith.constant 1 : i32
    scf.for %scan3A_441 = %scan3A_384 to %scan3A_386 step %scan3A_387  : i32 {
      %mul3A_442 = arith.constant 1 : i32
      %mul3A_443 = arith.muli %scan3A_441, %mul3A_442 : i32
      %add3A_444 = arith.constant 0 : i32
      %add3A_445 = arith.addi %add3A_444, %mul3A_443 : i32
      %scan3A_446 = arith.constant 0 : i32
      %scan3A_447 = arith.constant 128 : i32
      %scan3A_448 = arith.addi %scan3A_446, %scan3A_447 : i32
      %scan3A_449 = arith.constant 8 : i32
      scf.for %scan3A_451 = %scan3A_446 to %scan3A_448 step %scan3A_449  : i32 {
        %mul3A_452 = arith.constant 1 : i32
        %mul3A_453 = arith.muli %scan3A_451, %mul3A_452 : i32
        %add3A_454 = arith.constant 0 : i32
        %add3A_455 = arith.addi %add3A_454, %mul3A_453 : i32
        %mul3A_456 = arith.constant 16 : i32
        %mul3A_457 = arith.muli %add3A_455, %mul3A_456 : i32
        %get3A = arith.index_cast %add3A_445 : i32 to index
        %get3A_458 = arith.index_cast %mul3A_457 : i32 to index
        %get3A_459 = tpu.vector_load %arg12[%get3A, %get3A_458] {strides = array<i32>} : memref<8x2048xf32, #tpu.memory_space<vmem>>, vector<1x16xf32>,
        %get3A_460 = vector.shape_cast %get3A_459 : vector<1x16xf32> to vector<16xf32>
        %mul3A_461 = arith.mulf %get3A_460, %broadcast_in_dim3A_3 : vector<16xf32>
        %swap3A = arith.index_cast %add3A_445 : i32 to index
        %swap3A_462 = arith.index_cast %mul3A_457 : i32 to index
        %swap3A_463 = tpu.vector_load %arg12[%swap3A, %swap3A_462] {strides = array<i32>} : memref<8x2048xf32, #tpu.memory_space<vmem>>, vector<1x16xf32>,
        %swap3A_464 = vector.shape_cast %swap3A_463 : vector<1x16xf32> to vector<16xf32>
        %swap3A_465 = vector.shape_cast %mul3A_461 : vector<16xf32> to vector<1x16xf32>
        tpu.vector_store %arg12[%swap3A, %swap3A_462], %swap3A_465 {strides = array<i32>} : memref<8x2048xf32, #tpu.memory_space<vmem>>, vector<1x16xf32>,
        %scan3A_466 = arith.constant 1 : i32
        %scan3A_467 = arith.addi %scan3A_451, %scan3A_466 : i32
        %mul3A_468 = arith.constant 1 : i32
        %mul3A_469 = arith.muli %scan3A_467, %mul3A_468 : i32
        %add3A_470 = arith.constant 0 : i32
        %add3A_471 = arith.addi %add3A_470, %mul3A_469 : i32
        %mul3A_472 = arith.constant 16 : i32
        %mul3A_473 = arith.muli %add3A_471, %mul3A_472 : i32
        %get3A_474 = arith.index_cast %add3A_445 : i32 to index
        %get3A_475 = arith.index_cast %mul3A_473 : i32 to index
        %get3A_476 = tpu.vector_load %arg12[%get3A_474, %get3A_475] {strides = array<i32>} : memref<8x2048xf32, #tpu.memory_space<vmem>>, vector<1x16xf32>,
        %get3A_477 = vector.shape_cast %get3A_476 : vector<1x16xf32> to vector<16xf32>
        %mul3A_478 = arith.mulf %get3A_477, %broadcast_in_dim3A_3 : vector<16xf32>
        %swap3A_479 = arith.index_cast %add3A_445 : i32 to index
        %swap3A_480 = arith.index_cast %mul3A_473 : i32 to index
        %swap3A_481 = tpu.vector_load %arg12[%swap3A_479, %swap3A_480] {strides = array<i32>} : memref<8x2048xf32, #tpu.memory_space<vmem>>, vector<1x16xf32>,
        %swap3A_482 = vector.shape_cast %swap3A_481 : vector<1x16xf32> to vector<16xf32>
        %swap3A_483 = vector.shape_cast %mul3A_478 : vector<16xf32> to vector<1x16xf32>
        tpu.vector_store %arg12[%swap3A_479, %swap3A_480], %swap3A_483 {strides = array<i32>} : memref<8x2048xf32, #tpu.memory_space<vmem>>, vector<1x16xf32>,
        %scan3A_484 = arith.constant 2 : i32
        %scan3A_485 = arith.addi %scan3A_451, %scan3A_484 : i32
        %mul3A_486 = arith.constant 1 : i32
        %mul3A_487 = arith.muli %scan3A_485, %mul3A_486 : i32
        %add3A_488 = arith.constant 0 : i32
        %add3A_489 = arith.addi %add3A_488, %mul3A_487 : i32
        %mul3A_490 = arith.constant 16 : i32
        %mul3A_491 = arith.muli %add3A_489, %mul3A_490 : i32
        %get3A_492 = arith.index_cast %add3A_445 : i32 to index
        %get3A_493 = arith.index_cast %mul3A_491 : i32 to index
        %get3A_494 = tpu.vector_load %arg12[%get3A_492, %get3A_493] {strides = array<i32>} : memref<8x2048xf32, #tpu.memory_space<vmem>>, vector<1x16xf32>,
        %get3A_495 = vector.shape_cast %get3A_494 : vector<1x16xf32> to vector<16xf32>
        %mul3A_496 = arith.mulf %get3A_495, %broadcast_in_dim3A_3 : vector<16xf32>
        %swap3A_497 = arith.index_cast %add3A_445 : i32 to index
        %swap3A_498 = arith.index_cast %mul3A_491 : i32 to index
        %swap3A_499 = tpu.vector_load %arg12[%swap3A_497, %swap3A_498] {strides = array<i32>} : memref<8x2048xf32, #tpu.memory_space<vmem>>, vector<1x16xf32>,
        %swap3A_500 = vector.shape_cast %swap3A_499 : vector<1x16xf32> to vector<16xf32>
        %swap3A_501 = vector.shape_cast %mul3A_496 : vector<16xf32> to vector<1x16xf32>
        tpu.vector_store %arg12[%swap3A_497, %swap3A_498], %swap3A_501 {strides = array<i32>} : memref<8x2048xf32, #tpu.memory_space<vmem>>, vector<1x16xf32>,
        %scan3A_502 = arith.constant 3 : i32
        %scan3A_503 = arith.addi %scan3A_451, %scan3A_502 : i32
        %mul3A_504 = arith.constant 1 : i32
        %mul3A_505 = arith.muli %scan3A_503, %mul3A_504 : i32
        %add3A_506 = arith.constant 0 : i32
        %add3A_507 = arith.addi %add3A_506, %mul3A_505 : i32
        %mul3A_508 = arith.constant 16 : i32
        %mul3A_509 = arith.muli %add3A_507, %mul3A_508 : i32
        %get3A_510 = arith.index_cast %add3A_445 : i32 to index
        %get3A_511 = arith.index_cast %mul3A_509 : i32 to index
        %get3A_512 = tpu.vector_load %arg12[%get3A_510, %get3A_511] {strides = array<i32>} : memref<8x2048xf32, #tpu.memory_space<vmem>>, vector<1x16xf32>,
        %get3A_513 = vector.shape_cast %get3A_512 : vector<1x16xf32> to vector<16xf32>
        %mul3A_514 = arith.mulf %get3A_513, %broadcast_in_dim3A_3 : vector<16xf32>
        %swap3A_515 = arith.index_cast %add3A_445 : i32 to index
        %swap3A_516 = arith.index_cast %mul3A_509 : i32 to index
        %swap3A_517 = tpu.vector_load %arg12[%swap3A_515, %swap3A_516] {strides = array<i32>} : memref<8x2048xf32, #tpu.memory_space<vmem>>, vector<1x16xf32>,
        %swap3A_518 = vector.shape_cast %swap3A_517 : vector<1x16xf32> to vector<16xf32>
        %swap3A_519 = vector.shape_cast %mul3A_514 : vector<16xf32> to vector<1x16xf32>
        tpu.vector_store %arg12[%swap3A_515, %swap3A_516], %swap3A_519 {strides = array<i32>} : memref<8x2048xf32, #tpu.memory_space<vmem>>, vector<1x16xf32>,
        %scan3A_520 = arith.constant 4 : i32
        %scan3A_521 = arith.addi %scan3A_451, %scan3A_520 : i32
        %mul3A_522 = arith.constant 1 : i32
        %mul3A_523 = arith.muli %scan3A_521, %mul3A_522 : i32
        %add3A_524 = arith.constant 0 : i32
        %add3A_525 = arith.addi %add3A_524, %mul3A_523 : i32
        %mul3A_526 = arith.constant 16 : i32
        %mul3A_527 = arith.muli %add3A_525, %mul3A_526 : i32
        %get3A_528 = arith.index_cast %add3A_445 : i32 to index
        %get3A_529 = arith.index_cast %mul3A_527 : i32 to index
        %get3A_530 = tpu.vector_load %arg12[%get3A_528, %get3A_529] {strides = array<i32>} : memref<8x2048xf32, #tpu.memory_space<vmem>>, vector<1x16xf32>,
        %get3A_531 = vector.shape_cast %get3A_530 : vector<1x16xf32> to vector<16xf32>
        %mul3A_532 = arith.mulf %get3A_531, %broadcast_in_dim3A_3 : vector<16xf32>
        %swap3A_533 = arith.index_cast %add3A_445 : i32 to index
        %swap3A_534 = arith.index_cast %mul3A_527 : i32 to index
        %swap3A_535 = tpu.vector_load %arg12[%swap3A_533, %swap3A_534] {strides = array<i32>} : memref<8x2048xf32, #tpu.memory_space<vmem>>, vector<1x16xf32>,
        %swap3A_536 = vector.shape_cast %swap3A_535 : vector<1x16xf32> to vector<16xf32>
        %swap3A_537 = vector.shape_cast %mul3A_532 : vector<16xf32> to vector<1x16xf32>
        tpu.vector_store %arg12[%swap3A_533, %swap3A_534], %swap3A_537 {strides = array<i32>} : memref<8x2048xf32, #tpu.memory_space<vmem>>, vector<1x16xf32>,
        %scan3A_538 = arith.constant 5 : i32
        %scan3A_539 = arith.addi %scan3A_451, %scan3A_538 : i32
        %mul3A_540 = arith.constant 1 : i32
        %mul3A_541 = arith.muli %scan3A_539, %mul3A_540 : i32
        %add3A_542 = arith.constant 0 : i32
        %add3A_543 = arith.addi %add3A_542, %mul3A_541 : i32
        %mul3A_544 = arith.constant 16 : i32
        %mul3A_545 = arith.muli %add3A_543, %mul3A_544 : i32
        %get3A_546 = arith.index_cast %add3A_445 : i32 to index
        %get3A_547 = arith.index_cast %mul3A_545 : i32 to index
        %get3A_548 = tpu.vector_load %arg12[%get3A_546, %get3A_547] {strides = array<i32>} : memref<8x2048xf32, #tpu.memory_space<vmem>>, vector<1x16xf32>,
        %get3A_549 = vector.shape_cast %get3A_548 : vector<1x16xf32> to vector<16xf32>
        %mul3A_550 = arith.mulf %get3A_549, %broadcast_in_dim3A_3 : vector<16xf32>
        %swap3A_551 = arith.index_cast %add3A_445 : i32 to index
        %swap3A_552 = arith.index_cast %mul3A_545 : i32 to index
        %swap3A_553 = tpu.vector_load %arg12[%swap3A_551, %swap3A_552] {strides = array<i32>} : memref<8x2048xf32, #tpu.memory_space<vmem>>, vector<1x16xf32>,
        %swap3A_554 = vector.shape_cast %swap3A_553 : vector<1x16xf32> to vector<16xf32>
        %swap3A_555 = vector.shape_cast %mul3A_550 : vector<16xf32> to vector<1x16xf32>
        tpu.vector_store %arg12[%swap3A_551, %swap3A_552], %swap3A_555 {strides = array<i32>} : memref<8x2048xf32, #tpu.memory_space<vmem>>, vector<1x16xf32>,
        %scan3A_556 = arith.constant 6 : i32
        %scan3A_557 = arith.addi %scan3A_451, %scan3A_556 : i32
        %mul3A_558 = arith.constant 1 : i32
        %mul3A_559 = arith.muli %scan3A_557, %mul3A_558 : i32
        %add3A_560 = arith.constant 0 : i32
        %add3A_561 = arith.addi %add3A_560, %mul3A_559 : i32
        %mul3A_562 = arith.constant 16 : i32
        %mul3A_563 = arith.muli %add3A_561, %mul3A_562 : i32
        %get3A_564 = arith.index_cast %add3A_445 : i32 to index
        %get3A_565 = arith.index_cast %mul3A_563 : i32 to index
        %get3A_566 = tpu.vector_load %arg12[%get3A_564, %get3A_565] {strides = array<i32>} : memref<8x2048xf32, #tpu.memory_space<vmem>>, vector<1x16xf32>,
        %get3A_567 = vector.shape_cast %get3A_566 : vector<1x16xf32> to vector<16xf32>
        %mul3A_568 = arith.mulf %get3A_567, %broadcast_in_dim3A_3 : vector<16xf32>
        %swap3A_569 = arith.index_cast %add3A_445 : i32 to index
        %swap3A_570 = arith.index_cast %mul3A_563 : i32 to index
        %swap3A_571 = tpu.vector_load %arg12[%swap3A_569, %swap3A_570] {strides = array<i32>} : memref<8x2048xf32, #tpu.memory_space<vmem>>, vector<1x16xf32>,
        %swap3A_572 = vector.shape_cast %swap3A_571 : vector<1x16xf32> to vector<16xf32>
        %swap3A_573 = vector.shape_cast %mul3A_568 : vector<16xf32> to vector<1x16xf32>
        tpu.vector_store %arg12[%swap3A_569, %swap3A_570], %swap3A_573 {strides = array<i32>} : memref<8x2048xf32, #tpu.memory_space<vmem>>, vector<1x16xf32>,
        %scan3A_574 = arith.constant 7 : i32
        %scan3A_575 = arith.addi %scan3A_451, %scan3A_574 : i32
        %mul3A_576 = arith.constant 1 : i32
        %mul3A_577 = arith.muli %scan3A_575, %mul3A_576 : i32
        %add3A_578 = arith.constant 0 : i32
        %add3A_579 = arith.addi %add3A_578, %mul3A_577 : i32
        %mul3A_580 = arith.constant 16 : i32
        %mul3A_581 = arith.muli %add3A_579, %mul3A_580 : i32
        %get3A_582 = arith.index_cast %add3A_445 : i32 to index
        %get3A_583 = arith.index_cast %mul3A_581 : i32 to index
        %get3A_584 = tpu.vector_load %arg12[%get3A_582, %get3A_583] {strides = array<i32>} : memref<8x2048xf32, #tpu.memory_space<vmem>>, vector<1x16xf32>,
        %get3A_585 = vector.shape_cast %get3A_584 : vector<1x16xf32> to vector<16xf32>
        %mul3A_586 = arith.mulf %get3A_585, %broadcast_in_dim3A_3 : vector<16xf32>
        %swap3A_587 = arith.index_cast %add3A_445 : i32 to index
        %swap3A_588 = arith.index_cast %mul3A_581 : i32 to index
        %swap3A_589 = tpu.vector_load %arg12[%swap3A_587, %swap3A_588] {strides = array<i32>} : memref<8x2048xf32, #tpu.memory_space<vmem>>, vector<1x16xf32>,
        %swap3A_590 = vector.shape_cast %swap3A_589 : vector<1x16xf32> to vector<16xf32>
        %swap3A_591 = vector.shape_cast %mul3A_586 : vector<16xf32> to vector<1x16xf32>
        tpu.vector_store %arg12[%swap3A_587, %swap3A_588], %swap3A_591 {strides = array<i32>} : memref<8x2048xf32, #tpu.memory_space<vmem>>, vector<1x16xf32>,
      }
      %scan3A_450 = arith.constant 128 : i32
    }
    %scan3A_388 = arith.constant 8 : i32
    %add3A_389 = arith.constant 496 : i32
    %add3A_390 = arith.addi %mul3A_2, %add3A_389 : i32
    %dma_start3A_391 = arith.constant 0 : i32
    %dma_start3A_392 = tpu.memref_slice %arg4[%add3A_390, %dma_start3A_391] : memref<16384x2048xf32, #tpu.memory_space<hbm>> -> memref<8x2048xf32, #tpu.memory_space<hbm>>
    %dma_start3A_393 = arith.constant 0 : i32
    %dma_start3A_394 = tpu.memref_slice %arg4[%add3A_390, %dma_start3A_393] : memref<16384x2048xf32, #tpu.memory_space<hbm>> -> memref<8x2048xf32, #tpu.memory_space<hbm>>
    tpu.enqueue_dma source(%arg12 : memref<8x2048xf32, #tpu.memory_space<vmem>>) target(%dma_start3A_394 : memref<8x2048xf32, #tpu.memory_space<hbm>>) target_semaphore(%arg26 : memref<!tpu.dma_semaphore, #tpu.memory_space<semaphore_mem>>)
    %dma_wait3A_395 = arith.constant 0 : i32
    %dma_wait3A_396 = arith.constant 0 : i32
    %dma_wait3A_397 = tpu.memref_slice %arg5[%dma_wait3A_395, %dma_wait3A_396] : memref<64x8xi32, #tpu.memory_space<vmem>> -> memref<1x8xi32, #tpu.memory_space<vmem>>
    %dma_wait3A_398 = tpu.memref_squeeze %dma_wait3A_397 : memref<1x8xi32, #tpu.memory_space<vmem>> -> memref<8xi32, #tpu.memory_space<vmem>>
    %dma_wait3A_399 = arith.constant 0 : i32
    %dma_wait3A_400 = arith.constant 0 : i32
    %dma_wait3A_401 = tpu.memref_slice %arg3[%dma_wait3A_399, %dma_wait3A_400] : memref<100000x2048xf32, #tpu.memory_space<hbm>> -> memref<100000x2048xf32, #tpu.memory_space<hbm>>
    tpu.wait_indirect_dma semaphore(%arg13 : memref<!tpu.dma_semaphore, #tpu.memory_space<semaphore_mem>>) src(%dma_wait3A_401 : memref<100000x2048xf32, #tpu.memory_space<hbm>>) dst(%arg6 : memref<8x2048xf32, #tpu.memory_space<vmem>>)
    %scan3A_402 = arith.constant 0 : i32
    %scan3A_403 = arith.constant 8 : i32
    %scan3A_404 = arith.addi %scan3A_402, %scan3A_403 : i32
    %scan3A_405 = arith.constant 1 : i32
    scf.for %scan3A_441 = %scan3A_402 to %scan3A_404 step %scan3A_405  : i32 {
      %mul3A_442 = arith.constant 1 : i32
      %mul3A_443 = arith.muli %scan3A_441, %mul3A_442 : i32
      %add3A_444 = arith.constant 0 : i32
      %add3A_445 = arith.addi %add3A_444, %mul3A_443 : i32
      %scan3A_446 = arith.constant 0 : i32
      %scan3A_447 = arith.constant 128 : i32
      %scan3A_448 = arith.addi %scan3A_446, %scan3A_447 : i32
      %scan3A_449 = arith.constant 8 : i32
      scf.for %scan3A_451 = %scan3A_446 to %scan3A_448 step %scan3A_449  : i32 {
        %mul3A_452 = arith.constant 1 : i32
        %mul3A_453 = arith.muli %scan3A_451, %mul3A_452 : i32
        %add3A_454 = arith.constant 0 : i32
        %add3A_455 = arith.addi %add3A_454, %mul3A_453 : i32
        %mul3A_456 = arith.constant 16 : i32
        %mul3A_457 = arith.muli %add3A_455, %mul3A_456 : i32
        %get3A = arith.index_cast %add3A_445 : i32 to index
        %get3A_458 = arith.index_cast %mul3A_457 : i32 to index
        %get3A_459 = tpu.vector_load %arg6[%get3A, %get3A_458] {strides = array<i32>} : memref<8x2048xf32, #tpu.memory_space<vmem>>, vector<1x16xf32>,
        %get3A_460 = vector.shape_cast %get3A_459 : vector<1x16xf32> to vector<16xf32>
        %mul3A_461 = arith.mulf %get3A_460, %broadcast_in_dim3A_3 : vector<16xf32>
        %swap3A = arith.index_cast %add3A_445 : i32 to index
        %swap3A_462 = arith.index_cast %mul3A_457 : i32 to index
        %swap3A_463 = tpu.vector_load %arg6[%swap3A, %swap3A_462] {strides = array<i32>} : memref<8x2048xf32, #tpu.memory_space<vmem>>, vector<1x16xf32>,
        %swap3A_464 = vector.shape_cast %swap3A_463 : vector<1x16xf32> to vector<16xf32>
        %swap3A_465 = vector.shape_cast %mul3A_461 : vector<16xf32> to vector<1x16xf32>
        tpu.vector_store %arg6[%swap3A, %swap3A_462], %swap3A_465 {strides = array<i32>} : memref<8x2048xf32, #tpu.memory_space<vmem>>, vector<1x16xf32>,
        %scan3A_466 = arith.constant 1 : i32
        %scan3A_467 = arith.addi %scan3A_451, %scan3A_466 : i32
        %mul3A_468 = arith.constant 1 : i32
        %mul3A_469 = arith.muli %scan3A_467, %mul3A_468 : i32
        %add3A_470 = arith.constant 0 : i32
        %add3A_471 = arith.addi %add3A_470, %mul3A_469 : i32
        %mul3A_472 = arith.constant 16 : i32
        %mul3A_473 = arith.muli %add3A_471, %mul3A_472 : i32
        %get3A_474 = arith.index_cast %add3A_445 : i32 to index
        %get3A_475 = arith.index_cast %mul3A_473 : i32 to index
        %get3A_476 = tpu.vector_load %arg6[%get3A_474, %get3A_475] {strides = array<i32>} : memref<8x2048xf32, #tpu.memory_space<vmem>>, vector<1x16xf32>,
        %get3A_477 = vector.shape_cast %get3A_476 : vector<1x16xf32> to vector<16xf32>
        %mul3A_478 = arith.mulf %get3A_477, %broadcast_in_dim3A_3 : vector<16xf32>
        %swap3A_479 = arith.index_cast %add3A_445 : i32 to index
        %swap3A_480 = arith.index_cast %mul3A_473 : i32 to index
        %swap3A_481 = tpu.vector_load %arg6[%swap3A_479, %swap3A_480] {strides = array<i32>} : memref<8x2048xf32, #tpu.memory_space<vmem>>, vector<1x16xf32>,
        %swap3A_482 = vector.shape_cast %swap3A_481 : vector<1x16xf32> to vector<16xf32>
        %swap3A_483 = vector.shape_cast %mul3A_478 : vector<16xf32> to vector<1x16xf32>
        tpu.vector_store %arg6[%swap3A_479, %swap3A_480], %swap3A_483 {strides = array<i32>} : memref<8x2048xf32, #tpu.memory_space<vmem>>, vector<1x16xf32>,
        %scan3A_484 = arith.constant 2 : i32
        %scan3A_485 = arith.addi %scan3A_451, %scan3A_484 : i32
        %mul3A_486 = arith.constant 1 : i32
        %mul3A_487 = arith.muli %scan3A_485, %mul3A_486 : i32
        %add3A_488 = arith.constant 0 : i32
        %add3A_489 = arith.addi %add3A_488, %mul3A_487 : i32
        %mul3A_490 = arith.constant 16 : i32
        %mul3A_491 = arith.muli %add3A_489, %mul3A_490 : i32
        %get3A_492 = arith.index_cast %add3A_445 : i32 to index
        %get3A_493 = arith.index_cast %mul3A_491 : i32 to index
        %get3A_494 = tpu.vector_load %arg6[%get3A_492, %get3A_493] {strides = array<i32>} : memref<8x2048xf32, #tpu.memory_space<vmem>>, vector<1x16xf32>,
        %get3A_495 = vector.shape_cast %get3A_494 : vector<1x16xf32> to vector<16xf32>
        %mul3A_496 = arith.mulf %get3A_495, %broadcast_in_dim3A_3 : vector<16xf32>
        %swap3A_497 = arith.index_cast %add3A_445 : i32 to index
        %swap3A_498 = arith.index_cast %mul3A_491 : i32 to index
        %swap3A_499 = tpu.vector_load %arg6[%swap3A_497, %swap3A_498] {strides = array<i32>} : memref<8x2048xf32, #tpu.memory_space<vmem>>, vector<1x16xf32>,
        %swap3A_500 = vector.shape_cast %swap3A_499 : vector<1x16xf32> to vector<16xf32>
        %swap3A_501 = vector.shape_cast %mul3A_496 : vector<16xf32> to vector<1x16xf32>
        tpu.vector_store %arg6[%swap3A_497, %swap3A_498], %swap3A_501 {strides = array<i32>} : memref<8x2048xf32, #tpu.memory_space<vmem>>, vector<1x16xf32>,
        %scan3A_502 = arith.constant 3 : i32
        %scan3A_503 = arith.addi %scan3A_451, %scan3A_502 : i32
        %mul3A_504 = arith.constant 1 : i32
        %mul3A_505 = arith.muli %scan3A_503, %mul3A_504 : i32
        %add3A_506 = arith.constant 0 : i32
        %add3A_507 = arith.addi %add3A_506, %mul3A_505 : i32
        %mul3A_508 = arith.constant 16 : i32
        %mul3A_509 = arith.muli %add3A_507, %mul3A_508 : i32
        %get3A_510 = arith.index_cast %add3A_445 : i32 to index
        %get3A_511 = arith.index_cast %mul3A_509 : i32 to index
        %get3A_512 = tpu.vector_load %arg6[%get3A_510, %get3A_511] {strides = array<i32>} : memref<8x2048xf32, #tpu.memory_space<vmem>>, vector<1x16xf32>,
        %get3A_513 = vector.shape_cast %get3A_512 : vector<1x16xf32> to vector<16xf32>
        %mul3A_514 = arith.mulf %get3A_513, %broadcast_in_dim3A_3 : vector<16xf32>
        %swap3A_515 = arith.index_cast %add3A_445 : i32 to index
        %swap3A_516 = arith.index_cast %mul3A_509 : i32 to index
        %swap3A_517 = tpu.vector_load %arg6[%swap3A_515, %swap3A_516] {strides = array<i32>} : memref<8x2048xf32, #tpu.memory_space<vmem>>, vector<1x16xf32>,
        %swap3A_518 = vector.shape_cast %swap3A_517 : vector<1x16xf32> to vector<16xf32>
        %swap3A_519 = vector.shape_cast %mul3A_514 : vector<16xf32> to vector<1x16xf32>
        tpu.vector_store %arg6[%swap3A_515, %swap3A_516], %swap3A_519 {strides = array<i32>} : memref<8x2048xf32, #tpu.memory_space<vmem>>, vector<1x16xf32>,
        %scan3A_520 = arith.constant 4 : i32
        %scan3A_521 = arith.addi %scan3A_451, %scan3A_520 : i32
        %mul3A_522 = arith.constant 1 : i32
        %mul3A_523 = arith.muli %scan3A_521, %mul3A_522 : i32
        %add3A_524 = arith.constant 0 : i32
        %add3A_525 = arith.addi %add3A_524, %mul3A_523 : i32
        %mul3A_526 = arith.constant 16 : i32
        %mul3A_527 = arith.muli %add3A_525, %mul3A_526 : i32
        %get3A_528 = arith.index_cast %add3A_445 : i32 to index
        %get3A_529 = arith.index_cast %mul3A_527 : i32 to index
        %get3A_530 = tpu.vector_load %arg6[%get3A_528, %get3A_529] {strides = array<i32>} : memref<8x2048xf32, #tpu.memory_space<vmem>>, vector<1x16xf32>,
        %get3A_531 = vector.shape_cast %get3A_530 : vector<1x16xf32> to vector<16xf32>
        %mul3A_532 = arith.mulf %get3A_531, %broadcast_in_dim3A_3 : vector<16xf32>
        %swap3A_533 = arith.index_cast %add3A_445 : i32 to index
        %swap3A_534 = arith.index_cast %mul3A_527 : i32 to index
        %swap3A_535 = tpu.vector_load %arg6[%swap3A_533, %swap3A_534] {strides = array<i32>} : memref<8x2048xf32, #tpu.memory_space<vmem>>, vector<1x16xf32>,
        %swap3A_536 = vector.shape_cast %swap3A_535 : vector<1x16xf32> to vector<16xf32>
        %swap3A_537 = vector.shape_cast %mul3A_532 : vector<16xf32> to vector<1x16xf32>
        tpu.vector_store %arg6[%swap3A_533, %swap3A_534], %swap3A_537 {strides = array<i32>} : memref<8x2048xf32, #tpu.memory_space<vmem>>, vector<1x16xf32>,
        %scan3A_538 = arith.constant 5 : i32
        %scan3A_539 = arith.addi %scan3A_451, %scan3A_538 : i32
        %mul3A_540 = arith.constant 1 : i32
        %mul3A_541 = arith.muli %scan3A_539, %mul3A_540 : i32
        %add3A_542 = arith.constant 0 : i32
        %add3A_543 = arith.addi %add3A_542, %mul3A_541 : i32
        %mul3A_544 = arith.constant 16 : i32
        %mul3A_545 = arith.muli %add3A_543, %mul3A_544 : i32
        %get3A_546 = arith.index_cast %add3A_445 : i32 to index
        %get3A_547 = arith.index_cast %mul3A_545 : i32 to index
        %get3A_548 = tpu.vector_load %arg6[%get3A_546, %get3A_547] {strides = array<i32>} : memref<8x2048xf32, #tpu.memory_space<vmem>>, vector<1x16xf32>,
        %get3A_549 = vector.shape_cast %get3A_548 : vector<1x16xf32> to vector<16xf32>
        %mul3A_550 = arith.mulf %get3A_549, %broadcast_in_dim3A_3 : vector<16xf32>
        %swap3A_551 = arith.index_cast %add3A_445 : i32 to index
        %swap3A_552 = arith.index_cast %mul3A_545 : i32 to index
        %swap3A_553 = tpu.vector_load %arg6[%swap3A_551, %swap3A_552] {strides = array<i32>} : memref<8x2048xf32, #tpu.memory_space<vmem>>, vector<1x16xf32>,
        %swap3A_554 = vector.shape_cast %swap3A_553 : vector<1x16xf32> to vector<16xf32>
        %swap3A_555 = vector.shape_cast %mul3A_550 : vector<16xf32> to vector<1x16xf32>
        tpu.vector_store %arg6[%swap3A_551, %swap3A_552], %swap3A_555 {strides = array<i32>} : memref<8x2048xf32, #tpu.memory_space<vmem>>, vector<1x16xf32>,
        %scan3A_556 = arith.constant 6 : i32
        %scan3A_557 = arith.addi %scan3A_451, %scan3A_556 : i32
        %mul3A_558 = arith.constant 1 : i32
        %mul3A_559 = arith.muli %scan3A_557, %mul3A_558 : i32
        %add3A_560 = arith.constant 0 : i32
        %add3A_561 = arith.addi %add3A_560, %mul3A_559 : i32
        %mul3A_562 = arith.constant 16 : i32
        %mul3A_563 = arith.muli %add3A_561, %mul3A_562 : i32
        %get3A_564 = arith.index_cast %add3A_445 : i32 to index
        %get3A_565 = arith.index_cast %mul3A_563 : i32 to index
        %get3A_566 = tpu.vector_load %arg6[%get3A_564, %get3A_565] {strides = array<i32>} : memref<8x2048xf32, #tpu.memory_space<vmem>>, vector<1x16xf32>,
        %get3A_567 = vector.shape_cast %get3A_566 : vector<1x16xf32> to vector<16xf32>
        %mul3A_568 = arith.mulf %get3A_567, %broadcast_in_dim3A_3 : vector<16xf32>
        %swap3A_569 = arith.index_cast %add3A_445 : i32 to index
        %swap3A_570 = arith.index_cast %mul3A_563 : i32 to index
        %swap3A_571 = tpu.vector_load %arg6[%swap3A_569, %swap3A_570] {strides = array<i32>} : memref<8x2048xf32, #tpu.memory_space<vmem>>, vector<1x16xf32>,
        %swap3A_572 = vector.shape_cast %swap3A_571 : vector<1x16xf32> to vector<16xf32>
        %swap3A_573 = vector.shape_cast %mul3A_568 : vector<16xf32> to vector<1x16xf32>
        tpu.vector_store %arg6[%swap3A_569, %swap3A_570], %swap3A_573 {strides = array<i32>} : memref<8x2048xf32, #tpu.memory_space<vmem>>, vector<1x16xf32>,
        %scan3A_574 = arith.constant 7 : i32
        %scan3A_575 = arith.addi %scan3A_451, %scan3A_574 : i32
        %mul3A_576 = arith.constant 1 : i32
        %mul3A_577 = arith.muli %scan3A_575, %mul3A_576 : i32
        %add3A_578 = arith.constant 0 : i32
        %add3A_579 = arith.addi %add3A_578, %mul3A_577 : i32
        %mul3A_580 = arith.constant 16 : i32
        %mul3A_581 = arith.muli %add3A_579, %mul3A_580 : i32
        %get3A_582 = arith.index_cast %add3A_445 : i32 to index
        %get3A_583 = arith.index_cast %mul3A_581 : i32 to index
        %get3A_584 = tpu.vector_load %arg6[%get3A_582, %get3A_583] {strides = array<i32>} : memref<8x2048xf32, #tpu.memory_space<vmem>>, vector<1x16xf32>,
        %get3A_585 = vector.shape_cast %get3A_584 : vector<1x16xf32> to vector<16xf32>
        %mul3A_586 = arith.mulf %get3A_585, %broadcast_in_dim3A_3 : vector<16xf32>
        %swap3A_587 = arith.index_cast %add3A_445 : i32 to index
        %swap3A_588 = arith.index_cast %mul3A_581 : i32 to index
        %swap3A_589 = tpu.vector_load %arg6[%swap3A_587, %swap3A_588] {strides = array<i32>} : memref<8x2048xf32, #tpu.memory_space<vmem>>, vector<1x16xf32>,
        %swap3A_590 = vector.shape_cast %swap3A_589 : vector<1x16xf32> to vector<16xf32>
        %swap3A_591 = vector.shape_cast %mul3A_586 : vector<16xf32> to vector<1x16xf32>
        tpu.vector_store %arg6[%swap3A_587, %swap3A_588], %swap3A_591 {strides = array<i32>} : memref<8x2048xf32, #tpu.memory_space<vmem>>, vector<1x16xf32>,
      }
      %scan3A_450 = arith.constant 128 : i32
    }
    %scan3A_406 = arith.constant 8 : i32
    %add3A_407 = arith.constant 504 : i32
    %add3A_408 = arith.addi %mul3A_2, %add3A_407 : i32
    %dma_start3A_409 = arith.constant 0 : i32
    %dma_start3A_410 = tpu.memref_slice %arg4[%add3A_408, %dma_start3A_409] : memref<16384x2048xf32, #tpu.memory_space<hbm>> -> memref<8x2048xf32, #tpu.memory_space<hbm>>
    %dma_start3A_411 = arith.constant 0 : i32
    %dma_start3A_412 = tpu.memref_slice %arg4[%add3A_408, %dma_start3A_411] : memref<16384x2048xf32, #tpu.memory_space<hbm>> -> memref<8x2048xf32, #tpu.memory_space<hbm>>
    tpu.enqueue_dma source(%arg6 : memref<8x2048xf32, #tpu.memory_space<vmem>>) target(%dma_start3A_412 : memref<8x2048xf32, #tpu.memory_space<hbm>>) target_semaphore(%arg20 : memref<!tpu.dma_semaphore, #tpu.memory_space<semaphore_mem>>)
    %dma_wait3A_413 = arith.constant 0 : i32
    %dma_wait3A_414 = tpu.memref_slice %arg4[%mul3A_2, %dma_wait3A_413] : memref<16384x2048xf32, #tpu.memory_space<hbm>> -> memref<8x2048xf32, #tpu.memory_space<hbm>>
    %dma_wait3A_415 = arith.constant 0 : i32
    %dma_wait3A_416 = tpu.memref_slice %arg4[%mul3A_2, %dma_wait3A_415] : memref<16384x2048xf32, #tpu.memory_space<hbm>> -> memref<8x2048xf32, #tpu.memory_space<hbm>>
    tpu.wait_dma2 semaphore(%arg20 : memref<!tpu.dma_semaphore, #tpu.memory_space<semaphore_mem>>) src(%arg6 : memref<8x2048xf32, #tpu.memory_space<vmem>>) dst(%dma_wait3A_416 : memref<8x2048xf32, #tpu.memory_space<hbm>>)
    %dma_wait3A_417 = arith.constant 0 : i32
    %dma_wait3A_418 = tpu.memref_slice %arg4[%mul3A_2, %dma_wait3A_417] : memref<16384x2048xf32, #tpu.memory_space<hbm>> -> memref<8x2048xf32, #tpu.memory_space<hbm>>
    %dma_wait3A_419 = arith.constant 0 : i32
    %dma_wait3A_420 = tpu.memref_slice %arg4[%mul3A_2, %dma_wait3A_419] : memref<16384x2048xf32, #tpu.memory_space<hbm>> -> memref<8x2048xf32, #tpu.memory_space<hbm>>
    tpu.wait_dma2 semaphore(%arg21 : memref<!tpu.dma_semaphore, #tpu.memory_space<semaphore_mem>>) src(%arg7 : memref<8x2048xf32, #tpu.memory_space<vmem>>) dst(%dma_wait3A_420 : memref<8x2048xf32, #tpu.memory_space<hbm>>)
    %dma_wait3A_421 = arith.constant 0 : i32
    %dma_wait3A_422 = tpu.memref_slice %arg4[%mul3A_2, %dma_wait3A_421] : memref<16384x2048xf32, #tpu.memory_space<hbm>> -> memref<8x2048xf32, #tpu.memory_space<hbm>>
    %dma_wait3A_423 = arith.constant 0 : i32
    %dma_wait3A_424 = tpu.memref_slice %arg4[%mul3A_2, %dma_wait3A_423] : memref<16384x2048xf32, #tpu.memory_space<hbm>> -> memref<8x2048xf32, #tpu.memory_space<hbm>>
    tpu.wait_dma2 semaphore(%arg22 : memref<!tpu.dma_semaphore, #tpu.memory_space<semaphore_mem>>) src(%arg8 : memref<8x2048xf32, #tpu.memory_space<vmem>>) dst(%dma_wait3A_424 : memref<8x2048xf32, #tpu.memory_space<hbm>>)
    %dma_wait3A_425 = arith.constant 0 : i32
    %dma_wait3A_426 = tpu.memref_slice %arg4[%mul3A_2, %dma_wait3A_425] : memref<16384x2048xf32, #tpu.memory_space<hbm>> -> memref<8x2048xf32, #tpu.memory_space<hbm>>
    %dma_wait3A_427 = arith.constant 0 : i32
    %dma_wait3A_428 = tpu.memref_slice %arg4[%mul3A_2, %dma_wait3A_427] : memref<16384x2048xf32, #tpu.memory_space<hbm>> -> memref<8x2048xf32, #tpu.memory_space<hbm>>
    tpu.wait_dma2 semaphore(%arg23 : memref<!tpu.dma_semaphore, #tpu.memory_space<semaphore_mem>>) src(%arg9 : memref<8x2048xf32, #tpu.memory_space<vmem>>) dst(%dma_wait3A_428 : memref<8x2048xf32, #tpu.memory_space<hbm>>)
    %dma_wait3A_429 = arith.constant 0 : i32
    %dma_wait3A_430 = tpu.memref_slice %arg4[%mul3A_2, %dma_wait3A_429] : memref<16384x2048xf32, #tpu.memory_space<hbm>> -> memref<8x2048xf32, #tpu.memory_space<hbm>>
    %dma_wait3A_431 = arith.constant 0 : i32
    %dma_wait3A_432 = tpu.memref_slice %arg4[%mul3A_2, %dma_wait3A_431] : memref<16384x2048xf32, #tpu.memory_space<hbm>> -> memref<8x2048xf32, #tpu.memory_space<hbm>>
    tpu.wait_dma2 semaphore(%arg24 : memref<!tpu.dma_semaphore, #tpu.memory_space<semaphore_mem>>) src(%arg10 : memref<8x2048xf32, #tpu.memory_space<vmem>>) dst(%dma_wait3A_432 : memref<8x2048xf32, #tpu.memory_space<hbm>>)
    %dma_wait3A_433 = arith.constant 0 : i32
    %dma_wait3A_434 = tpu.memref_slice %arg4[%mul3A_2, %dma_wait3A_433] : memref<16384x2048xf32, #tpu.memory_space<hbm>> -> memref<8x2048xf32, #tpu.memory_space<hbm>>
    %dma_wait3A_435 = arith.constant 0 : i32
    %dma_wait3A_436 = tpu.memref_slice %arg4[%mul3A_2, %dma_wait3A_435] : memref<16384x2048xf32, #tpu.memory_space<hbm>> -> memref<8x2048xf32, #tpu.memory_space<hbm>>
    tpu.wait_dma2 semaphore(%arg25 : memref<!tpu.dma_semaphore, #tpu.memory_space<semaphore_mem>>) src(%arg11 : memref<8x2048xf32, #tpu.memory_space<vmem>>) dst(%dma_wait3A_436 : memref<8x2048xf32, #tpu.memory_space<hbm>>)
    %dma_wait3A_437 = arith.constant 0 : i32
    %dma_wait3A_438 = tpu.memref_slice %arg4[%mul3A_2, %dma_wait3A_437] : memref<16384x2048xf32, #tpu.memory_space<hbm>> -> memref<8x2048xf32, #tpu.memory_space<hbm>>
    %dma_wait3A_439 = arith.constant 0 : i32
    %dma_wait3A_440 = tpu.memref_slice %arg4[%mul3A_2, %dma_wait3A_439] : memref<16384x2048xf32, #tpu.memory_space<hbm>> -> memref<8x2048xf32, #tpu.memory_space<hbm>>
    tpu.wait_dma2 semaphore(%arg26 : memref<!tpu.dma_semaphore, #tpu.memory_space<semaphore_mem>>) src(%arg12 : memref<8x2048xf32, #tpu.memory_space<vmem>>) dst(%dma_wait3A_440 : memref<8x2048xf32, #tpu.memory_space<hbm>>)
    return
  }
}

</mosaic_0001>

<sc_bundles>
// kernel: _embed.3.cloned.1.call-start
scs
__scs_entry_jumppad:
0x0: {  	(pc) =	sbr.rel $0x88, $3  }
0x1: {  	(tag) =	ssettag $0x0;
	lr =	simm.s32 $0x1  }
0x2: {  	[smem:$0x3F9F] =	sst lr;
	_ =	strace $0xD0000000  }
0x3: {  	_ = 	snop  }
0x4: {  	_ = 	snop  }
0x5: {  	_ = 	snop  }
0x6: {  	_ = 	snop  }
0x7: {  	_ = 	snop  }
__scs_overlays_trampoline_lowered:
0x8: {  	[smem:$0x3FAE] =	sst s0  }
0x9: {  	[smem:$0x3FAF] =	sst s1  }
0xa: {  	[smem:$0x3FB0] =	sst s2  }
0xb: {  	[smem:$0x3FB1] =	sst s3  }
0xc: {  	[smem:$0x3FB2] =	sst s4  }
0xd: {  	[smem:$0x3FB3] =	sst s5  }
0xe: {  	[smem:$0x3FB4] =	sst s6  }
0xf: {  	[smem:$0x3FB5] =	sst s7  }
0x10: {  	[smem:$0x3FB6] =	sst s8  }
0x11: {  	[smem:$0x3FB7] =	sst s9;
	s0 =	simm.s32 @!p0 $0x0  }
0x12: {  	s1 =	sld [smem:$0x3F9D];
	s0 =	simm.s32 @p0 $0x1  }
0x13: {  	[smem:$0x3FB8] =	sst s0;
	s0 =	simm.s32 @!p1 $0x0  }
0x14: {  	s2 =	sld [smem:$0x3F9C];
	s0 =	simm.s32 @p1 $0x1  }
0x15: {  	[smem:$0x3FB9] =	sst s0;
	s0 =	simm.s32 @!p2 $0x0  }
0x16: {  	s3 =	sld [smem:$0x3FDB];
	s0 =	simm.s32 @p2 $0x1  }
0x17: {  	s4 =	simm.s32 $0x1BF5;
	[smem:$0x3FBB] =	sst s0  }
0x18: {  	s0 =	sld [smem:$0x3F9E];
	_ =	swait.ge [sflag:s4], $0x0  }
0x19: {  	s7 =	sld [smem:$0x3F9F]  }
0x1a: {  	s8 =	sadd.s32 $0xFFFFE003, lr  }
0x1b: {  	s9 =	sadd.s32 $0xFFFFFEF7, lr;
	s5 =	simm.s32 $0xFFFFFFFF;
	p2 =	slt.u32 s8, $0xFFFFF086  }
0x1c: {  	p1 =	slt.u32 s9, $0xF7A;
	s5 =	simm.s32 @!p2 $0x0  }
0x1d: {  	s5 =	simm.s32 @p1 $0x1;
	p0 =	seq.s32 s7, s2  }
0x1e: {  	s7 =	smul.u32 @!p0 $0xF7A, s2;
	p2 =	seq.s32 @!p0 s5, $0x0  }
0x1f: {  	s9 =	smul.u32 $0xF7A, s1;
	s8 =	simm.s32 @!p0 $0x1BF5;
	p2 =	por !p2, p0  }
0x20: {  	[sflag:s8] =	ssyncset.s32 @!p0 $0xFFFFF086;
	s6 =	sadd.s32 @!p0 s3, s7;
	s7 =	simm.s32 @!p0 $0x108  }
0x21: {  	s3 =	sadd.s32 s3, s9;
	s6 =	sadd.s32 @!p0 $0x88, s6;
	s7 =	simm.s32 @p2 $0x1082  }
0x22: {  	[simem:s7], [sflag:s8] =	dma.local @!p0 [hbm:s6], $0xF7A  }
0x23: {  	s9 =	sor.u32 $0xD0000000, s2;
	s6 =	simm.s32 $0x108;
	_ =	swait.ge @!p0 [sflag:s8], $0x0  }
0x24: {  	s3 =	sadd.s32 $0x88, s3;
	s6 =	simm.s32 @!p1 $0x1082;
	[sflag:s4] =	ssyncset.s32 $0xFFFFF086  }
0x25: {  	[simem:s6], [sflag:s4] =	dma.local [hbm:s3], $0xF7A  }
0x26: {  	[smem:$0x3F9F] =	sst s1;
	(tag) =	ssettag s2;
	_ =	strace s9  }
0x27: {  	s1 =	sld [smem:$0x3FAF]  }
0x28: {  	s2 =	sld [smem:$0x3FB0]  }
0x29: {  	s4 =	sld [smem:$0x3FB2]  }
0x2a: {  	p0 =	seq.s32 s5, $0x0;
	s5 =	sld [smem:$0x3FB3]  }
0x2b: {  	s6 =	sld [smem:$0x3FB4]  }
0x2c: {  	s7 =	sld [smem:$0x3FB5]  }
0x2d: {  	s3 =	simm.s32 $0x108;
	s8 =	sld [smem:$0x3FB6]  }
0x2e: {  	s3 =	simm.s32 @!p0 $0x1082;
	s9 =	sld [smem:$0x3FB7]  }
0x2f: {  	lr =	sadd.s32 s0, s3;
	s0 =	sld [smem:$0x3FAE]  }
0x30: {  	s3 =	sld [smem:$0x3FB1]  }
0x31: {  	[smem:$0x3FBA] =	sst s10  }
0x32: {  	s10 =	sld [smem:$0x3FB8];
	_ =	sdelay $0x3  }
0x33: {  	p0 =	seq.s32 s10, $0x1;
	s10 =	sld [smem:$0x3FBA];
	_ =	sdelay $0x3  }
0x34: {  	[smem:$0x3FBA] =	sst s10  }
0x35: {  	s10 =	sld [smem:$0x3FB9];
	_ =	sdelay $0x3  }
0x36: {  	p1 =	seq.s32 s10, $0x1;
	s10 =	sld [smem:$0x3FBA];
	_ =	sdelay $0x3  }
0x37: {  	[smem:$0x3FBA] =	sst s10  }
0x38: {  	s10 =	sld [smem:$0x3FBB]  }
0x39: {  	_ = 	snop;
	(pc) =	sbr.ind lr, $3  }
0x3a: {  	_ = 	snop  }
0x3b: {  	_ = 	snop  }
0x3c: {  	p2 =	seq.s32 s10, $0x1;
	s10 =	sld [smem:$0x3FBA]  }
0x3d: {  	_ =	shalt  }
0x3e: {  	_ =	shalt  }
0x3f: {  	_ =	shalt  }
0x40: {  	_ =	shalt  }
0x41: {  	_ =	shalt  }
0x42: {  	_ =	shalt  }
0x43: {  	_ =	shalt  }
0x44: {  	_ =	shalt  }
0x45: {  	_ =	shalt  }
0x46: {  	_ =	shalt  }
0x47: {  	_ =	shalt  }
0x48: {  	_ =	shalt  }
0x49: {  	_ =	shalt  }
0x4a: {  	_ =	shalt  }
0x4b: {  	_ =	shalt  }
0x4c: {  	_ =	shalt  }
0x4d: {  	_ =	shalt  }
0x4e: {  	_ =	shalt  }
0x4f: {  	_ =	shalt  }
0x50: {  	_ =	shalt  }
0x51: {  	_ =	shalt  }
0x52: {  	_ =	shalt  }
0x53: {  	_ =	shalt  }
0x54: {  	_ =	shalt  }
0x55: {  	_ =	shalt  }
0x56: {  	_ =	shalt  }
0x57: {  	_ =	shalt  }
0x58: {  	_ =	shalt  }
0x59: {  	_ =	shalt  }
0x5a: {  	_ =	shalt  }
0x5b: {  	_ =	shalt  }
0x5c: {  	_ =	shalt  }
0x5d: {  	_ =	shalt  }
0x5e: {  	_ =	shalt  }
0x5f: {  	_ =	shalt  }
0x60: {  	_ =	shalt  }
0x61: {  	_ =	shalt  }
0x62: {  	_ =	shalt  }
0x63: {  	_ =	shalt  }
0x64: {  	_ =	shalt  }
0x65: {  	_ =	shalt  }
0x66: {  	_ =	shalt  }
0x67: {  	_ =	shalt  }
0x68: {  	_ =	shalt  }
0x69: {  	_ =	shalt  }
0x6a: {  	_ =	shalt  }
0x6b: {  	_ =	shalt  }
0x6c: {  	_ =	shalt  }
0x6d: {  	_ =	shalt  }
0x6e: {  	_ =	shalt  }
0x6f: {  	_ =	shalt  }
0x70: {  	_ =	shalt  }
0x71: {  	_ =	shalt  }
0x72: {  	_ =	shalt  }
0x73: {  	_ =	shalt  }
0x74: {  	_ =	shalt  }
0x75: {  	_ =	shalt  }
0x76: {  	_ =	shalt  }
0x77: {  	_ =	shalt  }
0x78: {  	_ =	shalt  }
0x79: {  	_ =	shalt  }
0x7a: {  	_ =	shalt  }
0x7b: {  	_ =	shalt  }
0x7c: {  	_ =	shalt  }
0x7d: {  	_ =	shalt  }
0x7e: {  	_ =	shalt  }
0x7f: {  	_ =	shalt  }
0x80: {  	_ =	shalt  }
0x81: {  	_ =	shalt  }
0x82: {  	_ =	shalt  }
0x83: {  	_ =	shalt  }
0x84: {  	_ =	shalt  }
0x85: {  	_ =	shalt  }
0x86: {  	_ =	shalt  }
0x87: {  	_ =	shalt  }
.Lfunc_end0:
.L_simem_size_0:
called_computation_lowered:
.L_overlay_start_0:
0x88: {  	s2 =	sld [smem:$0x3FD9]  }
0x89: {  	s3 =	sld [smem:$0x3FFE];
	_ =	sdelay $0x1  }
0x8a: {  	s1 =	srdreg.scid  }
0x8b: {  	s0 =	sand.u32 $0x1, s1  }
0x8c: {  	s17 =	sshll.u32 s0, $0xA;
	s2 =	sadd.s32 s3, s2  }
0x8d: {  	s2 =	sadd.s32 s2, s17  }
0x8e: {  	[smem:$0x3FC6] =	sst s2  }
0x8f: {  	_ = 	snop  }
0x90: {  	s2 =	sld [smem:$0x3FC8]  }
0x91: {  	s18 =	sld [smem:$0x3FD0];
	(tm) =	ssettm $0x1  }
0x92: {  	s4 =	sld [smem:$0x3FFB];
	_ =	sdelay $0x3  }
0x93: {  	_ =	strace s4  }
0x94: {  	s4 =	sld [smem:$0x3FFC];
	_ =	sdelay $0x3  }
0x95: {  	_ =	strace s4  }
0x96: {  	s4 =	sld [smem:$0x3FFD];
	_ =	sdelay $0x3  }
0x97: {  	_ =	strace s4  }
0x98: {  	_ =	strace $0x8FFFFFFF  }
0x99: {  	s19 =	sld [smem:$0x3FDB];
	_ =	sdelay $0x1  }
0x9a: {  	s5 =	simm.s32 $_scs_section_size  }
0x9b: {  	s6 =	simm.s32 $_size__tile_overlayer_lowered;
	s7 =	simm.s32 $_tile_overlayer_lowered  }
0x9c: {  	s22 =	simm.s32 $0x1BFF;
	s21 =	sshll.u32 s7, $0x1;
	s4 =	sadd.s32 s5, s19  }
0x9d: {  	s8 =	simm.s32 $0x0;
	s20 =	sshll.u32 s6, $0x1;
	s6 =	sadd.s32 s21, s4  }
0x9e: {  	[timem:s8], [sflag:s22] =	dma.local [hbm:s6], s20  }
0x9f: {  	_ =	swait.ge [sflag:s22], s20  }
0xa0: {  	s5 =	ssub.s32 $0x0, s20;
	[sflag:s22] =	ssyncset.done $0x0  }
0xa1: {  	[sflag:s22] =	ssyncadd.s32 s5;
	_ =	sdelay $0x1  }
0xa2: {  	s23 =	simm.s32 $0x1B8B  }
0xa3: {  	_ =	swait.ge [sflag:s23], $0x1  }
0xa4: {  	[sflag:s23] =	ssyncset.done $0x0  }
0xa5: {  	s25 =	simm.s32 $0x1B8E;
	s24 =	sld [smem:$0x3FFE];
	[sflag:s23] =	ssyncadd.s32 $0xFFFFFFFF  }
0xa6: {  	s26 =	simm.s32 $execute0_lowered;
	[smem:$0x3FD2] =	sst s25  }
0xa7: {  	s6 =	sshll.u32 s26, $0x1;
	_ =	strace $0x80000046;
	[dreg:$0x1] =	wrdreg $0xFFFFFFFF  }
0xa8: {  	s28 =	simm.s32 $_size_execute0_lowered;
	s4 =	sadd.s32 s4, s6;
	[dreg:$0x0] =	wrdreg $0x0  }
0xa9: {  	s6 =	sshll.u32 s28, $0x1;
	[dreg:$0x2] =	wrdreg s4  }
0xaa: {  	[dreg:$0x3] =	wrdreg s6  }
0xab: {  	[dreg:$0x4] =	wrdreg $0xC0  }
0xac: {  	_ =	task [dreg:s8], $0x5FFFF  }
0xad: {  	[dreg:$0x1] =	wrdreg $0xFFFFFFFF  }
0xae: {  	[dreg:$0x0] =	wrdreg $0x60  }
0xaf: {  	[dreg:$0x2] =	wrdreg s24  }
0xb0: {  	[dreg:$0x3] =	wrdreg s2  }
0xb1: {  	[dreg:$0x4] =	wrdreg s18  }
0xb2: {  	[dreg:$0x5] =	wrdreg $0x9  }
0xb3: {  	_ =	task.clear_ibuf [dreg:s8], $0x6FFFF;
	_ =	strace $0x90000046  }
0xb4: {  	s29 =	simm.s32 $0x9;
	_ =	strace $0x80000048  }
0xb5: {  	_ =	swait.ge [sflag:s29], $0x1  }
0xb6: {  	[sflag:s29] =	ssyncadd.s32 $0xFFFFFFFF  }
0xb7: {  	_ =	strace $0x90000048  }
0xb8: {  	_ =	sfence  }
0xb9: {  	s30 =	sld [smem:$0x0];
	_ =	sdelay $0x2  }
0xba: {  	s31 =	sshll.u32 s1, $0xD;
	s1 =	sshrl.u32 s1, $0x2  }
0xbb: {  	s3 =	sand.u32 $0x4000, s31;
	s1 =	sadd.s32 s1, s30  }
0xbc: {  	s0 =	sor.u32 s3, s0;
	s1 =	sshll.u32 s1, $0x11  }
0xbd: {  	s0 =	sor.u32 s1, s0  }
0xbe: {  	s0 =	sadd.s32 $0x8F2B, s0  }
0xbf: {  	[sflag:s0] =	ssyncadd.remote.s32 $0x1  }
0xc0: {  	_ =	sfence.sel $0xFFFF  }
0xc1: {  	[dreg:$0x0] =	wrdreg $0xFFFFFFFF;
	(pc) =	sbr.abs _section_cstart, $3  }
0xc2: {  	[dreg:$0x1] =	wrdreg $0xFFFFFFFF  }
0xc3: {  	_ =	task.clear_ibuf [dreg:s8], $0x2FFFF;
	_ =	strace $0x9FFFFFFF  }
0xc4: {  	(tm) =	ssettm $0x7FFFFFFF  }
0xc5: {  	_ =	shalt  }
tec
execute0_lowered:
.L_overlay_start_1:
0x0: {  	(tag) =	ssettag $0x1  }
0x1: {  	s0 =	rddreg [dreg:$0x0]  }
0x2: {  	s2 =	rddreg [dreg:$0x1]  }
0x3: {  	s3 =	rddreg [dreg:$0x2]  }
0x4: {  	s1 =	srdreg.scid;
	s4 =	stileid.u32  }
0x5: {  	s15 =	simm.s32 $0x0;
	s1 =	sand.u32 $0x1, s1;
	s4 =	sshll.u32 s4, $0x1  }
0x6: {  	s30 =	simm.s32 $0x1;
	s28 =	simm.s32 $0xA;
	s4 =	sor.u32 s1, s4  }
0x7: {  	s29 =	simm.s32 $0xE;
	[smem:$0x7FF] =	sst s15;
	s19 =	sshll.u32 s4, $0x9  }
0x8: {  	_ =	strace $0x80000047;
	s5 =	sshll.u32 s4, $0xA;
	s26 =	sor.u32 $0x38, s19  }
0x9: {  	s20 =	sshll.u32 s4, $0x11;
	s4 =	sor.u32 $0x40, s19;
	[dreg:$0xb] =	wrdreg s26  }
0xa: {  	s31 =	simm.s32 $0x0;
	s14 =	sor.u32 $0x48, s19;
	[dreg:$0xc] =	wrdreg s4  }
0xb: {  	s7 =	sadd.s32 $0x200, s2;
	s16 =	sor.u32 $0x50, s19;
	[dreg:$0xd] =	wrdreg s14  }
0xc: {  	s0 =	sadd.s32 s5, s0;
	s17 =	sor.u32 $0x58, s19;
	[dreg:$0xe] =	wrdreg s16  }
0xd: {  	s12 =	sadd.s32 s3, s20;
	s0 =	sadd.s32 $0x400, s0;
	[dreg:$0xf] =	wrdreg s17  }
0xe: {  	s8 =	sadd.s32 $0x300, s2;
	s21 =	sadd.s32 $0x1000, s12;
	[dreg:$0x4] =	wrdreg s0  }
0xf: {  	s9 =	sadd.s32 $0x400, s2;
	s22 =	sadd.s32 $0x1800, s12;
	[dreg:$0x6] =	wrdreg s21  }
0x10: {  	s1 =	ssub.s32 $0x2, s1;
	s23 =	sadd.s32 $0x2000, s12;
	[dreg:$0x7] =	wrdreg s22  }
0x11: {  	s6 =	sshrl.u32 s1, $0x1;
	s24 =	sadd.s32 $0x2800, s12;
	[dreg:$0x8] =	wrdreg s23  }
0x12: {  	s1 =	ssub.s32 s1, s6;
	s25 =	sadd.s32 $0x3000, s12;
	[dreg:$0x9] =	wrdreg s24  }
0x13: {  	s10 =	sadd.s32 $0x500, s2;
	s18 =	smax.u32 s1, $0x1;
	[dreg:$0xa] =	wrdreg s25  }
0x14: {  	s11 =	sadd.s32 $0x600, s2;
	s19 =	sadd.s32 $0x1C000, s12;
	[dreg:$0x10] =	wrdreg s18  }
0x15: {  	s13 =	sadd.s32 $0x700, s2;
	s20 =	sadd.s32 $0x1C800, s12;
	[dreg:$0x11] =	wrdreg s19  }
0x16: {  	s6 =	sadd.s32 $0x100, s2;
	s26 =	sadd.s32 $0x1F800, s12;
	[dreg:$0x12] =	wrdreg s20  }
0x17: {  	s17 =	simm.s32 $0x16000;
	s0 =	sadd.s32 $0x800, s12;
	[dreg:$0x18] =	wrdreg s26  }
0x18: {  	s1 =	simm.s32 $0x0;
	s21 =	sadd.s32 $0x1D000, s12;
	[dreg:$0x5] =	wrdreg s0  }
0x19: {  	s22 =	sadd.s32 $0x1D800, s12;
	s23 =	sadd.s32 $0x1E000, s12;
	[dreg:$0x13] =	wrdreg s21  }
0x1a: {  	s24 =	sadd.s32 $0x1E800, s12;
	s25 =	sadd.s32 $0x1F000, s12;
	[dreg:$0x14] =	wrdreg s22  }
0x1b: {  	s19 =	simm.s32 $0x1A000;
	s18 =	simm.s32 $0x8;
	[dreg:$0x15] =	wrdreg s23  }
0x1c: {  	v0 =	vlaneseq.u32;
	s26 =	simm.s32 $0x5;
	s20 =	simm.s32 $0x6;
	[dreg:$0x16] =	wrdreg s24  }
0x1d: {  	v1 =	vshrl.u32 v0, $0x3;
	[dreg:$0x17] =	wrdreg s25;
	s25 =	simm.s32 $0x2000;
	s21 =	simm.s32 $0xB  }
0x1e: {  	vm0 =	vmmov $0xffff;
	v0 =	vand.u32 $0x7, v0;
	v1 =	vmul.u32 $0x8, v1;
	s22 =	simm.s32 $0x7;
	s23 =	simm.s32 $0xC;
	s24 =	simm.s32 $0xD  }
.LBB2_1:
0x1f: {  	[dreg:$0x19] =	wrdreg s1  }
0x20: {  	s0 =	rddreg [dreg:$0x4];
	s14 =	simm.s32 $0xF  }
0x21: {  	[tilespmem:s15], [sflag:$0xF] =	stream.linear.gather [hbm4b:s0+s15], $0x2000, $0x38;
	[tilespmem:$0x1E000] =	vst v63  }
0x22: {  	_ =	swait.ge [sflag:s14], $0x2000  }
0x23: {  	[sflag:s14] =	ssyncset.done $0x0  }
0x24: {  	[sflag:s14] =	ssyncadd.s32 $0xFFFFE000  }
0x25: {  	v2 =	vld.msk [tilespmem:$0x0], $0xff;
	_ =	sdelay $0x4  }
0x26: {  	v3 =	vshll.u32 v2, $0x4  }
0x27: {  	v2 =	vand.u32 $0x7, v2;
	v3 =	vand.u32 $0xFFFFFF80, v3  }
0x28: {  	v2 =	vor.u32 v2, v3  }
0x29: {  	v2 =	vperm.xlane v2, v0;
	_ =	sdelay $0x1  }
0x2a: {  	v2 =	vadd.s32 v1, v2;
	_ =	sdelay $0x4  }
0x2b: {  	[tilespmem:s25], [sflag:$0x1] =	stream.indirect_vreg.gather [hbm4b:s2+s15], $0x80, v2, vm0, $0xb8;
	[tilespmem:$0x1E000] =	vst v63  }
0x2c: {  	s16 =	simm.s32 $0x2800  }
0x2d: {  	[tilespmem:s16], [sflag:$0x1] =	stream.indirect_vreg.gather [hbm4b:s6+s15], $0x80, v2, vm0, $0xb8;
	[tilespmem:$0x1E000] =	vst v63  }
0x2e: {  	s1 =	simm.s32 $0x3000  }
0x2f: {  	[tilespmem:s1], [sflag:$0x1] =	stream.indirect_vreg.gather [hbm4b:s7+s15], $0x80, v2, vm0, $0xb8;
	[tilespmem:$0x1E000] =	vst v63  }
0x30: {  	s4 =	simm.s32 $0x3800  }
0x31: {  	[tilespmem:s4], [sflag:$0x1] =	stream.indirect_vreg.gather [hbm4b:s8+s15], $0x80, v2, vm0, $0xb8;
	[tilespmem:$0x1E000] =	vst v63  }
0x32: {  	s5 =	simm.s32 $0x4000  }
0x33: {  	[tilespmem:s5], [sflag:$0x1] =	stream.indirect_vreg.gather [hbm4b:s9+s15], $0x80, v2, vm0, $0xb8;
	[tilespmem:$0x1E000] =	vst v63  }
0x34: {  	s14 =	simm.s32 $0x4800  }
0x35: {  	[tilespmem:s14], [sflag:$0x1] =	stream.indirect_vreg.gather [hbm4b:s10+s15], $0x80, v2, vm0, $0xb8;
	[tilespmem:$0x1E000] =	vst v63  }
0x36: {  	s16 =	simm.s32 $0x5000  }
0x37: {  	[tilespmem:s16], [sflag:$0x1] =	stream.indirect_vreg.gather [hbm4b:s11+s15], $0x80, v2, vm0, $0xb8;
	[tilespmem:$0x1E000] =	vst v63  }
0x38: {  	s1 =	simm.s32 $0x5800  }
0x39: {  	[tilespmem:s1], [sflag:$0x1] =	stream.indirect_vreg.gather [hbm4b:s13+s15], $0x80, v2, vm0, $0xb8;
	[tilespmem:$0x1E000] =	vst v63  }
0x3a: {  	v2 =	vld.msk [tilespmem:$0x80], $0xff;
	_ =	sdelay $0x4  }
0x3b: {  	v3 =	vshll.u32 v2, $0x4  }
0x3c: {  	v2 =	vand.u32 $0x7, v2;
	v3 =	vand.u32 $0xFFFFFF80, v3  }
0x3d: {  	v2 =	vor.u32 v2, v3  }
0x3e: {  	v2 =	vperm.xlane v2, v0;
	_ =	sdelay $0x1  }
0x3f: {  	v2 =	vadd.s32 v1, v2;
	_ =	sdelay $0x3  }
0x40: {  	s4 =	simm.s32 $0x6000  }
0x41: {  	[tilespmem:s4], [sflag:$0x2] =	stream.indirect_vreg.gather [hbm4b:s2+s15], $0x80, v2, vm0, $0xb8;
	[tilespmem:$0x1E000] =	vst v63  }
0x42: {  	s5 =	simm.s32 $0x6800  }
0x43: {  	[tilespmem:s5], [sflag:$0x2] =	stream.indirect_vreg.gather [hbm4b:s6+s15], $0x80, v2, vm0, $0xb8;
	[tilespmem:$0x1E000] =	vst v63  }
0x44: {  	s14 =	simm.s32 $0x7000  }
0x45: {  	[tilespmem:s14], [sflag:$0x2] =	stream.indirect_vreg.gather [hbm4b:s7+s15], $0x80, v2, vm0, $0xb8;
	[tilespmem:$0x1E000] =	vst v63  }
0x46: {  	s16 =	simm.s32 $0x7800  }
0x47: {  	[tilespmem:s16], [sflag:$0x2] =	stream.indirect_vreg.gather [hbm4b:s8+s15], $0x80, v2, vm0, $0xb8;
	[tilespmem:$0x1E000] =	vst v63  }
0x48: {  	s1 =	simm.s32 $0x8000  }
0x49: {  	[tilespmem:s1], [sflag:$0x2] =	stream.indirect_vreg.gather [hbm4b:s9+s15], $0x80, v2, vm0, $0xb8;
	[tilespmem:$0x1E000] =	vst v63  }
0x4a: {  	s4 =	simm.s32 $0x8800  }
0x4b: {  	[tilespmem:s4], [sflag:$0x2] =	stream.indirect_vreg.gather [hbm4b:s10+s15], $0x80, v2, vm0, $0xb8;
	[tilespmem:$0x1E000] =	vst v63  }
0x4c: {  	s5 =	simm.s32 $0x9000  }
0x4d: {  	[tilespmem:s5], [sflag:$0x2] =	stream.indirect_vreg.gather [hbm4b:s11+s15], $0x80, v2, vm0, $0xb8;
	[tilespmem:$0x1E000] =	vst v63  }
0x4e: {  	s14 =	simm.s32 $0x9800  }
0x4f: {  	[tilespmem:s14], [sflag:$0x2] =	stream.indirect_vreg.gather [hbm4b:s13+s15], $0x80, v2, vm0, $0xb8;
	[tilespmem:$0x1E000] =	vst v63  }
0x50: {  	v2 =	vld.msk [tilespmem:$0x100], $0xff;
	_ =	sdelay $0x4  }
0x51: {  	v3 =	vshll.u32 v2, $0x4  }
0x52: {  	v2 =	vand.u32 $0x7, v2;
	v3 =	vand.u32 $0xFFFFFF80, v3  }
0x53: {  	v2 =	vor.u32 v2, v3  }
0x54: {  	v2 =	vperm.xlane v2, v0;
	_ =	sdelay $0x1  }
0x55: {  	v2 =	vadd.s32 v1, v2;
	_ =	sdelay $0x3  }
0x56: {  	s16 =	simm.s32 $0xA000  }
0x57: {  	[tilespmem:s16], [sflag:$0x3] =	stream.indirect_vreg.gather [hbm4b:s2+s15], $0x80, v2, vm0, $0xb8;
	[tilespmem:$0x1E000] =	vst v63  }
0x58: {  	s1 =	simm.s32 $0xA800  }
0x59: {  	[tilespmem:s1], [sflag:$0x3] =	stream.indirect_vreg.gather [hbm4b:s6+s15], $0x80, v2, vm0, $0xb8;
	[tilespmem:$0x1E000] =	vst v63  }
0x5a: {  	s4 =	simm.s32 $0xB000  }
0x5b: {  	[tilespmem:s4], [sflag:$0x3] =	stream.indirect_vreg.gather [hbm4b:s7+s15], $0x80, v2, vm0, $0xb8;
	[tilespmem:$0x1E000] =	vst v63  }
0x5c: {  	s5 =	simm.s32 $0xB800  }
0x5d: {  	[tilespmem:s5], [sflag:$0x3] =	stream.indirect_vreg.gather [hbm4b:s8+s15], $0x80, v2, vm0, $0xb8;
	[tilespmem:$0x1E000] =	vst v63  }
0x5e: {  	s14 =	simm.s32 $0xC000  }
0x5f: {  	[tilespmem:s14], [sflag:$0x3] =	stream.indirect_vreg.gather [hbm4b:s9+s15], $0x80, v2, vm0, $0xb8;
	[tilespmem:$0x1E000] =	vst v63  }
0x60: {  	s16 =	simm.s32 $0xC800  }
0x61: {  	[tilespmem:s16], [sflag:$0x3] =	stream.indirect_vreg.gather [hbm4b:s10+s15], $0x80, v2, vm0, $0xb8;
	[tilespmem:$0x1E000] =	vst v63  }
0x62: {  	s1 =	simm.s32 $0xD000  }
0x63: {  	[tilespmem:s1], [sflag:$0x3] =	stream.indirect_vreg.gather [hbm4b:s11+s15], $0x80, v2, vm0, $0xb8;
	[tilespmem:$0x1E000] =	vst v63  }
0x64: {  	s4 =	simm.s32 $0xD800  }
0x65: {  	[tilespmem:s4], [sflag:$0x3] =	stream.indirect_vreg.gather [hbm4b:s13+s15], $0x80, v2, vm0, $0xb8;
	[tilespmem:$0x1E000] =	vst v63  }
0x66: {  	v2 =	vld.msk [tilespmem:$0x180], $0xff;
	_ =	sdelay $0x4  }
0x67: {  	v3 =	vshll.u32 v2, $0x4  }
0x68: {  	v2 =	vand.u32 $0x7, v2;
	v3 =	vand.u32 $0xFFFFFF80, v3  }
0x69: {  	v2 =	vor.u32 v2, v3  }
0x6a: {  	v2 =	vperm.xlane v2, v0;
	_ =	sdelay $0x1  }
0x6b: {  	v2 =	vadd.s32 v1, v2;
	_ =	sdelay $0x3  }
0x6c: {  	s5 =	simm.s32 $0xE000  }
0x6d: {  	[tilespmem:s5], [sflag:$0x4] =	stream.indirect_vreg.gather [hbm4b:s2+s15], $0x80, v2, vm0, $0xb8;
	[tilespmem:$0x1E000] =	vst v63  }
0x6e: {  	s14 =	simm.s32 $0xE800  }
0x6f: {  	[tilespmem:s14], [sflag:$0x4] =	stream.indirect_vreg.gather [hbm4b:s6+s15], $0x80, v2, vm0, $0xb8;
	[tilespmem:$0x1E000] =	vst v63  }
0x70: {  	s16 =	simm.s32 $0xF000  }
0x71: {  	[tilespmem:s16], [sflag:$0x4] =	stream.indirect_vreg.gather [hbm4b:s7+s15], $0x80, v2, vm0, $0xb8;
	[tilespmem:$0x1E000] =	vst v63  }
0x72: {  	s1 =	simm.s32 $0xF800  }
0x73: {  	[tilespmem:s1], [sflag:$0x4] =	stream.indirect_vreg.gather [hbm4b:s8+s15], $0x80, v2, vm0, $0xb8;
	[tilespmem:$0x1E000] =	vst v63  }
0x74: {  	s4 =	simm.s32 $0x10000  }
0x75: {  	[tilespmem:s4], [sflag:$0x4] =	stream.indirect_vreg.gather [hbm4b:s9+s15], $0x80, v2, vm0, $0xb8;
	[tilespmem:$0x1E000] =	vst v63  }
0x76: {  	s5 =	simm.s32 $0x10800  }
0x77: {  	[tilespmem:s5], [sflag:$0x4] =	stream.indirect_vreg.gather [hbm4b:s10+s15], $0x80, v2, vm0, $0xb8;
	[tilespmem:$0x1E000] =	vst v63  }
0x78: {  	s14 =	simm.s32 $0x11000  }
0x79: {  	[tilespmem:s14], [sflag:$0x4] =	stream.indirect_vreg.gather [hbm4b:s11+s15], $0x80, v2, vm0, $0xb8;
	[tilespmem:$0x1E000] =	vst v63  }
0x7a: {  	s16 =	simm.s32 $0x11800  }
0x7b: {  	[tilespmem:s16], [sflag:$0x4] =	stream.indirect_vreg.gather [hbm4b:s13+s15], $0x80, v2, vm0, $0xb8;
	[tilespmem:$0x1E000] =	vst v63  }
0x7c: {  	v2 =	vld.msk [tilespmem:$0x200], $0xff;
	_ =	sdelay $0x4  }
0x7d: {  	v3 =	vshll.u32 v2, $0x4  }
0x7e: {  	v2 =	vand.u32 $0x7, v2;
	v3 =	vand.u32 $0xFFFFFF80, v3  }
0x7f: {  	v2 =	vor.u32 v2, v3  }
0x80: {  	v2 =	vperm.xlane v2, v0;
	_ =	sdelay $0x1  }
0x81: {  	v2 =	vadd.s32 v1, v2;
	_ =	sdelay $0x3  }
0x82: {  	s1 =	simm.s32 $0x12000  }
0x83: {  	[tilespmem:s1], [sflag:$0x5] =	stream.indirect_vreg.gather [hbm4b:s2+s15], $0x80, v2, vm0, $0xb8;
	[tilespmem:$0x1E000] =	vst v63  }
0x84: {  	s4 =	simm.s32 $0x12800  }
0x85: {  	[tilespmem:s4], [sflag:$0x5] =	stream.indirect_vreg.gather [hbm4b:s6+s15], $0x80, v2, vm0, $0xb8;
	[tilespmem:$0x1E000] =	vst v63  }
0x86: {  	s5 =	simm.s32 $0x13000  }
0x87: {  	[tilespmem:s5], [sflag:$0x5] =	stream.indirect_vreg.gather [hbm4b:s7+s15], $0x80, v2, vm0, $0xb8;
	[tilespmem:$0x1E000] =	vst v63  }
0x88: {  	s14 =	simm.s32 $0x13800  }
0x89: {  	[tilespmem:s14], [sflag:$0x5] =	stream.indirect_vreg.gather [hbm4b:s8+s15], $0x80, v2, vm0, $0xb8;
	[tilespmem:$0x1E000] =	vst v63  }
0x8a: {  	s16 =	simm.s32 $0x14000  }
0x8b: {  	[tilespmem:s16], [sflag:$0x5] =	stream.indirect_vreg.gather [hbm4b:s9+s15], $0x80, v2, vm0, $0xb8;
	[tilespmem:$0x1E000] =	vst v63  }
0x8c: {  	s1 =	simm.s32 $0x14800  }
0x8d: {  	[tilespmem:s1], [sflag:$0x5] =	stream.indirect_vreg.gather [hbm4b:s10+s15], $0x80, v2, vm0, $0xb8;
	[tilespmem:$0x1E000] =	vst v63  }
0x8e: {  	s4 =	simm.s32 $0x15000  }
0x8f: {  	[tilespmem:s4], [sflag:$0x5] =	stream.indirect_vreg.gather [hbm4b:s11+s15], $0x80, v2, vm0, $0xb8;
	[tilespmem:$0x1E000] =	vst v63  }
0x90: {  	s5 =	simm.s32 $0x15800  }
0x91: {  	[tilespmem:s5], [sflag:$0x5] =	stream.indirect_vreg.gather [hbm4b:s13+s15], $0x80, v2, vm0, $0xb8;
	[tilespmem:$0x1E000] =	vst v63  }
0x92: {  	_ =	swait.ge [sflag:s30], $0x4000  }
0x93: {  	[sflag:s30] =	ssyncset.done $0x0  }
0x94: {  	[sflag:s30] =	ssyncadd.s32 $0xFFFFC000  }
0x95: {  	v2 =	vld.msk [tilespmem:$0x280], $0xff;
	_ =	sdelay $0x4  }
0x96: {  	v3 =	vshll.u32 v2, $0x4  }
0x97: {  	v2 =	vand.u32 $0x7, v2;
	v3 =	vand.u32 $0xFFFFFF80, v3  }
0x98: {  	v2 =	vor.u32 v2, v3  }
0x99: {  	v2 =	vperm.xlane v2, v0;
	_ =	sdelay $0x1  }
0x9a: {  	v2 =	vadd.s32 v1, v2;
	_ =	sdelay $0x4  }
0x9b: {  	[tilespmem:s17], [sflag:$0x6] =	stream.indirect_vreg.gather [hbm4b:s2+s15], $0x80, v2, vm0, $0xb8;
	[tilespmem:$0x1E000] =	vst v63  }
0x9c: {  	s14 =	simm.s32 $0x16800  }
0x9d: {  	[tilespmem:s14], [sflag:$0x6] =	stream.indirect_vreg.gather [hbm4b:s6+s15], $0x80, v2, vm0, $0xb8;
	[tilespmem:$0x1E000] =	vst v63  }
0x9e: {  	s16 =	simm.s32 $0x17000  }
0x9f: {  	[tilespmem:s16], [sflag:$0x6] =	stream.indirect_vreg.gather [hbm4b:s7+s15], $0x80, v2, vm0, $0xb8;
	[tilespmem:$0x1E000] =	vst v63  }
0xa0: {  	s1 =	simm.s32 $0x17800  }
0xa1: {  	[tilespmem:s1], [sflag:$0x6] =	stream.indirect_vreg.gather [hbm4b:s8+s15], $0x80, v2, vm0, $0xb8;
	[tilespmem:$0x1E000] =	vst v63  }
0xa2: {  	s4 =	simm.s32 $0x18000  }
0xa3: {  	[tilespmem:s4], [sflag:$0x6] =	stream.indirect_vreg.gather [hbm4b:s9+s15], $0x80, v2, vm0, $0xb8;
	[tilespmem:$0x1E000] =	vst v63  }
0xa4: {  	s5 =	simm.s32 $0x18800  }
0xa5: {  	[tilespmem:s5], [sflag:$0x6] =	stream.indirect_vreg.gather [hbm4b:s10+s15], $0x80, v2, vm0, $0xb8;
	[tilespmem:$0x1E000] =	vst v63  }
0xa6: {  	s14 =	simm.s32 $0x19000  }
0xa7: {  	[tilespmem:s14], [sflag:$0x6] =	stream.indirect_vreg.gather [hbm4b:s11+s15], $0x80, v2, vm0, $0xb8;
	[tilespmem:$0x1E000] =	vst v63  }
0xa8: {  	s0 =	simm.s32 $0x2040;
	s16 =	simm.s32 $0x19800;
	s1 =	simm.s32 $0x0  }
0xa9: {  	[tilespmem:s16], [sflag:$0x6] =	stream.indirect_vreg.gather [hbm4b:s13+s15], $0x80, v2, vm0, $0xb8;
	[tilespmem:$0x1E000] =	vst v63  }
.LBB2_2:
0xaa: {  	v3 =	vld [tilespmem:s0+$0xFFFFFFC0];
	_ =	sdelay $0x1  }
0xab: {  	v6 =	vld [tilespmem:s0+$0xFFFFFFD0]  }
0xac: {  	v8 =	vld [tilespmem:s0+$0xFFFFFFE0]  }
0xad: {  	v4 =	vld [tilespmem:s0+$0x0]  }
0xae: {  	v2 =	vld [tilespmem:s0+$0x10];
	v7 =	vmul.f32 $4.525483320e+01, v3  }
0xaf: {  	v5 =	vld [tilespmem:s0+$0x20]  }
0xb0: {  	v3 =	vld [tilespmem:s0+$0x30];
	[tilespmem:s0+$0xFFFFFFC0] =	vst v7;
	v7 =	vmul.f32 $4.525483320e+01, v6  }
0xb1: {  	s5 =	simm.s32 $0x0;
	s14 =	sadd.s32 $0x400, s0;
	s4 =	smov.u32 s0;
	v8 =	vmul.f32 $4.525483320e+01, v8;
	v6 =	vld [tilespmem:s0+$0xFFFFFFF0]  }
.LBB2_3:
0xb2: {  	v9 =	vld [tilespmem:s14+$0xFFFFFFC0];
	[tilespmem:s4+$0xFFFFFFD0] =	vst v7;
	v4 =	vmul.f32 $4.525483320e+01, v4  }
0xb3: {  	s5 =	sadd.s32 $0x8, s5;
	v7 =	vld [tilespmem:s14+$0xFFFFFFD0];
	[tilespmem:s4+$0xFFFFFFE0] =	vst v8;
	v2 =	vmul.f32 $4.525483320e+01, v2  }
0xb4: {  	p0 =	slt.u32 s5, $0x78;
	v8 =	vld [tilespmem:s14+$0xFFFFFFE0];
	[tilespmem:s4+$0x0] =	vst v4;
	v5 =	vmul.f32 $4.525483320e+01, v5  }
.Ltmp0:
0xb5: {  	v4 =	vld [tilespmem:s14+$0x0];
	[tilespmem:s4+$0x10] =	vst v2;
	v3 =	vmul.f32 $4.525483320e+01, v3;
	(pc) =	sbr.rel @p0 .LBB2_3-.Ltmp0, $4  }
0xb6: {  	v2 =	vld [tilespmem:s14+$0x10];
	v6 =	vmul.f32 $4.525483320e+01, v6;
	[tilespmem:s4+$0x20] =	vst v5  }
0xb7: {  	v9 =	vmul.f32 $4.525483320e+01, v9;
	v5 =	vld [tilespmem:s14+$0x20];
	[tilespmem:s4+$0x30] =	vst v3  }
0xb8: {  	v7 =	vmul.f32 $4.525483320e+01, v7;
	v3 =	vld [tilespmem:s14+$0x30];
	[tilespmem:s4+$0xFFFFFFF0] =	vst v6;
	s4 =	smov.u32 s14  }
0xb9: {  	s14 =	sadd.s32 $0x400, s14;
	[tilespmem:s4+$0xFFFFFFC0] =	vst v9;
	v8 =	vmul.f32 $4.525483320e+01, v8;
	v6 =	vld [tilespmem:s4+$0xFFFFFFF0]  }
0xba: {  	[tilespmem:s4+$0xFFFFFFD0] =	vst v7;
	v4 =	vmul.f32 $4.525483320e+01, v4;
	s1 =	sadd.s32 $0x1, s1  }
0xbb: {  	[tilespmem:s4+$0xFFFFFFE0] =	vst v8;
	v2 =	vmul.f32 $4.525483320e+01, v2;
	p0 =	sne.s32 s1, $0x8  }
.Ltmp1:
0xbc: {  	[tilespmem:s4+$0x0] =	vst v4;
	v63 =	vmul.f32 $4.525483320e+01, v5;
	(pc) =	sbr.rel @p0 .LBB2_2-.Ltmp1, $4  }
0xbd: {  	[tilespmem:s4+$0x10] =	vst v2;
	v2 =	vmul.f32 $4.525483320e+01, v3  }
0xbe: {  	v3 =	vmul.f32 $4.525483320e+01, v6;
	[tilespmem:s4+$0x20] =	vst v63  }
0xbf: {  	[tilespmem:s4+$0x30] =	vst v2  }
0xc0: {  	s0 =	sadd.s32 $0x80, s0;
	[tilespmem:s4+$0xFFFFFFF0] =	vst v3  }
0xc1: {  	s0 =	simm.s32 $0x0;
	s1 =	simm.s32 $0x2  }
0xc2: {  	[hbm4b:s12+s0] =	stream.linear.scatter [tilespmem:s25], [sflag:$0x8], $0x4000, $0x38;
	[tilespmem:$0x1E000] =	vst v63  }
0xc3: {  	_ =	swait.ge [sflag:s1], $0x4000  }
0xc4: {  	[sflag:s1] =	ssyncset.done $0x0  }
0xc5: {  	[sflag:s1] =	ssyncadd.s32 $0xFFFFC000  }
0xc6: {  	v2 =	vld.msk [tilespmem:$0x300], $0xff;
	_ =	sdelay $0x4  }
0xc7: {  	v3 =	vshll.u32 v2, $0x4  }
0xc8: {  	v2 =	vand.u32 $0x7, v2;
	v3 =	vand.u32 $0xFFFFFF80, v3  }
0xc9: {  	v2 =	vor.u32 v2, v3  }
0xca: {  	v2 =	vperm.xlane v2, v0;
	_ =	sdelay $0x1  }
0xcb: {  	v2 =	vadd.s32 v1, v2;
	_ =	sdelay $0x4  }
0xcc: {  	[tilespmem:s19], [sflag:$0x7] =	stream.indirect_vreg.gather [hbm4b:s2+s0], $0x80, v2, vm0, $0xb8;
	[tilespmem:$0x1E000] =	vst v63  }
0xcd: {  	s15 =	simm.s32 $0x1A800  }
0xce: {  	[tilespmem:s15], [sflag:$0x7] =	stream.indirect_vreg.gather [hbm4b:s6+s0], $0x80, v2, vm0, $0xb8;
	[tilespmem:$0x1E000] =	vst v63  }
0xcf: {  	s16 =	simm.s32 $0x1B000  }
0xd0: {  	[tilespmem:s16], [sflag:$0x7] =	stream.indirect_vreg.gather [hbm4b:s7+s0], $0x80, v2, vm0, $0xb8;
	[tilespmem:$0x1E000] =	vst v63  }
0xd1: {  	s4 =	simm.s32 $0x1B800  }
0xd2: {  	[tilespmem:s4], [sflag:$0x7] =	stream.indirect_vreg.gather [hbm4b:s8+s0], $0x80, v2, vm0, $0xb8;
	[tilespmem:$0x1E000] =	vst v63  }
0xd3: {  	s5 =	simm.s32 $0x1C000  }
0xd4: {  	[tilespmem:s5], [sflag:$0x7] =	stream.indirect_vreg.gather [hbm4b:s9+s0], $0x80, v2, vm0, $0xb8;
	[tilespmem:$0x1E000] =	vst v63  }
0xd5: {  	s14 =	simm.s32 $0x1C800  }
0xd6: {  	[tilespmem:s14], [sflag:$0x7] =	stream.indirect_vreg.gather [hbm4b:s10+s0], $0x80, v2, vm0, $0xb8;
	[tilespmem:$0x1E000] =	vst v63  }
0xd7: {  	s15 =	simm.s32 $0x1D000  }
0xd8: {  	[tilespmem:s15], [sflag:$0x7] =	stream.indirect_vreg.gather [hbm4b:s11+s0], $0x80, v2, vm0, $0xb8;
	[tilespmem:$0x1E000] =	vst v63  }
0xd9: {  	s1 =	simm.s32 $0x6040;
	s16 =	simm.s32 $0x1D800  }
0xda: {  	[tilespmem:s16], [sflag:$0x7] =	stream.indirect_vreg.gather [hbm4b:s13+s0], $0x80, v2, vm0, $0xb8;
	[tilespmem:$0x1E000] =	vst v63  }
.LBB2_6:
0xdb: {  	v3 =	vld [tilespmem:s1+$0xFFFFFFC0];
	_ =	sdelay $0x1  }
0xdc: {  	v6 =	vld [tilespmem:s1+$0xFFFFFFD0]  }
0xdd: {  	v8 =	vld [tilespmem:s1+$0xFFFFFFE0]  }
0xde: {  	v4 =	vld [tilespmem:s1+$0x0]  }
0xdf: {  	v2 =	vld [tilespmem:s1+$0x10];
	v7 =	vmul.f32 $4.525483320e+01, v3  }
0xe0: {  	v5 =	vld [tilespmem:s1+$0x20]  }
0xe1: {  	v3 =	vld [tilespmem:s1+$0x30];
	[tilespmem:s1+$0xFFFFFFC0] =	vst v7;
	v7 =	vmul.f32 $4.525483320e+01, v6  }
0xe2: {  	s5 =	simm.s32 $0x0;
	s14 =	sadd.s32 $0x400, s1;
	s4 =	smov.u32 s1;
	v8 =	vmul.f32 $4.525483320e+01, v8;
	v6 =	vld [tilespmem:s1+$0xFFFFFFF0]  }
.LBB2_7:
0xe3: {  	v9 =	vld [tilespmem:s14+$0xFFFFFFC0];
	[tilespmem:s4+$0xFFFFFFD0] =	vst v7;
	v4 =	vmul.f32 $4.525483320e+01, v4  }
0xe4: {  	s5 =	sadd.s32 $0x8, s5;
	v7 =	vld [tilespmem:s14+$0xFFFFFFD0];
	[tilespmem:s4+$0xFFFFFFE0] =	vst v8;
	v2 =	vmul.f32 $4.525483320e+01, v2  }
0xe5: {  	p0 =	slt.u32 s5, $0x78;
	v8 =	vld [tilespmem:s14+$0xFFFFFFE0];
	[tilespmem:s4+$0x0] =	vst v4;
	v5 =	vmul.f32 $4.525483320e+01, v5  }
.Ltmp2:
0xe6: {  	v4 =	vld [tilespmem:s14+$0x0];
	[tilespmem:s4+$0x10] =	vst v2;
	v3 =	vmul.f32 $4.525483320e+01, v3;
	(pc) =	sbr.rel @p0 .LBB2_7-.Ltmp2, $4  }
0xe7: {  	v2 =	vld [tilespmem:s14+$0x10];
	v6 =	vmul.f32 $4.525483320e+01, v6;
	[tilespmem:s4+$0x20] =	vst v5  }
0xe8: {  	v9 =	vmul.f32 $4.525483320e+01, v9;
	v5 =	vld [tilespmem:s14+$0x20];
	[tilespmem:s4+$0x30] =	vst v3  }
0xe9: {  	v7 =	vmul.f32 $4.525483320e+01, v7;
	v3 =	vld [tilespmem:s14+$0x30];
	[tilespmem:s4+$0xFFFFFFF0] =	vst v6;
	s4 =	smov.u32 s14  }
0xea: {  	s14 =	sadd.s32 $0x400, s14;
	[tilespmem:s4+$0xFFFFFFC0] =	vst v9;
	v8 =	vmul.f32 $4.525483320e+01, v8;
	v6 =	vld [tilespmem:s4+$0xFFFFFFF0]  }
0xeb: {  	[tilespmem:s4+$0xFFFFFFD0] =	vst v7;
	v4 =	vmul.f32 $4.525483320e+01, v4;
	s0 =	sadd.s32 $0x1, s0  }
0xec: {  	[tilespmem:s4+$0xFFFFFFE0] =	vst v8;
	v2 =	vmul.f32 $4.525483320e+01, v2;
	p0 =	sne.s32 s0, $0x8  }
.Ltmp3:
0xed: {  	[tilespmem:s4+$0x0] =	vst v4;
	v63 =	vmul.f32 $4.525483320e+01, v5;
	(pc) =	sbr.rel @p0 .LBB2_6-.Ltmp3, $4  }
0xee: {  	[tilespmem:s4+$0x10] =	vst v2;
	v2 =	vmul.f32 $4.525483320e+01, v3  }
0xef: {  	v3 =	vmul.f32 $4.525483320e+01, v6;
	[tilespmem:s4+$0x20] =	vst v63  }
0xf0: {  	[tilespmem:s4+$0x30] =	vst v2  }
0xf1: {  	s1 =	sadd.s32 $0x80, s1;
	[tilespmem:s4+$0xFFFFFFF0] =	vst v3  }
0xf2: {  	s0 =	simm.s32 $0x0  }
0xf3: {  	s1 =	rddreg [dreg:$0x5];
	s4 =	simm.s32 $0x6000;
	s14 =	simm.s32 $0x3  }
0xf4: {  	[hbm4b:s1+s0] =	stream.linear.scatter [tilespmem:s4], [sflag:$0x9], $0x4000, $0x38;
	[tilespmem:$0x1E000] =	vst v63  }
0xf5: {  	_ =	swait.ge [sflag:s14], $0x4000  }
0xf6: {  	[sflag:s14] =	ssyncset.done $0x0  }
0xf7: {  	[sflag:s14] =	ssyncadd.s32 $0xFFFFC000  }
0xf8: {  	_ =	swait.ge [sflag:s18], $0x4000  }
0xf9: {  	[sflag:s18] =	ssyncset.done $0x0  }
0xfa: {  	[sflag:s18] =	ssyncadd.s32 $0xFFFFC000  }
0xfb: {  	v2 =	vld.msk [tilespmem:$0x380], $0xff;
	_ =	sdelay $0x4  }
0xfc: {  	v3 =	vshll.u32 v2, $0x4  }
0xfd: {  	v2 =	vand.u32 $0x7, v2;
	v3 =	vand.u32 $0xFFFFFF80, v3  }
0xfe: {  	v2 =	vor.u32 v2, v3  }
0xff: {  	v2 =	vperm.xlane v2, v0;
	_ =	sdelay $0x1  }
0x100: {  	v2 =	vadd.s32 v1, v2;
	_ =	sdelay $0x4  }
0x101: {  	[tilespmem:s25], [sflag:$0x1] =	stream.indirect_vreg.gather [hbm4b:s2+s0], $0x80, v2, vm0, $0xb8;
	[tilespmem:$0x1E000] =	vst v63  }
0x102: {  	s15 =	simm.s32 $0x2800  }
0x103: {  	[tilespmem:s15], [sflag:$0x1] =	stream.indirect_vreg.gather [hbm4b:s6+s0], $0x80, v2, vm0, $0xb8;
	[tilespmem:$0x1E000] =	vst v63  }
0x104: {  	s16 =	simm.s32 $0x3000  }
0x105: {  	[tilespmem:s16], [sflag:$0x1] =	stream.indirect_vreg.gather [hbm4b:s7+s0], $0x80, v2, vm0, $0xb8;
	[tilespmem:$0x1E000] =	vst v63  }
0x106: {  	s4 =	simm.s32 $0x3800  }
0x107: {  	[tilespmem:s4], [sflag:$0x1] =	stream.indirect_vreg.gather [hbm4b:s8+s0], $0x80, v2, vm0, $0xb8;
	[tilespmem:$0x1E000] =	vst v63  }
0x108: {  	s5 =	simm.s32 $0x4000  }
0x109: {  	[tilespmem:s5], [sflag:$0x1] =	stream.indirect_vreg.gather [hbm4b:s9+s0], $0x80, v2, vm0, $0xb8;
	[tilespmem:$0x1E000] =	vst v63  }
0x10a: {  	s14 =	simm.s32 $0x4800  }
0x10b: {  	[tilespmem:s14], [sflag:$0x1] =	stream.indirect_vreg.gather [hbm4b:s10+s0], $0x80, v2, vm0, $0xb8;
	[tilespmem:$0x1E000] =	vst v63  }
0x10c: {  	s15 =	simm.s32 $0x5000  }
0x10d: {  	[tilespmem:s15], [sflag:$0x1] =	stream.indirect_vreg.gather [hbm4b:s11+s0], $0x80, v2, vm0, $0xb8;
	[tilespmem:$0x1E000] =	vst v63  }
0x10e: {  	s1 =	simm.s32 $0xA040;
	s16 =	simm.s32 $0x5800  }
0x10f: {  	[tilespmem:s16], [sflag:$0x1] =	stream.indirect_vreg.gather [hbm4b:s13+s0], $0x80, v2, vm0, $0xb8;
	[tilespmem:$0x1E000] =	vst v63  }
.LBB2_10:
0x110: {  	v3 =	vld [tilespmem:s1+$0xFFFFFFC0];
	_ =	sdelay $0x1  }
0x111: {  	v6 =	vld [tilespmem:s1+$0xFFFFFFD0]  }
0x112: {  	v8 =	vld [tilespmem:s1+$0xFFFFFFE0]  }
0x113: {  	v4 =	vld [tilespmem:s1+$0x0]  }
0x114: {  	v2 =	vld [tilespmem:s1+$0x10];
	v7 =	vmul.f32 $4.525483320e+01, v3  }
0x115: {  	v5 =	vld [tilespmem:s1+$0x20]  }
0x116: {  	v3 =	vld [tilespmem:s1+$0x30];
	[tilespmem:s1+$0xFFFFFFC0] =	vst v7;
	v7 =	vmul.f32 $4.525483320e+01, v6  }
0x117: {  	s5 =	simm.s32 $0x0;
	s14 =	sadd.s32 $0x400, s1;
	s4 =	smov.u32 s1;
	v8 =	vmul.f32 $4.525483320e+01, v8;
	v6 =	vld [tilespmem:s1+$0xFFFFFFF0]  }
.LBB2_11:
0x118: {  	v9 =	vld [tilespmem:s14+$0xFFFFFFC0];
	[tilespmem:s4+$0xFFFFFFD0] =	vst v7;
	v4 =	vmul.f32 $4.525483320e+01, v4  }
0x119: {  	s5 =	sadd.s32 $0x8, s5;
	v7 =	vld [tilespmem:s14+$0xFFFFFFD0];
	[tilespmem:s4+$0xFFFFFFE0] =	vst v8;
	v2 =	vmul.f32 $4.525483320e+01, v2  }
0x11a: {  	p0 =	slt.u32 s5, $0x78;
	v8 =	vld [tilespmem:s14+$0xFFFFFFE0];
	[tilespmem:s4+$0x0] =	vst v4;
	v5 =	vmul.f32 $4.525483320e+01, v5  }
.Ltmp4:
0x11b: {  	v4 =	vld [tilespmem:s14+$0x0];
	[tilespmem:s4+$0x10] =	vst v2;
	v3 =	vmul.f32 $4.525483320e+01, v3;
	(pc) =	sbr.rel @p0 .LBB2_11-.Ltmp4, $4  }
0x11c: {  	v2 =	vld [tilespmem:s14+$0x10];
	v6 =	vmul.f32 $4.525483320e+01, v6;
	[tilespmem:s4+$0x20] =	vst v5  }
0x11d: {  	v9 =	vmul.f32 $4.525483320e+01, v9;
	v5 =	vld [tilespmem:s14+$0x20];
	[tilespmem:s4+$0x30] =	vst v3  }
0x11e: {  	v7 =	vmul.f32 $4.525483320e+01, v7;
	v3 =	vld [tilespmem:s14+$0x30];
	[tilespmem:s4+$0xFFFFFFF0] =	vst v6;
	s4 =	smov.u32 s14  }
0x11f: {  	s14 =	sadd.s32 $0x400, s14;
	[tilespmem:s4+$0xFFFFFFC0] =	vst v9;
	v8 =	vmul.f32 $4.525483320e+01, v8;
	v6 =	vld [tilespmem:s4+$0xFFFFFFF0]  }
0x120: {  	[tilespmem:s4+$0xFFFFFFD0] =	vst v7;
	v4 =	vmul.f32 $4.525483320e+01, v4;
	s0 =	sadd.s32 $0x1, s0  }
0x121: {  	[tilespmem:s4+$0xFFFFFFE0] =	vst v8;
	v2 =	vmul.f32 $4.525483320e+01, v2;
	p0 =	sne.s32 s0, $0x8  }
.Ltmp5:
0x122: {  	[tilespmem:s4+$0x0] =	vst v4;
	v63 =	vmul.f32 $4.525483320e+01, v5;
	(pc) =	sbr.rel @p0 .LBB2_10-.Ltmp5, $4  }
0x123: {  	[tilespmem:s4+$0x10] =	vst v2;
	v2 =	vmul.f32 $4.525483320e+01, v3  }
0x124: {  	v3 =	vmul.f32 $4.525483320e+01, v6;
	[tilespmem:s4+$0x20] =	vst v63  }
0x125: {  	[tilespmem:s4+$0x30] =	vst v2  }
0x126: {  	s1 =	sadd.s32 $0x80, s1;
	[tilespmem:s4+$0xFFFFFFF0] =	vst v3  }
0x127: {  	s0 =	simm.s32 $0x0;
	s1 =	rddreg [dreg:$0x6];
	s4 =	simm.s32 $0xA000  }
0x128: {  	[hbm4b:s1+s0] =	stream.linear.scatter [tilespmem:s4], [sflag:$0xA], $0x4000, $0x38;
	[tilespmem:$0x1E000] =	vst v63  }
0x129: {  	s4 =	simm.s32 $0x4  }
0x12a: {  	_ =	swait.ge [sflag:s4], $0x4000  }
0x12b: {  	[sflag:s4] =	ssyncset.done $0x0  }
0x12c: {  	s5 =	simm.s32 $0x9;
	[sflag:s4] =	ssyncadd.s32 $0xFFFFC000  }
0x12d: {  	_ =	swait.ge [sflag:s5], $0x4000  }
0x12e: {  	[sflag:s5] =	ssyncset.done $0x0  }
0x12f: {  	[sflag:s5] =	ssyncadd.s32 $0xFFFFC000  }
0x130: {  	v2 =	vld.msk [tilespmem:$0x400], $0xff;
	_ =	sdelay $0x4  }
0x131: {  	v3 =	vshll.u32 v2, $0x4  }
0x132: {  	v2 =	vand.u32 $0x7, v2;
	v3 =	vand.u32 $0xFFFFFF80, v3  }
0x133: {  	v2 =	vor.u32 v2, v3  }
0x134: {  	v2 =	vperm.xlane v2, v0;
	_ =	sdelay $0x1  }
0x135: {  	v2 =	vadd.s32 v1, v2;
	_ =	sdelay $0x3  }
0x136: {  	s14 =	simm.s32 $0x6000  }
0x137: {  	[tilespmem:s14], [sflag:$0x2] =	stream.indirect_vreg.gather [hbm4b:s2+s0], $0x80, v2, vm0, $0xb8;
	[tilespmem:$0x1E000] =	vst v63  }
0x138: {  	s15 =	simm.s32 $0x6800  }
0x139: {  	[tilespmem:s15], [sflag:$0x2] =	stream.indirect_vreg.gather [hbm4b:s6+s0], $0x80, v2, vm0, $0xb8;
	[tilespmem:$0x1E000] =	vst v63  }
0x13a: {  	s16 =	simm.s32 $0x7000  }
0x13b: {  	[tilespmem:s16], [sflag:$0x2] =	stream.indirect_vreg.gather [hbm4b:s7+s0], $0x80, v2, vm0, $0xb8;
	[tilespmem:$0x1E000] =	vst v63  }
0x13c: {  	s4 =	simm.s32 $0x7800  }
0x13d: {  	[tilespmem:s4], [sflag:$0x2] =	stream.indirect_vreg.gather [hbm4b:s8+s0], $0x80, v2, vm0, $0xb8;
	[tilespmem:$0x1E000] =	vst v63  }
0x13e: {  	s5 =	simm.s32 $0x8000  }
0x13f: {  	[tilespmem:s5], [sflag:$0x2] =	stream.indirect_vreg.gather [hbm4b:s9+s0], $0x80, v2, vm0, $0xb8;
	[tilespmem:$0x1E000] =	vst v63  }
0x140: {  	s14 =	simm.s32 $0x8800  }
0x141: {  	[tilespmem:s14], [sflag:$0x2] =	stream.indirect_vreg.gather [hbm4b:s10+s0], $0x80, v2, vm0, $0xb8;
	[tilespmem:$0x1E000] =	vst v63  }
0x142: {  	s15 =	simm.s32 $0x9000  }
0x143: {  	[tilespmem:s15], [sflag:$0x2] =	stream.indirect_vreg.gather [hbm4b:s11+s0], $0x80, v2, vm0, $0xb8;
	[tilespmem:$0x1E000] =	vst v63  }
0x144: {  	s1 =	simm.s32 $0xE040;
	s16 =	simm.s32 $0x9800  }
0x145: {  	[tilespmem:s16], [sflag:$0x2] =	stream.indirect_vreg.gather [hbm4b:s13+s0], $0x80, v2, vm0, $0xb8;
	[tilespmem:$0x1E000] =	vst v63  }
.LBB2_14:
0x146: {  	v3 =	vld [tilespmem:s1+$0xFFFFFFC0];
	_ =	sdelay $0x1  }
0x147: {  	v6 =	vld [tilespmem:s1+$0xFFFFFFD0]  }
0x148: {  	v8 =	vld [tilespmem:s1+$0xFFFFFFE0]  }
0x149: {  	v4 =	vld [tilespmem:s1+$0x0]  }
0x14a: {  	v2 =	vld [tilespmem:s1+$0x10];
	v7 =	vmul.f32 $4.525483320e+01, v3  }
0x14b: {  	v5 =	vld [tilespmem:s1+$0x20]  }
0x14c: {  	v3 =	vld [tilespmem:s1+$0x30];
	[tilespmem:s1+$0xFFFFFFC0] =	vst v7;
	v7 =	vmul.f32 $4.525483320e+01, v6  }
0x14d: {  	s5 =	simm.s32 $0x0;
	s14 =	sadd.s32 $0x400, s1;
	s4 =	smov.u32 s1;
	v8 =	vmul.f32 $4.525483320e+01, v8;
	v6 =	vld [tilespmem:s1+$0xFFFFFFF0]  }
.LBB2_15:
0x14e: {  	v9 =	vld [tilespmem:s14+$0xFFFFFFC0];
	[tilespmem:s4+$0xFFFFFFD0] =	vst v7;
	v4 =	vmul.f32 $4.525483320e+01, v4  }
0x14f: {  	s5 =	sadd.s32 $0x8, s5;
	v7 =	vld [tilespmem:s14+$0xFFFFFFD0];
	[tilespmem:s4+$0xFFFFFFE0] =	vst v8;
	v2 =	vmul.f32 $4.525483320e+01, v2  }
0x150: {  	p0 =	slt.u32 s5, $0x78;
	v8 =	vld [tilespmem:s14+$0xFFFFFFE0];
	[tilespmem:s4+$0x0] =	vst v4;
	v5 =	vmul.f32 $4.525483320e+01, v5  }
.Ltmp6:
0x151: {  	v4 =	vld [tilespmem:s14+$0x0];
	[tilespmem:s4+$0x10] =	vst v2;
	v3 =	vmul.f32 $4.525483320e+01, v3;
	(pc) =	sbr.rel @p0 .LBB2_15-.Ltmp6, $4  }
0x152: {  	v2 =	vld [tilespmem:s14+$0x10];
	v6 =	vmul.f32 $4.525483320e+01, v6;
	[tilespmem:s4+$0x20] =	vst v5  }
0x153: {  	v9 =	vmul.f32 $4.525483320e+01, v9;
	v5 =	vld [tilespmem:s14+$0x20];
	[tilespmem:s4+$0x30] =	vst v3  }
0x154: {  	v7 =	vmul.f32 $4.525483320e+01, v7;
	v3 =	vld [tilespmem:s14+$0x30];
	[tilespmem:s4+$0xFFFFFFF0] =	vst v6;
	s4 =	smov.u32 s14  }
0x155: {  	s14 =	sadd.s32 $0x400, s14;
	[tilespmem:s4+$0xFFFFFFC0] =	vst v9;
	v8 =	vmul.f32 $4.525483320e+01, v8;
	v6 =	vld [tilespmem:s4+$0xFFFFFFF0]  }
0x156: {  	[tilespmem:s4+$0xFFFFFFD0] =	vst v7;
	v4 =	vmul.f32 $4.525483320e+01, v4;
	s0 =	sadd.s32 $0x1, s0  }
0x157: {  	[tilespmem:s4+$0xFFFFFFE0] =	vst v8;
	v2 =	vmul.f32 $4.525483320e+01, v2;
	p0 =	sne.s32 s0, $0x8  }
.Ltmp7:
0x158: {  	[tilespmem:s4+$0x0] =	vst v4;
	v63 =	vmul.f32 $4.525483320e+01, v5;
	(pc) =	sbr.rel @p0 .LBB2_14-.Ltmp7, $4  }
0x159: {  	[tilespmem:s4+$0x10] =	vst v2;
	v2 =	vmul.f32 $4.525483320e+01, v3  }
0x15a: {  	v3 =	vmul.f32 $4.525483320e+01, v6;
	[tilespmem:s4+$0x20] =	vst v63  }
0x15b: {  	[tilespmem:s4+$0x30] =	vst v2  }
0x15c: {  	s1 =	sadd.s32 $0x80, s1;
	[tilespmem:s4+$0xFFFFFFF0] =	vst v3  }
0x15d: {  	s0 =	simm.s32 $0x0;
	s1 =	rddreg [dreg:$0x7];
	s4 =	simm.s32 $0xE000  }
0x15e: {  	[hbm4b:s1+s0] =	stream.linear.scatter [tilespmem:s4], [sflag:$0xB], $0x4000, $0x38;
	[tilespmem:$0x1E000] =	vst v63  }
0x15f: {  	_ =	swait.ge [sflag:s26], $0x4000  }
0x160: {  	[sflag:s26] =	ssyncset.done $0x0  }
0x161: {  	[sflag:s26] =	ssyncadd.s32 $0xFFFFC000  }
0x162: {  	_ =	swait.ge [sflag:s28], $0x4000  }
0x163: {  	[sflag:s28] =	ssyncset.done $0x0  }
0x164: {  	[sflag:s28] =	ssyncadd.s32 $0xFFFFC000  }
0x165: {  	v2 =	vld.msk [tilespmem:$0x480], $0xff;
	_ =	sdelay $0x4  }
0x166: {  	v3 =	vshll.u32 v2, $0x4  }
0x167: {  	v2 =	vand.u32 $0x7, v2;
	v3 =	vand.u32 $0xFFFFFF80, v3  }
0x168: {  	v2 =	vor.u32 v2, v3  }
0x169: {  	v2 =	vperm.xlane v2, v0;
	_ =	sdelay $0x1  }
0x16a: {  	v2 =	vadd.s32 v1, v2;
	_ =	sdelay $0x3  }
0x16b: {  	s14 =	simm.s32 $0xA000  }
0x16c: {  	[tilespmem:s14], [sflag:$0x3] =	stream.indirect_vreg.gather [hbm4b:s2+s0], $0x80, v2, vm0, $0xb8;
	[tilespmem:$0x1E000] =	vst v63  }
0x16d: {  	s15 =	simm.s32 $0xA800  }
0x16e: {  	[tilespmem:s15], [sflag:$0x3] =	stream.indirect_vreg.gather [hbm4b:s6+s0], $0x80, v2, vm0, $0xb8;
	[tilespmem:$0x1E000] =	vst v63  }
0x16f: {  	s16 =	simm.s32 $0xB000  }
0x170: {  	[tilespmem:s16], [sflag:$0x3] =	stream.indirect_vreg.gather [hbm4b:s7+s0], $0x80, v2, vm0, $0xb8;
	[tilespmem:$0x1E000] =	vst v63  }
0x171: {  	s4 =	simm.s32 $0xB800  }
0x172: {  	[tilespmem:s4], [sflag:$0x3] =	stream.indirect_vreg.gather [hbm4b:s8+s0], $0x80, v2, vm0, $0xb8;
	[tilespmem:$0x1E000] =	vst v63  }
0x173: {  	s5 =	simm.s32 $0xC000  }
0x174: {  	[tilespmem:s5], [sflag:$0x3] =	stream.indirect_vreg.gather [hbm4b:s9+s0], $0x80, v2, vm0, $0xb8;
	[tilespmem:$0x1E000] =	vst v63  }
0x175: {  	s14 =	simm.s32 $0xC800  }
0x176: {  	[tilespmem:s14], [sflag:$0x3] =	stream.indirect_vreg.gather [hbm4b:s10+s0], $0x80, v2, vm0, $0xb8;
	[tilespmem:$0x1E000] =	vst v63  }
0x177: {  	s15 =	simm.s32 $0xD000  }
0x178: {  	[tilespmem:s15], [sflag:$0x3] =	stream.indirect_vreg.gather [hbm4b:s11+s0], $0x80, v2, vm0, $0xb8;
	[tilespmem:$0x1E000] =	vst v63  }
0x179: {  	s1 =	simm.s32 $0x12040;
	s16 =	simm.s32 $0xD800  }
0x17a: {  	[tilespmem:s16], [sflag:$0x3] =	stream.indirect_vreg.gather [hbm4b:s13+s0], $0x80, v2, vm0, $0xb8;
	[tilespmem:$0x1E000] =	vst v63  }
.LBB2_18:
0x17b: {  	v3 =	vld [tilespmem:s1+$0xFFFFFFC0];
	_ =	sdelay $0x1  }
0x17c: {  	v6 =	vld [tilespmem:s1+$0xFFFFFFD0]  }
0x17d: {  	v8 =	vld [tilespmem:s1+$0xFFFFFFE0]  }
0x17e: {  	v4 =	vld [tilespmem:s1+$0x0]  }
0x17f: {  	v2 =	vld [tilespmem:s1+$0x10];
	v7 =	vmul.f32 $4.525483320e+01, v3  }
0x180: {  	v5 =	vld [tilespmem:s1+$0x20]  }
0x181: {  	v3 =	vld [tilespmem:s1+$0x30];
	[tilespmem:s1+$0xFFFFFFC0] =	vst v7;
	v7 =	vmul.f32 $4.525483320e+01, v6  }
0x182: {  	s5 =	simm.s32 $0x0;
	s14 =	sadd.s32 $0x400, s1;
	s4 =	smov.u32 s1;
	v8 =	vmul.f32 $4.525483320e+01, v8;
	v6 =	vld [tilespmem:s1+$0xFFFFFFF0]  }
.LBB2_19:
0x183: {  	v9 =	vld [tilespmem:s14+$0xFFFFFFC0];
	[tilespmem:s4+$0xFFFFFFD0] =	vst v7;
	v4 =	vmul.f32 $4.525483320e+01, v4  }
0x184: {  	s5 =	sadd.s32 $0x8, s5;
	v7 =	vld [tilespmem:s14+$0xFFFFFFD0];
	[tilespmem:s4+$0xFFFFFFE0] =	vst v8;
	v2 =	vmul.f32 $4.525483320e+01, v2  }
0x185: {  	p0 =	slt.u32 s5, $0x78;
	v8 =	vld [tilespmem:s14+$0xFFFFFFE0];
	[tilespmem:s4+$0x0] =	vst v4;
	v5 =	vmul.f32 $4.525483320e+01, v5  }
.Ltmp8:
0x186: {  	v4 =	vld [tilespmem:s14+$0x0];
	[tilespmem:s4+$0x10] =	vst v2;
	v3 =	vmul.f32 $4.525483320e+01, v3;
	(pc) =	sbr.rel @p0 .LBB2_19-.Ltmp8, $4  }
0x187: {  	v2 =	vld [tilespmem:s14+$0x10];
	v6 =	vmul.f32 $4.525483320e+01, v6;
	[tilespmem:s4+$0x20] =	vst v5  }
0x188: {  	v9 =	vmul.f32 $4.525483320e+01, v9;
	v5 =	vld [tilespmem:s14+$0x20];
	[tilespmem:s4+$0x30] =	vst v3  }
0x189: {  	v7 =	vmul.f32 $4.525483320e+01, v7;
	v3 =	vld [tilespmem:s14+$0x30];
	[tilespmem:s4+$0xFFFFFFF0] =	vst v6;
	s4 =	smov.u32 s14  }
0x18a: {  	s14 =	sadd.s32 $0x400, s14;
	[tilespmem:s4+$0xFFFFFFC0] =	vst v9;
	v8 =	vmul.f32 $4.525483320e+01, v8;
	v6 =	vld [tilespmem:s4+$0xFFFFFFF0]  }
0x18b: {  	[tilespmem:s4+$0xFFFFFFD0] =	vst v7;
	v4 =	vmul.f32 $4.525483320e+01, v4;
	s0 =	sadd.s32 $0x1, s0  }
0x18c: {  	[tilespmem:s4+$0xFFFFFFE0] =	vst v8;
	v2 =	vmul.f32 $4.525483320e+01, v2;
	p0 =	sne.s32 s0, $0x8  }
.Ltmp9:
0x18d: {  	[tilespmem:s4+$0x0] =	vst v4;
	v63 =	vmul.f32 $4.525483320e+01, v5;
	(pc) =	sbr.rel @p0 .LBB2_18-.Ltmp9, $4  }
0x18e: {  	[tilespmem:s4+$0x10] =	vst v2;
	v2 =	vmul.f32 $4.525483320e+01, v3  }
0x18f: {  	v3 =	vmul.f32 $4.525483320e+01, v6;
	[tilespmem:s4+$0x20] =	vst v63  }
0x190: {  	[tilespmem:s4+$0x30] =	vst v2  }
0x191: {  	s1 =	sadd.s32 $0x80, s1;
	[tilespmem:s4+$0xFFFFFFF0] =	vst v3  }
0x192: {  	s0 =	simm.s32 $0x0;
	s1 =	rddreg [dreg:$0x8];
	s4 =	simm.s32 $0x12000  }
0x193: {  	[hbm4b:s1+s0] =	stream.linear.scatter [tilespmem:s4], [sflag:$0xC], $0x4000, $0x38;
	[tilespmem:$0x1E000] =	vst v63  }
0x194: {  	_ =	swait.ge [sflag:s20], $0x4000  }
0x195: {  	[sflag:s20] =	ssyncset.done $0x0  }
0x196: {  	[sflag:s20] =	ssyncadd.s32 $0xFFFFC000  }
0x197: {  	_ =	swait.ge [sflag:s21], $0x4000  }
0x198: {  	[sflag:s21] =	ssyncset.done $0x0  }
0x199: {  	[sflag:s21] =	ssyncadd.s32 $0xFFFFC000  }
0x19a: {  	v2 =	vld.msk [tilespmem:$0x500], $0xff;
	_ =	sdelay $0x4  }
0x19b: {  	v3 =	vshll.u32 v2, $0x4  }
0x19c: {  	v2 =	vand.u32 $0x7, v2;
	v3 =	vand.u32 $0xFFFFFF80, v3  }
0x19d: {  	v2 =	vor.u32 v2, v3  }
0x19e: {  	v2 =	vperm.xlane v2, v0;
	_ =	sdelay $0x1  }
0x19f: {  	v2 =	vadd.s32 v1, v2;
	_ =	sdelay $0x3  }
0x1a0: {  	s14 =	simm.s32 $0xE000  }
0x1a1: {  	[tilespmem:s14], [sflag:$0x4] =	stream.indirect_vreg.gather [hbm4b:s2+s0], $0x80, v2, vm0, $0xb8;
	[tilespmem:$0x1E000] =	vst v63  }
0x1a2: {  	s15 =	simm.s32 $0xE800  }
0x1a3: {  	[tilespmem:s15], [sflag:$0x4] =	stream.indirect_vreg.gather [hbm4b:s6+s0], $0x80, v2, vm0, $0xb8;
	[tilespmem:$0x1E000] =	vst v63  }
0x1a4: {  	s16 =	simm.s32 $0xF000  }
0x1a5: {  	[tilespmem:s16], [sflag:$0x4] =	stream.indirect_vreg.gather [hbm4b:s7+s0], $0x80, v2, vm0, $0xb8;
	[tilespmem:$0x1E000] =	vst v63  }
0x1a6: {  	s4 =	simm.s32 $0xF800  }
0x1a7: {  	[tilespmem:s4], [sflag:$0x4] =	stream.indirect_vreg.gather [hbm4b:s8+s0], $0x80, v2, vm0, $0xb8;
	[tilespmem:$0x1E000] =	vst v63  }
0x1a8: {  	s5 =	simm.s32 $0x10000  }
0x1a9: {  	[tilespmem:s5], [sflag:$0x4] =	stream.indirect_vreg.gather [hbm4b:s9+s0], $0x80, v2, vm0, $0xb8;
	[tilespmem:$0x1E000] =	vst v63  }
0x1aa: {  	s14 =	simm.s32 $0x10800  }
0x1ab: {  	[tilespmem:s14], [sflag:$0x4] =	stream.indirect_vreg.gather [hbm4b:s10+s0], $0x80, v2, vm0, $0xb8;
	[tilespmem:$0x1E000] =	vst v63  }
0x1ac: {  	s15 =	simm.s32 $0x11000  }
0x1ad: {  	[tilespmem:s15], [sflag:$0x4] =	stream.indirect_vreg.gather [hbm4b:s11+s0], $0x80, v2, vm0, $0xb8;
	[tilespmem:$0x1E000] =	vst v63  }
0x1ae: {  	s1 =	simm.s32 $0x16040;
	s16 =	simm.s32 $0x11800  }
0x1af: {  	[tilespmem:s16], [sflag:$0x4] =	stream.indirect_vreg.gather [hbm4b:s13+s0], $0x80, v2, vm0, $0xb8;
	[tilespmem:$0x1E000] =	vst v63  }
.LBB2_22:
0x1b0: {  	v3 =	vld [tilespmem:s1+$0xFFFFFFC0];
	_ =	sdelay $0x1  }
0x1b1: {  	v6 =	vld [tilespmem:s1+$0xFFFFFFD0]  }
0x1b2: {  	v8 =	vld [tilespmem:s1+$0xFFFFFFE0]  }
0x1b3: {  	v4 =	vld [tilespmem:s1+$0x0]  }
0x1b4: {  	v2 =	vld [tilespmem:s1+$0x10];
	v7 =	vmul.f32 $4.525483320e+01, v3  }
0x1b5: {  	v5 =	vld [tilespmem:s1+$0x20]  }
0x1b6: {  	v3 =	vld [tilespmem:s1+$0x30];
	[tilespmem:s1+$0xFFFFFFC0] =	vst v7;
	v7 =	vmul.f32 $4.525483320e+01, v6  }
0x1b7: {  	s5 =	simm.s32 $0x0;
	s14 =	sadd.s32 $0x400, s1;
	s4 =	smov.u32 s1;
	v8 =	vmul.f32 $4.525483320e+01, v8;
	v6 =	vld [tilespmem:s1+$0xFFFFFFF0]  }
.LBB2_23:
0x1b8: {  	v9 =	vld [tilespmem:s14+$0xFFFFFFC0];
	[tilespmem:s4+$0xFFFFFFD0] =	vst v7;
	v4 =	vmul.f32 $4.525483320e+01, v4  }
0x1b9: {  	s5 =	sadd.s32 $0x8, s5;
	v7 =	vld [tilespmem:s14+$0xFFFFFFD0];
	[tilespmem:s4+$0xFFFFFFE0] =	vst v8;
	v2 =	vmul.f32 $4.525483320e+01, v2  }
0x1ba: {  	p0 =	slt.u32 s5, $0x78;
	v8 =	vld [tilespmem:s14+$0xFFFFFFE0];
	[tilespmem:s4+$0x0] =	vst v4;
	v5 =	vmul.f32 $4.525483320e+01, v5  }
.Ltmp10:
0x1bb: {  	v4 =	vld [tilespmem:s14+$0x0];
	[tilespmem:s4+$0x10] =	vst v2;
	v3 =	vmul.f32 $4.525483320e+01, v3;
	(pc) =	sbr.rel @p0 .LBB2_23-.Ltmp10, $4  }
0x1bc: {  	v2 =	vld [tilespmem:s14+$0x10];
	v6 =	vmul.f32 $4.525483320e+01, v6;
	[tilespmem:s4+$0x20] =	vst v5  }
0x1bd: {  	v9 =	vmul.f32 $4.525483320e+01, v9;
	v5 =	vld [tilespmem:s14+$0x20];
	[tilespmem:s4+$0x30] =	vst v3  }
0x1be: {  	v7 =	vmul.f32 $4.525483320e+01, v7;
	v3 =	vld [tilespmem:s14+$0x30];
	[tilespmem:s4+$0xFFFFFFF0] =	vst v6;
	s4 =	smov.u32 s14  }
0x1bf: {  	s14 =	sadd.s32 $0x400, s14;
	[tilespmem:s4+$0xFFFFFFC0] =	vst v9;
	v8 =	vmul.f32 $4.525483320e+01, v8;
	v6 =	vld [tilespmem:s4+$0xFFFFFFF0]  }
0x1c0: {  	[tilespmem:s4+$0xFFFFFFD0] =	vst v7;
	v4 =	vmul.f32 $4.525483320e+01, v4;
	s0 =	sadd.s32 $0x1, s0  }
0x1c1: {  	[tilespmem:s4+$0xFFFFFFE0] =	vst v8;
	v2 =	vmul.f32 $4.525483320e+01, v2;
	p0 =	sne.s32 s0, $0x8  }
.Ltmp11:
0x1c2: {  	[tilespmem:s4+$0x0] =	vst v4;
	v63 =	vmul.f32 $4.525483320e+01, v5;
	(pc) =	sbr.rel @p0 .LBB2_22-.Ltmp11, $4  }
0x1c3: {  	[tilespmem:s4+$0x10] =	vst v2;
	v2 =	vmul.f32 $4.525483320e+01, v3  }
0x1c4: {  	v3 =	vmul.f32 $4.525483320e+01, v6;
	[tilespmem:s4+$0x20] =	vst v63  }
0x1c5: {  	[tilespmem:s4+$0x30] =	vst v2  }
0x1c6: {  	s1 =	sadd.s32 $0x80, s1;
	[tilespmem:s4+$0xFFFFFFF0] =	vst v3  }
0x1c7: {  	s0 =	simm.s32 $0x0;
	s1 =	rddreg [dreg:$0x9]  }
0x1c8: {  	[hbm4b:s1+s0] =	stream.linear.scatter [tilespmem:s17], [sflag:$0xD], $0x4000, $0x38;
	[tilespmem:$0x1E000] =	vst v63  }
0x1c9: {  	_ =	swait.ge [sflag:s22], $0x4000  }
0x1ca: {  	[sflag:s22] =	ssyncset.done $0x0  }
0x1cb: {  	[sflag:s22] =	ssyncadd.s32 $0xFFFFC000  }
0x1cc: {  	_ =	swait.ge [sflag:s23], $0x4000  }
0x1cd: {  	[sflag:s23] =	ssyncset.done $0x0  }
0x1ce: {  	[sflag:s23] =	ssyncadd.s32 $0xFFFFC000  }
0x1cf: {  	v2 =	vld.msk [tilespmem:$0x580], $0xff;
	_ =	sdelay $0x4  }
0x1d0: {  	v3 =	vshll.u32 v2, $0x4  }
0x1d1: {  	v2 =	vand.u32 $0x7, v2;
	v3 =	vand.u32 $0xFFFFFF80, v3  }
0x1d2: {  	v2 =	vor.u32 v2, v3  }
0x1d3: {  	v2 =	vperm.xlane v2, v0;
	_ =	sdelay $0x1  }
0x1d4: {  	v2 =	vadd.s32 v1, v2;
	_ =	sdelay $0x3  }
0x1d5: {  	s14 =	simm.s32 $0x12000  }
0x1d6: {  	[tilespmem:s14], [sflag:$0x5] =	stream.indirect_vreg.gather [hbm4b:s2+s0], $0x80, v2, vm0, $0xb8;
	[tilespmem:$0x1E000] =	vst v63  }
0x1d7: {  	s15 =	simm.s32 $0x12800  }
0x1d8: {  	[tilespmem:s15], [sflag:$0x5] =	stream.indirect_vreg.gather [hbm4b:s6+s0], $0x80, v2, vm0, $0xb8;
	[tilespmem:$0x1E000] =	vst v63  }
0x1d9: {  	s16 =	simm.s32 $0x13000  }
0x1da: {  	[tilespmem:s16], [sflag:$0x5] =	stream.indirect_vreg.gather [hbm4b:s7+s0], $0x80, v2, vm0, $0xb8;
	[tilespmem:$0x1E000] =	vst v63  }
0x1db: {  	s4 =	simm.s32 $0x13800  }
0x1dc: {  	[tilespmem:s4], [sflag:$0x5] =	stream.indirect_vreg.gather [hbm4b:s8+s0], $0x80, v2, vm0, $0xb8;
	[tilespmem:$0x1E000] =	vst v63  }
0x1dd: {  	s5 =	simm.s32 $0x14000  }
0x1de: {  	[tilespmem:s5], [sflag:$0x5] =	stream.indirect_vreg.gather [hbm4b:s9+s0], $0x80, v2, vm0, $0xb8;
	[tilespmem:$0x1E000] =	vst v63  }
0x1df: {  	s14 =	simm.s32 $0x14800  }
0x1e0: {  	[tilespmem:s14], [sflag:$0x5] =	stream.indirect_vreg.gather [hbm4b:s10+s0], $0x80, v2, vm0, $0xb8;
	[tilespmem:$0x1E000] =	vst v63  }
0x1e1: {  	s15 =	simm.s32 $0x15000  }
0x1e2: {  	[tilespmem:s15], [sflag:$0x5] =	stream.indirect_vreg.gather [hbm4b:s11+s0], $0x80, v2, vm0, $0xb8;
	[tilespmem:$0x1E000] =	vst v63  }
0x1e3: {  	s1 =	simm.s32 $0x1A040;
	s16 =	simm.s32 $0x15800  }
0x1e4: {  	[tilespmem:s16], [sflag:$0x5] =	stream.indirect_vreg.gather [hbm4b:s13+s0], $0x80, v2, vm0, $0xb8;
	[tilespmem:$0x1E000] =	vst v63  }
.LBB2_26:
0x1e5: {  	v3 =	vld [tilespmem:s1+$0xFFFFFFC0];
	_ =	sdelay $0x1  }
0x1e6: {  	v6 =	vld [tilespmem:s1+$0xFFFFFFD0]  }
0x1e7: {  	v8 =	vld [tilespmem:s1+$0xFFFFFFE0]  }
0x1e8: {  	v4 =	vld [tilespmem:s1+$0x0]  }
0x1e9: {  	v2 =	vld [tilespmem:s1+$0x10];
	v7 =	vmul.f32 $4.525483320e+01, v3  }
0x1ea: {  	v5 =	vld [tilespmem:s1+$0x20]  }
0x1eb: {  	v3 =	vld [tilespmem:s1+$0x30];
	[tilespmem:s1+$0xFFFFFFC0] =	vst v7;
	v7 =	vmul.f32 $4.525483320e+01, v6  }
0x1ec: {  	s5 =	simm.s32 $0x0;
	s14 =	sadd.s32 $0x400, s1;
	s4 =	smov.u32 s1;
	v8 =	vmul.f32 $4.525483320e+01, v8;
	v6 =	vld [tilespmem:s1+$0xFFFFFFF0]  }
.LBB2_27:
0x1ed: {  	v9 =	vld [tilespmem:s14+$0xFFFFFFC0];
	[tilespmem:s4+$0xFFFFFFD0] =	vst v7;
	v4 =	vmul.f32 $4.525483320e+01, v4  }
0x1ee: {  	s5 =	sadd.s32 $0x8, s5;
	v7 =	vld [tilespmem:s14+$0xFFFFFFD0];
	[tilespmem:s4+$0xFFFFFFE0] =	vst v8;
	v2 =	vmul.f32 $4.525483320e+01, v2  }
0x1ef: {  	p0 =	slt.u32 s5, $0x78;
	v8 =	vld [tilespmem:s14+$0xFFFFFFE0];
	[tilespmem:s4+$0x0] =	vst v4;
	v5 =	vmul.f32 $4.525483320e+01, v5  }
.Ltmp12:
0x1f0: {  	v4 =	vld [tilespmem:s14+$0x0];
	[tilespmem:s4+$0x10] =	vst v2;
	v3 =	vmul.f32 $4.525483320e+01, v3;
	(pc) =	sbr.rel @p0 .LBB2_27-.Ltmp12, $4  }
0x1f1: {  	v2 =	vld [tilespmem:s14+$0x10];
	v6 =	vmul.f32 $4.525483320e+01, v6;
	[tilespmem:s4+$0x20] =	vst v5  }
0x1f2: {  	v9 =	vmul.f32 $4.525483320e+01, v9;
	v5 =	vld [tilespmem:s14+$0x20];
	[tilespmem:s4+$0x30] =	vst v3  }
0x1f3: {  	v7 =	vmul.f32 $4.525483320e+01, v7;
	v3 =	vld [tilespmem:s14+$0x30];
	[tilespmem:s4+$0xFFFFFFF0] =	vst v6;
	s4 =	smov.u32 s14  }
0x1f4: {  	s14 =	sadd.s32 $0x400, s14;
	[tilespmem:s4+$0xFFFFFFC0] =	vst v9;
	v8 =	vmul.f32 $4.525483320e+01, v8;
	v6 =	vld [tilespmem:s4+$0xFFFFFFF0]  }
0x1f5: {  	[tilespmem:s4+$0xFFFFFFD0] =	vst v7;
	v4 =	vmul.f32 $4.525483320e+01, v4;
	s0 =	sadd.s32 $0x1, s0  }
0x1f6: {  	[tilespmem:s4+$0xFFFFFFE0] =	vst v8;
	v2 =	vmul.f32 $4.525483320e+01, v2;
	p0 =	sne.s32 s0, $0x8  }
.Ltmp13:
0x1f7: {  	[tilespmem:s4+$0x0] =	vst v4;
	v63 =	vmul.f32 $4.525483320e+01, v5;
	(pc) =	sbr.rel @p0 .LBB2_26-.Ltmp13, $4  }
0x1f8: {  	[tilespmem:s4+$0x10] =	vst v2;
	v2 =	vmul.f32 $4.525483320e+01, v3  }
0x1f9: {  	v3 =	vmul.f32 $4.525483320e+01, v6;
	[tilespmem:s4+$0x20] =	vst v63  }
0x1fa: {  	[tilespmem:s4+$0x30] =	vst v2  }
0x1fb: {  	s1 =	sadd.s32 $0x80, s1;
	[tilespmem:s4+$0xFFFFFFF0] =	vst v3  }
0x1fc: {  	s0 =	rddreg [dreg:$0xa];
	s5 =	simm.s32 $0x0  }
0x1fd: {  	[hbm4b:s0+s31] =	stream.linear.scatter [tilespmem:s19], [sflag:$0xE], $0x4000, $0x38;
	[tilespmem:$0x1E000] =	vst v63  }
.LBB2_30:
0x1fe: {  	_ =	swait.ge [sflag:s30], $0x4000  }
0x1ff: {  	s0 =	smul.u32 $0x7, s5;
	[sflag:s30] =	ssyncset.done $0x0  }
0x200: {  	[sflag:s30] =	ssyncadd.s32 $0xFFFFC000  }
0x201: {  	s1 =	sadd.s32 $0xC, s0;
	_ =	swait.ge [sflag:s24], $0x4000  }
0x202: {  	s4 =	sshll.u32 s1, $0x7;
	[sflag:s24] =	ssyncset.done $0x0  }
0x203: {  	s4 =	sand.u32 $0x3FFFFF80, s4;
	[sflag:s24] =	ssyncadd.s32 $0xFFFFC000  }
0x204: {  	v2 =	vld.msk [tilespmem:s4+$0x0], $0xff;
	_ =	sdelay $0x4  }
0x205: {  	v3 =	vshll.u32 v2, $0x4  }
0x206: {  	v2 =	vand.u32 $0x7, v2;
	v3 =	vand.u32 $0xFFFFFF80, v3  }
0x207: {  	v2 =	vor.u32 v2, v3  }
0x208: {  	v2 =	vperm.xlane v2, v0;
	_ =	sdelay $0x1  }
0x209: {  	v2 =	vadd.s32 v1, v2;
	_ =	sdelay $0x4  }
0x20a: {  	[tilespmem:s17], [sflag:$0x6] =	stream.indirect_vreg.gather [hbm4b:s2+s31], $0x80, v2, vm0, $0xb8;
	[tilespmem:$0x1E000] =	vst v63  }
0x20b: {  	s15 =	simm.s32 $0x16800  }
0x20c: {  	[tilespmem:s15], [sflag:$0x6] =	stream.indirect_vreg.gather [hbm4b:s6+s31], $0x80, v2, vm0, $0xb8;
	[tilespmem:$0x1E000] =	vst v63  }
0x20d: {  	s16 =	simm.s32 $0x17000  }
0x20e: {  	[tilespmem:s16], [sflag:$0x6] =	stream.indirect_vreg.gather [hbm4b:s7+s31], $0x80, v2, vm0, $0xb8;
	[tilespmem:$0x1E000] =	vst v63  }
0x20f: {  	s17 =	simm.s32 $0x17800  }
0x210: {  	[tilespmem:s17], [sflag:$0x6] =	stream.indirect_vreg.gather [hbm4b:s8+s31], $0x80, v2, vm0, $0xb8;
	[tilespmem:$0x1E000] =	vst v63  }
0x211: {  	s14 =	simm.s32 $0x18000  }
0x212: {  	[tilespmem:s14], [sflag:$0x6] =	stream.indirect_vreg.gather [hbm4b:s9+s31], $0x80, v2, vm0, $0xb8;
	[tilespmem:$0x1E000] =	vst v63  }
0x213: {  	s15 =	simm.s32 $0x18800  }
0x214: {  	[tilespmem:s15], [sflag:$0x6] =	stream.indirect_vreg.gather [hbm4b:s10+s31], $0x80, v2, vm0, $0xb8;
	[tilespmem:$0x1E000] =	vst v63  }
0x215: {  	s16 =	simm.s32 $0x19000  }
0x216: {  	[tilespmem:s16], [sflag:$0x6] =	stream.indirect_vreg.gather [hbm4b:s11+s31], $0x80, v2, vm0, $0xb8;
	[tilespmem:$0x1E000] =	vst v63  }
0x217: {  	s4 =	simm.s32 $0x2040;
	s17 =	simm.s32 $0x19800;
	s15 =	simm.s32 $0x0  }
0x218: {  	[tilespmem:s17], [sflag:$0x6] =	stream.indirect_vreg.gather [hbm4b:s13+s31], $0x80, v2, vm0, $0xb8;
	[tilespmem:$0x1E000] =	vst v63  }
.LBB2_31:
0x219: {  	v3 =	vld [tilespmem:s4+$0xFFFFFFC0];
	_ =	sdelay $0x1  }
0x21a: {  	v6 =	vld [tilespmem:s4+$0xFFFFFFD0]  }
0x21b: {  	v8 =	vld [tilespmem:s4+$0xFFFFFFE0]  }
0x21c: {  	v4 =	vld [tilespmem:s4+$0x0]  }
0x21d: {  	v2 =	vld [tilespmem:s4+$0x10];
	v7 =	vmul.f32 $4.525483320e+01, v3  }
0x21e: {  	v5 =	vld [tilespmem:s4+$0x20]  }
0x21f: {  	v3 =	vld [tilespmem:s4+$0x30];
	[tilespmem:s4+$0xFFFFFFC0] =	vst v7;
	v7 =	vmul.f32 $4.525483320e+01, v6  }
0x220: {  	s16 =	simm.s32 $0x0;
	s17 =	sadd.s32 $0x400, s4;
	s14 =	smov.u32 s4;
	v8 =	vmul.f32 $4.525483320e+01, v8;
	v6 =	vld [tilespmem:s4+$0xFFFFFFF0]  }
.LBB2_32:
0x221: {  	v9 =	vld [tilespmem:s17+$0xFFFFFFC0];
	[tilespmem:s14+$0xFFFFFFD0] =	vst v7;
	v4 =	vmul.f32 $4.525483320e+01, v4  }
0x222: {  	s16 =	sadd.s32 $0x8, s16;
	v7 =	vld [tilespmem:s17+$0xFFFFFFD0];
	[tilespmem:s14+$0xFFFFFFE0] =	vst v8;
	v2 =	vmul.f32 $4.525483320e+01, v2  }
0x223: {  	p0 =	slt.u32 s16, $0x78;
	v8 =	vld [tilespmem:s17+$0xFFFFFFE0];
	[tilespmem:s14+$0x0] =	vst v4;
	v5 =	vmul.f32 $4.525483320e+01, v5  }
.Ltmp14:
0x224: {  	v4 =	vld [tilespmem:s17+$0x0];
	[tilespmem:s14+$0x10] =	vst v2;
	v3 =	vmul.f32 $4.525483320e+01, v3;
	(pc) =	sbr.rel @p0 .LBB2_32-.Ltmp14, $4  }
0x225: {  	v2 =	vld [tilespmem:s17+$0x10];
	v6 =	vmul.f32 $4.525483320e+01, v6;
	[tilespmem:s14+$0x20] =	vst v5  }
0x226: {  	v9 =	vmul.f32 $4.525483320e+01, v9;
	v5 =	vld [tilespmem:s17+$0x20];
	[tilespmem:s14+$0x30] =	vst v3  }
0x227: {  	v7 =	vmul.f32 $4.525483320e+01, v7;
	v3 =	vld [tilespmem:s17+$0x30];
	[tilespmem:s14+$0xFFFFFFF0] =	vst v6;
	s14 =	smov.u32 s17  }
0x228: {  	s17 =	sadd.s32 $0x400, s17;
	[tilespmem:s14+$0xFFFFFFC0] =	vst v9;
	v8 =	vmul.f32 $4.525483320e+01, v8;
	v6 =	vld [tilespmem:s14+$0xFFFFFFF0]  }
0x229: {  	[tilespmem:s14+$0xFFFFFFD0] =	vst v7;
	v4 =	vmul.f32 $4.525483320e+01, v4;
	s15 =	sadd.s32 $0x1, s15  }
0x22a: {  	[tilespmem:s14+$0xFFFFFFE0] =	vst v8;
	v2 =	vmul.f32 $4.525483320e+01, v2;
	p0 =	sne.s32 s15, $0x8  }
.Ltmp15:
0x22b: {  	[tilespmem:s14+$0x0] =	vst v4;
	v63 =	vmul.f32 $4.525483320e+01, v5;
	(pc) =	sbr.rel @p0 .LBB2_31-.Ltmp15, $4  }
0x22c: {  	[tilespmem:s14+$0x10] =	vst v2;
	v2 =	vmul.f32 $4.525483320e+01, v3  }
0x22d: {  	v3 =	vmul.f32 $4.525483320e+01, v6;
	[tilespmem:s14+$0x20] =	vst v63  }
0x22e: {  	[tilespmem:s14+$0x30] =	vst v2  }
0x22f: {  	s4 =	sadd.s32 $0x80, s4;
	[tilespmem:s14+$0xFFFFFFF0] =	vst v3  }
0x230: {  	s16 =	smul.u32 $0x38, s5  }
0x231: {  	s4 =	rddreg [dreg:$0xb]  }
0x232: {  	s4 =	sadd.s32 s16, s4  }
0x233: {  	s4 =	sshll.u32 s4, $0x8  }
0x234: {  	s15 =	simm.s32 $0x0;
	s14 =	simm.s32 $0x2;
	s4 =	sadd.s32 s3, s4  }
0x235: {  	[hbm4b:s4+s15] =	stream.linear.scatter [tilespmem:s25], [sflag:$0x8], $0x4000, $0x38;
	[tilespmem:$0x1E000] =	vst v63  }
0x236: {  	_ =	swait.ge [sflag:s14], $0x4000  }
0x237: {  	[sflag:s14] =	ssyncset.done $0x0  }
0x238: {  	[sflag:s14] =	ssyncadd.s32 $0xFFFFC000  }
0x239: {  	s0 =	sadd.s32 $0xD, s0;
	_ =	swait.ge [sflag:s29], $0x4000  }
0x23a: {  	s17 =	sshll.u32 s0, $0x7;
	[sflag:s29] =	ssyncset.done $0x0  }
0x23b: {  	s4 =	sand.u32 $0x3FFFFF80, s17;
	[sflag:s29] =	ssyncadd.s32 $0xFFFFC000  }
0x23c: {  	v2 =	vld.msk [tilespmem:s4+$0x0], $0xff;
	_ =	sdelay $0x4  }
0x23d: {  	v3 =	vshll.u32 v2, $0x4  }
0x23e: {  	v2 =	vand.u32 $0x7, v2;
	v3 =	vand.u32 $0xFFFFFF80, v3  }
0x23f: {  	v2 =	vor.u32 v2, v3  }
0x240: {  	v2 =	vperm.xlane v2, v0;
	_ =	sdelay $0x1  }
0x241: {  	v2 =	vadd.s32 v1, v2;
	_ =	sdelay $0x4  }
0x242: {  	[tilespmem:s19], [sflag:$0x7] =	stream.indirect_vreg.gather [hbm4b:s2+s15], $0x80, v2, vm0, $0xb8;
	[tilespmem:$0x1E000] =	vst v63  }
0x243: {  	s19 =	simm.s32 $0x1A800  }
0x244: {  	[tilespmem:s19], [sflag:$0x7] =	stream.indirect_vreg.gather [hbm4b:s6+s15], $0x80, v2, vm0, $0xb8;
	[tilespmem:$0x1E000] =	vst v63  }
0x245: {  	s14 =	simm.s32 $0x1B000  }
0x246: {  	[tilespmem:s14], [sflag:$0x7] =	stream.indirect_vreg.gather [hbm4b:s7+s15], $0x80, v2, vm0, $0xb8;
	[tilespmem:$0x1E000] =	vst v63  }
0x247: {  	s17 =	simm.s32 $0x1B800  }
0x248: {  	[tilespmem:s17], [sflag:$0x7] =	stream.indirect_vreg.gather [hbm4b:s8+s15], $0x80, v2, vm0, $0xb8;
	[tilespmem:$0x1E000] =	vst v63  }
0x249: {  	s19 =	simm.s32 $0x1C000  }
0x24a: {  	[tilespmem:s19], [sflag:$0x7] =	stream.indirect_vreg.gather [hbm4b:s9+s15], $0x80, v2, vm0, $0xb8;
	[tilespmem:$0x1E000] =	vst v63  }
0x24b: {  	s14 =	simm.s32 $0x1C800  }
0x24c: {  	[tilespmem:s14], [sflag:$0x7] =	stream.indirect_vreg.gather [hbm4b:s10+s15], $0x80, v2, vm0, $0xb8;
	[tilespmem:$0x1E000] =	vst v63  }
0x24d: {  	s17 =	simm.s32 $0x1D000  }
0x24e: {  	[tilespmem:s17], [sflag:$0x7] =	stream.indirect_vreg.gather [hbm4b:s11+s15], $0x80, v2, vm0, $0xb8;
	[tilespmem:$0x1E000] =	vst v63  }
0x24f: {  	s4 =	simm.s32 $0x6040;
	s19 =	simm.s32 $0x1D800  }
0x250: {  	[tilespmem:s19], [sflag:$0x7] =	stream.indirect_vreg.gather [hbm4b:s13+s15], $0x80, v2, vm0, $0xb8;
	[tilespmem:$0x1E000] =	vst v63  }
.LBB2_35:
0x251: {  	v3 =	vld [tilespmem:s4+$0xFFFFFFC0];
	_ =	sdelay $0x1  }
0x252: {  	v6 =	vld [tilespmem:s4+$0xFFFFFFD0]  }
0x253: {  	v8 =	vld [tilespmem:s4+$0xFFFFFFE0]  }
0x254: {  	v4 =	vld [tilespmem:s4+$0x0]  }
0x255: {  	v2 =	vld [tilespmem:s4+$0x10];
	v7 =	vmul.f32 $4.525483320e+01, v3  }
0x256: {  	v5 =	vld [tilespmem:s4+$0x20]  }
0x257: {  	v3 =	vld [tilespmem:s4+$0x30];
	[tilespmem:s4+$0xFFFFFFC0] =	vst v7;
	v7 =	vmul.f32 $4.525483320e+01, v6  }
0x258: {  	s17 =	simm.s32 $0x0;
	s19 =	sadd.s32 $0x400, s4;
	s14 =	smov.u32 s4;
	v8 =	vmul.f32 $4.525483320e+01, v8;
	v6 =	vld [tilespmem:s4+$0xFFFFFFF0]  }
.LBB2_36:
0x259: {  	v9 =	vld [tilespmem:s19+$0xFFFFFFC0];
	[tilespmem:s14+$0xFFFFFFD0] =	vst v7;
	v4 =	vmul.f32 $4.525483320e+01, v4  }
0x25a: {  	s17 =	sadd.s32 $0x8, s17;
	v7 =	vld [tilespmem:s19+$0xFFFFFFD0];
	[tilespmem:s14+$0xFFFFFFE0] =	vst v8;
	v2 =	vmul.f32 $4.525483320e+01, v2  }
0x25b: {  	p0 =	slt.u32 s17, $0x78;
	v8 =	vld [tilespmem:s19+$0xFFFFFFE0];
	[tilespmem:s14+$0x0] =	vst v4;
	v5 =	vmul.f32 $4.525483320e+01, v5  }
.Ltmp16:
0x25c: {  	v4 =	vld [tilespmem:s19+$0x0];
	[tilespmem:s14+$0x10] =	vst v2;
	v3 =	vmul.f32 $4.525483320e+01, v3;
	(pc) =	sbr.rel @p0 .LBB2_36-.Ltmp16, $4  }
0x25d: {  	v2 =	vld [tilespmem:s19+$0x10];
	v6 =	vmul.f32 $4.525483320e+01, v6;
	[tilespmem:s14+$0x20] =	vst v5  }
0x25e: {  	v9 =	vmul.f32 $4.525483320e+01, v9;
	v5 =	vld [tilespmem:s19+$0x20];
	[tilespmem:s14+$0x30] =	vst v3  }
0x25f: {  	v7 =	vmul.f32 $4.525483320e+01, v7;
	v3 =	vld [tilespmem:s19+$0x30];
	[tilespmem:s14+$0xFFFFFFF0] =	vst v6;
	s14 =	smov.u32 s19  }
0x260: {  	s19 =	sadd.s32 $0x400, s19;
	[tilespmem:s14+$0xFFFFFFC0] =	vst v9;
	v8 =	vmul.f32 $4.525483320e+01, v8;
	v6 =	vld [tilespmem:s14+$0xFFFFFFF0]  }
0x261: {  	[tilespmem:s14+$0xFFFFFFD0] =	vst v7;
	v4 =	vmul.f32 $4.525483320e+01, v4;
	s15 =	sadd.s32 $0x1, s15  }
0x262: {  	[tilespmem:s14+$0xFFFFFFE0] =	vst v8;
	v2 =	vmul.f32 $4.525483320e+01, v2;
	p0 =	sne.s32 s15, $0x8  }
.Ltmp17:
0x263: {  	[tilespmem:s14+$0x0] =	vst v4;
	v63 =	vmul.f32 $4.525483320e+01, v5;
	(pc) =	sbr.rel @p0 .LBB2_35-.Ltmp17, $4  }
0x264: {  	[tilespmem:s14+$0x10] =	vst v2;
	v2 =	vmul.f32 $4.525483320e+01, v3  }
0x265: {  	v3 =	vmul.f32 $4.525483320e+01, v6;
	[tilespmem:s14+$0x20] =	vst v63  }
0x266: {  	[tilespmem:s14+$0x30] =	vst v2  }
0x267: {  	s4 =	sadd.s32 $0x80, s4;
	[tilespmem:s14+$0xFFFFFFF0] =	vst v3  }
0x268: {  	s4 =	rddreg [dreg:$0xc]  }
0x269: {  	s4 =	sadd.s32 s16, s4  }
0x26a: {  	s15 =	simm.s32 $0x6000;
	s4 =	sshll.u32 s4, $0x8  }
0x26b: {  	s17 =	simm.s32 $0x3;
	s14 =	sadd.s32 s3, s4;
	s4 =	simm.s32 $0x0  }
0x26c: {  	[hbm4b:s14+s4] =	stream.linear.scatter [tilespmem:s15], [sflag:$0x9], $0x4000, $0x38;
	[tilespmem:$0x1E000] =	vst v63  }
0x26d: {  	_ =	swait.ge [sflag:s17], $0x4000  }
0x26e: {  	[sflag:s17] =	ssyncset.done $0x0  }
0x26f: {  	[sflag:s17] =	ssyncadd.s32 $0xFFFFC000  }
0x270: {  	s19 =	smul.u32 $0xE00, s5;
	_ =	swait.ge [sflag:s18], $0x4000  }
0x271: {  	[sflag:s18] =	ssyncset.done $0x0  }
0x272: {  	s15 =	sshra.s32 s19, $0x2;
	[sflag:s18] =	ssyncadd.s32 $0xFFFFC000  }
0x273: {  	v2 =	vld.msk [tilespmem:s15+$0x700], $0xff;
	_ =	sdelay $0x4  }
0x274: {  	v3 =	vshll.u32 v2, $0x4  }
0x275: {  	v2 =	vand.u32 $0x7, v2;
	v3 =	vand.u32 $0xFFFFFF80, v3  }
0x276: {  	v2 =	vor.u32 v2, v3  }
0x277: {  	v2 =	vperm.xlane v2, v0;
	_ =	sdelay $0x1  }
0x278: {  	v2 =	vadd.s32 v1, v2;
	_ =	sdelay $0x4  }
0x279: {  	[tilespmem:s25], [sflag:$0x1] =	stream.indirect_vreg.gather [hbm4b:s2+s4], $0x80, v2, vm0, $0xb8;
	[tilespmem:$0x1E000] =	vst v63  }
0x27a: {  	s25 =	simm.s32 $0x2800  }
0x27b: {  	[tilespmem:s25], [sflag:$0x1] =	stream.indirect_vreg.gather [hbm4b:s6+s4], $0x80, v2, vm0, $0xb8;
	[tilespmem:$0x1E000] =	vst v63  }
0x27c: {  	s17 =	simm.s32 $0x3000  }
0x27d: {  	[tilespmem:s17], [sflag:$0x1] =	stream.indirect_vreg.gather [hbm4b:s7+s4], $0x80, v2, vm0, $0xb8;
	[tilespmem:$0x1E000] =	vst v63  }
0x27e: {  	s19 =	simm.s32 $0x3800  }
0x27f: {  	[tilespmem:s19], [sflag:$0x1] =	stream.indirect_vreg.gather [hbm4b:s8+s4], $0x80, v2, vm0, $0xb8;
	[tilespmem:$0x1E000] =	vst v63  }
0x280: {  	s25 =	simm.s32 $0x4000  }
0x281: {  	[tilespmem:s25], [sflag:$0x1] =	stream.indirect_vreg.gather [hbm4b:s9+s4], $0x80, v2, vm0, $0xb8;
	[tilespmem:$0x1E000] =	vst v63  }
0x282: {  	s17 =	simm.s32 $0x4800  }
0x283: {  	[tilespmem:s17], [sflag:$0x1] =	stream.indirect_vreg.gather [hbm4b:s10+s4], $0x80, v2, vm0, $0xb8;
	[tilespmem:$0x1E000] =	vst v63  }
0x284: {  	s19 =	simm.s32 $0x5000  }
0x285: {  	[tilespmem:s19], [sflag:$0x1] =	stream.indirect_vreg.gather [hbm4b:s11+s4], $0x80, v2, vm0, $0xb8;
	[tilespmem:$0x1E000] =	vst v63  }
0x286: {  	s25 =	simm.s32 $0x5800;
	s17 =	simm.s32 $0xA040  }
0x287: {  	[tilespmem:s25], [sflag:$0x1] =	stream.indirect_vreg.gather [hbm4b:s13+s4], $0x80, v2, vm0, $0xb8;
	[tilespmem:$0x1E000] =	vst v63  }
.LBB2_39:
0x288: {  	v3 =	vld [tilespmem:s17+$0xFFFFFFC0];
	_ =	sdelay $0x1  }
0x289: {  	v6 =	vld [tilespmem:s17+$0xFFFFFFD0]  }
0x28a: {  	v8 =	vld [tilespmem:s17+$0xFFFFFFE0]  }
0x28b: {  	v4 =	vld [tilespmem:s17+$0x0]  }
0x28c: {  	v2 =	vld [tilespmem:s17+$0x10];
	v7 =	vmul.f32 $4.525483320e+01, v3  }
0x28d: {  	v5 =	vld [tilespmem:s17+$0x20]  }
0x28e: {  	v3 =	vld [tilespmem:s17+$0x30];
	[tilespmem:s17+$0xFFFFFFC0] =	vst v7;
	v7 =	vmul.f32 $4.525483320e+01, v6  }
0x28f: {  	s19 =	simm.s32 $0x0;
	s25 =	sadd.s32 $0x400, s17;
	s14 =	smov.u32 s17;
	v8 =	vmul.f32 $4.525483320e+01, v8;
	v6 =	vld [tilespmem:s17+$0xFFFFFFF0]  }
.LBB2_40:
0x290: {  	v9 =	vld [tilespmem:s25+$0xFFFFFFC0];
	[tilespmem:s14+$0xFFFFFFD0] =	vst v7;
	v4 =	vmul.f32 $4.525483320e+01, v4  }
0x291: {  	s19 =	sadd.s32 $0x8, s19;
	v7 =	vld [tilespmem:s25+$0xFFFFFFD0];
	[tilespmem:s14+$0xFFFFFFE0] =	vst v8;
	v2 =	vmul.f32 $4.525483320e+01, v2  }
0x292: {  	p0 =	slt.u32 s19, $0x78;
	v8 =	vld [tilespmem:s25+$0xFFFFFFE0];
	[tilespmem:s14+$0x0] =	vst v4;
	v5 =	vmul.f32 $4.525483320e+01, v5  }
.Ltmp18:
0x293: {  	v4 =	vld [tilespmem:s25+$0x0];
	[tilespmem:s14+$0x10] =	vst v2;
	v3 =	vmul.f32 $4.525483320e+01, v3;
	(pc) =	sbr.rel @p0 .LBB2_40-.Ltmp18, $4  }
0x294: {  	v2 =	vld [tilespmem:s25+$0x10];
	v6 =	vmul.f32 $4.525483320e+01, v6;
	[tilespmem:s14+$0x20] =	vst v5  }
0x295: {  	v9 =	vmul.f32 $4.525483320e+01, v9;
	v5 =	vld [tilespmem:s25+$0x20];
	[tilespmem:s14+$0x30] =	vst v3  }
0x296: {  	v7 =	vmul.f32 $4.525483320e+01, v7;
	v3 =	vld [tilespmem:s25+$0x30];
	[tilespmem:s14+$0xFFFFFFF0] =	vst v6;
	s14 =	smov.u32 s25  }
0x297: {  	s25 =	sadd.s32 $0x400, s25;
	[tilespmem:s14+$0xFFFFFFC0] =	vst v9;
	v8 =	vmul.f32 $4.525483320e+01, v8;
	v6 =	vld [tilespmem:s14+$0xFFFFFFF0]  }
0x298: {  	[tilespmem:s14+$0xFFFFFFD0] =	vst v7;
	v4 =	vmul.f32 $4.525483320e+01, v4;
	s4 =	sadd.s32 $0x1, s4  }
0x299: {  	[tilespmem:s14+$0xFFFFFFE0] =	vst v8;
	v2 =	vmul.f32 $4.525483320e+01, v2;
	p0 =	sne.s32 s4, $0x8  }
.Ltmp19:
0x29a: {  	[tilespmem:s14+$0x0] =	vst v4;
	v63 =	vmul.f32 $4.525483320e+01, v5;
	(pc) =	sbr.rel @p0 .LBB2_39-.Ltmp19, $4  }
0x29b: {  	[tilespmem:s14+$0x10] =	vst v2;
	v2 =	vmul.f32 $4.525483320e+01, v3  }
0x29c: {  	v3 =	vmul.f32 $4.525483320e+01, v6;
	[tilespmem:s14+$0x20] =	vst v63  }
0x29d: {  	[tilespmem:s14+$0x30] =	vst v2  }
0x29e: {  	s17 =	sadd.s32 $0x80, s17;
	[tilespmem:s14+$0xFFFFFFF0] =	vst v3  }
0x29f: {  	s4 =	rddreg [dreg:$0xd]  }
0x2a0: {  	s4 =	sadd.s32 s16, s4  }
0x2a1: {  	s17 =	simm.s32 $0xA000;
	s4 =	sshll.u32 s4, $0x8  }
0x2a2: {  	s25 =	simm.s32 $0x4;
	s14 =	sadd.s32 s3, s4;
	s4 =	simm.s32 $0x0  }
0x2a3: {  	[hbm4b:s14+s4] =	stream.linear.scatter [tilespmem:s17], [sflag:$0xA], $0x4000, $0x38;
	[tilespmem:$0x1E000] =	vst v63  }
0x2a4: {  	_ =	swait.ge [sflag:s25], $0x4000  }
0x2a5: {  	[sflag:s25] =	ssyncset.done $0x0  }
0x2a6: {  	s17 =	simm.s32 $0x9;
	[sflag:s25] =	ssyncadd.s32 $0xFFFFC000  }
0x2a7: {  	_ =	swait.ge [sflag:s17], $0x4000  }
0x2a8: {  	[sflag:s17] =	ssyncset.done $0x0  }
0x2a9: {  	[sflag:s17] =	ssyncadd.s32 $0xFFFFC000  }
0x2aa: {  	v2 =	vld.msk [tilespmem:s15+$0x780], $0xff;
	_ =	sdelay $0x4  }
0x2ab: {  	v3 =	vshll.u32 v2, $0x4  }
0x2ac: {  	v2 =	vand.u32 $0x7, v2;
	v3 =	vand.u32 $0xFFFFFF80, v3  }
0x2ad: {  	v2 =	vor.u32 v2, v3  }
0x2ae: {  	v2 =	vperm.xlane v2, v0;
	_ =	sdelay $0x1  }
0x2af: {  	v2 =	vadd.s32 v1, v2;
	_ =	sdelay $0x3  }
0x2b0: {  	s19 =	simm.s32 $0x6000  }
0x2b1: {  	[tilespmem:s19], [sflag:$0x2] =	stream.indirect_vreg.gather [hbm4b:s2+s4], $0x80, v2, vm0, $0xb8;
	[tilespmem:$0x1E000] =	vst v63  }
0x2b2: {  	s25 =	simm.s32 $0x6800  }
0x2b3: {  	[tilespmem:s25], [sflag:$0x2] =	stream.indirect_vreg.gather [hbm4b:s6+s4], $0x80, v2, vm0, $0xb8;
	[tilespmem:$0x1E000] =	vst v63  }
0x2b4: {  	s17 =	simm.s32 $0x7000  }
0x2b5: {  	[tilespmem:s17], [sflag:$0x2] =	stream.indirect_vreg.gather [hbm4b:s7+s4], $0x80, v2, vm0, $0xb8;
	[tilespmem:$0x1E000] =	vst v63  }
0x2b6: {  	s19 =	simm.s32 $0x7800  }
0x2b7: {  	[tilespmem:s19], [sflag:$0x2] =	stream.indirect_vreg.gather [hbm4b:s8+s4], $0x80, v2, vm0, $0xb8;
	[tilespmem:$0x1E000] =	vst v63  }
0x2b8: {  	s25 =	simm.s32 $0x8000  }
0x2b9: {  	[tilespmem:s25], [sflag:$0x2] =	stream.indirect_vreg.gather [hbm4b:s9+s4], $0x80, v2, vm0, $0xb8;
	[tilespmem:$0x1E000] =	vst v63  }
0x2ba: {  	s17 =	simm.s32 $0x8800  }
0x2bb: {  	[tilespmem:s17], [sflag:$0x2] =	stream.indirect_vreg.gather [hbm4b:s10+s4], $0x80, v2, vm0, $0xb8;
	[tilespmem:$0x1E000] =	vst v63  }
0x2bc: {  	s19 =	simm.s32 $0x9000  }
0x2bd: {  	[tilespmem:s19], [sflag:$0x2] =	stream.indirect_vreg.gather [hbm4b:s11+s4], $0x80, v2, vm0, $0xb8;
	[tilespmem:$0x1E000] =	vst v63  }
0x2be: {  	s14 =	simm.s32 $0xE040;
	s25 =	simm.s32 $0x9800  }
0x2bf: {  	[tilespmem:s25], [sflag:$0x2] =	stream.indirect_vreg.gather [hbm4b:s13+s4], $0x80, v2, vm0, $0xb8;
	[tilespmem:$0x1E000] =	vst v63  }
.LBB2_43:
0x2c0: {  	v3 =	vld [tilespmem:s14+$0xFFFFFFC0];
	_ =	sdelay $0x1  }
0x2c1: {  	v6 =	vld [tilespmem:s14+$0xFFFFFFD0]  }
0x2c2: {  	v8 =	vld [tilespmem:s14+$0xFFFFFFE0]  }
0x2c3: {  	v4 =	vld [tilespmem:s14+$0x0]  }
0x2c4: {  	v2 =	vld [tilespmem:s14+$0x10];
	v7 =	vmul.f32 $4.525483320e+01, v3  }
0x2c5: {  	v5 =	vld [tilespmem:s14+$0x20]  }
0x2c6: {  	v3 =	vld [tilespmem:s14+$0x30];
	[tilespmem:s14+$0xFFFFFFC0] =	vst v7;
	v7 =	vmul.f32 $4.525483320e+01, v6  }
0x2c7: {  	s19 =	simm.s32 $0x0;
	s25 =	sadd.s32 $0x400, s14;
	s17 =	smov.u32 s14;
	v8 =	vmul.f32 $4.525483320e+01, v8;
	v6 =	vld [tilespmem:s14+$0xFFFFFFF0]  }
.LBB2_44:
0x2c8: {  	v9 =	vld [tilespmem:s25+$0xFFFFFFC0];
	[tilespmem:s17+$0xFFFFFFD0] =	vst v7;
	v4 =	vmul.f32 $4.525483320e+01, v4  }
0x2c9: {  	s19 =	sadd.s32 $0x8, s19;
	v7 =	vld [tilespmem:s25+$0xFFFFFFD0];
	[tilespmem:s17+$0xFFFFFFE0] =	vst v8;
	v2 =	vmul.f32 $4.525483320e+01, v2  }
0x2ca: {  	p0 =	slt.u32 s19, $0x78;
	v8 =	vld [tilespmem:s25+$0xFFFFFFE0];
	[tilespmem:s17+$0x0] =	vst v4;
	v5 =	vmul.f32 $4.525483320e+01, v5  }
.Ltmp20:
0x2cb: {  	v4 =	vld [tilespmem:s25+$0x0];
	[tilespmem:s17+$0x10] =	vst v2;
	v3 =	vmul.f32 $4.525483320e+01, v3;
	(pc) =	sbr.rel @p0 .LBB2_44-.Ltmp20, $4  }
0x2cc: {  	v2 =	vld [tilespmem:s25+$0x10];
	v6 =	vmul.f32 $4.525483320e+01, v6;
	[tilespmem:s17+$0x20] =	vst v5  }
0x2cd: {  	v9 =	vmul.f32 $4.525483320e+01, v9;
	v5 =	vld [tilespmem:s25+$0x20];
	[tilespmem:s17+$0x30] =	vst v3  }
0x2ce: {  	v7 =	vmul.f32 $4.525483320e+01, v7;
	v3 =	vld [tilespmem:s25+$0x30];
	[tilespmem:s17+$0xFFFFFFF0] =	vst v6;
	s17 =	smov.u32 s25  }
0x2cf: {  	s25 =	sadd.s32 $0x400, s25;
	[tilespmem:s17+$0xFFFFFFC0] =	vst v9;
	v8 =	vmul.f32 $4.525483320e+01, v8;
	v6 =	vld [tilespmem:s17+$0xFFFFFFF0]  }
0x2d0: {  	[tilespmem:s17+$0xFFFFFFD0] =	vst v7;
	v4 =	vmul.f32 $4.525483320e+01, v4;
	s4 =	sadd.s32 $0x1, s4  }
0x2d1: {  	[tilespmem:s17+$0xFFFFFFE0] =	vst v8;
	v2 =	vmul.f32 $4.525483320e+01, v2;
	p0 =	sne.s32 s4, $0x8  }
.Ltmp21:
0x2d2: {  	[tilespmem:s17+$0x0] =	vst v4;
	v63 =	vmul.f32 $4.525483320e+01, v5;
	(pc) =	sbr.rel @p0 .LBB2_43-.Ltmp21, $4  }
0x2d3: {  	[tilespmem:s17+$0x10] =	vst v2;
	v2 =	vmul.f32 $4.525483320e+01, v3  }
0x2d4: {  	v3 =	vmul.f32 $4.525483320e+01, v6;
	[tilespmem:s17+$0x20] =	vst v63  }
0x2d5: {  	[tilespmem:s17+$0x30] =	vst v2  }
0x2d6: {  	s14 =	sadd.s32 $0x80, s14;
	[tilespmem:s17+$0xFFFFFFF0] =	vst v3  }
0x2d7: {  	s4 =	rddreg [dreg:$0xe]  }
0x2d8: {  	s4 =	sadd.s32 s16, s4  }
0x2d9: {  	s4 =	sshll.u32 s4, $0x8  }
0x2da: {  	s17 =	simm.s32 $0xE000;
	s14 =	sadd.s32 s3, s4;
	s4 =	simm.s32 $0x0  }
0x2db: {  	[hbm4b:s14+s4] =	stream.linear.scatter [tilespmem:s17], [sflag:$0xB], $0x4000, $0x38;
	[tilespmem:$0x1E000] =	vst v63  }
0x2dc: {  	_ =	swait.ge [sflag:s26], $0x4000  }
0x2dd: {  	[sflag:s26] =	ssyncset.done $0x0  }
0x2de: {  	[sflag:s26] =	ssyncadd.s32 $0xFFFFC000  }
0x2df: {  	_ =	swait.ge [sflag:s28], $0x4000  }
0x2e0: {  	[sflag:s28] =	ssyncset.done $0x0  }
0x2e1: {  	[sflag:s28] =	ssyncadd.s32 $0xFFFFC000  }
0x2e2: {  	v2 =	vld.msk [tilespmem:s15+$0x800], $0xff;
	_ =	sdelay $0x4  }
0x2e3: {  	v3 =	vshll.u32 v2, $0x4  }
0x2e4: {  	v2 =	vand.u32 $0x7, v2;
	v3 =	vand.u32 $0xFFFFFF80, v3  }
0x2e5: {  	v2 =	vor.u32 v2, v3  }
0x2e6: {  	v2 =	vperm.xlane v2, v0;
	_ =	sdelay $0x1  }
0x2e7: {  	v2 =	vadd.s32 v1, v2;
	_ =	sdelay $0x3  }
0x2e8: {  	s19 =	simm.s32 $0xA000  }
0x2e9: {  	[tilespmem:s19], [sflag:$0x3] =	stream.indirect_vreg.gather [hbm4b:s2+s4], $0x80, v2, vm0, $0xb8;
	[tilespmem:$0x1E000] =	vst v63  }
0x2ea: {  	s25 =	simm.s32 $0xA800  }
0x2eb: {  	[tilespmem:s25], [sflag:$0x3] =	stream.indirect_vreg.gather [hbm4b:s6+s4], $0x80, v2, vm0, $0xb8;
	[tilespmem:$0x1E000] =	vst v63  }
0x2ec: {  	s17 =	simm.s32 $0xB000  }
0x2ed: {  	[tilespmem:s17], [sflag:$0x3] =	stream.indirect_vreg.gather [hbm4b:s7+s4], $0x80, v2, vm0, $0xb8;
	[tilespmem:$0x1E000] =	vst v63  }
0x2ee: {  	s19 =	simm.s32 $0xB800  }
0x2ef: {  	[tilespmem:s19], [sflag:$0x3] =	stream.indirect_vreg.gather [hbm4b:s8+s4], $0x80, v2, vm0, $0xb8;
	[tilespmem:$0x1E000] =	vst v63  }
0x2f0: {  	s25 =	simm.s32 $0xC000  }
0x2f1: {  	[tilespmem:s25], [sflag:$0x3] =	stream.indirect_vreg.gather [hbm4b:s9+s4], $0x80, v2, vm0, $0xb8;
	[tilespmem:$0x1E000] =	vst v63  }
0x2f2: {  	s17 =	simm.s32 $0xC800  }
0x2f3: {  	[tilespmem:s17], [sflag:$0x3] =	stream.indirect_vreg.gather [hbm4b:s10+s4], $0x80, v2, vm0, $0xb8;
	[tilespmem:$0x1E000] =	vst v63  }
0x2f4: {  	s19 =	simm.s32 $0xD000  }
0x2f5: {  	[tilespmem:s19], [sflag:$0x3] =	stream.indirect_vreg.gather [hbm4b:s11+s4], $0x80, v2, vm0, $0xb8;
	[tilespmem:$0x1E000] =	vst v63  }
0x2f6: {  	s14 =	simm.s32 $0x12040;
	s25 =	simm.s32 $0xD800  }
0x2f7: {  	[tilespmem:s25], [sflag:$0x3] =	stream.indirect_vreg.gather [hbm4b:s13+s4], $0x80, v2, vm0, $0xb8;
	[tilespmem:$0x1E000] =	vst v63  }
.LBB2_47:
0x2f8: {  	v3 =	vld [tilespmem:s14+$0xFFFFFFC0];
	_ =	sdelay $0x1  }
0x2f9: {  	v6 =	vld [tilespmem:s14+$0xFFFFFFD0]  }
0x2fa: {  	v8 =	vld [tilespmem:s14+$0xFFFFFFE0]  }
0x2fb: {  	v4 =	vld [tilespmem:s14+$0x0]  }
0x2fc: {  	v2 =	vld [tilespmem:s14+$0x10];
	v7 =	vmul.f32 $4.525483320e+01, v3  }
0x2fd: {  	v5 =	vld [tilespmem:s14+$0x20]  }
0x2fe: {  	v3 =	vld [tilespmem:s14+$0x30];
	[tilespmem:s14+$0xFFFFFFC0] =	vst v7;
	v7 =	vmul.f32 $4.525483320e+01, v6  }
0x2ff: {  	s19 =	simm.s32 $0x0;
	s25 =	sadd.s32 $0x400, s14;
	s17 =	smov.u32 s14;
	v8 =	vmul.f32 $4.525483320e+01, v8;
	v6 =	vld [tilespmem:s14+$0xFFFFFFF0]  }
.LBB2_48:
0x300: {  	v9 =	vld [tilespmem:s25+$0xFFFFFFC0];
	[tilespmem:s17+$0xFFFFFFD0] =	vst v7;
	v4 =	vmul.f32 $4.525483320e+01, v4  }
0x301: {  	s19 =	sadd.s32 $0x8, s19;
	v7 =	vld [tilespmem:s25+$0xFFFFFFD0];
	[tilespmem:s17+$0xFFFFFFE0] =	vst v8;
	v2 =	vmul.f32 $4.525483320e+01, v2  }
0x302: {  	p0 =	slt.u32 s19, $0x78;
	v8 =	vld [tilespmem:s25+$0xFFFFFFE0];
	[tilespmem:s17+$0x0] =	vst v4;
	v5 =	vmul.f32 $4.525483320e+01, v5  }
.Ltmp22:
0x303: {  	v4 =	vld [tilespmem:s25+$0x0];
	[tilespmem:s17+$0x10] =	vst v2;
	v3 =	vmul.f32 $4.525483320e+01, v3;
	(pc) =	sbr.rel @p0 .LBB2_48-.Ltmp22, $4  }
0x304: {  	v2 =	vld [tilespmem:s25+$0x10];
	v6 =	vmul.f32 $4.525483320e+01, v6;
	[tilespmem:s17+$0x20] =	vst v5  }
0x305: {  	v9 =	vmul.f32 $4.525483320e+01, v9;
	v5 =	vld [tilespmem:s25+$0x20];
	[tilespmem:s17+$0x30] =	vst v3  }
0x306: {  	v7 =	vmul.f32 $4.525483320e+01, v7;
	v3 =	vld [tilespmem:s25+$0x30];
	[tilespmem:s17+$0xFFFFFFF0] =	vst v6;
	s17 =	smov.u32 s25  }
0x307: {  	s25 =	sadd.s32 $0x400, s25;
	[tilespmem:s17+$0xFFFFFFC0] =	vst v9;
	v8 =	vmul.f32 $4.525483320e+01, v8;
	v6 =	vld [tilespmem:s17+$0xFFFFFFF0]  }
0x308: {  	[tilespmem:s17+$0xFFFFFFD0] =	vst v7;
	v4 =	vmul.f32 $4.525483320e+01, v4;
	s4 =	sadd.s32 $0x1, s4  }
0x309: {  	[tilespmem:s17+$0xFFFFFFE0] =	vst v8;
	v2 =	vmul.f32 $4.525483320e+01, v2;
	p0 =	sne.s32 s4, $0x8  }
.Ltmp23:
0x30a: {  	[tilespmem:s17+$0x0] =	vst v4;
	v63 =	vmul.f32 $4.525483320e+01, v5;
	(pc) =	sbr.rel @p0 .LBB2_47-.Ltmp23, $4  }
0x30b: {  	[tilespmem:s17+$0x10] =	vst v2;
	v2 =	vmul.f32 $4.525483320e+01, v3  }
0x30c: {  	v3 =	vmul.f32 $4.525483320e+01, v6;
	[tilespmem:s17+$0x20] =	vst v63  }
0x30d: {  	[tilespmem:s17+$0x30] =	vst v2  }
0x30e: {  	s14 =	sadd.s32 $0x80, s14;
	[tilespmem:s17+$0xFFFFFFF0] =	vst v3  }
0x30f: {  	s4 =	rddreg [dreg:$0xf]  }
0x310: {  	s4 =	sadd.s32 s16, s4  }
0x311: {  	s4 =	sshll.u32 s4, $0x8  }
0x312: {  	s25 =	simm.s32 $0x12000;
	s14 =	sadd.s32 s3, s4;
	s4 =	simm.s32 $0x0  }
0x313: {  	[hbm4b:s14+s4] =	stream.linear.scatter [tilespmem:s25], [sflag:$0xC], $0x4000, $0x38;
	[tilespmem:$0x1E000] =	vst v63  }
0x314: {  	_ =	swait.ge [sflag:s20], $0x4000  }
0x315: {  	[sflag:s20] =	ssyncset.done $0x0  }
0x316: {  	[sflag:s20] =	ssyncadd.s32 $0xFFFFC000  }
0x317: {  	_ =	swait.ge [sflag:s21], $0x4000  }
0x318: {  	[sflag:s21] =	ssyncset.done $0x0  }
0x319: {  	[sflag:s21] =	ssyncadd.s32 $0xFFFFC000  }
0x31a: {  	v2 =	vld.msk [tilespmem:s15+$0x880], $0xff;
	_ =	sdelay $0x4  }
0x31b: {  	v3 =	vshll.u32 v2, $0x4  }
0x31c: {  	v2 =	vand.u32 $0x7, v2;
	v3 =	vand.u32 $0xFFFFFF80, v3  }
0x31d: {  	v2 =	vor.u32 v2, v3  }
0x31e: {  	v2 =	vperm.xlane v2, v0;
	_ =	sdelay $0x1  }
0x31f: {  	v2 =	vadd.s32 v1, v2;
	_ =	sdelay $0x3  }
0x320: {  	s16 =	simm.s32 $0xE000  }
0x321: {  	[tilespmem:s16], [sflag:$0x4] =	stream.indirect_vreg.gather [hbm4b:s2+s4], $0x80, v2, vm0, $0xb8;
	[tilespmem:$0x1E000] =	vst v63  }
0x322: {  	s17 =	simm.s32 $0xE800  }
0x323: {  	[tilespmem:s17], [sflag:$0x4] =	stream.indirect_vreg.gather [hbm4b:s6+s4], $0x80, v2, vm0, $0xb8;
	[tilespmem:$0x1E000] =	vst v63  }
0x324: {  	s19 =	simm.s32 $0xF000  }
0x325: {  	[tilespmem:s19], [sflag:$0x4] =	stream.indirect_vreg.gather [hbm4b:s7+s4], $0x80, v2, vm0, $0xb8;
	[tilespmem:$0x1E000] =	vst v63  }
0x326: {  	s25 =	simm.s32 $0xF800  }
0x327: {  	[tilespmem:s25], [sflag:$0x4] =	stream.indirect_vreg.gather [hbm4b:s8+s4], $0x80, v2, vm0, $0xb8;
	[tilespmem:$0x1E000] =	vst v63  }
0x328: {  	s16 =	simm.s32 $0x10000  }
0x329: {  	[tilespmem:s16], [sflag:$0x4] =	stream.indirect_vreg.gather [hbm4b:s9+s4], $0x80, v2, vm0, $0xb8;
	[tilespmem:$0x1E000] =	vst v63  }
0x32a: {  	s17 =	simm.s32 $0x10800  }
0x32b: {  	[tilespmem:s17], [sflag:$0x4] =	stream.indirect_vreg.gather [hbm4b:s10+s4], $0x80, v2, vm0, $0xb8;
	[tilespmem:$0x1E000] =	vst v63  }
0x32c: {  	s19 =	simm.s32 $0x11000  }
0x32d: {  	[tilespmem:s19], [sflag:$0x4] =	stream.indirect_vreg.gather [hbm4b:s11+s4], $0x80, v2, vm0, $0xb8;
	[tilespmem:$0x1E000] =	vst v63  }
0x32e: {  	s25 =	simm.s32 $0x11800  }
0x32f: {  	[tilespmem:s25], [sflag:$0x4] =	stream.indirect_vreg.gather [hbm4b:s13+s4], $0x80, v2, vm0, $0xb8;
	[tilespmem:$0x1E000] =	vst v63  }
0x330: {  	s14 =	simm.s32 $0x16040;
	s25 =	simm.s32 $0x2000  }
.LBB2_51:
0x331: {  	v3 =	vld [tilespmem:s14+$0xFFFFFFC0];
	_ =	sdelay $0x1  }
0x332: {  	v6 =	vld [tilespmem:s14+$0xFFFFFFD0]  }
0x333: {  	v8 =	vld [tilespmem:s14+$0xFFFFFFE0]  }
0x334: {  	v4 =	vld [tilespmem:s14+$0x0]  }
0x335: {  	v2 =	vld [tilespmem:s14+$0x10];
	v7 =	vmul.f32 $4.525483320e+01, v3  }
0x336: {  	v5 =	vld [tilespmem:s14+$0x20]  }
0x337: {  	v3 =	vld [tilespmem:s14+$0x30];
	[tilespmem:s14+$0xFFFFFFC0] =	vst v7;
	v7 =	vmul.f32 $4.525483320e+01, v6  }
0x338: {  	s17 =	simm.s32 $0x0;
	s19 =	sadd.s32 $0x400, s14;
	s16 =	smov.u32 s14;
	v8 =	vmul.f32 $4.525483320e+01, v8;
	v6 =	vld [tilespmem:s14+$0xFFFFFFF0]  }
.LBB2_52:
0x339: {  	v9 =	vld [tilespmem:s19+$0xFFFFFFC0];
	[tilespmem:s16+$0xFFFFFFD0] =	vst v7;
	v4 =	vmul.f32 $4.525483320e+01, v4  }
0x33a: {  	s17 =	sadd.s32 $0x8, s17;
	v7 =	vld [tilespmem:s19+$0xFFFFFFD0];
	[tilespmem:s16+$0xFFFFFFE0] =	vst v8;
	v2 =	vmul.f32 $4.525483320e+01, v2  }
0x33b: {  	p0 =	slt.u32 s17, $0x78;
	v8 =	vld [tilespmem:s19+$0xFFFFFFE0];
	[tilespmem:s16+$0x0] =	vst v4;
	v5 =	vmul.f32 $4.525483320e+01, v5  }
.Ltmp24:
0x33c: {  	v4 =	vld [tilespmem:s19+$0x0];
	[tilespmem:s16+$0x10] =	vst v2;
	v3 =	vmul.f32 $4.525483320e+01, v3;
	(pc) =	sbr.rel @p0 .LBB2_52-.Ltmp24, $4  }
0x33d: {  	v2 =	vld [tilespmem:s19+$0x10];
	v6 =	vmul.f32 $4.525483320e+01, v6;
	[tilespmem:s16+$0x20] =	vst v5  }
0x33e: {  	v9 =	vmul.f32 $4.525483320e+01, v9;
	v5 =	vld [tilespmem:s19+$0x20];
	[tilespmem:s16+$0x30] =	vst v3  }
0x33f: {  	v7 =	vmul.f32 $4.525483320e+01, v7;
	v3 =	vld [tilespmem:s19+$0x30];
	[tilespmem:s16+$0xFFFFFFF0] =	vst v6;
	s16 =	smov.u32 s19  }
0x340: {  	s19 =	sadd.s32 $0x400, s19;
	[tilespmem:s16+$0xFFFFFFC0] =	vst v9;
	v8 =	vmul.f32 $4.525483320e+01, v8;
	v6 =	vld [tilespmem:s16+$0xFFFFFFF0]  }
0x341: {  	[tilespmem:s16+$0xFFFFFFD0] =	vst v7;
	v4 =	vmul.f32 $4.525483320e+01, v4;
	s4 =	sadd.s32 $0x1, s4  }
0x342: {  	[tilespmem:s16+$0xFFFFFFE0] =	vst v8;
	v2 =	vmul.f32 $4.525483320e+01, v2;
	p0 =	sne.s32 s4, $0x8  }
.Ltmp25:
0x343: {  	[tilespmem:s16+$0x0] =	vst v4;
	v63 =	vmul.f32 $4.525483320e+01, v5;
	(pc) =	sbr.rel @p0 .LBB2_51-.Ltmp25, $4  }
0x344: {  	[tilespmem:s16+$0x10] =	vst v2;
	v2 =	vmul.f32 $4.525483320e+01, v3  }
0x345: {  	v3 =	vmul.f32 $4.525483320e+01, v6;
	[tilespmem:s16+$0x20] =	vst v63  }
0x346: {  	[tilespmem:s16+$0x30] =	vst v2  }
0x347: {  	s14 =	sadd.s32 $0x80, s14;
	[tilespmem:s16+$0xFFFFFFF0] =	vst v3  }
0x348: {  	s1 =	sshll.u32 s1, $0xB  }
0x349: {  	s17 =	simm.s32 $0x16000;
	s4 =	sadd.s32 s1, s12;
	s1 =	simm.s32 $0x0  }
0x34a: {  	[hbm4b:s4+s1] =	stream.linear.scatter [tilespmem:s17], [sflag:$0xD], $0x4000, $0x38;
	[tilespmem:$0x1E000] =	vst v63  }
0x34b: {  	_ =	swait.ge [sflag:s22], $0x4000  }
0x34c: {  	[sflag:s22] =	ssyncset.done $0x0  }
0x34d: {  	[sflag:s22] =	ssyncadd.s32 $0xFFFFC000  }
0x34e: {  	_ =	swait.ge [sflag:s23], $0x4000  }
0x34f: {  	[sflag:s23] =	ssyncset.done $0x0  }
0x350: {  	[sflag:s23] =	ssyncadd.s32 $0xFFFFC000  }
0x351: {  	v2 =	vld.msk [tilespmem:s15+$0x900], $0xff;
	_ =	sdelay $0x4  }
0x352: {  	v3 =	vshll.u32 v2, $0x4  }
0x353: {  	v2 =	vand.u32 $0x7, v2;
	v3 =	vand.u32 $0xFFFFFF80, v3  }
0x354: {  	v2 =	vor.u32 v2, v3  }
0x355: {  	v2 =	vperm.xlane v2, v0;
	_ =	sdelay $0x1  }
0x356: {  	v2 =	vadd.s32 v1, v2;
	_ =	sdelay $0x3  }
0x357: {  	s14 =	simm.s32 $0x12000  }
0x358: {  	[tilespmem:s14], [sflag:$0x5] =	stream.indirect_vreg.gather [hbm4b:s2+s1], $0x80, v2, vm0, $0xb8;
	[tilespmem:$0x1E000] =	vst v63  }
0x359: {  	s15 =	simm.s32 $0x12800  }
0x35a: {  	[tilespmem:s15], [sflag:$0x5] =	stream.indirect_vreg.gather [hbm4b:s6+s1], $0x80, v2, vm0, $0xb8;
	[tilespmem:$0x1E000] =	vst v63  }
0x35b: {  	s16 =	simm.s32 $0x13000  }
0x35c: {  	[tilespmem:s16], [sflag:$0x5] =	stream.indirect_vreg.gather [hbm4b:s7+s1], $0x80, v2, vm0, $0xb8;
	[tilespmem:$0x1E000] =	vst v63  }
0x35d: {  	s19 =	simm.s32 $0x13800  }
0x35e: {  	[tilespmem:s19], [sflag:$0x5] =	stream.indirect_vreg.gather [hbm4b:s8+s1], $0x80, v2, vm0, $0xb8;
	[tilespmem:$0x1E000] =	vst v63  }
0x35f: {  	s14 =	simm.s32 $0x14000  }
0x360: {  	[tilespmem:s14], [sflag:$0x5] =	stream.indirect_vreg.gather [hbm4b:s9+s1], $0x80, v2, vm0, $0xb8;
	[tilespmem:$0x1E000] =	vst v63  }
0x361: {  	s15 =	simm.s32 $0x14800  }
0x362: {  	[tilespmem:s15], [sflag:$0x5] =	stream.indirect_vreg.gather [hbm4b:s10+s1], $0x80, v2, vm0, $0xb8;
	[tilespmem:$0x1E000] =	vst v63  }
0x363: {  	s16 =	simm.s32 $0x15000  }
0x364: {  	[tilespmem:s16], [sflag:$0x5] =	stream.indirect_vreg.gather [hbm4b:s11+s1], $0x80, v2, vm0, $0xb8;
	[tilespmem:$0x1E000] =	vst v63  }
0x365: {  	s19 =	simm.s32 $0x15800  }
0x366: {  	[tilespmem:s19], [sflag:$0x5] =	stream.indirect_vreg.gather [hbm4b:s13+s1], $0x80, v2, vm0, $0xb8;
	[tilespmem:$0x1E000] =	vst v63  }
0x367: {  	s4 =	simm.s32 $0x1A040;
	s19 =	simm.s32 $0x1A000  }
.LBB2_55:
0x368: {  	v3 =	vld [tilespmem:s4+$0xFFFFFFC0];
	_ =	sdelay $0x1  }
0x369: {  	v6 =	vld [tilespmem:s4+$0xFFFFFFD0]  }
0x36a: {  	v8 =	vld [tilespmem:s4+$0xFFFFFFE0]  }
0x36b: {  	v4 =	vld [tilespmem:s4+$0x0]  }
0x36c: {  	v2 =	vld [tilespmem:s4+$0x10];
	v7 =	vmul.f32 $4.525483320e+01, v3  }
0x36d: {  	v5 =	vld [tilespmem:s4+$0x20]  }
0x36e: {  	v3 =	vld [tilespmem:s4+$0x30];
	[tilespmem:s4+$0xFFFFFFC0] =	vst v7;
	v7 =	vmul.f32 $4.525483320e+01, v6  }
0x36f: {  	s15 =	simm.s32 $0x0;
	s16 =	sadd.s32 $0x400, s4;
	s14 =	smov.u32 s4;
	v8 =	vmul.f32 $4.525483320e+01, v8;
	v6 =	vld [tilespmem:s4+$0xFFFFFFF0]  }
.LBB2_56:
0x370: {  	v9 =	vld [tilespmem:s16+$0xFFFFFFC0];
	[tilespmem:s14+$0xFFFFFFD0] =	vst v7;
	v4 =	vmul.f32 $4.525483320e+01, v4  }
0x371: {  	s15 =	sadd.s32 $0x8, s15;
	v7 =	vld [tilespmem:s16+$0xFFFFFFD0];
	[tilespmem:s14+$0xFFFFFFE0] =	vst v8;
	v2 =	vmul.f32 $4.525483320e+01, v2  }
0x372: {  	p0 =	slt.u32 s15, $0x78;
	v8 =	vld [tilespmem:s16+$0xFFFFFFE0];
	[tilespmem:s14+$0x0] =	vst v4;
	v5 =	vmul.f32 $4.525483320e+01, v5  }
.Ltmp26:
0x373: {  	v4 =	vld [tilespmem:s16+$0x0];
	[tilespmem:s14+$0x10] =	vst v2;
	v3 =	vmul.f32 $4.525483320e+01, v3;
	(pc) =	sbr.rel @p0 .LBB2_56-.Ltmp26, $4  }
0x374: {  	v2 =	vld [tilespmem:s16+$0x10];
	v6 =	vmul.f32 $4.525483320e+01, v6;
	[tilespmem:s14+$0x20] =	vst v5  }
0x375: {  	v9 =	vmul.f32 $4.525483320e+01, v9;
	v5 =	vld [tilespmem:s16+$0x20];
	[tilespmem:s14+$0x30] =	vst v3  }
0x376: {  	v7 =	vmul.f32 $4.525483320e+01, v7;
	v3 =	vld [tilespmem:s16+$0x30];
	[tilespmem:s14+$0xFFFFFFF0] =	vst v6;
	s14 =	smov.u32 s16  }
0x377: {  	s16 =	sadd.s32 $0x400, s16;
	[tilespmem:s14+$0xFFFFFFC0] =	vst v9;
	v8 =	vmul.f32 $4.525483320e+01, v8;
	v6 =	vld [tilespmem:s14+$0xFFFFFFF0]  }
0x378: {  	[tilespmem:s14+$0xFFFFFFD0] =	vst v7;
	v4 =	vmul.f32 $4.525483320e+01, v4;
	s1 =	sadd.s32 $0x1, s1  }
0x379: {  	[tilespmem:s14+$0xFFFFFFE0] =	vst v8;
	v2 =	vmul.f32 $4.525483320e+01, v2;
	p0 =	sne.s32 s1, $0x8  }
.Ltmp27:
0x37a: {  	[tilespmem:s14+$0x0] =	vst v4;
	v63 =	vmul.f32 $4.525483320e+01, v5;
	(pc) =	sbr.rel @p0 .LBB2_55-.Ltmp27, $4  }
0x37b: {  	[tilespmem:s14+$0x10] =	vst v2;
	v2 =	vmul.f32 $4.525483320e+01, v3  }
0x37c: {  	v3 =	vmul.f32 $4.525483320e+01, v6;
	[tilespmem:s14+$0x20] =	vst v63  }
0x37d: {  	[tilespmem:s14+$0x30] =	vst v2  }
0x37e: {  	s4 =	sadd.s32 $0x80, s4;
	[tilespmem:s14+$0xFFFFFFF0] =	vst v3  }
0x37f: {  	s5 =	sadd.s32 $0x1, s5  }
0x380: {  	p0 =	sne.s32 s5, $0x7  }
.Ltmp28:
0x381: {  	_ = 	snop;
	(pc) =	sbr.rel @p0 .LBB2_30-.Ltmp28, $4  }
0x382: {  	_ = 	snop  }
0x383: {  	s0 =	sshll.u32 s0, $0xB  }
0x384: {  	s15 =	simm.s32 $0x0;
	s0 =	sadd.s32 s0, s12  }
0x385: {  	[hbm4b:s0+s15] =	stream.linear.scatter [tilespmem:s19], [sflag:$0xE], $0x4000, $0x38;
	[tilespmem:$0x1E000] =	vst v63  }
0x386: {  	_ =	swait.ge [sflag:s30], $0x4000  }
0x387: {  	[sflag:s30] =	ssyncset.done $0x0  }
0x388: {  	[sflag:s30] =	ssyncadd.s32 $0xFFFFC000  }
0x389: {  	_ =	swait.ge [sflag:s24], $0x4000  }
0x38a: {  	[sflag:s24] =	ssyncset.done $0x0  }
0x38b: {  	[sflag:s24] =	ssyncadd.s32 $0xFFFFC000  }
0x38c: {  	v2 =	vld.msk [tilespmem:$0x1E80], $0xff;
	_ =	sdelay $0x4  }
0x38d: {  	v3 =	vshll.u32 v2, $0x4  }
0x38e: {  	v2 =	vand.u32 $0x7, v2;
	v3 =	vand.u32 $0xFFFFFF80, v3  }
0x38f: {  	v2 =	vor.u32 v2, v3  }
0x390: {  	v2 =	vperm.xlane v2, v0;
	_ =	sdelay $0x1  }
0x391: {  	v2 =	vadd.s32 v1, v2;
	_ =	sdelay $0x3  }
0x392: {  	s0 =	simm.s32 $0x0  }
0x393: {  	[tilespmem:s17], [sflag:$0x6] =	stream.indirect_vreg.gather [hbm4b:s2+s0], $0x80, v2, vm0, $0xb8;
	[tilespmem:$0x1E000] =	vst v63  }
0x394: {  	s1 =	simm.s32 $0x16800  }
0x395: {  	[tilespmem:s1], [sflag:$0x6] =	stream.indirect_vreg.gather [hbm4b:s6+s0], $0x80, v2, vm0, $0xb8;
	[tilespmem:$0x1E000] =	vst v63  }
0x396: {  	s14 =	simm.s32 $0x17000  }
0x397: {  	[tilespmem:s14], [sflag:$0x6] =	stream.indirect_vreg.gather [hbm4b:s7+s0], $0x80, v2, vm0, $0xb8;
	[tilespmem:$0x1E000] =	vst v63  }
0x398: {  	s16 =	simm.s32 $0x17800  }
0x399: {  	[tilespmem:s16], [sflag:$0x6] =	stream.indirect_vreg.gather [hbm4b:s8+s0], $0x80, v2, vm0, $0xb8;
	[tilespmem:$0x1E000] =	vst v63  }
0x39a: {  	s4 =	simm.s32 $0x18000  }
0x39b: {  	[tilespmem:s4], [sflag:$0x6] =	stream.indirect_vreg.gather [hbm4b:s9+s0], $0x80, v2, vm0, $0xb8;
	[tilespmem:$0x1E000] =	vst v63  }
0x39c: {  	s5 =	simm.s32 $0x18800  }
0x39d: {  	[tilespmem:s5], [sflag:$0x6] =	stream.indirect_vreg.gather [hbm4b:s10+s0], $0x80, v2, vm0, $0xb8;
	[tilespmem:$0x1E000] =	vst v63  }
0x39e: {  	s14 =	simm.s32 $0x19000  }
0x39f: {  	[tilespmem:s14], [sflag:$0x6] =	stream.indirect_vreg.gather [hbm4b:s11+s0], $0x80, v2, vm0, $0xb8;
	[tilespmem:$0x1E000] =	vst v63  }
0x3a0: {  	s1 =	simm.s32 $0x2040;
	s16 =	simm.s32 $0x19800  }
0x3a1: {  	[tilespmem:s16], [sflag:$0x6] =	stream.indirect_vreg.gather [hbm4b:s13+s0], $0x80, v2, vm0, $0xb8;
	[tilespmem:$0x1E000] =	vst v63  }
.LBB2_60:
0x3a2: {  	v3 =	vld [tilespmem:s1+$0xFFFFFFC0];
	_ =	sdelay $0x1  }
0x3a3: {  	v6 =	vld [tilespmem:s1+$0xFFFFFFD0]  }
0x3a4: {  	v8 =	vld [tilespmem:s1+$0xFFFFFFE0]  }
0x3a5: {  	v4 =	vld [tilespmem:s1+$0x0]  }
0x3a6: {  	v2 =	vld [tilespmem:s1+$0x10];
	v7 =	vmul.f32 $4.525483320e+01, v3  }
0x3a7: {  	v5 =	vld [tilespmem:s1+$0x20]  }
0x3a8: {  	v3 =	vld [tilespmem:s1+$0x30];
	[tilespmem:s1+$0xFFFFFFC0] =	vst v7;
	v7 =	vmul.f32 $4.525483320e+01, v6  }
0x3a9: {  	s5 =	simm.s32 $0x0;
	s14 =	sadd.s32 $0x400, s1;
	s4 =	smov.u32 s1;
	v8 =	vmul.f32 $4.525483320e+01, v8;
	v6 =	vld [tilespmem:s1+$0xFFFFFFF0]  }
.LBB2_61:
0x3aa: {  	v9 =	vld [tilespmem:s14+$0xFFFFFFC0];
	[tilespmem:s4+$0xFFFFFFD0] =	vst v7;
	v4 =	vmul.f32 $4.525483320e+01, v4  }
0x3ab: {  	s5 =	sadd.s32 $0x8, s5;
	v7 =	vld [tilespmem:s14+$0xFFFFFFD0];
	[tilespmem:s4+$0xFFFFFFE0] =	vst v8;
	v2 =	vmul.f32 $4.525483320e+01, v2  }
0x3ac: {  	p0 =	slt.u32 s5, $0x78;
	v8 =	vld [tilespmem:s14+$0xFFFFFFE0];
	[tilespmem:s4+$0x0] =	vst v4;
	v5 =	vmul.f32 $4.525483320e+01, v5  }
.Ltmp29:
0x3ad: {  	v4 =	vld [tilespmem:s14+$0x0];
	[tilespmem:s4+$0x10] =	vst v2;
	v3 =	vmul.f32 $4.525483320e+01, v3;
	(pc) =	sbr.rel @p0 .LBB2_61-.Ltmp29, $4  }
0x3ae: {  	v2 =	vld [tilespmem:s14+$0x10];
	v6 =	vmul.f32 $4.525483320e+01, v6;
	[tilespmem:s4+$0x20] =	vst v5  }
0x3af: {  	v9 =	vmul.f32 $4.525483320e+01, v9;
	v5 =	vld [tilespmem:s14+$0x20];
	[tilespmem:s4+$0x30] =	vst v3  }
0x3b0: {  	v7 =	vmul.f32 $4.525483320e+01, v7;
	v3 =	vld [tilespmem:s14+$0x30];
	[tilespmem:s4+$0xFFFFFFF0] =	vst v6;
	s4 =	smov.u32 s14  }
0x3b1: {  	s14 =	sadd.s32 $0x400, s14;
	[tilespmem:s4+$0xFFFFFFC0] =	vst v9;
	v8 =	vmul.f32 $4.525483320e+01, v8;
	v6 =	vld [tilespmem:s4+$0xFFFFFFF0]  }
0x3b2: {  	[tilespmem:s4+$0xFFFFFFD0] =	vst v7;
	v4 =	vmul.f32 $4.525483320e+01, v4;
	s0 =	sadd.s32 $0x1, s0  }
0x3b3: {  	[tilespmem:s4+$0xFFFFFFE0] =	vst v8;
	v2 =	vmul.f32 $4.525483320e+01, v2;
	p0 =	sne.s32 s0, $0x8  }
.Ltmp30:
0x3b4: {  	[tilespmem:s4+$0x0] =	vst v4;
	v63 =	vmul.f32 $4.525483320e+01, v5;
	(pc) =	sbr.rel @p0 .LBB2_60-.Ltmp30, $4  }
0x3b5: {  	[tilespmem:s4+$0x10] =	vst v2;
	v2 =	vmul.f32 $4.525483320e+01, v3  }
0x3b6: {  	v3 =	vmul.f32 $4.525483320e+01, v6;
	[tilespmem:s4+$0x20] =	vst v63  }
0x3b7: {  	[tilespmem:s4+$0x30] =	vst v2  }
0x3b8: {  	s1 =	sadd.s32 $0x80, s1;
	[tilespmem:s4+$0xFFFFFFF0] =	vst v3  }
0x3b9: {  	s0 =	simm.s32 $0x0;
	s1 =	rddreg [dreg:$0x11];
	s4 =	simm.s32 $0x2  }
0x3ba: {  	[hbm4b:s1+s0] =	stream.linear.scatter [tilespmem:s25], [sflag:$0x8], $0x4000, $0x38;
	[tilespmem:$0x1E000] =	vst v63  }
0x3bb: {  	_ =	swait.ge [sflag:s4], $0x4000  }
0x3bc: {  	[sflag:s4] =	ssyncset.done $0x0  }
0x3bd: {  	[sflag:s4] =	ssyncadd.s32 $0xFFFFC000  }
0x3be: {  	_ =	swait.ge [sflag:s29], $0x4000  }
0x3bf: {  	[sflag:s29] =	ssyncset.done $0x0  }
0x3c0: {  	[sflag:s29] =	ssyncadd.s32 $0xFFFFC000  }
0x3c1: {  	v2 =	vld.msk [tilespmem:$0x1F00], $0xff;
	_ =	sdelay $0x4  }
0x3c2: {  	v3 =	vshll.u32 v2, $0x4  }
0x3c3: {  	v2 =	vand.u32 $0x7, v2;
	v3 =	vand.u32 $0xFFFFFF80, v3  }
0x3c4: {  	v2 =	vor.u32 v2, v3  }
0x3c5: {  	v2 =	vperm.xlane v2, v0;
	_ =	sdelay $0x1  }
0x3c6: {  	v2 =	vadd.s32 v1, v2;
	_ =	sdelay $0x4  }
0x3c7: {  	[tilespmem:s19], [sflag:$0x7] =	stream.indirect_vreg.gather [hbm4b:s2+s0], $0x80, v2, vm0, $0xb8;
	[tilespmem:$0x1E000] =	vst v63  }
0x3c8: {  	s5 =	simm.s32 $0x1A800  }
0x3c9: {  	[tilespmem:s5], [sflag:$0x7] =	stream.indirect_vreg.gather [hbm4b:s6+s0], $0x80, v2, vm0, $0xb8;
	[tilespmem:$0x1E000] =	vst v63  }
0x3ca: {  	s14 =	simm.s32 $0x1B000  }
0x3cb: {  	[tilespmem:s14], [sflag:$0x7] =	stream.indirect_vreg.gather [hbm4b:s7+s0], $0x80, v2, vm0, $0xb8;
	[tilespmem:$0x1E000] =	vst v63  }
0x3cc: {  	s16 =	simm.s32 $0x1B800  }
0x3cd: {  	[tilespmem:s16], [sflag:$0x7] =	stream.indirect_vreg.gather [hbm4b:s8+s0], $0x80, v2, vm0, $0xb8;
	[tilespmem:$0x1E000] =	vst v63  }
0x3ce: {  	s4 =	simm.s32 $0x1C000  }
0x3cf: {  	[tilespmem:s4], [sflag:$0x7] =	stream.indirect_vreg.gather [hbm4b:s9+s0], $0x80, v2, vm0, $0xb8;
	[tilespmem:$0x1E000] =	vst v63  }
0x3d0: {  	s5 =	simm.s32 $0x1C800  }
0x3d1: {  	[tilespmem:s5], [sflag:$0x7] =	stream.indirect_vreg.gather [hbm4b:s10+s0], $0x80, v2, vm0, $0xb8;
	[tilespmem:$0x1E000] =	vst v63  }
0x3d2: {  	s14 =	simm.s32 $0x1D000  }
0x3d3: {  	[tilespmem:s14], [sflag:$0x7] =	stream.indirect_vreg.gather [hbm4b:s11+s0], $0x80, v2, vm0, $0xb8;
	[tilespmem:$0x1E000] =	vst v63  }
0x3d4: {  	s1 =	simm.s32 $0x6040;
	s16 =	simm.s32 $0x1D800  }
0x3d5: {  	[tilespmem:s16], [sflag:$0x7] =	stream.indirect_vreg.gather [hbm4b:s13+s0], $0x80, v2, vm0, $0xb8;
	[tilespmem:$0x1E000] =	vst v63  }
.LBB2_64:
0x3d6: {  	v3 =	vld [tilespmem:s1+$0xFFFFFFC0];
	_ =	sdelay $0x1  }
0x3d7: {  	v6 =	vld [tilespmem:s1+$0xFFFFFFD0]  }
0x3d8: {  	v8 =	vld [tilespmem:s1+$0xFFFFFFE0]  }
0x3d9: {  	v4 =	vld [tilespmem:s1+$0x0]  }
0x3da: {  	v2 =	vld [tilespmem:s1+$0x10];
	v7 =	vmul.f32 $4.525483320e+01, v3  }
0x3db: {  	v5 =	vld [tilespmem:s1+$0x20]  }
0x3dc: {  	v3 =	vld [tilespmem:s1+$0x30];
	[tilespmem:s1+$0xFFFFFFC0] =	vst v7;
	v7 =	vmul.f32 $4.525483320e+01, v6  }
0x3dd: {  	s5 =	simm.s32 $0x0;
	s14 =	sadd.s32 $0x400, s1;
	s4 =	smov.u32 s1;
	v8 =	vmul.f32 $4.525483320e+01, v8;
	v6 =	vld [tilespmem:s1+$0xFFFFFFF0]  }
.LBB2_65:
0x3de: {  	v9 =	vld [tilespmem:s14+$0xFFFFFFC0];
	[tilespmem:s4+$0xFFFFFFD0] =	vst v7;
	v4 =	vmul.f32 $4.525483320e+01, v4  }
0x3df: {  	s5 =	sadd.s32 $0x8, s5;
	v7 =	vld [tilespmem:s14+$0xFFFFFFD0];
	[tilespmem:s4+$0xFFFFFFE0] =	vst v8;
	v2 =	vmul.f32 $4.525483320e+01, v2  }
0x3e0: {  	p0 =	slt.u32 s5, $0x78;
	v8 =	vld [tilespmem:s14+$0xFFFFFFE0];
	[tilespmem:s4+$0x0] =	vst v4;
	v5 =	vmul.f32 $4.525483320e+01, v5  }
.Ltmp31:
0x3e1: {  	v4 =	vld [tilespmem:s14+$0x0];
	[tilespmem:s4+$0x10] =	vst v2;
	v3 =	vmul.f32 $4.525483320e+01, v3;
	(pc) =	sbr.rel @p0 .LBB2_65-.Ltmp31, $4  }
0x3e2: {  	v2 =	vld [tilespmem:s14+$0x10];
	v6 =	vmul.f32 $4.525483320e+01, v6;
	[tilespmem:s4+$0x20] =	vst v5  }
0x3e3: {  	v9 =	vmul.f32 $4.525483320e+01, v9;
	v5 =	vld [tilespmem:s14+$0x20];
	[tilespmem:s4+$0x30] =	vst v3  }
0x3e4: {  	v7 =	vmul.f32 $4.525483320e+01, v7;
	v3 =	vld [tilespmem:s14+$0x30];
	[tilespmem:s4+$0xFFFFFFF0] =	vst v6;
	s4 =	smov.u32 s14  }
0x3e5: {  	s14 =	sadd.s32 $0x400, s14;
	[tilespmem:s4+$0xFFFFFFC0] =	vst v9;
	v8 =	vmul.f32 $4.525483320e+01, v8;
	v6 =	vld [tilespmem:s4+$0xFFFFFFF0]  }
0x3e6: {  	[tilespmem:s4+$0xFFFFFFD0] =	vst v7;
	v4 =	vmul.f32 $4.525483320e+01, v4;
	s0 =	sadd.s32 $0x1, s0  }
0x3e7: {  	[tilespmem:s4+$0xFFFFFFE0] =	vst v8;
	v2 =	vmul.f32 $4.525483320e+01, v2;
	p0 =	sne.s32 s0, $0x8  }
.Ltmp32:
0x3e8: {  	[tilespmem:s4+$0x0] =	vst v4;
	v63 =	vmul.f32 $4.525483320e+01, v5;
	(pc) =	sbr.rel @p0 .LBB2_64-.Ltmp32, $4  }
0x3e9: {  	[tilespmem:s4+$0x10] =	vst v2;
	v2 =	vmul.f32 $4.525483320e+01, v3  }
0x3ea: {  	v3 =	vmul.f32 $4.525483320e+01, v6;
	[tilespmem:s4+$0x20] =	vst v63  }
0x3eb: {  	[tilespmem:s4+$0x30] =	vst v2  }
0x3ec: {  	s1 =	sadd.s32 $0x80, s1;
	[tilespmem:s4+$0xFFFFFFF0] =	vst v3  }
0x3ed: {  	s0 =	simm.s32 $0x0;
	s1 =	rddreg [dreg:$0x12];
	s4 =	simm.s32 $0x6000  }
0x3ee: {  	[hbm4b:s1+s0] =	stream.linear.scatter [tilespmem:s4], [sflag:$0x9], $0x4000, $0x38;
	[tilespmem:$0x1E000] =	vst v63  }
0x3ef: {  	s4 =	simm.s32 $0x3  }
0x3f0: {  	_ =	swait.ge [sflag:s4], $0x4000  }
0x3f1: {  	[sflag:s4] =	ssyncset.done $0x0  }
0x3f2: {  	[sflag:s4] =	ssyncadd.s32 $0xFFFFC000  }
0x3f3: {  	_ =	swait.ge [sflag:s18], $0x4000  }
0x3f4: {  	[sflag:s18] =	ssyncset.done $0x0  }
0x3f5: {  	[sflag:s18] =	ssyncadd.s32 $0xFFFFC000  }
0x3f6: {  	v2 =	vld.msk [tilespmem:$0x1F80], $0xff;
	_ =	sdelay $0x4  }
0x3f7: {  	v3 =	vshll.u32 v2, $0x4  }
0x3f8: {  	v2 =	vand.u32 $0x7, v2;
	v3 =	vand.u32 $0xFFFFFF80, v3  }
0x3f9: {  	v2 =	vor.u32 v2, v3  }
0x3fa: {  	v2 =	vperm.xlane v2, v0;
	_ =	sdelay $0x1  }
0x3fb: {  	v2 =	vadd.s32 v1, v2;
	_ =	sdelay $0x4  }
0x3fc: {  	[tilespmem:s25], [sflag:$0x1] =	stream.indirect_vreg.gather [hbm4b:s2+s0], $0x80, v2, vm0, $0xb8;
	[tilespmem:$0x1E000] =	vst v63  }
0x3fd: {  	s5 =	simm.s32 $0x2800  }
0x3fe: {  	[tilespmem:s5], [sflag:$0x1] =	stream.indirect_vreg.gather [hbm4b:s6+s0], $0x80, v2, vm0, $0xb8;
	[tilespmem:$0x1E000] =	vst v63  }
0x3ff: {  	s14 =	simm.s32 $0x3000  }
0x400: {  	[tilespmem:s14], [sflag:$0x1] =	stream.indirect_vreg.gather [hbm4b:s7+s0], $0x80, v2, vm0, $0xb8;
	[tilespmem:$0x1E000] =	vst v63  }
0x401: {  	s16 =	simm.s32 $0x3800  }
0x402: {  	[tilespmem:s16], [sflag:$0x1] =	stream.indirect_vreg.gather [hbm4b:s8+s0], $0x80, v2, vm0, $0xb8;
	[tilespmem:$0x1E000] =	vst v63  }
0x403: {  	s4 =	simm.s32 $0x4000  }
0x404: {  	[tilespmem:s4], [sflag:$0x1] =	stream.indirect_vreg.gather [hbm4b:s9+s0], $0x80, v2, vm0, $0xb8;
	[tilespmem:$0x1E000] =	vst v63  }
0x405: {  	s5 =	simm.s32 $0x4800  }
0x406: {  	[tilespmem:s5], [sflag:$0x1] =	stream.indirect_vreg.gather [hbm4b:s10+s0], $0x80, v2, vm0, $0xb8;
	[tilespmem:$0x1E000] =	vst v63  }
0x407: {  	s14 =	simm.s32 $0x5000  }
0x408: {  	[tilespmem:s14], [sflag:$0x1] =	stream.indirect_vreg.gather [hbm4b:s11+s0], $0x80, v2, vm0, $0xb8;
	[tilespmem:$0x1E000] =	vst v63  }
0x409: {  	s1 =	simm.s32 $0xA040;
	s16 =	simm.s32 $0x5800  }
0x40a: {  	[tilespmem:s16], [sflag:$0x1] =	stream.indirect_vreg.gather [hbm4b:s13+s0], $0x80, v2, vm0, $0xb8;
	[tilespmem:$0x1E000] =	vst v63  }
.LBB2_68:
0x40b: {  	v3 =	vld [tilespmem:s1+$0xFFFFFFC0];
	_ =	sdelay $0x1  }
0x40c: {  	v6 =	vld [tilespmem:s1+$0xFFFFFFD0]  }
0x40d: {  	v8 =	vld [tilespmem:s1+$0xFFFFFFE0]  }
0x40e: {  	v4 =	vld [tilespmem:s1+$0x0]  }
0x40f: {  	v2 =	vld [tilespmem:s1+$0x10];
	v7 =	vmul.f32 $4.525483320e+01, v3  }
0x410: {  	v5 =	vld [tilespmem:s1+$0x20]  }
0x411: {  	v3 =	vld [tilespmem:s1+$0x30];
	[tilespmem:s1+$0xFFFFFFC0] =	vst v7;
	v7 =	vmul.f32 $4.525483320e+01, v6  }
0x412: {  	s5 =	simm.s32 $0x0;
	s14 =	sadd.s32 $0x400, s1;
	s4 =	smov.u32 s1;
	v8 =	vmul.f32 $4.525483320e+01, v8;
	v6 =	vld [tilespmem:s1+$0xFFFFFFF0]  }
.LBB2_69:
0x413: {  	v9 =	vld [tilespmem:s14+$0xFFFFFFC0];
	[tilespmem:s4+$0xFFFFFFD0] =	vst v7;
	v4 =	vmul.f32 $4.525483320e+01, v4  }
0x414: {  	s5 =	sadd.s32 $0x8, s5;
	v7 =	vld [tilespmem:s14+$0xFFFFFFD0];
	[tilespmem:s4+$0xFFFFFFE0] =	vst v8;
	v2 =	vmul.f32 $4.525483320e+01, v2  }
0x415: {  	p0 =	slt.u32 s5, $0x78;
	v8 =	vld [tilespmem:s14+$0xFFFFFFE0];
	[tilespmem:s4+$0x0] =	vst v4;
	v5 =	vmul.f32 $4.525483320e+01, v5  }
.Ltmp33:
0x416: {  	v4 =	vld [tilespmem:s14+$0x0];
	[tilespmem:s4+$0x10] =	vst v2;
	v3 =	vmul.f32 $4.525483320e+01, v3;
	(pc) =	sbr.rel @p0 .LBB2_69-.Ltmp33, $4  }
0x417: {  	v2 =	vld [tilespmem:s14+$0x10];
	v6 =	vmul.f32 $4.525483320e+01, v6;
	[tilespmem:s4+$0x20] =	vst v5  }
0x418: {  	v9 =	vmul.f32 $4.525483320e+01, v9;
	v5 =	vld [tilespmem:s14+$0x20];
	[tilespmem:s4+$0x30] =	vst v3  }
0x419: {  	v7 =	vmul.f32 $4.525483320e+01, v7;
	v3 =	vld [tilespmem:s14+$0x30];
	[tilespmem:s4+$0xFFFFFFF0] =	vst v6;
	s4 =	smov.u32 s14  }
0x41a: {  	s14 =	sadd.s32 $0x400, s14;
	[tilespmem:s4+$0xFFFFFFC0] =	vst v9;
	v8 =	vmul.f32 $4.525483320e+01, v8;
	v6 =	vld [tilespmem:s4+$0xFFFFFFF0]  }
0x41b: {  	[tilespmem:s4+$0xFFFFFFD0] =	vst v7;
	v4 =	vmul.f32 $4.525483320e+01, v4;
	s0 =	sadd.s32 $0x1, s0  }
0x41c: {  	[tilespmem:s4+$0xFFFFFFE0] =	vst v8;
	v2 =	vmul.f32 $4.525483320e+01, v2;
	p0 =	sne.s32 s0, $0x8  }
.Ltmp34:
0x41d: {  	[tilespmem:s4+$0x0] =	vst v4;
	v63 =	vmul.f32 $4.525483320e+01, v5;
	(pc) =	sbr.rel @p0 .LBB2_68-.Ltmp34, $4  }
0x41e: {  	[tilespmem:s4+$0x10] =	vst v2;
	v2 =	vmul.f32 $4.525483320e+01, v3  }
0x41f: {  	v3 =	vmul.f32 $4.525483320e+01, v6;
	[tilespmem:s4+$0x20] =	vst v63  }
0x420: {  	[tilespmem:s4+$0x30] =	vst v2  }
0x421: {  	s1 =	sadd.s32 $0x80, s1;
	[tilespmem:s4+$0xFFFFFFF0] =	vst v3  }
0x422: {  	s0 =	simm.s32 $0x0  }
0x423: {  	s1 =	rddreg [dreg:$0x13];
	s4 =	simm.s32 $0xA000;
	s16 =	simm.s32 $0x4  }
0x424: {  	[hbm4b:s1+s0] =	stream.linear.scatter [tilespmem:s4], [sflag:$0xA], $0x4000, $0x38;
	[tilespmem:$0x1E000] =	vst v63  }
0x425: {  	_ =	swait.ge [sflag:s16], $0x4000  }
0x426: {  	[sflag:s16] =	ssyncset.done $0x0  }
0x427: {  	s1 =	simm.s32 $0xE040;
	[sflag:s16] =	ssyncadd.s32 $0xFFFFC000  }
.LBB2_72:
0x428: {  	v3 =	vld [tilespmem:s1+$0xFFFFFFC0];
	_ =	sdelay $0x1  }
0x429: {  	v6 =	vld [tilespmem:s1+$0xFFFFFFD0]  }
0x42a: {  	v8 =	vld [tilespmem:s1+$0xFFFFFFE0]  }
0x42b: {  	v4 =	vld [tilespmem:s1+$0x0]  }
0x42c: {  	v2 =	vld [tilespmem:s1+$0x10];
	v7 =	vmul.f32 $4.525483320e+01, v3  }
0x42d: {  	v5 =	vld [tilespmem:s1+$0x20]  }
0x42e: {  	v3 =	vld [tilespmem:s1+$0x30];
	[tilespmem:s1+$0xFFFFFFC0] =	vst v7;
	v7 =	vmul.f32 $4.525483320e+01, v6  }
0x42f: {  	s5 =	simm.s32 $0x0;
	s14 =	sadd.s32 $0x400, s1;
	s4 =	smov.u32 s1;
	v8 =	vmul.f32 $4.525483320e+01, v8;
	v6 =	vld [tilespmem:s1+$0xFFFFFFF0]  }
.LBB2_73:
0x430: {  	v9 =	vld [tilespmem:s14+$0xFFFFFFC0];
	[tilespmem:s4+$0xFFFFFFD0] =	vst v7;
	v4 =	vmul.f32 $4.525483320e+01, v4  }
0x431: {  	s5 =	sadd.s32 $0x8, s5;
	v7 =	vld [tilespmem:s14+$0xFFFFFFD0];
	[tilespmem:s4+$0xFFFFFFE0] =	vst v8;
	v2 =	vmul.f32 $4.525483320e+01, v2  }
0x432: {  	p0 =	slt.u32 s5, $0x78;
	v8 =	vld [tilespmem:s14+$0xFFFFFFE0];
	[tilespmem:s4+$0x0] =	vst v4;
	v5 =	vmul.f32 $4.525483320e+01, v5  }
.Ltmp35:
0x433: {  	v4 =	vld [tilespmem:s14+$0x0];
	[tilespmem:s4+$0x10] =	vst v2;
	v3 =	vmul.f32 $4.525483320e+01, v3;
	(pc) =	sbr.rel @p0 .LBB2_73-.Ltmp35, $4  }
0x434: {  	v2 =	vld [tilespmem:s14+$0x10];
	v6 =	vmul.f32 $4.525483320e+01, v6;
	[tilespmem:s4+$0x20] =	vst v5  }
0x435: {  	v9 =	vmul.f32 $4.525483320e+01, v9;
	v5 =	vld [tilespmem:s14+$0x20];
	[tilespmem:s4+$0x30] =	vst v3  }
0x436: {  	v7 =	vmul.f32 $4.525483320e+01, v7;
	v3 =	vld [tilespmem:s14+$0x30];
	[tilespmem:s4+$0xFFFFFFF0] =	vst v6;
	s4 =	smov.u32 s14  }
0x437: {  	s14 =	sadd.s32 $0x400, s14;
	[tilespmem:s4+$0xFFFFFFC0] =	vst v9;
	v8 =	vmul.f32 $4.525483320e+01, v8;
	v6 =	vld [tilespmem:s4+$0xFFFFFFF0]  }
0x438: {  	[tilespmem:s4+$0xFFFFFFD0] =	vst v7;
	v4 =	vmul.f32 $4.525483320e+01, v4;
	s0 =	sadd.s32 $0x1, s0  }
0x439: {  	[tilespmem:s4+$0xFFFFFFE0] =	vst v8;
	v2 =	vmul.f32 $4.525483320e+01, v2;
	p0 =	sne.s32 s0, $0x8  }
.Ltmp36:
0x43a: {  	[tilespmem:s4+$0x0] =	vst v4;
	v63 =	vmul.f32 $4.525483320e+01, v5;
	(pc) =	sbr.rel @p0 .LBB2_72-.Ltmp36, $4  }
0x43b: {  	[tilespmem:s4+$0x10] =	vst v2;
	v2 =	vmul.f32 $4.525483320e+01, v3  }
0x43c: {  	v3 =	vmul.f32 $4.525483320e+01, v6;
	[tilespmem:s4+$0x20] =	vst v63  }
0x43d: {  	[tilespmem:s4+$0x30] =	vst v2  }
0x43e: {  	s1 =	sadd.s32 $0x80, s1;
	[tilespmem:s4+$0xFFFFFFF0] =	vst v3  }
0x43f: {  	s0 =	simm.s32 $0x0;
	s1 =	rddreg [dreg:$0x14];
	s4 =	simm.s32 $0xE000  }
0x440: {  	[hbm4b:s1+s0] =	stream.linear.scatter [tilespmem:s4], [sflag:$0xB], $0x4000, $0x38;
	[tilespmem:$0x1E000] =	vst v63  }
0x441: {  	_ =	swait.ge [sflag:s26], $0x4000  }
0x442: {  	[sflag:s26] =	ssyncset.done $0x0  }
0x443: {  	s1 =	simm.s32 $0x12040;
	[sflag:s26] =	ssyncadd.s32 $0xFFFFC000  }
.LBB2_76:
0x444: {  	v3 =	vld [tilespmem:s1+$0xFFFFFFC0];
	_ =	sdelay $0x1  }
0x445: {  	v6 =	vld [tilespmem:s1+$0xFFFFFFD0]  }
0x446: {  	v8 =	vld [tilespmem:s1+$0xFFFFFFE0]  }
0x447: {  	v4 =	vld [tilespmem:s1+$0x0]  }
0x448: {  	v2 =	vld [tilespmem:s1+$0x10];
	v7 =	vmul.f32 $4.525483320e+01, v3  }
0x449: {  	v5 =	vld [tilespmem:s1+$0x20]  }
0x44a: {  	v3 =	vld [tilespmem:s1+$0x30];
	[tilespmem:s1+$0xFFFFFFC0] =	vst v7;
	v7 =	vmul.f32 $4.525483320e+01, v6  }
0x44b: {  	s5 =	simm.s32 $0x0;
	s14 =	sadd.s32 $0x400, s1;
	s4 =	smov.u32 s1;
	v8 =	vmul.f32 $4.525483320e+01, v8;
	v6 =	vld [tilespmem:s1+$0xFFFFFFF0]  }
.LBB2_77:
0x44c: {  	v9 =	vld [tilespmem:s14+$0xFFFFFFC0];
	[tilespmem:s4+$0xFFFFFFD0] =	vst v7;
	v4 =	vmul.f32 $4.525483320e+01, v4  }
0x44d: {  	s5 =	sadd.s32 $0x8, s5;
	v7 =	vld [tilespmem:s14+$0xFFFFFFD0];
	[tilespmem:s4+$0xFFFFFFE0] =	vst v8;
	v2 =	vmul.f32 $4.525483320e+01, v2  }
0x44e: {  	p0 =	slt.u32 s5, $0x78;
	v8 =	vld [tilespmem:s14+$0xFFFFFFE0];
	[tilespmem:s4+$0x0] =	vst v4;
	v5 =	vmul.f32 $4.525483320e+01, v5  }
.Ltmp37:
0x44f: {  	v4 =	vld [tilespmem:s14+$0x0];
	[tilespmem:s4+$0x10] =	vst v2;
	v3 =	vmul.f32 $4.525483320e+01, v3;
	(pc) =	sbr.rel @p0 .LBB2_77-.Ltmp37, $4  }
0x450: {  	v2 =	vld [tilespmem:s14+$0x10];
	v6 =	vmul.f32 $4.525483320e+01, v6;
	[tilespmem:s4+$0x20] =	vst v5  }
0x451: {  	v9 =	vmul.f32 $4.525483320e+01, v9;
	v5 =	vld [tilespmem:s14+$0x20];
	[tilespmem:s4+$0x30] =	vst v3  }
0x452: {  	v7 =	vmul.f32 $4.525483320e+01, v7;
	v3 =	vld [tilespmem:s14+$0x30];
	[tilespmem:s4+$0xFFFFFFF0] =	vst v6;
	s4 =	smov.u32 s14  }
0x453: {  	s14 =	sadd.s32 $0x400, s14;
	[tilespmem:s4+$0xFFFFFFC0] =	vst v9;
	v8 =	vmul.f32 $4.525483320e+01, v8;
	v6 =	vld [tilespmem:s4+$0xFFFFFFF0]  }
0x454: {  	[tilespmem:s4+$0xFFFFFFD0] =	vst v7;
	v4 =	vmul.f32 $4.525483320e+01, v4;
	s0 =	sadd.s32 $0x1, s0  }
0x455: {  	[tilespmem:s4+$0xFFFFFFE0] =	vst v8;
	v2 =	vmul.f32 $4.525483320e+01, v2;
	p0 =	sne.s32 s0, $0x8  }
.Ltmp38:
0x456: {  	[tilespmem:s4+$0x0] =	vst v4;
	v63 =	vmul.f32 $4.525483320e+01, v5;
	(pc) =	sbr.rel @p0 .LBB2_76-.Ltmp38, $4  }
0x457: {  	[tilespmem:s4+$0x10] =	vst v2;
	v2 =	vmul.f32 $4.525483320e+01, v3  }
0x458: {  	v3 =	vmul.f32 $4.525483320e+01, v6;
	[tilespmem:s4+$0x20] =	vst v63  }
0x459: {  	[tilespmem:s4+$0x30] =	vst v2  }
0x45a: {  	s1 =	sadd.s32 $0x80, s1;
	[tilespmem:s4+$0xFFFFFFF0] =	vst v3  }
0x45b: {  	s0 =	simm.s32 $0x0;
	s1 =	rddreg [dreg:$0x15];
	s4 =	simm.s32 $0x12000  }
0x45c: {  	[hbm4b:s1+s0] =	stream.linear.scatter [tilespmem:s4], [sflag:$0xC], $0x4000, $0x38;
	[tilespmem:$0x1E000] =	vst v63  }
0x45d: {  	_ =	swait.ge [sflag:s20], $0x4000  }
0x45e: {  	[sflag:s20] =	ssyncset.done $0x0  }
0x45f: {  	s1 =	simm.s32 $0x16040;
	[sflag:s20] =	ssyncadd.s32 $0xFFFFC000  }
.LBB2_80:
0x460: {  	v3 =	vld [tilespmem:s1+$0xFFFFFFC0];
	_ =	sdelay $0x1  }
0x461: {  	v6 =	vld [tilespmem:s1+$0xFFFFFFD0]  }
0x462: {  	v8 =	vld [tilespmem:s1+$0xFFFFFFE0]  }
0x463: {  	v4 =	vld [tilespmem:s1+$0x0]  }
0x464: {  	v2 =	vld [tilespmem:s1+$0x10];
	v7 =	vmul.f32 $4.525483320e+01, v3  }
0x465: {  	v5 =	vld [tilespmem:s1+$0x20]  }
0x466: {  	v3 =	vld [tilespmem:s1+$0x30];
	[tilespmem:s1+$0xFFFFFFC0] =	vst v7;
	v7 =	vmul.f32 $4.525483320e+01, v6  }
0x467: {  	s5 =	simm.s32 $0x0;
	s14 =	sadd.s32 $0x400, s1;
	s4 =	smov.u32 s1;
	v8 =	vmul.f32 $4.525483320e+01, v8;
	v6 =	vld [tilespmem:s1+$0xFFFFFFF0]  }
.LBB2_81:
0x468: {  	v9 =	vld [tilespmem:s14+$0xFFFFFFC0];
	[tilespmem:s4+$0xFFFFFFD0] =	vst v7;
	v4 =	vmul.f32 $4.525483320e+01, v4  }
0x469: {  	s5 =	sadd.s32 $0x8, s5;
	v7 =	vld [tilespmem:s14+$0xFFFFFFD0];
	[tilespmem:s4+$0xFFFFFFE0] =	vst v8;
	v2 =	vmul.f32 $4.525483320e+01, v2  }
0x46a: {  	p0 =	slt.u32 s5, $0x78;
	v8 =	vld [tilespmem:s14+$0xFFFFFFE0];
	[tilespmem:s4+$0x0] =	vst v4;
	v5 =	vmul.f32 $4.525483320e+01, v5  }
.Ltmp39:
0x46b: {  	v4 =	vld [tilespmem:s14+$0x0];
	[tilespmem:s4+$0x10] =	vst v2;
	v3 =	vmul.f32 $4.525483320e+01, v3;
	(pc) =	sbr.rel @p0 .LBB2_81-.Ltmp39, $4  }
0x46c: {  	v2 =	vld [tilespmem:s14+$0x10];
	v6 =	vmul.f32 $4.525483320e+01, v6;
	[tilespmem:s4+$0x20] =	vst v5  }
0x46d: {  	v9 =	vmul.f32 $4.525483320e+01, v9;
	v5 =	vld [tilespmem:s14+$0x20];
	[tilespmem:s4+$0x30] =	vst v3  }
0x46e: {  	v7 =	vmul.f32 $4.525483320e+01, v7;
	v3 =	vld [tilespmem:s14+$0x30];
	[tilespmem:s4+$0xFFFFFFF0] =	vst v6;
	s4 =	smov.u32 s14  }
0x46f: {  	s14 =	sadd.s32 $0x400, s14;
	[tilespmem:s4+$0xFFFFFFC0] =	vst v9;
	v8 =	vmul.f32 $4.525483320e+01, v8;
	v6 =	vld [tilespmem:s4+$0xFFFFFFF0]  }
0x470: {  	[tilespmem:s4+$0xFFFFFFD0] =	vst v7;
	v4 =	vmul.f32 $4.525483320e+01, v4;
	s0 =	sadd.s32 $0x1, s0  }
0x471: {  	[tilespmem:s4+$0xFFFFFFE0] =	vst v8;
	v2 =	vmul.f32 $4.525483320e+01, v2;
	p0 =	sne.s32 s0, $0x8  }
.Ltmp40:
0x472: {  	[tilespmem:s4+$0x0] =	vst v4;
	v63 =	vmul.f32 $4.525483320e+01, v5;
	(pc) =	sbr.rel @p0 .LBB2_80-.Ltmp40, $4  }
0x473: {  	[tilespmem:s4+$0x10] =	vst v2;
	v2 =	vmul.f32 $4.525483320e+01, v3  }
0x474: {  	v3 =	vmul.f32 $4.525483320e+01, v6;
	[tilespmem:s4+$0x20] =	vst v63  }
0x475: {  	[tilespmem:s4+$0x30] =	vst v2  }
0x476: {  	s1 =	sadd.s32 $0x80, s1;
	[tilespmem:s4+$0xFFFFFFF0] =	vst v3  }
0x477: {  	s0 =	simm.s32 $0x0;
	s1 =	rddreg [dreg:$0x16]  }
0x478: {  	[hbm4b:s1+s0] =	stream.linear.scatter [tilespmem:s17], [sflag:$0xD], $0x4000, $0x38;
	[tilespmem:$0x1E000] =	vst v63  }
0x479: {  	_ =	swait.ge [sflag:s22], $0x4000  }
0x47a: {  	[sflag:s22] =	ssyncset.done $0x0  }
0x47b: {  	s1 =	simm.s32 $0x1A040;
	[sflag:s22] =	ssyncadd.s32 $0xFFFFC000  }
.LBB2_84:
0x47c: {  	v3 =	vld [tilespmem:s1+$0xFFFFFFC0];
	_ =	sdelay $0x1  }
0x47d: {  	v6 =	vld [tilespmem:s1+$0xFFFFFFD0]  }
0x47e: {  	v8 =	vld [tilespmem:s1+$0xFFFFFFE0]  }
0x47f: {  	v4 =	vld [tilespmem:s1+$0x0]  }
0x480: {  	v2 =	vld [tilespmem:s1+$0x10];
	v7 =	vmul.f32 $4.525483320e+01, v3  }
0x481: {  	v5 =	vld [tilespmem:s1+$0x20]  }
0x482: {  	v3 =	vld [tilespmem:s1+$0x30];
	[tilespmem:s1+$0xFFFFFFC0] =	vst v7;
	v7 =	vmul.f32 $4.525483320e+01, v6  }
0x483: {  	s5 =	simm.s32 $0x0;
	s14 =	sadd.s32 $0x400, s1;
	s4 =	smov.u32 s1;
	v8 =	vmul.f32 $4.525483320e+01, v8;
	v6 =	vld [tilespmem:s1+$0xFFFFFFF0]  }
.LBB2_85:
0x484: {  	v9 =	vld [tilespmem:s14+$0xFFFFFFC0];
	[tilespmem:s4+$0xFFFFFFD0] =	vst v7;
	v4 =	vmul.f32 $4.525483320e+01, v4  }
0x485: {  	s5 =	sadd.s32 $0x8, s5;
	v7 =	vld [tilespmem:s14+$0xFFFFFFD0];
	[tilespmem:s4+$0xFFFFFFE0] =	vst v8;
	v2 =	vmul.f32 $4.525483320e+01, v2  }
0x486: {  	p0 =	slt.u32 s5, $0x78;
	v8 =	vld [tilespmem:s14+$0xFFFFFFE0];
	[tilespmem:s4+$0x0] =	vst v4;
	v5 =	vmul.f32 $4.525483320e+01, v5  }
.Ltmp41:
0x487: {  	v4 =	vld [tilespmem:s14+$0x0];
	[tilespmem:s4+$0x10] =	vst v2;
	v3 =	vmul.f32 $4.525483320e+01, v3;
	(pc) =	sbr.rel @p0 .LBB2_85-.Ltmp41, $4  }
0x488: {  	v2 =	vld [tilespmem:s14+$0x10];
	v6 =	vmul.f32 $4.525483320e+01, v6;
	[tilespmem:s4+$0x20] =	vst v5  }
0x489: {  	v9 =	vmul.f32 $4.525483320e+01, v9;
	v5 =	vld [tilespmem:s14+$0x20];
	[tilespmem:s4+$0x30] =	vst v3  }
0x48a: {  	v7 =	vmul.f32 $4.525483320e+01, v7;
	v3 =	vld [tilespmem:s14+$0x30];
	[tilespmem:s4+$0xFFFFFFF0] =	vst v6;
	s4 =	smov.u32 s14  }
0x48b: {  	s14 =	sadd.s32 $0x400, s14;
	[tilespmem:s4+$0xFFFFFFC0] =	vst v9;
	v8 =	vmul.f32 $4.525483320e+01, v8;
	v6 =	vld [tilespmem:s4+$0xFFFFFFF0]  }
0x48c: {  	[tilespmem:s4+$0xFFFFFFD0] =	vst v7;
	v4 =	vmul.f32 $4.525483320e+01, v4;
	s0 =	sadd.s32 $0x1, s0  }
0x48d: {  	[tilespmem:s4+$0xFFFFFFE0] =	vst v8;
	v2 =	vmul.f32 $4.525483320e+01, v2;
	p0 =	sne.s32 s0, $0x8  }
.Ltmp42:
0x48e: {  	[tilespmem:s4+$0x0] =	vst v4;
	v63 =	vmul.f32 $4.525483320e+01, v5;
	(pc) =	sbr.rel @p0 .LBB2_84-.Ltmp42, $4  }
0x48f: {  	[tilespmem:s4+$0x10] =	vst v2;
	v2 =	vmul.f32 $4.525483320e+01, v3  }
0x490: {  	v3 =	vmul.f32 $4.525483320e+01, v6;
	[tilespmem:s4+$0x20] =	vst v63  }
0x491: {  	[tilespmem:s4+$0x30] =	vst v2  }
0x492: {  	s1 =	sadd.s32 $0x80, s1;
	[tilespmem:s4+$0xFFFFFFF0] =	vst v3  }
0x493: {  	s0 =	simm.s32 $0x0;
	s1 =	rddreg [dreg:$0x17]  }
0x494: {  	[hbm4b:s1+s0] =	stream.linear.scatter [tilespmem:s19], [sflag:$0xE], $0x4000, $0x38;
	[tilespmem:$0x1E000] =	vst v63  }
0x495: {  	_ =	swait.ge [sflag:s30], $0x4000  }
0x496: {  	[sflag:s30] =	ssyncset.done $0x0  }
0x497: {  	s1 =	simm.s32 $0x2040;
	[sflag:s30] =	ssyncadd.s32 $0xFFFFC000  }
.LBB2_88:
0x498: {  	v3 =	vld [tilespmem:s1+$0xFFFFFFC0];
	_ =	sdelay $0x1  }
0x499: {  	v6 =	vld [tilespmem:s1+$0xFFFFFFD0]  }
0x49a: {  	v8 =	vld [tilespmem:s1+$0xFFFFFFE0]  }
0x49b: {  	v4 =	vld [tilespmem:s1+$0x0]  }
0x49c: {  	v2 =	vld [tilespmem:s1+$0x10];
	v7 =	vmul.f32 $4.525483320e+01, v3  }
0x49d: {  	v5 =	vld [tilespmem:s1+$0x20]  }
0x49e: {  	v3 =	vld [tilespmem:s1+$0x30];
	[tilespmem:s1+$0xFFFFFFC0] =	vst v7;
	v7 =	vmul.f32 $4.525483320e+01, v6  }
0x49f: {  	s5 =	simm.s32 $0x0;
	s14 =	sadd.s32 $0x400, s1;
	s4 =	smov.u32 s1;
	v8 =	vmul.f32 $4.525483320e+01, v8;
	v6 =	vld [tilespmem:s1+$0xFFFFFFF0]  }
.LBB2_89:
0x4a0: {  	v9 =	vld [tilespmem:s14+$0xFFFFFFC0];
	[tilespmem:s4+$0xFFFFFFD0] =	vst v7;
	v4 =	vmul.f32 $4.525483320e+01, v4  }
0x4a1: {  	s5 =	sadd.s32 $0x8, s5;
	v7 =	vld [tilespmem:s14+$0xFFFFFFD0];
	[tilespmem:s4+$0xFFFFFFE0] =	vst v8;
	v2 =	vmul.f32 $4.525483320e+01, v2  }
0x4a2: {  	p0 =	slt.u32 s5, $0x78;
	v8 =	vld [tilespmem:s14+$0xFFFFFFE0];
	[tilespmem:s4+$0x0] =	vst v4;
	v5 =	vmul.f32 $4.525483320e+01, v5  }
.Ltmp43:
0x4a3: {  	v4 =	vld [tilespmem:s14+$0x0];
	[tilespmem:s4+$0x10] =	vst v2;
	v3 =	vmul.f32 $4.525483320e+01, v3;
	(pc) =	sbr.rel @p0 .LBB2_89-.Ltmp43, $4  }
0x4a4: {  	v2 =	vld [tilespmem:s14+$0x10];
	v6 =	vmul.f32 $4.525483320e+01, v6;
	[tilespmem:s4+$0x20] =	vst v5  }
0x4a5: {  	v9 =	vmul.f32 $4.525483320e+01, v9;
	v5 =	vld [tilespmem:s14+$0x20];
	[tilespmem:s4+$0x30] =	vst v3  }
0x4a6: {  	v7 =	vmul.f32 $4.525483320e+01, v7;
	v3 =	vld [tilespmem:s14+$0x30];
	[tilespmem:s4+$0xFFFFFFF0] =	vst v6;
	s4 =	smov.u32 s14  }
0x4a7: {  	s14 =	sadd.s32 $0x400, s14;
	[tilespmem:s4+$0xFFFFFFC0] =	vst v9;
	v8 =	vmul.f32 $4.525483320e+01, v8;
	v6 =	vld [tilespmem:s4+$0xFFFFFFF0]  }
0x4a8: {  	[tilespmem:s4+$0xFFFFFFD0] =	vst v7;
	v4 =	vmul.f32 $4.525483320e+01, v4;
	s0 =	sadd.s32 $0x1, s0  }
0x4a9: {  	[tilespmem:s4+$0xFFFFFFE0] =	vst v8;
	v2 =	vmul.f32 $4.525483320e+01, v2;
	p0 =	sne.s32 s0, $0x8  }
.Ltmp44:
0x4aa: {  	[tilespmem:s4+$0x0] =	vst v4;
	v63 =	vmul.f32 $4.525483320e+01, v5;
	(pc) =	sbr.rel @p0 .LBB2_88-.Ltmp44, $4  }
0x4ab: {  	[tilespmem:s4+$0x10] =	vst v2;
	v2 =	vmul.f32 $4.525483320e+01, v3  }
0x4ac: {  	v3 =	vmul.f32 $4.525483320e+01, v6;
	[tilespmem:s4+$0x20] =	vst v63  }
0x4ad: {  	[tilespmem:s4+$0x30] =	vst v2  }
0x4ae: {  	s1 =	sadd.s32 $0x80, s1;
	[tilespmem:s4+$0xFFFFFFF0] =	vst v3  }
0x4af: {  	s0 =	rddreg [dreg:$0x18]  }
0x4b0: {  	[hbm4b:s0+s15] =	stream.linear.scatter [tilespmem:s25], [sflag:$0x8], $0x4000, $0x38;
	[tilespmem:$0x1E000] =	vst v63  }
0x4b1: {  	_ =	swait.ge [sflag:s18], $0x4000  }
0x4b2: {  	[sflag:s18] =	ssyncset.done $0x0  }
0x4b3: {  	s14 =	simm.s32 $0x9;
	[sflag:s18] =	ssyncadd.s32 $0xFFFFC000  }
0x4b4: {  	_ =	swait.ge [sflag:s14], $0x4000  }
0x4b5: {  	[sflag:s14] =	ssyncset.done $0x0  }
0x4b6: {  	[sflag:s14] =	ssyncadd.s32 $0xFFFFC000  }
0x4b7: {  	_ =	swait.ge [sflag:s28], $0x4000  }
0x4b8: {  	[sflag:s28] =	ssyncset.done $0x0  }
0x4b9: {  	[sflag:s28] =	ssyncadd.s32 $0xFFFFC000  }
0x4ba: {  	_ =	swait.ge [sflag:s21], $0x4000  }
0x4bb: {  	[sflag:s21] =	ssyncset.done $0x0  }
0x4bc: {  	[sflag:s21] =	ssyncadd.s32 $0xFFFFC000  }
0x4bd: {  	_ =	swait.ge [sflag:s23], $0x4000  }
0x4be: {  	[sflag:s23] =	ssyncset.done $0x0  }
0x4bf: {  	[sflag:s23] =	ssyncadd.s32 $0xFFFFC000  }
0x4c0: {  	_ =	swait.ge [sflag:s24], $0x4000  }
0x4c1: {  	[sflag:s24] =	ssyncset.done $0x0  }
0x4c2: {  	[sflag:s24] =	ssyncadd.s32 $0xFFFFC000  }
0x4c3: {  	_ =	swait.ge [sflag:s29], $0x4000  }
0x4c4: {  	s1 =	rddreg [dreg:$0x19]  }
0x4c5: {  	s16 =	rddreg [dreg:$0x10];
	s1 =	sadd.s32 $0x1, s1  }
0x4c6: {  	p0 =	sne.s32 s1, s16  }
.Ltmp45:
0x4c7: {  	_ = 	snop;
	(pc) =	sbr.rel @p0 .LBB2_1-.Ltmp45, $3  }
0x4c8: {  	_ =	sdelay $0x1  }
0x4c9: {  	[sflag:s29] =	ssyncset.done $0x0  }
0x4ca: {  	[sflag:s29] =	ssyncadd.s32 $0xFFFFC000  }
0x4cb: {  	_ =	sfence.sel $0x180000  }
0x4cc: {  	[bflag:$0x0] =	sbarrier.arrive $0xFFFF  }
0x4cd: {  	_ =	strace $0x90000047  }
0x4ce: {  	s0 =	stileid.u32;
	[bflag:$0x2] =	sbarrier.arrive $0xFFFF  }
0x4cf: {  	p0 =	sne.s32 s0, $0x0;
	s0 =	rddreg [dreg:$0x3]  }
0x4d0: {  	s0 =	sadd.s32 @!p0 $0x100000, s0  }
0x4d1: {  	[sflag:s0] =	ssyncadd.tile.s32 @!p0 $0x1;
	_ =	shalt  }
.Lfunc_end2:
_tile_overlayer_lowered:
.L_overlay_start_2:
0x4d2: {  	(tag) =	ssettag $0x2  }
0x4d3: {  	s0 =	rddreg [dreg:$0x0];
	s2 =	stileid.u32  }
0x4d4: {  	s1 =	rddreg [dreg:$0x1];
	p0 =	sne.s32 s2, $0x0  }
0x4d5: {  	s3 =	rddreg [dreg:$0x2];
	[bflag:$0x3] =	sbarrier.arrive $0xFFFF;
	s2 =	simm.s32 @!p0 $0x1C0F  }
0x4d6: {  	[timem:s3], [sflag:s2] =	dma.local @!p0 [hbm:s0], s1  }
0x4d7: {  	s0 =	simm.s32 @!p0 $0xF  }
0x4d8: {  	_ =	swait.ge @!p0 [sflag:s0], s1  }
0x4d9: {  	s1 =	ssub.s32 @!p0 $0x0, s1;
	[sflag:s0] =	ssyncset.done @!p0 $0x0  }
0x4da: {  	[sflag:s0] =	ssyncadd.s32 @!p0 s1  }
0x4db: {  	[bflag:$0x3] =	sbarrier.arrive $0xFFFF  }
0x4dc: {  	_ =	shalt  }

</sc_bundles>
